<compile_context>
chip_gen: v7x
topology: tpu7x:2x2x1
jax: 0.10.2.dev20260603
libtpu: 0.0.44.dev20260713+nightly
codegen_flags: <defaults>
</compile_context>

<pallas_src>
import functools

import jax
import jax.numpy as jnp
from jax import lax
from jax.experimental import pallas as pl
from jax.experimental.pallas import tpu as pltpu
from jax.experimental.pallas import tpu_sc as plsc

N = 10000
E = 320000
D = 128

NC = 2
NS = 16
L = 16
DH = D // NC

CH = 128
NBUF = 4
G = 32
NGROUP = 5
NCHUNK = G * NGROUP
EPT_PAD = NCHUNK * CH
E_PAD = EPT_PAD * NS

ACC_ROWS = 10240
ROWS_PER_TILE = ACC_ROWS // NS
XROWS_PER_TILE = N // NS


def _sc_aggregate(x, src_t, dst_t):
    mesh = plsc.VectorSubcoreMesh(core_axis_name="c", subcore_axis_name="s")

    @functools.partial(
        pl.kernel,
        out_type=jax.ShapeDtypeStruct((NC, ACC_ROWS, DH), jnp.float32),
        mesh=mesh,
        compiler_params=pltpu.CompilerParams(use_tc_tiling_on_sc=False),
        scratch_types=[
            [pltpu.VMEM((G, CH), jnp.int32)] * 2,
            [pltpu.VMEM((G, CH), jnp.int32)] * 2,
            [pltpu.VMEM((CH, DH), jnp.float32)] * NBUF,
            pltpu.VMEM_SHARED((N, DH), jnp.float32),
            pltpu.VMEM_SHARED((ACC_ROWS, DH), jnp.float32),
            [pltpu.SemaphoreType.DMA] * NBUF,
            [pltpu.SemaphoreType.DMA] * NBUF,
            [pltpu.SemaphoreType.DMA] * 2,
        ],
    )
    def agg(x_hbm, src_hbm, dst_hbm, out_hbm, idx_sb, idx_db, bufs, xs, acc,
            gsem, ssem, isem):
        c = lax.axis_index("c")
        s = lax.axis_index("s")

        stage = pltpu.async_copy(
            x_hbm.at[pl.ds(s * XROWS_PER_TILE, XROWS_PER_TILE), pl.ds(c * DH, DH)],
            xs.at[pl.ds(s * XROWS_PER_TILE, XROWS_PER_TILE)],
            isem[0],
        )

        zero16 = jnp.zeros((L,), jnp.float32)

        def zrow(i, carry):
            for j in range(DH // L):
                bufs[0][i, pl.ds(j * L, L)] = zero16
            return carry

        lax.fori_loop(0, CH, zrow, 0, unroll=False)

        def zacc(k, carry):
            pltpu.sync_copy(bufs[0], acc.at[pl.ds(s * ROWS_PER_TILE + k * CH, CH)])
            return carry

        lax.fori_loop(0, ROWS_PER_TILE // CH, zacc, 0, unroll=False)

        stage.wait()
        plsc.subcore_barrier()

        GA = 2

        def fire_idx(g, p):
            pltpu.async_copy(src_hbm.at[s].at[pl.ds(g * G, G)], idx_sb[p], isem[p])
            pltpu.async_copy(dst_hbm.at[s].at[pl.ds(g * G, G)], idx_db[p], isem[p])

        def wait_idx(g, p):
            pltpu.make_async_copy(src_hbm.at[s].at[pl.ds(g * G, G)], idx_sb[p], isem[p]).wait()
            pltpu.make_async_copy(dst_hbm.at[s].at[pl.ds(g * G, G)], idx_db[p], isem[p]).wait()

        fire_idx(0, 0)
        for g in range(NGROUP):
            p = g % 2
            idx_s = idx_sb[p]
            idx_d = idx_db[p]
            wait_idx(g, p)
            if g + 1 < NGROUP:
                fire_idx(g + 1, (g + 1) % 2)

            def wait_gather(j, b):
                pltpu.make_async_copy(xs.at[idx_s.at[j]], bufs[b], gsem[b]).wait()

            def fire_scatter(j, b):
                pltpu.async_copy(bufs[b], acc.at[idx_d.at[j]], ssem[b], add=True)

            def wait_scatter(j, b):
                pltpu.make_async_copy(bufs[b], acc.at[idx_d.at[j]], ssem[b]).wait()

            def fire_gather(j, b):
                pltpu.async_copy(xs.at[idx_s.at[j]], bufs[b], gsem[b])

            for b in range(GA):
                fire_gather(b, b)

            for b in range(NBUF):
                wait_gather(b, b)
                fire_scatter(b, b)
                if b >= GA:
                    wait_scatter(b - GA, (b + GA) % NBUF)
                fire_gather(b + GA, (b + GA) % NBUF)

            def step(i, carry2):
                j0 = NBUF + i * NBUF
                for b in range(NBUF):
                    j = j0 + b
                    wait_gather(j, b)
                    fire_scatter(j, b)
                    wait_scatter(j - GA, (b + GA) % NBUF)
                    fire_gather(j + GA, (b + GA) % NBUF)
                return carry2

            lax.fori_loop(0, (G - 2 * NBUF) // NBUF, step, 0, unroll=False)

            for b in range(NBUF):
                j = G - NBUF + b
                wait_gather(j, b)
                fire_scatter(j, b)
                wait_scatter(j - GA, (b + GA) % NBUF)
                if j + GA < G:
                    fire_gather(j + GA, (b + GA) % NBUF)
            for b in range(NBUF - GA, NBUF):
                wait_scatter(G - NBUF + b, b)

        plsc.subcore_barrier()

        pltpu.sync_copy(
            acc.at[pl.ds(s * ROWS_PER_TILE, ROWS_PER_TILE)],
            out_hbm.at[c].at[pl.ds(s * ROWS_PER_TILE, ROWS_PER_TILE)],
        )

    return agg(x, src_t, dst_t)


def _tc_finish(partials, x, W):
    BR = 2000

    def body(p_ref, x_ref, w_ref, o_ref):
        sm = jnp.concatenate([p_ref[0], p_ref[1]], axis=1) + x_ref[...]
        o_ref[...] = lax.dot_general(
            sm, w_ref[...], (((1,), (1,)), ((), ())),
            preferred_element_type=jnp.float32,
        )

    return pl.pallas_call(
        body,
        grid=(N // BR,),
        in_specs=[
            pl.BlockSpec((NC, BR, DH), lambda i: (0, i, 0)),
            pl.BlockSpec((BR, D), lambda i: (i, 0)),
            pl.BlockSpec((D, D), lambda i: (0, 0)),
        ],
        out_specs=pl.BlockSpec((BR, D), lambda i: (i, 0)),
        out_shape=jax.ShapeDtypeStruct((N, D), jnp.float32),
    )(partials, x, W)


def kernel(x, edge_index, W):
    src = edge_index[0]
    dst = edge_index[1]
    pad = E_PAD - E
    src_p = jnp.concatenate([src, jnp.zeros((pad,), jnp.int32)])
    dst_p = jnp.concatenate([dst, jnp.full((pad,), N, jnp.int32)])
    src_t = src_p.reshape(NS, NCHUNK, CH)
    dst_t = dst_p.reshape(NS, NCHUNK, CH)

    partials = _sc_aggregate(x, src_t, dst_t)
    return _tc_finish(partials, x, W)

# --- scband reference (transcript-rebuilt; emitter-appended) ---
"""Pipeline reference for scband-net-4698694222647 (READ-ONLY COPY).

The authoritative reference and input builder live on the scoring server;
editing this copy changes nothing except your own understanding.
"""

import jax, jax.numpy as jnp
import numpy as np

N = 10000
E = 320000
D = 128


def setup_inputs(seed: int = 0) -> dict:
    key = jax.random.key(seed)
    k1, k2, k3 = jax.random.split(key, 3)
    x = jax.random.normal(k1, (N, D), dtype=jnp.float32)
    edge_index = jax.random.randint(k2, (2, E), 0, N, dtype=jnp.int32)
    # MLP with n_lin_layers=1: single Linear(hidden=in_channels -> out_channels, bias=False)
    # xavier_uniform init
    a = float(np.sqrt(6.0 / (D + D)))
    W = jax.random.uniform(k3, (D, D), dtype=jnp.float32, minval=-a, maxval=a)
    return {"x": x, "edge_index": edge_index, "W": W}


def reference(x, edge_index, W):
    # net.forward with adjs = [(edge_index, None, (N, N))], K=None, adj_norm=False
    # AnisoConv: adj = SparseTensor(row=src, col=dst); propagate(adj.t()) =>
    #   out[dst] = sum_{edges (src,dst)} x_source[src]   (aggr='add')
    # then out += x_target (residual), then MLP (single linear, no bias, no activation)
    src = edge_index[0]
    dst = edge_index[1]
    msgs = jnp.take(x, src, axis=0)                               # gather over source nodes
    agg = jax.ops.segment_sum(msgs, dst, num_segments=x.shape[0])  # scatter-add to dest nodes
    out = agg + x                                                  # residual x_target (size[1]=N)
    out = out @ W.T                                                # Linear(bias=False)
    return out

if __name__ == "__main__":
    import jax
    _d = setup_inputs()
    print(jax.jit(kernel)(*tuple(_d.values())))

</pallas_src>

<mosaic_0001>
#map = affine_map<(d0, d1) -> (0, 0)>
#map1 = affine_map<(d0, d1) -> (0, 0, 0)>
module attributes {stable_mosaic.version = 14 : i64} {
  func.func @agg(%arg0: i32, %arg1: i32, %arg2: memref<10000x128xf32, #tpu.memory_space<hbm>>, %arg3: memref<16x160x128xi32, #tpu.memory_space<hbm>>, %arg4: memref<16x160x128xi32, #tpu.memory_space<hbm>>, %arg5: memref<2x10240x64xf32, #tpu.memory_space<hbm>>, %arg6: memref<32x128xi32, #tpu.memory_space<vmem>>, %arg7: memref<32x128xi32, #tpu.memory_space<vmem>>, %arg8: memref<32x128xi32, #tpu.memory_space<vmem>>, %arg9: memref<32x128xi32, #tpu.memory_space<vmem>>, %arg10: memref<128x64xf32, #tpu.memory_space<vmem>>, %arg11: memref<128x64xf32, #tpu.memory_space<vmem>>, %arg12: memref<128x64xf32, #tpu.memory_space<vmem>>, %arg13: memref<128x64xf32, #tpu.memory_space<vmem>>, %arg14: memref<10000x64xf32, #tpu.memory_space<vmem_shared>>, %arg15: memref<10240x64xf32, #tpu.memory_space<vmem_shared>>, %arg16: memref<!tpu.dma_semaphore, #tpu.memory_space<semaphore_mem>>, %arg17: memref<!tpu.dma_semaphore, #tpu.memory_space<semaphore_mem>>, %arg18: memref<!tpu.dma_semaphore, #tpu.memory_space<semaphore_mem>>, %arg19: memref<!tpu.dma_semaphore, #tpu.memory_space<semaphore_mem>>, %arg20: memref<!tpu.dma_semaphore, #tpu.memory_space<semaphore_mem>>, %arg21: memref<!tpu.dma_semaphore, #tpu.memory_space<semaphore_mem>>, %arg22: memref<!tpu.dma_semaphore, #tpu.memory_space<semaphore_mem>>, %arg23: memref<!tpu.dma_semaphore, #tpu.memory_space<semaphore_mem>>, %arg24: memref<!tpu.dma_semaphore, #tpu.memory_space<semaphore_mem>>, %arg25: memref<!tpu.dma_semaphore, #tpu.memory_space<semaphore_mem>>) attributes {dimension_semantics = [#tpu.dimension_semantics<core_parallel>, #tpu.dimension_semantics<subcore_parallel>], iteration_bounds = array<i64: 2, 16>, scalar_prefetch = 0 : i64, scratch_operands = 20 : i64, tpu.core_type = #tpu.core_type<sc_vector_subcore>, window_params = [{transform_indices = #map}, {transform_indices = #map1}, {transform_indices = #map1}, {transform_indices = #map1}]} {
    %mul3A = arith.constant 625 : i32
    %mul3A_0 = arith.muli %arg1, %mul3A : i32
    %mul3A_1 = arith.constant 64 : i32
    %mul3A_2 = arith.muli %arg0, %mul3A_1 : i32
    %mul3A_3 = arith.constant 625 : i32
    %mul3A_4 = arith.muli %arg1, %mul3A_3 : i32
    %dma_start3A = arith.constant 0 : i32
    %dma_start3A_5 = tpu.memref_slice %arg14[%mul3A_4, %dma_start3A] : memref<10000x64xf32, #tpu.memory_space<vmem_shared>> -> memref<625x64xf32, #tpu.memory_space<vmem_shared>>
    %dma_start3A_6 = tpu.memref_slice %arg2[%mul3A_0, %mul3A_2] : memref<10000x128xf32, #tpu.memory_space<hbm>> -> memref<625x64xf32, #tpu.memory_space<hbm>>
    tpu.enqueue_dma source(%dma_start3A_6 : memref<625x64xf32, #tpu.memory_space<hbm>>) target(%dma_start3A_5 : memref<625x64xf32, #tpu.memory_space<vmem_shared>>) target_semaphore(%arg24 : memref<!tpu.dma_semaphore, #tpu.memory_space<semaphore_mem>>)
    %broadcast_in_dim3A = arith.constant 0.000000e+00 : f32
    %broadcast_in_dim3A_7 = vector.broadcast %broadcast_in_dim3A : f32 to vector<16xf32>
    %scan3A = arith.constant 0 : i32
    %scan3A_8 = arith.constant 0 : i32
    %scan3A_9 = arith.constant 128 : i32
    %scan3A_10 = arith.addi %scan3A_8, %scan3A_9 : i32
    %scan3A_11 = arith.constant 1 : i32
    scf.for %scan3A_1456 = %scan3A_8 to %scan3A_10 step %scan3A_11  : i32 {
      %swap3A = arith.index_cast %scan3A_1456 : i32 to index
      %swap3A_1457 = arith.constant 0 : index
      %swap3A_1458 = tpu.vector_load %arg10[%swap3A, %swap3A_1457] {strides = array<i32>} : memref<128x64xf32, #tpu.memory_space<vmem>>, vector<1x16xf32>,
      %swap3A_1459 = vector.shape_cast %swap3A_1458 : vector<1x16xf32> to vector<16xf32>
      %swap3A_1460 = vector.shape_cast %broadcast_in_dim3A_7 : vector<16xf32> to vector<1x16xf32>
      tpu.vector_store %arg10[%swap3A, %swap3A_1457], %swap3A_1460 {strides = array<i32>} : memref<128x64xf32, #tpu.memory_space<vmem>>, vector<1x16xf32>,
      %swap3A_1461 = arith.index_cast %scan3A_1456 : i32 to index
      %swap3A_1462 = arith.constant 16 : index
      %swap3A_1463 = tpu.vector_load %arg10[%swap3A_1461, %swap3A_1462] {strides = array<i32>} : memref<128x64xf32, #tpu.memory_space<vmem>>, vector<1x16xf32>,
      %swap3A_1464 = vector.shape_cast %swap3A_1463 : vector<1x16xf32> to vector<16xf32>
      %swap3A_1465 = vector.shape_cast %broadcast_in_dim3A_7 : vector<16xf32> to vector<1x16xf32>
      tpu.vector_store %arg10[%swap3A_1461, %swap3A_1462], %swap3A_1465 {strides = array<i32>} : memref<128x64xf32, #tpu.memory_space<vmem>>, vector<1x16xf32>,
      %swap3A_1466 = arith.index_cast %scan3A_1456 : i32 to index
      %swap3A_1467 = arith.constant 32 : index
      %swap3A_1468 = tpu.vector_load %arg10[%swap3A_1466, %swap3A_1467] {strides = array<i32>} : memref<128x64xf32, #tpu.memory_space<vmem>>, vector<1x16xf32>,
      %swap3A_1469 = vector.shape_cast %swap3A_1468 : vector<1x16xf32> to vector<16xf32>
      %swap3A_1470 = vector.shape_cast %broadcast_in_dim3A_7 : vector<16xf32> to vector<1x16xf32>
      tpu.vector_store %arg10[%swap3A_1466, %swap3A_1467], %swap3A_1470 {strides = array<i32>} : memref<128x64xf32, #tpu.memory_space<vmem>>, vector<1x16xf32>,
      %swap3A_1471 = arith.index_cast %scan3A_1456 : i32 to index
      %swap3A_1472 = arith.constant 48 : index
      %swap3A_1473 = tpu.vector_load %arg10[%swap3A_1471, %swap3A_1472] {strides = array<i32>} : memref<128x64xf32, #tpu.memory_space<vmem>>, vector<1x16xf32>,
      %swap3A_1474 = vector.shape_cast %swap3A_1473 : vector<1x16xf32> to vector<16xf32>
      %swap3A_1475 = vector.shape_cast %broadcast_in_dim3A_7 : vector<16xf32> to vector<1x16xf32>
      tpu.vector_store %arg10[%swap3A_1471, %swap3A_1472], %swap3A_1475 {strides = array<i32>} : memref<128x64xf32, #tpu.memory_space<vmem>>, vector<1x16xf32>,
    }
    %scan3A_12 = arith.constant 128 : i32
    %scan3A_13 = arith.constant 0 : i32
    %scan3A_14 = arith.constant 0 : i32
    %scan3A_15 = arith.constant 5 : i32
    %scan3A_16 = arith.addi %scan3A_14, %scan3A_15 : i32
    %scan3A_17 = arith.constant 1 : i32
    scf.for %scan3A_1456 = %scan3A_14 to %scan3A_16 step %scan3A_17  : i32 {
      %mul3A_1457 = arith.constant 640 : i32
      %mul3A_1458 = arith.muli %arg1, %mul3A_1457 : i32
      %mul3A_1459 = arith.constant 128 : i32
      %mul3A_1460 = arith.muli %scan3A_1456, %mul3A_1459 : i32
      %add3A = arith.addi %mul3A_1458, %mul3A_1460 : i32
      "tpu.region"() ({
        %run_scoped3A = tpu.sem_alloc : memref<!tpu.dma_semaphore, #tpu.memory_space<semaphore_mem>>
        %dma_start3A_1461 = arith.constant 0 : i32
        %dma_start3A_1462 = tpu.memref_slice %arg15[%add3A, %dma_start3A_1461] : memref<10240x64xf32, #tpu.memory_space<vmem_shared>> -> memref<128x64xf32, #tpu.memory_space<vmem_shared>>
        %dma_start3A_1463 = arith.constant 0 : i32
        %dma_start3A_1464 = tpu.memref_slice %arg15[%add3A, %dma_start3A_1463] : memref<10240x64xf32, #tpu.memory_space<vmem_shared>> -> memref<128x64xf32, #tpu.memory_space<vmem_shared>>
        tpu.enqueue_dma source(%arg10 : memref<128x64xf32, #tpu.memory_space<vmem>>) target(%dma_start3A_1464 : memref<128x64xf32, #tpu.memory_space<vmem_shared>>) target_semaphore(%run_scoped3A : memref<!tpu.dma_semaphore, #tpu.memory_space<semaphore_mem>>)
        %dma_wait3A_1465 = arith.constant 0 : i32
        %dma_wait3A_1466 = tpu.memref_slice %arg15[%add3A, %dma_wait3A_1465] : memref<10240x64xf32, #tpu.memory_space<vmem_shared>> -> memref<128x64xf32, #tpu.memory_space<vmem_shared>>
        %dma_wait3A_1467 = arith.constant 0 : i32
        %dma_wait3A_1468 = tpu.memref_slice %arg15[%add3A, %dma_wait3A_1467] : memref<10240x64xf32, #tpu.memory_space<vmem_shared>> -> memref<128x64xf32, #tpu.memory_space<vmem_shared>>
        tpu.wait_dma2 semaphore(%run_scoped3A : memref<!tpu.dma_semaphore, #tpu.memory_space<semaphore_mem>>) src(%arg10 : memref<128x64xf32, #tpu.memory_space<vmem>>) dst(%dma_wait3A_1468 : memref<128x64xf32, #tpu.memory_space<vmem_shared>>)
        tpu.yield
      }) : () -> ()
    }
    %scan3A_18 = arith.constant 5 : i32
    %dma_wait3A = arith.constant 0 : i32
    %dma_wait3A_19 = tpu.memref_slice %arg14[%mul3A_4, %dma_wait3A] : memref<10000x64xf32, #tpu.memory_space<vmem_shared>> -> memref<625x64xf32, #tpu.memory_space<vmem_shared>>
    %dma_wait3A_20 = tpu.memref_slice %arg2[%mul3A_0, %mul3A_2] : memref<10000x128xf32, #tpu.memory_space<hbm>> -> memref<625x64xf32, #tpu.memory_space<hbm>>
    tpu.wait_dma2 semaphore(%arg24 : memref<!tpu.dma_semaphore, #tpu.memory_space<semaphore_mem>>) src(%dma_wait3A_20 : memref<625x64xf32, #tpu.memory_space<hbm>>) dst(%dma_wait3A_19 : memref<625x64xf32, #tpu.memory_space<vmem_shared>>)
    %barrier3A = arith.constant 0 : index
    tpu.barrier barrier_id(%barrier3A)
    %dma_start3A_21 = arith.constant 0 : i32
    %dma_start3A_22 = arith.constant 0 : i32
    %dma_start3A_23 = tpu.memref_slice %arg3[%arg1, %dma_start3A_21, %dma_start3A_22] : memref<16x160x128xi32, #tpu.memory_space<hbm>> -> memref<1x160x128xi32, #tpu.memory_space<hbm>>
    %dma_start3A_24 = tpu.memref_squeeze %dma_start3A_23 : memref<1x160x128xi32, #tpu.memory_space<hbm>> -> memref<160x128xi32, #tpu.memory_space<hbm>>
    %dma_start3A_25 = arith.constant 0 : i32
    %dma_start3A_26 = arith.constant 0 : i32
    %dma_start3A_27 = tpu.memref_slice %dma_start3A_24[%dma_start3A_25, %dma_start3A_26] : memref<160x128xi32, #tpu.memory_space<hbm>> -> memref<32x128xi32, #tpu.memory_space<hbm>>
    %dma_start3A_28 = arith.constant 0 : i32
    %dma_start3A_29 = arith.constant 0 : i32
    %dma_start3A_30 = tpu.memref_slice %arg3[%arg1, %dma_start3A_28, %dma_start3A_29] : memref<16x160x128xi32, #tpu.memory_space<hbm>> -> memref<1x160x128xi32, #tpu.memory_space<hbm>>
    %dma_start3A_31 = tpu.memref_squeeze %dma_start3A_30 : memref<1x160x128xi32, #tpu.memory_space<hbm>> -> memref<160x128xi32, #tpu.memory_space<hbm>>
    %dma_start3A_32 = arith.constant 0 : i32
    %dma_start3A_33 = arith.constant 0 : i32
    %dma_start3A_34 = tpu.memref_slice %dma_start3A_31[%dma_start3A_32, %dma_start3A_33] : memref<160x128xi32, #tpu.memory_space<hbm>> -> memref<32x128xi32, #tpu.memory_space<hbm>>
    tpu.enqueue_dma source(%dma_start3A_34 : memref<32x128xi32, #tpu.memory_space<hbm>>) target(%arg6 : memref<32x128xi32, #tpu.memory_space<vmem>>) target_semaphore(%arg24 : memref<!tpu.dma_semaphore, #tpu.memory_space<semaphore_mem>>)
    %dma_start3A_35 = arith.constant 0 : i32
    %dma_start3A_36 = arith.constant 0 : i32
    %dma_start3A_37 = tpu.memref_slice %arg4[%arg1, %dma_start3A_35, %dma_start3A_36] : memref<16x160x128xi32, #tpu.memory_space<hbm>> -> memref<1x160x128xi32, #tpu.memory_space<hbm>>
    %dma_start3A_38 = tpu.memref_squeeze %dma_start3A_37 : memref<1x160x128xi32, #tpu.memory_space<hbm>> -> memref<160x128xi32, #tpu.memory_space<hbm>>
    %dma_start3A_39 = arith.constant 0 : i32
    %dma_start3A_40 = arith.constant 0 : i32
    %dma_start3A_41 = tpu.memref_slice %dma_start3A_38[%dma_start3A_39, %dma_start3A_40] : memref<160x128xi32, #tpu.memory_space<hbm>> -> memref<32x128xi32, #tpu.memory_space<hbm>>
    %dma_start3A_42 = arith.constant 0 : i32
    %dma_start3A_43 = arith.constant 0 : i32
    %dma_start3A_44 = tpu.memref_slice %arg4[%arg1, %dma_start3A_42, %dma_start3A_43] : memref<16x160x128xi32, #tpu.memory_space<hbm>> -> memref<1x160x128xi32, #tpu.memory_space<hbm>>
    %dma_start3A_45 = tpu.memref_squeeze %dma_start3A_44 : memref<1x160x128xi32, #tpu.memory_space<hbm>> -> memref<160x128xi32, #tpu.memory_space<hbm>>
    %dma_start3A_46 = arith.constant 0 : i32
    %dma_start3A_47 = arith.constant 0 : i32
    %dma_start3A_48 = tpu.memref_slice %dma_start3A_45[%dma_start3A_46, %dma_start3A_47] : memref<160x128xi32, #tpu.memory_space<hbm>> -> memref<32x128xi32, #tpu.memory_space<hbm>>
    tpu.enqueue_dma source(%dma_start3A_48 : memref<32x128xi32, #tpu.memory_space<hbm>>) target(%arg8 : memref<32x128xi32, #tpu.memory_space<vmem>>) target_semaphore(%arg24 : memref<!tpu.dma_semaphore, #tpu.memory_space<semaphore_mem>>)
    %dma_wait3A_49 = arith.constant 0 : i32
    %dma_wait3A_50 = arith.constant 0 : i32
    %dma_wait3A_51 = tpu.memref_slice %arg3[%arg1, %dma_wait3A_49, %dma_wait3A_50] : memref<16x160x128xi32, #tpu.memory_space<hbm>> -> memref<1x160x128xi32, #tpu.memory_space<hbm>>
    %dma_wait3A_52 = tpu.memref_squeeze %dma_wait3A_51 : memref<1x160x128xi32, #tpu.memory_space<hbm>> -> memref<160x128xi32, #tpu.memory_space<hbm>>
    %dma_wait3A_53 = arith.constant 0 : i32
    %dma_wait3A_54 = arith.constant 0 : i32
    %dma_wait3A_55 = tpu.memref_slice %dma_wait3A_52[%dma_wait3A_53, %dma_wait3A_54] : memref<160x128xi32, #tpu.memory_space<hbm>> -> memref<32x128xi32, #tpu.memory_space<hbm>>
    %dma_wait3A_56 = arith.constant 0 : i32
    %dma_wait3A_57 = arith.constant 0 : i32
    %dma_wait3A_58 = tpu.memref_slice %arg3[%arg1, %dma_wait3A_56, %dma_wait3A_57] : memref<16x160x128xi32, #tpu.memory_space<hbm>> -> memref<1x160x128xi32, #tpu.memory_space<hbm>>
    %dma_wait3A_59 = tpu.memref_squeeze %dma_wait3A_58 : memref<1x160x128xi32, #tpu.memory_space<hbm>> -> memref<160x128xi32, #tpu.memory_space<hbm>>
    %dma_wait3A_60 = arith.constant 0 : i32
    %dma_wait3A_61 = arith.constant 0 : i32
    %dma_wait3A_62 = tpu.memref_slice %dma_wait3A_59[%dma_wait3A_60, %dma_wait3A_61] : memref<160x128xi32, #tpu.memory_space<hbm>> -> memref<32x128xi32, #tpu.memory_space<hbm>>
    tpu.wait_dma2 semaphore(%arg24 : memref<!tpu.dma_semaphore, #tpu.memory_space<semaphore_mem>>) src(%dma_wait3A_62 : memref<32x128xi32, #tpu.memory_space<hbm>>) dst(%arg6 : memref<32x128xi32, #tpu.memory_space<vmem>>)
    %dma_wait3A_63 = arith.constant 0 : i32
    %dma_wait3A_64 = arith.constant 0 : i32
    %dma_wait3A_65 = tpu.memref_slice %arg4[%arg1, %dma_wait3A_63, %dma_wait3A_64] : memref<16x160x128xi32, #tpu.memory_space<hbm>> -> memref<1x160x128xi32, #tpu.memory_space<hbm>>
    %dma_wait3A_66 = tpu.memref_squeeze %dma_wait3A_65 : memref<1x160x128xi32, #tpu.memory_space<hbm>> -> memref<160x128xi32, #tpu.memory_space<hbm>>
    %dma_wait3A_67 = arith.constant 0 : i32
    %dma_wait3A_68 = arith.constant 0 : i32
    %dma_wait3A_69 = tpu.memref_slice %dma_wait3A_66[%dma_wait3A_67, %dma_wait3A_68] : memref<160x128xi32, #tpu.memory_space<hbm>> -> memref<32x128xi32, #tpu.memory_space<hbm>>
    %dma_wait3A_70 = arith.constant 0 : i32
    %dma_wait3A_71 = arith.constant 0 : i32
    %dma_wait3A_72 = tpu.memref_slice %arg4[%arg1, %dma_wait3A_70, %dma_wait3A_71] : memref<16x160x128xi32, #tpu.memory_space<hbm>> -> memref<1x160x128xi32, #tpu.memory_space<hbm>>
    %dma_wait3A_73 = tpu.memref_squeeze %dma_wait3A_72 : memref<1x160x128xi32, #tpu.memory_space<hbm>> -> memref<160x128xi32, #tpu.memory_space<hbm>>
    %dma_wait3A_74 = arith.constant 0 : i32
    %dma_wait3A_75 = arith.constant 0 : i32
    %dma_wait3A_76 = tpu.memref_slice %dma_wait3A_73[%dma_wait3A_74, %dma_wait3A_75] : memref<160x128xi32, #tpu.memory_space<hbm>> -> memref<32x128xi32, #tpu.memory_space<hbm>>
    tpu.wait_dma2 semaphore(%arg24 : memref<!tpu.dma_semaphore, #tpu.memory_space<semaphore_mem>>) src(%dma_wait3A_76 : memref<32x128xi32, #tpu.memory_space<hbm>>) dst(%arg8 : memref<32x128xi32, #tpu.memory_space<vmem>>)
    %dma_start3A_77 = arith.constant 0 : i32
    %dma_start3A_78 = arith.constant 0 : i32
    %dma_start3A_79 = tpu.memref_slice %arg3[%arg1, %dma_start3A_77, %dma_start3A_78] : memref<16x160x128xi32, #tpu.memory_space<hbm>> -> memref<1x160x128xi32, #tpu.memory_space<hbm>>
    %dma_start3A_80 = tpu.memref_squeeze %dma_start3A_79 : memref<1x160x128xi32, #tpu.memory_space<hbm>> -> memref<160x128xi32, #tpu.memory_space<hbm>>
    %dma_start3A_81 = arith.constant 32 : i32
    %dma_start3A_82 = arith.constant 0 : i32
    %dma_start3A_83 = tpu.memref_slice %dma_start3A_80[%dma_start3A_81, %dma_start3A_82] : memref<160x128xi32, #tpu.memory_space<hbm>> -> memref<32x128xi32, #tpu.memory_space<hbm>>
    %dma_start3A_84 = arith.constant 0 : i32
    %dma_start3A_85 = arith.constant 0 : i32
    %dma_start3A_86 = tpu.memref_slice %arg3[%arg1, %dma_start3A_84, %dma_start3A_85] : memref<16x160x128xi32, #tpu.memory_space<hbm>> -> memref<1x160x128xi32, #tpu.memory_space<hbm>>
    %dma_start3A_87 = tpu.memref_squeeze %dma_start3A_86 : memref<1x160x128xi32, #tpu.memory_space<hbm>> -> memref<160x128xi32, #tpu.memory_space<hbm>>
    %dma_start3A_88 = arith.constant 32 : i32
    %dma_start3A_89 = arith.constant 0 : i32
    %dma_start3A_90 = tpu.memref_slice %dma_start3A_87[%dma_start3A_88, %dma_start3A_89] : memref<160x128xi32, #tpu.memory_space<hbm>> -> memref<32x128xi32, #tpu.memory_space<hbm>>
    tpu.enqueue_dma source(%dma_start3A_90 : memref<32x128xi32, #tpu.memory_space<hbm>>) target(%arg7 : memref<32x128xi32, #tpu.memory_space<vmem>>) target_semaphore(%arg25 : memref<!tpu.dma_semaphore, #tpu.memory_space<semaphore_mem>>)
    %dma_start3A_91 = arith.constant 0 : i32
    %dma_start3A_92 = arith.constant 0 : i32
    %dma_start3A_93 = tpu.memref_slice %arg4[%arg1, %dma_start3A_91, %dma_start3A_92] : memref<16x160x128xi32, #tpu.memory_space<hbm>> -> memref<1x160x128xi32, #tpu.memory_space<hbm>>
    %dma_start3A_94 = tpu.memref_squeeze %dma_start3A_93 : memref<1x160x128xi32, #tpu.memory_space<hbm>> -> memref<160x128xi32, #tpu.memory_space<hbm>>
    %dma_start3A_95 = arith.constant 32 : i32
    %dma_start3A_96 = arith.constant 0 : i32
    %dma_start3A_97 = tpu.memref_slice %dma_start3A_94[%dma_start3A_95, %dma_start3A_96] : memref<160x128xi32, #tpu.memory_space<hbm>> -> memref<32x128xi32, #tpu.memory_space<hbm>>
    %dma_start3A_98 = arith.constant 0 : i32
    %dma_start3A_99 = arith.constant 0 : i32
    %dma_start3A_100 = tpu.memref_slice %arg4[%arg1, %dma_start3A_98, %dma_start3A_99] : memref<16x160x128xi32, #tpu.memory_space<hbm>> -> memref<1x160x128xi32, #tpu.memory_space<hbm>>
    %dma_start3A_101 = tpu.memref_squeeze %dma_start3A_100 : memref<1x160x128xi32, #tpu.memory_space<hbm>> -> memref<160x128xi32, #tpu.memory_space<hbm>>
    %dma_start3A_102 = arith.constant 32 : i32
    %dma_start3A_103 = arith.constant 0 : i32
    %dma_start3A_104 = tpu.memref_slice %dma_start3A_101[%dma_start3A_102, %dma_start3A_103] : memref<160x128xi32, #tpu.memory_space<hbm>> -> memref<32x128xi32, #tpu.memory_space<hbm>>
    tpu.enqueue_dma source(%dma_start3A_104 : memref<32x128xi32, #tpu.memory_space<hbm>>) target(%arg9 : memref<32x128xi32, #tpu.memory_space<vmem>>) target_semaphore(%arg25 : memref<!tpu.dma_semaphore, #tpu.memory_space<semaphore_mem>>)
    %dma_start3A_105 = arith.constant 0 : i32
    %dma_start3A_106 = arith.constant 0 : i32
    %dma_start3A_107 = tpu.memref_slice %arg6[%dma_start3A_105, %dma_start3A_106] : memref<32x128xi32, #tpu.memory_space<vmem>> -> memref<1x128xi32, #tpu.memory_space<vmem>>
    %dma_start3A_108 = tpu.memref_squeeze %dma_start3A_107 : memref<1x128xi32, #tpu.memory_space<vmem>> -> memref<128xi32, #tpu.memory_space<vmem>>
    %dma_start3A_109 = arith.constant 0 : i32
    %dma_start3A_110 = arith.constant 0 : i32
    %dma_start3A_111 = tpu.memref_slice %arg14[%dma_start3A_109, %dma_start3A_110] : memref<10000x64xf32, #tpu.memory_space<vmem_shared>> -> memref<10000x64xf32, #tpu.memory_space<vmem_shared>>
    tpu.enqueue_indirect_dma source(%dma_start3A_111 : memref<10000x64xf32, #tpu.memory_space<vmem_shared>>) target(%arg10 : memref<128x64xf32, #tpu.memory_space<vmem>>) offsets(%dma_start3A_108 : memref<128xi32, #tpu.memory_space<vmem>>) semaphore(%arg16 : memref<!tpu.dma_semaphore, #tpu.memory_space<semaphore_mem>>)
    %dma_start3A_112 = arith.constant 1 : i32
    %dma_start3A_113 = arith.constant 0 : i32
    %dma_start3A_114 = tpu.memref_slice %arg6[%dma_start3A_112, %dma_start3A_113] : memref<32x128xi32, #tpu.memory_space<vmem>> -> memref<1x128xi32, #tpu.memory_space<vmem>>
    %dma_start3A_115 = tpu.memref_squeeze %dma_start3A_114 : memref<1x128xi32, #tpu.memory_space<vmem>> -> memref<128xi32, #tpu.memory_space<vmem>>
    %dma_start3A_116 = arith.constant 0 : i32
    %dma_start3A_117 = arith.constant 0 : i32
    %dma_start3A_118 = tpu.memref_slice %arg14[%dma_start3A_116, %dma_start3A_117] : memref<10000x64xf32, #tpu.memory_space<vmem_shared>> -> memref<10000x64xf32, #tpu.memory_space<vmem_shared>>
    tpu.enqueue_indirect_dma source(%dma_start3A_118 : memref<10000x64xf32, #tpu.memory_space<vmem_shared>>) target(%arg11 : memref<128x64xf32, #tpu.memory_space<vmem>>) offsets(%dma_start3A_115 : memref<128xi32, #tpu.memory_space<vmem>>) semaphore(%arg17 : memref<!tpu.dma_semaphore, #tpu.memory_space<semaphore_mem>>)
    %dma_wait3A_119 = arith.constant 0 : i32
    %dma_wait3A_120 = arith.constant 0 : i32
    %dma_wait3A_121 = tpu.memref_slice %arg6[%dma_wait3A_119, %dma_wait3A_120] : memref<32x128xi32, #tpu.memory_space<vmem>> -> memref<1x128xi32, #tpu.memory_space<vmem>>
    %dma_wait3A_122 = tpu.memref_squeeze %dma_wait3A_121 : memref<1x128xi32, #tpu.memory_space<vmem>> -> memref<128xi32, #tpu.memory_space<vmem>>
    %dma_wait3A_123 = arith.constant 0 : i32
    %dma_wait3A_124 = arith.constant 0 : i32
    %dma_wait3A_125 = tpu.memref_slice %arg14[%dma_wait3A_123, %dma_wait3A_124] : memref<10000x64xf32, #tpu.memory_space<vmem_shared>> -> memref<10000x64xf32, #tpu.memory_space<vmem_shared>>
    tpu.wait_indirect_dma semaphore(%arg16 : memref<!tpu.dma_semaphore, #tpu.memory_space<semaphore_mem>>) src(%dma_wait3A_125 : memref<10000x64xf32, #tpu.memory_space<vmem_shared>>) dst(%arg10 : memref<128x64xf32, #tpu.memory_space<vmem>>)
    %dma_start3A_126 = arith.constant 0 : i32
    %dma_start3A_127 = arith.constant 0 : i32
    %dma_start3A_128 = tpu.memref_slice %arg8[%dma_start3A_126, %dma_start3A_127] : memref<32x128xi32, #tpu.memory_space<vmem>> -> memref<1x128xi32, #tpu.memory_space<vmem>>
    %dma_start3A_129 = tpu.memref_squeeze %dma_start3A_128 : memref<1x128xi32, #tpu.memory_space<vmem>> -> memref<128xi32, #tpu.memory_space<vmem>>
    %dma_start3A_130 = arith.constant 0 : i32
    %dma_start3A_131 = arith.constant 0 : i32
    %dma_start3A_132 = tpu.memref_slice %arg15[%dma_start3A_130, %dma_start3A_131] : memref<10240x64xf32, #tpu.memory_space<vmem_shared>> -> memref<10240x64xf32, #tpu.memory_space<vmem_shared>>
    tpu.enqueue_indirect_dma source(%arg10 : memref<128x64xf32, #tpu.memory_space<vmem>>) target(%dma_start3A_132 : memref<10240x64xf32, #tpu.memory_space<vmem_shared>>) offsets(%dma_start3A_129 : memref<128xi32, #tpu.memory_space<vmem>>) semaphore(%arg20 : memref<!tpu.dma_semaphore, #tpu.memory_space<semaphore_mem>>) {add = true}
    %dma_start3A_133 = arith.constant 2 : i32
    %dma_start3A_134 = arith.constant 0 : i32
    %dma_start3A_135 = tpu.memref_slice %arg6[%dma_start3A_133, %dma_start3A_134] : memref<32x128xi32, #tpu.memory_space<vmem>> -> memref<1x128xi32, #tpu.memory_space<vmem>>
    %dma_start3A_136 = tpu.memref_squeeze %dma_start3A_135 : memref<1x128xi32, #tpu.memory_space<vmem>> -> memref<128xi32, #tpu.memory_space<vmem>>
    %dma_start3A_137 = arith.constant 0 : i32
    %dma_start3A_138 = arith.constant 0 : i32
    %dma_start3A_139 = tpu.memref_slice %arg14[%dma_start3A_137, %dma_start3A_138] : memref<10000x64xf32, #tpu.memory_space<vmem_shared>> -> memref<10000x64xf32, #tpu.memory_space<vmem_shared>>
    tpu.enqueue_indirect_dma source(%dma_start3A_139 : memref<10000x64xf32, #tpu.memory_space<vmem_shared>>) target(%arg12 : memref<128x64xf32, #tpu.memory_space<vmem>>) offsets(%dma_start3A_136 : memref<128xi32, #tpu.memory_space<vmem>>) semaphore(%arg18 : memref<!tpu.dma_semaphore, #tpu.memory_space<semaphore_mem>>)
    %dma_wait3A_140 = arith.constant 1 : i32
    %dma_wait3A_141 = arith.constant 0 : i32
    %dma_wait3A_142 = tpu.memref_slice %arg6[%dma_wait3A_140, %dma_wait3A_141] : memref<32x128xi32, #tpu.memory_space<vmem>> -> memref<1x128xi32, #tpu.memory_space<vmem>>
    %dma_wait3A_143 = tpu.memref_squeeze %dma_wait3A_142 : memref<1x128xi32, #tpu.memory_space<vmem>> -> memref<128xi32, #tpu.memory_space<vmem>>
    %dma_wait3A_144 = arith.constant 0 : i32
    %dma_wait3A_145 = arith.constant 0 : i32
    %dma_wait3A_146 = tpu.memref_slice %arg14[%dma_wait3A_144, %dma_wait3A_145] : memref<10000x64xf32, #tpu.memory_space<vmem_shared>> -> memref<10000x64xf32, #tpu.memory_space<vmem_shared>>
    tpu.wait_indirect_dma semaphore(%arg17 : memref<!tpu.dma_semaphore, #tpu.memory_space<semaphore_mem>>) src(%dma_wait3A_146 : memref<10000x64xf32, #tpu.memory_space<vmem_shared>>) dst(%arg11 : memref<128x64xf32, #tpu.memory_space<vmem>>)
    %dma_start3A_147 = arith.constant 1 : i32
    %dma_start3A_148 = arith.constant 0 : i32
    %dma_start3A_149 = tpu.memref_slice %arg8[%dma_start3A_147, %dma_start3A_148] : memref<32x128xi32, #tpu.memory_space<vmem>> -> memref<1x128xi32, #tpu.memory_space<vmem>>
    %dma_start3A_150 = tpu.memref_squeeze %dma_start3A_149 : memref<1x128xi32, #tpu.memory_space<vmem>> -> memref<128xi32, #tpu.memory_space<vmem>>
    %dma_start3A_151 = arith.constant 0 : i32
    %dma_start3A_152 = arith.constant 0 : i32
    %dma_start3A_153 = tpu.memref_slice %arg15[%dma_start3A_151, %dma_start3A_152] : memref<10240x64xf32, #tpu.memory_space<vmem_shared>> -> memref<10240x64xf32, #tpu.memory_space<vmem_shared>>
    tpu.enqueue_indirect_dma source(%arg11 : memref<128x64xf32, #tpu.memory_space<vmem>>) target(%dma_start3A_153 : memref<10240x64xf32, #tpu.memory_space<vmem_shared>>) offsets(%dma_start3A_150 : memref<128xi32, #tpu.memory_space<vmem>>) semaphore(%arg21 : memref<!tpu.dma_semaphore, #tpu.memory_space<semaphore_mem>>) {add = true}
    %dma_start3A_154 = arith.constant 3 : i32
    %dma_start3A_155 = arith.constant 0 : i32
    %dma_start3A_156 = tpu.memref_slice %arg6[%dma_start3A_154, %dma_start3A_155] : memref<32x128xi32, #tpu.memory_space<vmem>> -> memref<1x128xi32, #tpu.memory_space<vmem>>
    %dma_start3A_157 = tpu.memref_squeeze %dma_start3A_156 : memref<1x128xi32, #tpu.memory_space<vmem>> -> memref<128xi32, #tpu.memory_space<vmem>>
    %dma_start3A_158 = arith.constant 0 : i32
    %dma_start3A_159 = arith.constant 0 : i32
    %dma_start3A_160 = tpu.memref_slice %arg14[%dma_start3A_158, %dma_start3A_159] : memref<10000x64xf32, #tpu.memory_space<vmem_shared>> -> memref<10000x64xf32, #tpu.memory_space<vmem_shared>>
    tpu.enqueue_indirect_dma source(%dma_start3A_160 : memref<10000x64xf32, #tpu.memory_space<vmem_shared>>) target(%arg13 : memref<128x64xf32, #tpu.memory_space<vmem>>) offsets(%dma_start3A_157 : memref<128xi32, #tpu.memory_space<vmem>>) semaphore(%arg19 : memref<!tpu.dma_semaphore, #tpu.memory_space<semaphore_mem>>)
    %dma_wait3A_161 = arith.constant 2 : i32
    %dma_wait3A_162 = arith.constant 0 : i32
    %dma_wait3A_163 = tpu.memref_slice %arg6[%dma_wait3A_161, %dma_wait3A_162] : memref<32x128xi32, #tpu.memory_space<vmem>> -> memref<1x128xi32, #tpu.memory_space<vmem>>
    %dma_wait3A_164 = tpu.memref_squeeze %dma_wait3A_163 : memref<1x128xi32, #tpu.memory_space<vmem>> -> memref<128xi32, #tpu.memory_space<vmem>>
    %dma_wait3A_165 = arith.constant 0 : i32
    %dma_wait3A_166 = arith.constant 0 : i32
    %dma_wait3A_167 = tpu.memref_slice %arg14[%dma_wait3A_165, %dma_wait3A_166] : memref<10000x64xf32, #tpu.memory_space<vmem_shared>> -> memref<10000x64xf32, #tpu.memory_space<vmem_shared>>
    tpu.wait_indirect_dma semaphore(%arg18 : memref<!tpu.dma_semaphore, #tpu.memory_space<semaphore_mem>>) src(%dma_wait3A_167 : memref<10000x64xf32, #tpu.memory_space<vmem_shared>>) dst(%arg12 : memref<128x64xf32, #tpu.memory_space<vmem>>)
    %dma_start3A_168 = arith.constant 2 : i32
    %dma_start3A_169 = arith.constant 0 : i32
    %dma_start3A_170 = tpu.memref_slice %arg8[%dma_start3A_168, %dma_start3A_169] : memref<32x128xi32, #tpu.memory_space<vmem>> -> memref<1x128xi32, #tpu.memory_space<vmem>>
    %dma_start3A_171 = tpu.memref_squeeze %dma_start3A_170 : memref<1x128xi32, #tpu.memory_space<vmem>> -> memref<128xi32, #tpu.memory_space<vmem>>
    %dma_start3A_172 = arith.constant 0 : i32
    %dma_start3A_173 = arith.constant 0 : i32
    %dma_start3A_174 = tpu.memref_slice %arg15[%dma_start3A_172, %dma_start3A_173] : memref<10240x64xf32, #tpu.memory_space<vmem_shared>> -> memref<10240x64xf32, #tpu.memory_space<vmem_shared>>
    tpu.enqueue_indirect_dma source(%arg12 : memref<128x64xf32, #tpu.memory_space<vmem>>) target(%dma_start3A_174 : memref<10240x64xf32, #tpu.memory_space<vmem_shared>>) offsets(%dma_start3A_171 : memref<128xi32, #tpu.memory_space<vmem>>) semaphore(%arg22 : memref<!tpu.dma_semaphore, #tpu.memory_space<semaphore_mem>>) {add = true}
    %dma_wait3A_175 = arith.constant 0 : i32
    %dma_wait3A_176 = arith.constant 0 : i32
    %dma_wait3A_177 = tpu.memref_slice %arg8[%dma_wait3A_175, %dma_wait3A_176] : memref<32x128xi32, #tpu.memory_space<vmem>> -> memref<1x128xi32, #tpu.memory_space<vmem>>
    %dma_wait3A_178 = tpu.memref_squeeze %dma_wait3A_177 : memref<1x128xi32, #tpu.memory_space<vmem>> -> memref<128xi32, #tpu.memory_space<vmem>>
    %dma_wait3A_179 = arith.constant 0 : i32
    %dma_wait3A_180 = arith.constant 0 : i32
    %dma_wait3A_181 = tpu.memref_slice %arg15[%dma_wait3A_179, %dma_wait3A_180] : memref<10240x64xf32, #tpu.memory_space<vmem_shared>> -> memref<10240x64xf32, #tpu.memory_space<vmem_shared>>
    tpu.wait_indirect_dma semaphore(%arg20 : memref<!tpu.dma_semaphore, #tpu.memory_space<semaphore_mem>>) src(%arg10 : memref<128x64xf32, #tpu.memory_space<vmem>>) dst(%dma_wait3A_181 : memref<10240x64xf32, #tpu.memory_space<vmem_shared>>)
    %dma_start3A_182 = arith.constant 4 : i32
    %dma_start3A_183 = arith.constant 0 : i32
    %dma_start3A_184 = tpu.memref_slice %arg6[%dma_start3A_182, %dma_start3A_183] : memref<32x128xi32, #tpu.memory_space<vmem>> -> memref<1x128xi32, #tpu.memory_space<vmem>>
    %dma_start3A_185 = tpu.memref_squeeze %dma_start3A_184 : memref<1x128xi32, #tpu.memory_space<vmem>> -> memref<128xi32, #tpu.memory_space<vmem>>
    %dma_start3A_186 = arith.constant 0 : i32
    %dma_start3A_187 = arith.constant 0 : i32
    %dma_start3A_188 = tpu.memref_slice %arg14[%dma_start3A_186, %dma_start3A_187] : memref<10000x64xf32, #tpu.memory_space<vmem_shared>> -> memref<10000x64xf32, #tpu.memory_space<vmem_shared>>
    tpu.enqueue_indirect_dma source(%dma_start3A_188 : memref<10000x64xf32, #tpu.memory_space<vmem_shared>>) target(%arg10 : memref<128x64xf32, #tpu.memory_space<vmem>>) offsets(%dma_start3A_185 : memref<128xi32, #tpu.memory_space<vmem>>) semaphore(%arg16 : memref<!tpu.dma_semaphore, #tpu.memory_space<semaphore_mem>>)
    %dma_wait3A_189 = arith.constant 3 : i32
    %dma_wait3A_190 = arith.constant 0 : i32
    %dma_wait3A_191 = tpu.memref_slice %arg6[%dma_wait3A_189, %dma_wait3A_190] : memref<32x128xi32, #tpu.memory_space<vmem>> -> memref<1x128xi32, #tpu.memory_space<vmem>>
    %dma_wait3A_192 = tpu.memref_squeeze %dma_wait3A_191 : memref<1x128xi32, #tpu.memory_space<vmem>> -> memref<128xi32, #tpu.memory_space<vmem>>
    %dma_wait3A_193 = arith.constant 0 : i32
    %dma_wait3A_194 = arith.constant 0 : i32
    %dma_wait3A_195 = tpu.memref_slice %arg14[%dma_wait3A_193, %dma_wait3A_194] : memref<10000x64xf32, #tpu.memory_space<vmem_shared>> -> memref<10000x64xf32, #tpu.memory_space<vmem_shared>>
    tpu.wait_indirect_dma semaphore(%arg19 : memref<!tpu.dma_semaphore, #tpu.memory_space<semaphore_mem>>) src(%dma_wait3A_195 : memref<10000x64xf32, #tpu.memory_space<vmem_shared>>) dst(%arg13 : memref<128x64xf32, #tpu.memory_space<vmem>>)
    %dma_start3A_196 = arith.constant 3 : i32
    %dma_start3A_197 = arith.constant 0 : i32
    %dma_start3A_198 = tpu.memref_slice %arg8[%dma_start3A_196, %dma_start3A_197] : memref<32x128xi32, #tpu.memory_space<vmem>> -> memref<1x128xi32, #tpu.memory_space<vmem>>
    %dma_start3A_199 = tpu.memref_squeeze %dma_start3A_198 : memref<1x128xi32, #tpu.memory_space<vmem>> -> memref<128xi32, #tpu.memory_space<vmem>>
    %dma_start3A_200 = arith.constant 0 : i32
    %dma_start3A_201 = arith.constant 0 : i32
    %dma_start3A_202 = tpu.memref_slice %arg15[%dma_start3A_200, %dma_start3A_201] : memref<10240x64xf32, #tpu.memory_space<vmem_shared>> -> memref<10240x64xf32, #tpu.memory_space<vmem_shared>>
    tpu.enqueue_indirect_dma source(%arg13 : memref<128x64xf32, #tpu.memory_space<vmem>>) target(%dma_start3A_202 : memref<10240x64xf32, #tpu.memory_space<vmem_shared>>) offsets(%dma_start3A_199 : memref<128xi32, #tpu.memory_space<vmem>>) semaphore(%arg23 : memref<!tpu.dma_semaphore, #tpu.memory_space<semaphore_mem>>) {add = true}
    %dma_wait3A_203 = arith.constant 1 : i32
    %dma_wait3A_204 = arith.constant 0 : i32
    %dma_wait3A_205 = tpu.memref_slice %arg8[%dma_wait3A_203, %dma_wait3A_204] : memref<32x128xi32, #tpu.memory_space<vmem>> -> memref<1x128xi32, #tpu.memory_space<vmem>>
    %dma_wait3A_206 = tpu.memref_squeeze %dma_wait3A_205 : memref<1x128xi32, #tpu.memory_space<vmem>> -> memref<128xi32, #tpu.memory_space<vmem>>
    %dma_wait3A_207 = arith.constant 0 : i32
    %dma_wait3A_208 = arith.constant 0 : i32
    %dma_wait3A_209 = tpu.memref_slice %arg15[%dma_wait3A_207, %dma_wait3A_208] : memref<10240x64xf32, #tpu.memory_space<vmem_shared>> -> memref<10240x64xf32, #tpu.memory_space<vmem_shared>>
    tpu.wait_indirect_dma semaphore(%arg21 : memref<!tpu.dma_semaphore, #tpu.memory_space<semaphore_mem>>) src(%arg11 : memref<128x64xf32, #tpu.memory_space<vmem>>) dst(%dma_wait3A_209 : memref<10240x64xf32, #tpu.memory_space<vmem_shared>>)
    %dma_start3A_210 = arith.constant 5 : i32
    %dma_start3A_211 = arith.constant 0 : i32
    %dma_start3A_212 = tpu.memref_slice %arg6[%dma_start3A_210, %dma_start3A_211] : memref<32x128xi32, #tpu.memory_space<vmem>> -> memref<1x128xi32, #tpu.memory_space<vmem>>
    %dma_start3A_213 = tpu.memref_squeeze %dma_start3A_212 : memref<1x128xi32, #tpu.memory_space<vmem>> -> memref<128xi32, #tpu.memory_space<vmem>>
    %dma_start3A_214 = arith.constant 0 : i32
    %dma_start3A_215 = arith.constant 0 : i32
    %dma_start3A_216 = tpu.memref_slice %arg14[%dma_start3A_214, %dma_start3A_215] : memref<10000x64xf32, #tpu.memory_space<vmem_shared>> -> memref<10000x64xf32, #tpu.memory_space<vmem_shared>>
    tpu.enqueue_indirect_dma source(%dma_start3A_216 : memref<10000x64xf32, #tpu.memory_space<vmem_shared>>) target(%arg11 : memref<128x64xf32, #tpu.memory_space<vmem>>) offsets(%dma_start3A_213 : memref<128xi32, #tpu.memory_space<vmem>>) semaphore(%arg17 : memref<!tpu.dma_semaphore, #tpu.memory_space<semaphore_mem>>)
    %scan3A_217 = arith.constant 0 : i32
    %scan3A_218 = arith.constant 0 : i32
    %scan3A_219 = arith.constant 6 : i32
    %scan3A_220 = arith.addi %scan3A_218, %scan3A_219 : i32
    %scan3A_221 = arith.constant 1 : i32
    scf.for %scan3A_1456 = %scan3A_218 to %scan3A_220 step %scan3A_221  : i32 {
      %mul3A_1457 = arith.constant 4 : i32
      %mul3A_1458 = arith.muli %scan3A_1456, %mul3A_1457 : i32
      %add3A = arith.constant 4 : i32
      %add3A_1459 = arith.addi %add3A, %mul3A_1458 : i32
      %add3A_1460 = arith.constant 0 : i32
      %add3A_1461 = arith.addi %add3A_1459, %add3A_1460 : i32
      %dma_wait3A_1462 = arith.constant 0 : i32
      %dma_wait3A_1463 = tpu.memref_slice %arg6[%add3A_1461, %dma_wait3A_1462] : memref<32x128xi32, #tpu.memory_space<vmem>> -> memref<1x128xi32, #tpu.memory_space<vmem>>
      %dma_wait3A_1464 = tpu.memref_squeeze %dma_wait3A_1463 : memref<1x128xi32, #tpu.memory_space<vmem>> -> memref<128xi32, #tpu.memory_space<vmem>>
      %dma_wait3A_1465 = arith.constant 0 : i32
      %dma_wait3A_1466 = arith.constant 0 : i32
      %dma_wait3A_1467 = tpu.memref_slice %arg14[%dma_wait3A_1465, %dma_wait3A_1466] : memref<10000x64xf32, #tpu.memory_space<vmem_shared>> -> memref<10000x64xf32, #tpu.memory_space<vmem_shared>>
      tpu.wait_indirect_dma semaphore(%arg16 : memref<!tpu.dma_semaphore, #tpu.memory_space<semaphore_mem>>) src(%dma_wait3A_1467 : memref<10000x64xf32, #tpu.memory_space<vmem_shared>>) dst(%arg10 : memref<128x64xf32, #tpu.memory_space<vmem>>)
      %dma_start3A_1468 = arith.constant 0 : i32
      %dma_start3A_1469 = tpu.memref_slice %arg8[%add3A_1461, %dma_start3A_1468] : memref<32x128xi32, #tpu.memory_space<vmem>> -> memref<1x128xi32, #tpu.memory_space<vmem>>
      %dma_start3A_1470 = tpu.memref_squeeze %dma_start3A_1469 : memref<1x128xi32, #tpu.memory_space<vmem>> -> memref<128xi32, #tpu.memory_space<vmem>>
      %dma_start3A_1471 = arith.constant 0 : i32
      %dma_start3A_1472 = arith.constant 0 : i32
      %dma_start3A_1473 = tpu.memref_slice %arg15[%dma_start3A_1471, %dma_start3A_1472] : memref<10240x64xf32, #tpu.memory_space<vmem_shared>> -> memref<10240x64xf32, #tpu.memory_space<vmem_shared>>
      tpu.enqueue_indirect_dma source(%arg10 : memref<128x64xf32, #tpu.memory_space<vmem>>) target(%dma_start3A_1473 : memref<10240x64xf32, #tpu.memory_space<vmem_shared>>) offsets(%dma_start3A_1470 : memref<128xi32, #tpu.memory_space<vmem>>) semaphore(%arg20 : memref<!tpu.dma_semaphore, #tpu.memory_space<semaphore_mem>>) {add = true}
      %sub3A = arith.constant 2 : i32
      %sub3A_1474 = arith.subi %add3A_1461, %sub3A : i32
      %dma_wait3A_1475 = arith.constant 0 : i32
      %dma_wait3A_1476 = tpu.memref_slice %arg8[%sub3A_1474, %dma_wait3A_1475] : memref<32x128xi32, #tpu.memory_space<vmem>> -> memref<1x128xi32, #tpu.memory_space<vmem>>
      %dma_wait3A_1477 = tpu.memref_squeeze %dma_wait3A_1476 : memref<1x128xi32, #tpu.memory_space<vmem>> -> memref<128xi32, #tpu.memory_space<vmem>>
      %dma_wait3A_1478 = arith.constant 0 : i32
      %dma_wait3A_1479 = arith.constant 0 : i32
      %dma_wait3A_1480 = tpu.memref_slice %arg15[%dma_wait3A_1478, %dma_wait3A_1479] : memref<10240x64xf32, #tpu.memory_space<vmem_shared>> -> memref<10240x64xf32, #tpu.memory_space<vmem_shared>>
      tpu.wait_indirect_dma semaphore(%arg22 : memref<!tpu.dma_semaphore, #tpu.memory_space<semaphore_mem>>) src(%arg12 : memref<128x64xf32, #tpu.memory_space<vmem>>) dst(%dma_wait3A_1480 : memref<10240x64xf32, #tpu.memory_space<vmem_shared>>)
      %add3A_1481 = arith.constant 2 : i32
      %add3A_1482 = arith.addi %add3A_1461, %add3A_1481 : i32
      %dma_start3A_1483 = arith.constant 0 : i32
      %dma_start3A_1484 = tpu.memref_slice %arg6[%add3A_1482, %dma_start3A_1483] : memref<32x128xi32, #tpu.memory_space<vmem>> -> memref<1x128xi32, #tpu.memory_space<vmem>>
      %dma_start3A_1485 = tpu.memref_squeeze %dma_start3A_1484 : memref<1x128xi32, #tpu.memory_space<vmem>> -> memref<128xi32, #tpu.memory_space<vmem>>
      %dma_start3A_1486 = arith.constant 0 : i32
      %dma_start3A_1487 = arith.constant 0 : i32
      %dma_start3A_1488 = tpu.memref_slice %arg14[%dma_start3A_1486, %dma_start3A_1487] : memref<10000x64xf32, #tpu.memory_space<vmem_shared>> -> memref<10000x64xf32, #tpu.memory_space<vmem_shared>>
      tpu.enqueue_indirect_dma source(%dma_start3A_1488 : memref<10000x64xf32, #tpu.memory_space<vmem_shared>>) target(%arg12 : memref<128x64xf32, #tpu.memory_space<vmem>>) offsets(%dma_start3A_1485 : memref<128xi32, #tpu.memory_space<vmem>>) semaphore(%arg18 : memref<!tpu.dma_semaphore, #tpu.memory_space<semaphore_mem>>)
      %add3A_1489 = arith.constant 1 : i32
      %add3A_1490 = arith.addi %add3A_1459, %add3A_1489 : i32
      %dma_wait3A_1491 = arith.constant 0 : i32
      %dma_wait3A_1492 = tpu.memref_slice %arg6[%add3A_1490, %dma_wait3A_1491] : memref<32x128xi32, #tpu.memory_space<vmem>> -> memref<1x128xi32, #tpu.memory_space<vmem>>
      %dma_wait3A_1493 = tpu.memref_squeeze %dma_wait3A_1492 : memref<1x128xi32, #tpu.memory_space<vmem>> -> memref<128xi32, #tpu.memory_space<vmem>>
      %dma_wait3A_1494 = arith.constant 0 : i32
      %dma_wait3A_1495 = arith.constant 0 : i32
      %dma_wait3A_1496 = tpu.memref_slice %arg14[%dma_wait3A_1494, %dma_wait3A_1495] : memref<10000x64xf32, #tpu.memory_space<vmem_shared>> -> memref<10000x64xf32, #tpu.memory_space<vmem_shared>>
      tpu.wait_indirect_dma semaphore(%arg17 : memref<!tpu.dma_semaphore, #tpu.memory_space<semaphore_mem>>) src(%dma_wait3A_1496 : memref<10000x64xf32, #tpu.memory_space<vmem_shared>>) dst(%arg11 : memref<128x64xf32, #tpu.memory_space<vmem>>)
      %dma_start3A_1497 = arith.constant 0 : i32
      %dma_start3A_1498 = tpu.memref_slice %arg8[%add3A_1490, %dma_start3A_1497] : memref<32x128xi32, #tpu.memory_space<vmem>> -> memref<1x128xi32, #tpu.memory_space<vmem>>
      %dma_start3A_1499 = tpu.memref_squeeze %dma_start3A_1498 : memref<1x128xi32, #tpu.memory_space<vmem>> -> memref<128xi32, #tpu.memory_space<vmem>>
      %dma_start3A_1500 = arith.constant 0 : i32
      %dma_start3A_1501 = arith.constant 0 : i32
      %dma_start3A_1502 = tpu.memref_slice %arg15[%dma_start3A_1500, %dma_start3A_1501] : memref<10240x64xf32, #tpu.memory_space<vmem_shared>> -> memref<10240x64xf32, #tpu.memory_space<vmem_shared>>
      tpu.enqueue_indirect_dma source(%arg11 : memref<128x64xf32, #tpu.memory_space<vmem>>) target(%dma_start3A_1502 : memref<10240x64xf32, #tpu.memory_space<vmem_shared>>) offsets(%dma_start3A_1499 : memref<128xi32, #tpu.memory_space<vmem>>) semaphore(%arg21 : memref<!tpu.dma_semaphore, #tpu.memory_space<semaphore_mem>>) {add = true}
      %sub3A_1503 = arith.constant 2 : i32
      %sub3A_1504 = arith.subi %add3A_1490, %sub3A_1503 : i32
      %dma_wait3A_1505 = arith.constant 0 : i32
      %dma_wait3A_1506 = tpu.memref_slice %arg8[%sub3A_1504, %dma_wait3A_1505] : memref<32x128xi32, #tpu.memory_space<vmem>> -> memref<1x128xi32, #tpu.memory_space<vmem>>
      %dma_wait3A_1507 = tpu.memref_squeeze %dma_wait3A_1506 : memref<1x128xi32, #tpu.memory_space<vmem>> -> memref<128xi32, #tpu.memory_space<vmem>>
      %dma_wait3A_1508 = arith.constant 0 : i32
      %dma_wait3A_1509 = arith.constant 0 : i32
      %dma_wait3A_1510 = tpu.memref_slice %arg15[%dma_wait3A_1508, %dma_wait3A_1509] : memref<10240x64xf32, #tpu.memory_space<vmem_shared>> -> memref<10240x64xf32, #tpu.memory_space<vmem_shared>>
      tpu.wait_indirect_dma semaphore(%arg23 : memref<!tpu.dma_semaphore, #tpu.memory_space<semaphore_mem>>) src(%arg13 : memref<128x64xf32, #tpu.memory_space<vmem>>) dst(%dma_wait3A_1510 : memref<10240x64xf32, #tpu.memory_space<vmem_shared>>)
      %add3A_1511 = arith.constant 2 : i32
      %add3A_1512 = arith.addi %add3A_1490, %add3A_1511 : i32
      %dma_start3A_1513 = arith.constant 0 : i32
      %dma_start3A_1514 = tpu.memref_slice %arg6[%add3A_1512, %dma_start3A_1513] : memref<32x128xi32, #tpu.memory_space<vmem>> -> memref<1x128xi32, #tpu.memory_space<vmem>>
      %dma_start3A_1515 = tpu.memref_squeeze %dma_start3A_1514 : memref<1x128xi32, #tpu.memory_space<vmem>> -> memref<128xi32, #tpu.memory_space<vmem>>
      %dma_start3A_1516 = arith.constant 0 : i32
      %dma_start3A_1517 = arith.constant 0 : i32
      %dma_start3A_1518 = tpu.memref_slice %arg14[%dma_start3A_1516, %dma_start3A_1517] : memref<10000x64xf32, #tpu.memory_space<vmem_shared>> -> memref<10000x64xf32, #tpu.memory_space<vmem_shared>>
      tpu.enqueue_indirect_dma source(%dma_start3A_1518 : memref<10000x64xf32, #tpu.memory_space<vmem_shared>>) target(%arg13 : memref<128x64xf32, #tpu.memory_space<vmem>>) offsets(%dma_start3A_1515 : memref<128xi32, #tpu.memory_space<vmem>>) semaphore(%arg19 : memref<!tpu.dma_semaphore, #tpu.memory_space<semaphore_mem>>)
      %add3A_1519 = arith.constant 2 : i32
      %add3A_1520 = arith.addi %add3A_1459, %add3A_1519 : i32
      %dma_wait3A_1521 = arith.constant 0 : i32
      %dma_wait3A_1522 = tpu.memref_slice %arg6[%add3A_1520, %dma_wait3A_1521] : memref<32x128xi32, #tpu.memory_space<vmem>> -> memref<1x128xi32, #tpu.memory_space<vmem>>
      %dma_wait3A_1523 = tpu.memref_squeeze %dma_wait3A_1522 : memref<1x128xi32, #tpu.memory_space<vmem>> -> memref<128xi32, #tpu.memory_space<vmem>>
      %dma_wait3A_1524 = arith.constant 0 : i32
      %dma_wait3A_1525 = arith.constant 0 : i32
      %dma_wait3A_1526 = tpu.memref_slice %arg14[%dma_wait3A_1524, %dma_wait3A_1525] : memref<10000x64xf32, #tpu.memory_space<vmem_shared>> -> memref<10000x64xf32, #tpu.memory_space<vmem_shared>>
      tpu.wait_indirect_dma semaphore(%arg18 : memref<!tpu.dma_semaphore, #tpu.memory_space<semaphore_mem>>) src(%dma_wait3A_1526 : memref<10000x64xf32, #tpu.memory_space<vmem_shared>>) dst(%arg12 : memref<128x64xf32, #tpu.memory_space<vmem>>)
      %dma_start3A_1527 = arith.constant 0 : i32
      %dma_start3A_1528 = tpu.memref_slice %arg8[%add3A_1520, %dma_start3A_1527] : memref<32x128xi32, #tpu.memory_space<vmem>> -> memref<1x128xi32, #tpu.memory_space<vmem>>
      %dma_start3A_1529 = tpu.memref_squeeze %dma_start3A_1528 : memref<1x128xi32, #tpu.memory_space<vmem>> -> memref<128xi32, #tpu.memory_space<vmem>>
      %dma_start3A_1530 = arith.constant 0 : i32
      %dma_start3A_1531 = arith.constant 0 : i32
      %dma_start3A_1532 = tpu.memref_slice %arg15[%dma_start3A_1530, %dma_start3A_1531] : memref<10240x64xf32, #tpu.memory_space<vmem_shared>> -> memref<10240x64xf32, #tpu.memory_space<vmem_shared>>
      tpu.enqueue_indirect_dma source(%arg12 : memref<128x64xf32, #tpu.memory_space<vmem>>) target(%dma_start3A_1532 : memref<10240x64xf32, #tpu.memory_space<vmem_shared>>) offsets(%dma_start3A_1529 : memref<128xi32, #tpu.memory_space<vmem>>) semaphore(%arg22 : memref<!tpu.dma_semaphore, #tpu.memory_space<semaphore_mem>>) {add = true}
      %sub3A_1533 = arith.constant 2 : i32
      %sub3A_1534 = arith.subi %add3A_1520, %sub3A_1533 : i32
      %dma_wait3A_1535 = arith.constant 0 : i32
      %dma_wait3A_1536 = tpu.memref_slice %arg8[%sub3A_1534, %dma_wait3A_1535] : memref<32x128xi32, #tpu.memory_space<vmem>> -> memref<1x128xi32, #tpu.memory_space<vmem>>
      %dma_wait3A_1537 = tpu.memref_squeeze %dma_wait3A_1536 : memref<1x128xi32, #tpu.memory_space<vmem>> -> memref<128xi32, #tpu.memory_space<vmem>>
      %dma_wait3A_1538 = arith.constant 0 : i32
      %dma_wait3A_1539 = arith.constant 0 : i32
      %dma_wait3A_1540 = tpu.memref_slice %arg15[%dma_wait3A_1538, %dma_wait3A_1539] : memref<10240x64xf32, #tpu.memory_space<vmem_shared>> -> memref<10240x64xf32, #tpu.memory_space<vmem_shared>>
      tpu.wait_indirect_dma semaphore(%arg20 : memref<!tpu.dma_semaphore, #tpu.memory_space<semaphore_mem>>) src(%arg10 : memref<128x64xf32, #tpu.memory_space<vmem>>) dst(%dma_wait3A_1540 : memref<10240x64xf32, #tpu.memory_space<vmem_shared>>)
      %add3A_1541 = arith.constant 2 : i32
      %add3A_1542 = arith.addi %add3A_1520, %add3A_1541 : i32
      %dma_start3A_1543 = arith.constant 0 : i32
      %dma_start3A_1544 = tpu.memref_slice %arg6[%add3A_1542, %dma_start3A_1543] : memref<32x128xi32, #tpu.memory_space<vmem>> -> memref<1x128xi32, #tpu.memory_space<vmem>>
      %dma_start3A_1545 = tpu.memref_squeeze %dma_start3A_1544 : memref<1x128xi32, #tpu.memory_space<vmem>> -> memref<128xi32, #tpu.memory_space<vmem>>
      %dma_start3A_1546 = arith.constant 0 : i32
      %dma_start3A_1547 = arith.constant 0 : i32
      %dma_start3A_1548 = tpu.memref_slice %arg14[%dma_start3A_1546, %dma_start3A_1547] : memref<10000x64xf32, #tpu.memory_space<vmem_shared>> -> memref<10000x64xf32, #tpu.memory_space<vmem_shared>>
      tpu.enqueue_indirect_dma source(%dma_start3A_1548 : memref<10000x64xf32, #tpu.memory_space<vmem_shared>>) target(%arg10 : memref<128x64xf32, #tpu.memory_space<vmem>>) offsets(%dma_start3A_1545 : memref<128xi32, #tpu.memory_space<vmem>>) semaphore(%arg16 : memref<!tpu.dma_semaphore, #tpu.memory_space<semaphore_mem>>)
      %add3A_1549 = arith.constant 3 : i32
      %add3A_1550 = arith.addi %add3A_1459, %add3A_1549 : i32
      %dma_wait3A_1551 = arith.constant 0 : i32
      %dma_wait3A_1552 = tpu.memref_slice %arg6[%add3A_1550, %dma_wait3A_1551] : memref<32x128xi32, #tpu.memory_space<vmem>> -> memref<1x128xi32, #tpu.memory_space<vmem>>
      %dma_wait3A_1553 = tpu.memref_squeeze %dma_wait3A_1552 : memref<1x128xi32, #tpu.memory_space<vmem>> -> memref<128xi32, #tpu.memory_space<vmem>>
      %dma_wait3A_1554 = arith.constant 0 : i32
      %dma_wait3A_1555 = arith.constant 0 : i32
      %dma_wait3A_1556 = tpu.memref_slice %arg14[%dma_wait3A_1554, %dma_wait3A_1555] : memref<10000x64xf32, #tpu.memory_space<vmem_shared>> -> memref<10000x64xf32, #tpu.memory_space<vmem_shared>>
      tpu.wait_indirect_dma semaphore(%arg19 : memref<!tpu.dma_semaphore, #tpu.memory_space<semaphore_mem>>) src(%dma_wait3A_1556 : memref<10000x64xf32, #tpu.memory_space<vmem_shared>>) dst(%arg13 : memref<128x64xf32, #tpu.memory_space<vmem>>)
      %dma_start3A_1557 = arith.constant 0 : i32
      %dma_start3A_1558 = tpu.memref_slice %arg8[%add3A_1550, %dma_start3A_1557] : memref<32x128xi32, #tpu.memory_space<vmem>> -> memref<1x128xi32, #tpu.memory_space<vmem>>
      %dma_start3A_1559 = tpu.memref_squeeze %dma_start3A_1558 : memref<1x128xi32, #tpu.memory_space<vmem>> -> memref<128xi32, #tpu.memory_space<vmem>>
      %dma_start3A_1560 = arith.constant 0 : i32
      %dma_start3A_1561 = arith.constant 0 : i32
      %dma_start3A_1562 = tpu.memref_slice %arg15[%dma_start3A_1560, %dma_start3A_1561] : memref<10240x64xf32, #tpu.memory_space<vmem_shared>> -> memref<10240x64xf32, #tpu.memory_space<vmem_shared>>
      tpu.enqueue_indirect_dma source(%arg13 : memref<128x64xf32, #tpu.memory_space<vmem>>) target(%dma_start3A_1562 : memref<10240x64xf32, #tpu.memory_space<vmem_shared>>) offsets(%dma_start3A_1559 : memref<128xi32, #tpu.memory_space<vmem>>) semaphore(%arg23 : memref<!tpu.dma_semaphore, #tpu.memory_space<semaphore_mem>>) {add = true}
      %sub3A_1563 = arith.constant 2 : i32
      %sub3A_1564 = arith.subi %add3A_1550, %sub3A_1563 : i32
      %dma_wait3A_1565 = arith.constant 0 : i32
      %dma_wait3A_1566 = tpu.memref_slice %arg8[%sub3A_1564, %dma_wait3A_1565] : memref<32x128xi32, #tpu.memory_space<vmem>> -> memref<1x128xi32, #tpu.memory_space<vmem>>
      %dma_wait3A_1567 = tpu.memref_squeeze %dma_wait3A_1566 : memref<1x128xi32, #tpu.memory_space<vmem>> -> memref<128xi32, #tpu.memory_space<vmem>>
      %dma_wait3A_1568 = arith.constant 0 : i32
      %dma_wait3A_1569 = arith.constant 0 : i32
      %dma_wait3A_1570 = tpu.memref_slice %arg15[%dma_wait3A_1568, %dma_wait3A_1569] : memref<10240x64xf32, #tpu.memory_space<vmem_shared>> -> memref<10240x64xf32, #tpu.memory_space<vmem_shared>>
      tpu.wait_indirect_dma semaphore(%arg21 : memref<!tpu.dma_semaphore, #tpu.memory_space<semaphore_mem>>) src(%arg11 : memref<128x64xf32, #tpu.memory_space<vmem>>) dst(%dma_wait3A_1570 : memref<10240x64xf32, #tpu.memory_space<vmem_shared>>)
      %add3A_1571 = arith.constant 2 : i32
      %add3A_1572 = arith.addi %add3A_1550, %add3A_1571 : i32
      %dma_start3A_1573 = arith.constant 0 : i32
      %dma_start3A_1574 = tpu.memref_slice %arg6[%add3A_1572, %dma_start3A_1573] : memref<32x128xi32, #tpu.memory_space<vmem>> -> memref<1x128xi32, #tpu.memory_space<vmem>>
      %dma_start3A_1575 = tpu.memref_squeeze %dma_start3A_1574 : memref<1x128xi32, #tpu.memory_space<vmem>> -> memref<128xi32, #tpu.memory_space<vmem>>
      %dma_start3A_1576 = arith.constant 0 : i32
      %dma_start3A_1577 = arith.constant 0 : i32
      %dma_start3A_1578 = tpu.memref_slice %arg14[%dma_start3A_1576, %dma_start3A_1577] : memref<10000x64xf32, #tpu.memory_space<vmem_shared>> -> memref<10000x64xf32, #tpu.memory_space<vmem_shared>>
      tpu.enqueue_indirect_dma source(%dma_start3A_1578 : memref<10000x64xf32, #tpu.memory_space<vmem_shared>>) target(%arg11 : memref<128x64xf32, #tpu.memory_space<vmem>>) offsets(%dma_start3A_1575 : memref<128xi32, #tpu.memory_space<vmem>>) semaphore(%arg17 : memref<!tpu.dma_semaphore, #tpu.memory_space<semaphore_mem>>)
    }
    %scan3A_222 = arith.constant 6 : i32
    %dma_wait3A_223 = arith.constant 28 : i32
    %dma_wait3A_224 = arith.constant 0 : i32
    %dma_wait3A_225 = tpu.memref_slice %arg6[%dma_wait3A_223, %dma_wait3A_224] : memref<32x128xi32, #tpu.memory_space<vmem>> -> memref<1x128xi32, #tpu.memory_space<vmem>>
    %dma_wait3A_226 = tpu.memref_squeeze %dma_wait3A_225 : memref<1x128xi32, #tpu.memory_space<vmem>> -> memref<128xi32, #tpu.memory_space<vmem>>
    %dma_wait3A_227 = arith.constant 0 : i32
    %dma_wait3A_228 = arith.constant 0 : i32
    %dma_wait3A_229 = tpu.memref_slice %arg14[%dma_wait3A_227, %dma_wait3A_228] : memref<10000x64xf32, #tpu.memory_space<vmem_shared>> -> memref<10000x64xf32, #tpu.memory_space<vmem_shared>>
    tpu.wait_indirect_dma semaphore(%arg16 : memref<!tpu.dma_semaphore, #tpu.memory_space<semaphore_mem>>) src(%dma_wait3A_229 : memref<10000x64xf32, #tpu.memory_space<vmem_shared>>) dst(%arg10 : memref<128x64xf32, #tpu.memory_space<vmem>>)
    %dma_start3A_230 = arith.constant 28 : i32
    %dma_start3A_231 = arith.constant 0 : i32
    %dma_start3A_232 = tpu.memref_slice %arg8[%dma_start3A_230, %dma_start3A_231] : memref<32x128xi32, #tpu.memory_space<vmem>> -> memref<1x128xi32, #tpu.memory_space<vmem>>
    %dma_start3A_233 = tpu.memref_squeeze %dma_start3A_232 : memref<1x128xi32, #tpu.memory_space<vmem>> -> memref<128xi32, #tpu.memory_space<vmem>>
    %dma_start3A_234 = arith.constant 0 : i32
    %dma_start3A_235 = arith.constant 0 : i32
    %dma_start3A_236 = tpu.memref_slice %arg15[%dma_start3A_234, %dma_start3A_235] : memref<10240x64xf32, #tpu.memory_space<vmem_shared>> -> memref<10240x64xf32, #tpu.memory_space<vmem_shared>>
    tpu.enqueue_indirect_dma source(%arg10 : memref<128x64xf32, #tpu.memory_space<vmem>>) target(%dma_start3A_236 : memref<10240x64xf32, #tpu.memory_space<vmem_shared>>) offsets(%dma_start3A_233 : memref<128xi32, #tpu.memory_space<vmem>>) semaphore(%arg20 : memref<!tpu.dma_semaphore, #tpu.memory_space<semaphore_mem>>) {add = true}
    %dma_wait3A_237 = arith.constant 26 : i32
    %dma_wait3A_238 = arith.constant 0 : i32
    %dma_wait3A_239 = tpu.memref_slice %arg8[%dma_wait3A_237, %dma_wait3A_238] : memref<32x128xi32, #tpu.memory_space<vmem>> -> memref<1x128xi32, #tpu.memory_space<vmem>>
    %dma_wait3A_240 = tpu.memref_squeeze %dma_wait3A_239 : memref<1x128xi32, #tpu.memory_space<vmem>> -> memref<128xi32, #tpu.memory_space<vmem>>
    %dma_wait3A_241 = arith.constant 0 : i32
    %dma_wait3A_242 = arith.constant 0 : i32
    %dma_wait3A_243 = tpu.memref_slice %arg15[%dma_wait3A_241, %dma_wait3A_242] : memref<10240x64xf32, #tpu.memory_space<vmem_shared>> -> memref<10240x64xf32, #tpu.memory_space<vmem_shared>>
    tpu.wait_indirect_dma semaphore(%arg22 : memref<!tpu.dma_semaphore, #tpu.memory_space<semaphore_mem>>) src(%arg12 : memref<128x64xf32, #tpu.memory_space<vmem>>) dst(%dma_wait3A_243 : memref<10240x64xf32, #tpu.memory_space<vmem_shared>>)
    %dma_start3A_244 = arith.constant 30 : i32
    %dma_start3A_245 = arith.constant 0 : i32
    %dma_start3A_246 = tpu.memref_slice %arg6[%dma_start3A_244, %dma_start3A_245] : memref<32x128xi32, #tpu.memory_space<vmem>> -> memref<1x128xi32, #tpu.memory_space<vmem>>
    %dma_start3A_247 = tpu.memref_squeeze %dma_start3A_246 : memref<1x128xi32, #tpu.memory_space<vmem>> -> memref<128xi32, #tpu.memory_space<vmem>>
    %dma_start3A_248 = arith.constant 0 : i32
    %dma_start3A_249 = arith.constant 0 : i32
    %dma_start3A_250 = tpu.memref_slice %arg14[%dma_start3A_248, %dma_start3A_249] : memref<10000x64xf32, #tpu.memory_space<vmem_shared>> -> memref<10000x64xf32, #tpu.memory_space<vmem_shared>>
    tpu.enqueue_indirect_dma source(%dma_start3A_250 : memref<10000x64xf32, #tpu.memory_space<vmem_shared>>) target(%arg12 : memref<128x64xf32, #tpu.memory_space<vmem>>) offsets(%dma_start3A_247 : memref<128xi32, #tpu.memory_space<vmem>>) semaphore(%arg18 : memref<!tpu.dma_semaphore, #tpu.memory_space<semaphore_mem>>)
    %dma_wait3A_251 = arith.constant 29 : i32
    %dma_wait3A_252 = arith.constant 0 : i32
    %dma_wait3A_253 = tpu.memref_slice %arg6[%dma_wait3A_251, %dma_wait3A_252] : memref<32x128xi32, #tpu.memory_space<vmem>> -> memref<1x128xi32, #tpu.memory_space<vmem>>
    %dma_wait3A_254 = tpu.memref_squeeze %dma_wait3A_253 : memref<1x128xi32, #tpu.memory_space<vmem>> -> memref<128xi32, #tpu.memory_space<vmem>>
    %dma_wait3A_255 = arith.constant 0 : i32
    %dma_wait3A_256 = arith.constant 0 : i32
    %dma_wait3A_257 = tpu.memref_slice %arg14[%dma_wait3A_255, %dma_wait3A_256] : memref<10000x64xf32, #tpu.memory_space<vmem_shared>> -> memref<10000x64xf32, #tpu.memory_space<vmem_shared>>
    tpu.wait_indirect_dma semaphore(%arg17 : memref<!tpu.dma_semaphore, #tpu.memory_space<semaphore_mem>>) src(%dma_wait3A_257 : memref<10000x64xf32, #tpu.memory_space<vmem_shared>>) dst(%arg11 : memref<128x64xf32, #tpu.memory_space<vmem>>)
    %dma_start3A_258 = arith.constant 29 : i32
    %dma_start3A_259 = arith.constant 0 : i32
    %dma_start3A_260 = tpu.memref_slice %arg8[%dma_start3A_258, %dma_start3A_259] : memref<32x128xi32, #tpu.memory_space<vmem>> -> memref<1x128xi32, #tpu.memory_space<vmem>>
    %dma_start3A_261 = tpu.memref_squeeze %dma_start3A_260 : memref<1x128xi32, #tpu.memory_space<vmem>> -> memref<128xi32, #tpu.memory_space<vmem>>
    %dma_start3A_262 = arith.constant 0 : i32
    %dma_start3A_263 = arith.constant 0 : i32
    %dma_start3A_264 = tpu.memref_slice %arg15[%dma_start3A_262, %dma_start3A_263] : memref<10240x64xf32, #tpu.memory_space<vmem_shared>> -> memref<10240x64xf32, #tpu.memory_space<vmem_shared>>
    tpu.enqueue_indirect_dma source(%arg11 : memref<128x64xf32, #tpu.memory_space<vmem>>) target(%dma_start3A_264 : memref<10240x64xf32, #tpu.memory_space<vmem_shared>>) offsets(%dma_start3A_261 : memref<128xi32, #tpu.memory_space<vmem>>) semaphore(%arg21 : memref<!tpu.dma_semaphore, #tpu.memory_space<semaphore_mem>>) {add = true}
    %dma_wait3A_265 = arith.constant 27 : i32
    %dma_wait3A_266 = arith.constant 0 : i32
    %dma_wait3A_267 = tpu.memref_slice %arg8[%dma_wait3A_265, %dma_wait3A_266] : memref<32x128xi32, #tpu.memory_space<vmem>> -> memref<1x128xi32, #tpu.memory_space<vmem>>
    %dma_wait3A_268 = tpu.memref_squeeze %dma_wait3A_267 : memref<1x128xi32, #tpu.memory_space<vmem>> -> memref<128xi32, #tpu.memory_space<vmem>>
    %dma_wait3A_269 = arith.constant 0 : i32
    %dma_wait3A_270 = arith.constant 0 : i32
    %dma_wait3A_271 = tpu.memref_slice %arg15[%dma_wait3A_269, %dma_wait3A_270] : memref<10240x64xf32, #tpu.memory_space<vmem_shared>> -> memref<10240x64xf32, #tpu.memory_space<vmem_shared>>
    tpu.wait_indirect_dma semaphore(%arg23 : memref<!tpu.dma_semaphore, #tpu.memory_space<semaphore_mem>>) src(%arg13 : memref<128x64xf32, #tpu.memory_space<vmem>>) dst(%dma_wait3A_271 : memref<10240x64xf32, #tpu.memory_space<vmem_shared>>)
    %dma_start3A_272 = arith.constant 31 : i32
    %dma_start3A_273 = arith.constant 0 : i32
    %dma_start3A_274 = tpu.memref_slice %arg6[%dma_start3A_272, %dma_start3A_273] : memref<32x128xi32, #tpu.memory_space<vmem>> -> memref<1x128xi32, #tpu.memory_space<vmem>>
    %dma_start3A_275 = tpu.memref_squeeze %dma_start3A_274 : memref<1x128xi32, #tpu.memory_space<vmem>> -> memref<128xi32, #tpu.memory_space<vmem>>
    %dma_start3A_276 = arith.constant 0 : i32
    %dma_start3A_277 = arith.constant 0 : i32
    %dma_start3A_278 = tpu.memref_slice %arg14[%dma_start3A_276, %dma_start3A_277] : memref<10000x64xf32, #tpu.memory_space<vmem_shared>> -> memref<10000x64xf32, #tpu.memory_space<vmem_shared>>
    tpu.enqueue_indirect_dma source(%dma_start3A_278 : memref<10000x64xf32, #tpu.memory_space<vmem_shared>>) target(%arg13 : memref<128x64xf32, #tpu.memory_space<vmem>>) offsets(%dma_start3A_275 : memref<128xi32, #tpu.memory_space<vmem>>) semaphore(%arg19 : memref<!tpu.dma_semaphore, #tpu.memory_space<semaphore_mem>>)
    %dma_wait3A_279 = arith.constant 30 : i32
    %dma_wait3A_280 = arith.constant 0 : i32
    %dma_wait3A_281 = tpu.memref_slice %arg6[%dma_wait3A_279, %dma_wait3A_280] : memref<32x128xi32, #tpu.memory_space<vmem>> -> memref<1x128xi32, #tpu.memory_space<vmem>>
    %dma_wait3A_282 = tpu.memref_squeeze %dma_wait3A_281 : memref<1x128xi32, #tpu.memory_space<vmem>> -> memref<128xi32, #tpu.memory_space<vmem>>
    %dma_wait3A_283 = arith.constant 0 : i32
    %dma_wait3A_284 = arith.constant 0 : i32
    %dma_wait3A_285 = tpu.memref_slice %arg14[%dma_wait3A_283, %dma_wait3A_284] : memref<10000x64xf32, #tpu.memory_space<vmem_shared>> -> memref<10000x64xf32, #tpu.memory_space<vmem_shared>>
    tpu.wait_indirect_dma semaphore(%arg18 : memref<!tpu.dma_semaphore, #tpu.memory_space<semaphore_mem>>) src(%dma_wait3A_285 : memref<10000x64xf32, #tpu.memory_space<vmem_shared>>) dst(%arg12 : memref<128x64xf32, #tpu.memory_space<vmem>>)
    %dma_start3A_286 = arith.constant 30 : i32
    %dma_start3A_287 = arith.constant 0 : i32
    %dma_start3A_288 = tpu.memref_slice %arg8[%dma_start3A_286, %dma_start3A_287] : memref<32x128xi32, #tpu.memory_space<vmem>> -> memref<1x128xi32, #tpu.memory_space<vmem>>
    %dma_start3A_289 = tpu.memref_squeeze %dma_start3A_288 : memref<1x128xi32, #tpu.memory_space<vmem>> -> memref<128xi32, #tpu.memory_space<vmem>>
    %dma_start3A_290 = arith.constant 0 : i32
    %dma_start3A_291 = arith.constant 0 : i32
    %dma_start3A_292 = tpu.memref_slice %arg15[%dma_start3A_290, %dma_start3A_291] : memref<10240x64xf32, #tpu.memory_space<vmem_shared>> -> memref<10240x64xf32, #tpu.memory_space<vmem_shared>>
    tpu.enqueue_indirect_dma source(%arg12 : memref<128x64xf32, #tpu.memory_space<vmem>>) target(%dma_start3A_292 : memref<10240x64xf32, #tpu.memory_space<vmem_shared>>) offsets(%dma_start3A_289 : memref<128xi32, #tpu.memory_space<vmem>>) semaphore(%arg22 : memref<!tpu.dma_semaphore, #tpu.memory_space<semaphore_mem>>) {add = true}
    %dma_wait3A_293 = arith.constant 28 : i32
    %dma_wait3A_294 = arith.constant 0 : i32
    %dma_wait3A_295 = tpu.memref_slice %arg8[%dma_wait3A_293, %dma_wait3A_294] : memref<32x128xi32, #tpu.memory_space<vmem>> -> memref<1x128xi32, #tpu.memory_space<vmem>>
    %dma_wait3A_296 = tpu.memref_squeeze %dma_wait3A_295 : memref<1x128xi32, #tpu.memory_space<vmem>> -> memref<128xi32, #tpu.memory_space<vmem>>
    %dma_wait3A_297 = arith.constant 0 : i32
    %dma_wait3A_298 = arith.constant 0 : i32
    %dma_wait3A_299 = tpu.memref_slice %arg15[%dma_wait3A_297, %dma_wait3A_298] : memref<10240x64xf32, #tpu.memory_space<vmem_shared>> -> memref<10240x64xf32, #tpu.memory_space<vmem_shared>>
    tpu.wait_indirect_dma semaphore(%arg20 : memref<!tpu.dma_semaphore, #tpu.memory_space<semaphore_mem>>) src(%arg10 : memref<128x64xf32, #tpu.memory_space<vmem>>) dst(%dma_wait3A_299 : memref<10240x64xf32, #tpu.memory_space<vmem_shared>>)
    %dma_wait3A_300 = arith.constant 31 : i32
    %dma_wait3A_301 = arith.constant 0 : i32
    %dma_wait3A_302 = tpu.memref_slice %arg6[%dma_wait3A_300, %dma_wait3A_301] : memref<32x128xi32, #tpu.memory_space<vmem>> -> memref<1x128xi32, #tpu.memory_space<vmem>>
    %dma_wait3A_303 = tpu.memref_squeeze %dma_wait3A_302 : memref<1x128xi32, #tpu.memory_space<vmem>> -> memref<128xi32, #tpu.memory_space<vmem>>
    %dma_wait3A_304 = arith.constant 0 : i32
    %dma_wait3A_305 = arith.constant 0 : i32
    %dma_wait3A_306 = tpu.memref_slice %arg14[%dma_wait3A_304, %dma_wait3A_305] : memref<10000x64xf32, #tpu.memory_space<vmem_shared>> -> memref<10000x64xf32, #tpu.memory_space<vmem_shared>>
    tpu.wait_indirect_dma semaphore(%arg19 : memref<!tpu.dma_semaphore, #tpu.memory_space<semaphore_mem>>) src(%dma_wait3A_306 : memref<10000x64xf32, #tpu.memory_space<vmem_shared>>) dst(%arg13 : memref<128x64xf32, #tpu.memory_space<vmem>>)
    %dma_start3A_307 = arith.constant 31 : i32
    %dma_start3A_308 = arith.constant 0 : i32
    %dma_start3A_309 = tpu.memref_slice %arg8[%dma_start3A_307, %dma_start3A_308] : memref<32x128xi32, #tpu.memory_space<vmem>> -> memref<1x128xi32, #tpu.memory_space<vmem>>
    %dma_start3A_310 = tpu.memref_squeeze %dma_start3A_309 : memref<1x128xi32, #tpu.memory_space<vmem>> -> memref<128xi32, #tpu.memory_space<vmem>>
    %dma_start3A_311 = arith.constant 0 : i32
    %dma_start3A_312 = arith.constant 0 : i32
    %dma_start3A_313 = tpu.memref_slice %arg15[%dma_start3A_311, %dma_start3A_312] : memref<10240x64xf32, #tpu.memory_space<vmem_shared>> -> memref<10240x64xf32, #tpu.memory_space<vmem_shared>>
    tpu.enqueue_indirect_dma source(%arg13 : memref<128x64xf32, #tpu.memory_space<vmem>>) target(%dma_start3A_313 : memref<10240x64xf32, #tpu.memory_space<vmem_shared>>) offsets(%dma_start3A_310 : memref<128xi32, #tpu.memory_space<vmem>>) semaphore(%arg23 : memref<!tpu.dma_semaphore, #tpu.memory_space<semaphore_mem>>) {add = true}
    %dma_wait3A_314 = arith.constant 29 : i32
    %dma_wait3A_315 = arith.constant 0 : i32
    %dma_wait3A_316 = tpu.memref_slice %arg8[%dma_wait3A_314, %dma_wait3A_315] : memref<32x128xi32, #tpu.memory_space<vmem>> -> memref<1x128xi32, #tpu.memory_space<vmem>>
    %dma_wait3A_317 = tpu.memref_squeeze %dma_wait3A_316 : memref<1x128xi32, #tpu.memory_space<vmem>> -> memref<128xi32, #tpu.memory_space<vmem>>
    %dma_wait3A_318 = arith.constant 0 : i32
    %dma_wait3A_319 = arith.constant 0 : i32
    %dma_wait3A_320 = tpu.memref_slice %arg15[%dma_wait3A_318, %dma_wait3A_319] : memref<10240x64xf32, #tpu.memory_space<vmem_shared>> -> memref<10240x64xf32, #tpu.memory_space<vmem_shared>>
    tpu.wait_indirect_dma semaphore(%arg21 : memref<!tpu.dma_semaphore, #tpu.memory_space<semaphore_mem>>) src(%arg11 : memref<128x64xf32, #tpu.memory_space<vmem>>) dst(%dma_wait3A_320 : memref<10240x64xf32, #tpu.memory_space<vmem_shared>>)
    %dma_wait3A_321 = arith.constant 30 : i32
    %dma_wait3A_322 = arith.constant 0 : i32
    %dma_wait3A_323 = tpu.memref_slice %arg8[%dma_wait3A_321, %dma_wait3A_322] : memref<32x128xi32, #tpu.memory_space<vmem>> -> memref<1x128xi32, #tpu.memory_space<vmem>>
    %dma_wait3A_324 = tpu.memref_squeeze %dma_wait3A_323 : memref<1x128xi32, #tpu.memory_space<vmem>> -> memref<128xi32, #tpu.memory_space<vmem>>
    %dma_wait3A_325 = arith.constant 0 : i32
    %dma_wait3A_326 = arith.constant 0 : i32
    %dma_wait3A_327 = tpu.memref_slice %arg15[%dma_wait3A_325, %dma_wait3A_326] : memref<10240x64xf32, #tpu.memory_space<vmem_shared>> -> memref<10240x64xf32, #tpu.memory_space<vmem_shared>>
    tpu.wait_indirect_dma semaphore(%arg22 : memref<!tpu.dma_semaphore, #tpu.memory_space<semaphore_mem>>) src(%arg12 : memref<128x64xf32, #tpu.memory_space<vmem>>) dst(%dma_wait3A_327 : memref<10240x64xf32, #tpu.memory_space<vmem_shared>>)
    %dma_wait3A_328 = arith.constant 31 : i32
    %dma_wait3A_329 = arith.constant 0 : i32
    %dma_wait3A_330 = tpu.memref_slice %arg8[%dma_wait3A_328, %dma_wait3A_329] : memref<32x128xi32, #tpu.memory_space<vmem>> -> memref<1x128xi32, #tpu.memory_space<vmem>>
    %dma_wait3A_331 = tpu.memref_squeeze %dma_wait3A_330 : memref<1x128xi32, #tpu.memory_space<vmem>> -> memref<128xi32, #tpu.memory_space<vmem>>
    %dma_wait3A_332 = arith.constant 0 : i32
    %dma_wait3A_333 = arith.constant 0 : i32
    %dma_wait3A_334 = tpu.memref_slice %arg15[%dma_wait3A_332, %dma_wait3A_333] : memref<10240x64xf32, #tpu.memory_space<vmem_shared>> -> memref<10240x64xf32, #tpu.memory_space<vmem_shared>>
    tpu.wait_indirect_dma semaphore(%arg23 : memref<!tpu.dma_semaphore, #tpu.memory_space<semaphore_mem>>) src(%arg13 : memref<128x64xf32, #tpu.memory_space<vmem>>) dst(%dma_wait3A_334 : memref<10240x64xf32, #tpu.memory_space<vmem_shared>>)
    %dma_wait3A_335 = arith.constant 0 : i32
    %dma_wait3A_336 = arith.constant 0 : i32
    %dma_wait3A_337 = tpu.memref_slice %arg3[%arg1, %dma_wait3A_335, %dma_wait3A_336] : memref<16x160x128xi32, #tpu.memory_space<hbm>> -> memref<1x160x128xi32, #tpu.memory_space<hbm>>
    %dma_wait3A_338 = tpu.memref_squeeze %dma_wait3A_337 : memref<1x160x128xi32, #tpu.memory_space<hbm>> -> memref<160x128xi32, #tpu.memory_space<hbm>>
    %dma_wait3A_339 = arith.constant 32 : i32
    %dma_wait3A_340 = arith.constant 0 : i32
    %dma_wait3A_341 = tpu.memref_slice %dma_wait3A_338[%dma_wait3A_339, %dma_wait3A_340] : memref<160x128xi32, #tpu.memory_space<hbm>> -> memref<32x128xi32, #tpu.memory_space<hbm>>
    %dma_wait3A_342 = arith.constant 0 : i32
    %dma_wait3A_343 = arith.constant 0 : i32
    %dma_wait3A_344 = tpu.memref_slice %arg3[%arg1, %dma_wait3A_342, %dma_wait3A_343] : memref<16x160x128xi32, #tpu.memory_space<hbm>> -> memref<1x160x128xi32, #tpu.memory_space<hbm>>
    %dma_wait3A_345 = tpu.memref_squeeze %dma_wait3A_344 : memref<1x160x128xi32, #tpu.memory_space<hbm>> -> memref<160x128xi32, #tpu.memory_space<hbm>>
    %dma_wait3A_346 = arith.constant 32 : i32
    %dma_wait3A_347 = arith.constant 0 : i32
    %dma_wait3A_348 = tpu.memref_slice %dma_wait3A_345[%dma_wait3A_346, %dma_wait3A_347] : memref<160x128xi32, #tpu.memory_space<hbm>> -> memref<32x128xi32, #tpu.memory_space<hbm>>
    tpu.wait_dma2 semaphore(%arg25 : memref<!tpu.dma_semaphore, #tpu.memory_space<semaphore_mem>>) src(%dma_wait3A_348 : memref<32x128xi32, #tpu.memory_space<hbm>>) dst(%arg7 : memref<32x128xi32, #tpu.memory_space<vmem>>)
    %dma_wait3A_349 = arith.constant 0 : i32
    %dma_wait3A_350 = arith.constant 0 : i32
    %dma_wait3A_351 = tpu.memref_slice %arg4[%arg1, %dma_wait3A_349, %dma_wait3A_350] : memref<16x160x128xi32, #tpu.memory_space<hbm>> -> memref<1x160x128xi32, #tpu.memory_space<hbm>>
    %dma_wait3A_352 = tpu.memref_squeeze %dma_wait3A_351 : memref<1x160x128xi32, #tpu.memory_space<hbm>> -> memref<160x128xi32, #tpu.memory_space<hbm>>
    %dma_wait3A_353 = arith.constant 32 : i32
    %dma_wait3A_354 = arith.constant 0 : i32
    %dma_wait3A_355 = tpu.memref_slice %dma_wait3A_352[%dma_wait3A_353, %dma_wait3A_354] : memref<160x128xi32, #tpu.memory_space<hbm>> -> memref<32x128xi32, #tpu.memory_space<hbm>>
    %dma_wait3A_356 = arith.constant 0 : i32
    %dma_wait3A_357 = arith.constant 0 : i32
    %dma_wait3A_358 = tpu.memref_slice %arg4[%arg1, %dma_wait3A_356, %dma_wait3A_357] : memref<16x160x128xi32, #tpu.memory_space<hbm>> -> memref<1x160x128xi32, #tpu.memory_space<hbm>>
    %dma_wait3A_359 = tpu.memref_squeeze %dma_wait3A_358 : memref<1x160x128xi32, #tpu.memory_space<hbm>> -> memref<160x128xi32, #tpu.memory_space<hbm>>
    %dma_wait3A_360 = arith.constant 32 : i32
    %dma_wait3A_361 = arith.constant 0 : i32
    %dma_wait3A_362 = tpu.memref_slice %dma_wait3A_359[%dma_wait3A_360, %dma_wait3A_361] : memref<160x128xi32, #tpu.memory_space<hbm>> -> memref<32x128xi32, #tpu.memory_space<hbm>>
    tpu.wait_dma2 semaphore(%arg25 : memref<!tpu.dma_semaphore, #tpu.memory_space<semaphore_mem>>) src(%dma_wait3A_362 : memref<32x128xi32, #tpu.memory_space<hbm>>) dst(%arg9 : memref<32x128xi32, #tpu.memory_space<vmem>>)
    %dma_start3A_363 = arith.constant 0 : i32
    %dma_start3A_364 = arith.constant 0 : i32
    %dma_start3A_365 = tpu.memref_slice %arg3[%arg1, %dma_start3A_363, %dma_start3A_364] : memref<16x160x128xi32, #tpu.memory_space<hbm>> -> memref<1x160x128xi32, #tpu.memory_space<hbm>>
    %dma_start3A_366 = tpu.memref_squeeze %dma_start3A_365 : memref<1x160x128xi32, #tpu.memory_space<hbm>> -> memref<160x128xi32, #tpu.memory_space<hbm>>
    %dma_start3A_367 = arith.constant 64 : i32
    %dma_start3A_368 = arith.constant 0 : i32
    %dma_start3A_369 = tpu.memref_slice %dma_start3A_366[%dma_start3A_367, %dma_start3A_368] : memref<160x128xi32, #tpu.memory_space<hbm>> -> memref<32x128xi32, #tpu.memory_space<hbm>>
    %dma_start3A_370 = arith.constant 0 : i32
    %dma_start3A_371 = arith.constant 0 : i32
    %dma_start3A_372 = tpu.memref_slice %arg3[%arg1, %dma_start3A_370, %dma_start3A_371] : memref<16x160x128xi32, #tpu.memory_space<hbm>> -> memref<1x160x128xi32, #tpu.memory_space<hbm>>
    %dma_start3A_373 = tpu.memref_squeeze %dma_start3A_372 : memref<1x160x128xi32, #tpu.memory_space<hbm>> -> memref<160x128xi32, #tpu.memory_space<hbm>>
    %dma_start3A_374 = arith.constant 64 : i32
    %dma_start3A_375 = arith.constant 0 : i32
    %dma_start3A_376 = tpu.memref_slice %dma_start3A_373[%dma_start3A_374, %dma_start3A_375] : memref<160x128xi32, #tpu.memory_space<hbm>> -> memref<32x128xi32, #tpu.memory_space<hbm>>
    tpu.enqueue_dma source(%dma_start3A_376 : memref<32x128xi32, #tpu.memory_space<hbm>>) target(%arg6 : memref<32x128xi32, #tpu.memory_space<vmem>>) target_semaphore(%arg24 : memref<!tpu.dma_semaphore, #tpu.memory_space<semaphore_mem>>)
    %dma_start3A_377 = arith.constant 0 : i32
    %dma_start3A_378 = arith.constant 0 : i32
    %dma_start3A_379 = tpu.memref_slice %arg4[%arg1, %dma_start3A_377, %dma_start3A_378] : memref<16x160x128xi32, #tpu.memory_space<hbm>> -> memref<1x160x128xi32, #tpu.memory_space<hbm>>
    %dma_start3A_380 = tpu.memref_squeeze %dma_start3A_379 : memref<1x160x128xi32, #tpu.memory_space<hbm>> -> memref<160x128xi32, #tpu.memory_space<hbm>>
    %dma_start3A_381 = arith.constant 64 : i32
    %dma_start3A_382 = arith.constant 0 : i32
    %dma_start3A_383 = tpu.memref_slice %dma_start3A_380[%dma_start3A_381, %dma_start3A_382] : memref<160x128xi32, #tpu.memory_space<hbm>> -> memref<32x128xi32, #tpu.memory_space<hbm>>
    %dma_start3A_384 = arith.constant 0 : i32
    %dma_start3A_385 = arith.constant 0 : i32
    %dma_start3A_386 = tpu.memref_slice %arg4[%arg1, %dma_start3A_384, %dma_start3A_385] : memref<16x160x128xi32, #tpu.memory_space<hbm>> -> memref<1x160x128xi32, #tpu.memory_space<hbm>>
    %dma_start3A_387 = tpu.memref_squeeze %dma_start3A_386 : memref<1x160x128xi32, #tpu.memory_space<hbm>> -> memref<160x128xi32, #tpu.memory_space<hbm>>
    %dma_start3A_388 = arith.constant 64 : i32
    %dma_start3A_389 = arith.constant 0 : i32
    %dma_start3A_390 = tpu.memref_slice %dma_start3A_387[%dma_start3A_388, %dma_start3A_389] : memref<160x128xi32, #tpu.memory_space<hbm>> -> memref<32x128xi32, #tpu.memory_space<hbm>>
    tpu.enqueue_dma source(%dma_start3A_390 : memref<32x128xi32, #tpu.memory_space<hbm>>) target(%arg8 : memref<32x128xi32, #tpu.memory_space<vmem>>) target_semaphore(%arg24 : memref<!tpu.dma_semaphore, #tpu.memory_space<semaphore_mem>>)
    %dma_start3A_391 = arith.constant 0 : i32
    %dma_start3A_392 = arith.constant 0 : i32
    %dma_start3A_393 = tpu.memref_slice %arg7[%dma_start3A_391, %dma_start3A_392] : memref<32x128xi32, #tpu.memory_space<vmem>> -> memref<1x128xi32, #tpu.memory_space<vmem>>
    %dma_start3A_394 = tpu.memref_squeeze %dma_start3A_393 : memref<1x128xi32, #tpu.memory_space<vmem>> -> memref<128xi32, #tpu.memory_space<vmem>>
    %dma_start3A_395 = arith.constant 0 : i32
    %dma_start3A_396 = arith.constant 0 : i32
    %dma_start3A_397 = tpu.memref_slice %arg14[%dma_start3A_395, %dma_start3A_396] : memref<10000x64xf32, #tpu.memory_space<vmem_shared>> -> memref<10000x64xf32, #tpu.memory_space<vmem_shared>>
    tpu.enqueue_indirect_dma source(%dma_start3A_397 : memref<10000x64xf32, #tpu.memory_space<vmem_shared>>) target(%arg10 : memref<128x64xf32, #tpu.memory_space<vmem>>) offsets(%dma_start3A_394 : memref<128xi32, #tpu.memory_space<vmem>>) semaphore(%arg16 : memref<!tpu.dma_semaphore, #tpu.memory_space<semaphore_mem>>)
    %dma_start3A_398 = arith.constant 1 : i32
    %dma_start3A_399 = arith.constant 0 : i32
    %dma_start3A_400 = tpu.memref_slice %arg7[%dma_start3A_398, %dma_start3A_399] : memref<32x128xi32, #tpu.memory_space<vmem>> -> memref<1x128xi32, #tpu.memory_space<vmem>>
    %dma_start3A_401 = tpu.memref_squeeze %dma_start3A_400 : memref<1x128xi32, #tpu.memory_space<vmem>> -> memref<128xi32, #tpu.memory_space<vmem>>
    %dma_start3A_402 = arith.constant 0 : i32
    %dma_start3A_403 = arith.constant 0 : i32
    %dma_start3A_404 = tpu.memref_slice %arg14[%dma_start3A_402, %dma_start3A_403] : memref<10000x64xf32, #tpu.memory_space<vmem_shared>> -> memref<10000x64xf32, #tpu.memory_space<vmem_shared>>
    tpu.enqueue_indirect_dma source(%dma_start3A_404 : memref<10000x64xf32, #tpu.memory_space<vmem_shared>>) target(%arg11 : memref<128x64xf32, #tpu.memory_space<vmem>>) offsets(%dma_start3A_401 : memref<128xi32, #tpu.memory_space<vmem>>) semaphore(%arg17 : memref<!tpu.dma_semaphore, #tpu.memory_space<semaphore_mem>>)
    %dma_wait3A_405 = arith.constant 0 : i32
    %dma_wait3A_406 = arith.constant 0 : i32
    %dma_wait3A_407 = tpu.memref_slice %arg7[%dma_wait3A_405, %dma_wait3A_406] : memref<32x128xi32, #tpu.memory_space<vmem>> -> memref<1x128xi32, #tpu.memory_space<vmem>>
    %dma_wait3A_408 = tpu.memref_squeeze %dma_wait3A_407 : memref<1x128xi32, #tpu.memory_space<vmem>> -> memref<128xi32, #tpu.memory_space<vmem>>
    %dma_wait3A_409 = arith.constant 0 : i32
    %dma_wait3A_410 = arith.constant 0 : i32
    %dma_wait3A_411 = tpu.memref_slice %arg14[%dma_wait3A_409, %dma_wait3A_410] : memref<10000x64xf32, #tpu.memory_space<vmem_shared>> -> memref<10000x64xf32, #tpu.memory_space<vmem_shared>>
    tpu.wait_indirect_dma semaphore(%arg16 : memref<!tpu.dma_semaphore, #tpu.memory_space<semaphore_mem>>) src(%dma_wait3A_411 : memref<10000x64xf32, #tpu.memory_space<vmem_shared>>) dst(%arg10 : memref<128x64xf32, #tpu.memory_space<vmem>>)
    %dma_start3A_412 = arith.constant 0 : i32
    %dma_start3A_413 = arith.constant 0 : i32
    %dma_start3A_414 = tpu.memref_slice %arg9[%dma_start3A_412, %dma_start3A_413] : memref<32x128xi32, #tpu.memory_space<vmem>> -> memref<1x128xi32, #tpu.memory_space<vmem>>
    %dma_start3A_415 = tpu.memref_squeeze %dma_start3A_414 : memref<1x128xi32, #tpu.memory_space<vmem>> -> memref<128xi32, #tpu.memory_space<vmem>>
    %dma_start3A_416 = arith.constant 0 : i32
    %dma_start3A_417 = arith.constant 0 : i32
    %dma_start3A_418 = tpu.memref_slice %arg15[%dma_start3A_416, %dma_start3A_417] : memref<10240x64xf32, #tpu.memory_space<vmem_shared>> -> memref<10240x64xf32, #tpu.memory_space<vmem_shared>>
    tpu.enqueue_indirect_dma source(%arg10 : memref<128x64xf32, #tpu.memory_space<vmem>>) target(%dma_start3A_418 : memref<10240x64xf32, #tpu.memory_space<vmem_shared>>) offsets(%dma_start3A_415 : memref<128xi32, #tpu.memory_space<vmem>>) semaphore(%arg20 : memref<!tpu.dma_semaphore, #tpu.memory_space<semaphore_mem>>) {add = true}
    %dma_start3A_419 = arith.constant 2 : i32
    %dma_start3A_420 = arith.constant 0 : i32
    %dma_start3A_421 = tpu.memref_slice %arg7[%dma_start3A_419, %dma_start3A_420] : memref<32x128xi32, #tpu.memory_space<vmem>> -> memref<1x128xi32, #tpu.memory_space<vmem>>
    %dma_start3A_422 = tpu.memref_squeeze %dma_start3A_421 : memref<1x128xi32, #tpu.memory_space<vmem>> -> memref<128xi32, #tpu.memory_space<vmem>>
    %dma_start3A_423 = arith.constant 0 : i32
    %dma_start3A_424 = arith.constant 0 : i32
    %dma_start3A_425 = tpu.memref_slice %arg14[%dma_start3A_423, %dma_start3A_424] : memref<10000x64xf32, #tpu.memory_space<vmem_shared>> -> memref<10000x64xf32, #tpu.memory_space<vmem_shared>>
    tpu.enqueue_indirect_dma source(%dma_start3A_425 : memref<10000x64xf32, #tpu.memory_space<vmem_shared>>) target(%arg12 : memref<128x64xf32, #tpu.memory_space<vmem>>) offsets(%dma_start3A_422 : memref<128xi32, #tpu.memory_space<vmem>>) semaphore(%arg18 : memref<!tpu.dma_semaphore, #tpu.memory_space<semaphore_mem>>)
    %dma_wait3A_426 = arith.constant 1 : i32
    %dma_wait3A_427 = arith.constant 0 : i32
    %dma_wait3A_428 = tpu.memref_slice %arg7[%dma_wait3A_426, %dma_wait3A_427] : memref<32x128xi32, #tpu.memory_space<vmem>> -> memref<1x128xi32, #tpu.memory_space<vmem>>
    %dma_wait3A_429 = tpu.memref_squeeze %dma_wait3A_428 : memref<1x128xi32, #tpu.memory_space<vmem>> -> memref<128xi32, #tpu.memory_space<vmem>>
    %dma_wait3A_430 = arith.constant 0 : i32
    %dma_wait3A_431 = arith.constant 0 : i32
    %dma_wait3A_432 = tpu.memref_slice %arg14[%dma_wait3A_430, %dma_wait3A_431] : memref<10000x64xf32, #tpu.memory_space<vmem_shared>> -> memref<10000x64xf32, #tpu.memory_space<vmem_shared>>
    tpu.wait_indirect_dma semaphore(%arg17 : memref<!tpu.dma_semaphore, #tpu.memory_space<semaphore_mem>>) src(%dma_wait3A_432 : memref<10000x64xf32, #tpu.memory_space<vmem_shared>>) dst(%arg11 : memref<128x64xf32, #tpu.memory_space<vmem>>)
    %dma_start3A_433 = arith.constant 1 : i32
    %dma_start3A_434 = arith.constant 0 : i32
    %dma_start3A_435 = tpu.memref_slice %arg9[%dma_start3A_433, %dma_start3A_434] : memref<32x128xi32, #tpu.memory_space<vmem>> -> memref<1x128xi32, #tpu.memory_space<vmem>>
    %dma_start3A_436 = tpu.memref_squeeze %dma_start3A_435 : memref<1x128xi32, #tpu.memory_space<vmem>> -> memref<128xi32, #tpu.memory_space<vmem>>
    %dma_start3A_437 = arith.constant 0 : i32
    %dma_start3A_438 = arith.constant 0 : i32
    %dma_start3A_439 = tpu.memref_slice %arg15[%dma_start3A_437, %dma_start3A_438] : memref<10240x64xf32, #tpu.memory_space<vmem_shared>> -> memref<10240x64xf32, #tpu.memory_space<vmem_shared>>
    tpu.enqueue_indirect_dma source(%arg11 : memref<128x64xf32, #tpu.memory_space<vmem>>) target(%dma_start3A_439 : memref<10240x64xf32, #tpu.memory_space<vmem_shared>>) offsets(%dma_start3A_436 : memref<128xi32, #tpu.memory_space<vmem>>) semaphore(%arg21 : memref<!tpu.dma_semaphore, #tpu.memory_space<semaphore_mem>>) {add = true}
    %dma_start3A_440 = arith.constant 3 : i32
    %dma_start3A_441 = arith.constant 0 : i32
    %dma_start3A_442 = tpu.memref_slice %arg7[%dma_start3A_440, %dma_start3A_441] : memref<32x128xi32, #tpu.memory_space<vmem>> -> memref<1x128xi32, #tpu.memory_space<vmem>>
    %dma_start3A_443 = tpu.memref_squeeze %dma_start3A_442 : memref<1x128xi32, #tpu.memory_space<vmem>> -> memref<128xi32, #tpu.memory_space<vmem>>
    %dma_start3A_444 = arith.constant 0 : i32
    %dma_start3A_445 = arith.constant 0 : i32
    %dma_start3A_446 = tpu.memref_slice %arg14[%dma_start3A_444, %dma_start3A_445] : memref<10000x64xf32, #tpu.memory_space<vmem_shared>> -> memref<10000x64xf32, #tpu.memory_space<vmem_shared>>
    tpu.enqueue_indirect_dma source(%dma_start3A_446 : memref<10000x64xf32, #tpu.memory_space<vmem_shared>>) target(%arg13 : memref<128x64xf32, #tpu.memory_space<vmem>>) offsets(%dma_start3A_443 : memref<128xi32, #tpu.memory_space<vmem>>) semaphore(%arg19 : memref<!tpu.dma_semaphore, #tpu.memory_space<semaphore_mem>>)
    %dma_wait3A_447 = arith.constant 2 : i32
    %dma_wait3A_448 = arith.constant 0 : i32
    %dma_wait3A_449 = tpu.memref_slice %arg7[%dma_wait3A_447, %dma_wait3A_448] : memref<32x128xi32, #tpu.memory_space<vmem>> -> memref<1x128xi32, #tpu.memory_space<vmem>>
    %dma_wait3A_450 = tpu.memref_squeeze %dma_wait3A_449 : memref<1x128xi32, #tpu.memory_space<vmem>> -> memref<128xi32, #tpu.memory_space<vmem>>
    %dma_wait3A_451 = arith.constant 0 : i32
    %dma_wait3A_452 = arith.constant 0 : i32
    %dma_wait3A_453 = tpu.memref_slice %arg14[%dma_wait3A_451, %dma_wait3A_452] : memref<10000x64xf32, #tpu.memory_space<vmem_shared>> -> memref<10000x64xf32, #tpu.memory_space<vmem_shared>>
    tpu.wait_indirect_dma semaphore(%arg18 : memref<!tpu.dma_semaphore, #tpu.memory_space<semaphore_mem>>) src(%dma_wait3A_453 : memref<10000x64xf32, #tpu.memory_space<vmem_shared>>) dst(%arg12 : memref<128x64xf32, #tpu.memory_space<vmem>>)
    %dma_start3A_454 = arith.constant 2 : i32
    %dma_start3A_455 = arith.constant 0 : i32
    %dma_start3A_456 = tpu.memref_slice %arg9[%dma_start3A_454, %dma_start3A_455] : memref<32x128xi32, #tpu.memory_space<vmem>> -> memref<1x128xi32, #tpu.memory_space<vmem>>
    %dma_start3A_457 = tpu.memref_squeeze %dma_start3A_456 : memref<1x128xi32, #tpu.memory_space<vmem>> -> memref<128xi32, #tpu.memory_space<vmem>>
    %dma_start3A_458 = arith.constant 0 : i32
    %dma_start3A_459 = arith.constant 0 : i32
    %dma_start3A_460 = tpu.memref_slice %arg15[%dma_start3A_458, %dma_start3A_459] : memref<10240x64xf32, #tpu.memory_space<vmem_shared>> -> memref<10240x64xf32, #tpu.memory_space<vmem_shared>>
    tpu.enqueue_indirect_dma source(%arg12 : memref<128x64xf32, #tpu.memory_space<vmem>>) target(%dma_start3A_460 : memref<10240x64xf32, #tpu.memory_space<vmem_shared>>) offsets(%dma_start3A_457 : memref<128xi32, #tpu.memory_space<vmem>>) semaphore(%arg22 : memref<!tpu.dma_semaphore, #tpu.memory_space<semaphore_mem>>) {add = true}
    %dma_wait3A_461 = arith.constant 0 : i32
    %dma_wait3A_462 = arith.constant 0 : i32
    %dma_wait3A_463 = tpu.memref_slice %arg9[%dma_wait3A_461, %dma_wait3A_462] : memref<32x128xi32, #tpu.memory_space<vmem>> -> memref<1x128xi32, #tpu.memory_space<vmem>>
    %dma_wait3A_464 = tpu.memref_squeeze %dma_wait3A_463 : memref<1x128xi32, #tpu.memory_space<vmem>> -> memref<128xi32, #tpu.memory_space<vmem>>
    %dma_wait3A_465 = arith.constant 0 : i32
    %dma_wait3A_466 = arith.constant 0 : i32
    %dma_wait3A_467 = tpu.memref_slice %arg15[%dma_wait3A_465, %dma_wait3A_466] : memref<10240x64xf32, #tpu.memory_space<vmem_shared>> -> memref<10240x64xf32, #tpu.memory_space<vmem_shared>>
    tpu.wait_indirect_dma semaphore(%arg20 : memref<!tpu.dma_semaphore, #tpu.memory_space<semaphore_mem>>) src(%arg10 : memref<128x64xf32, #tpu.memory_space<vmem>>) dst(%dma_wait3A_467 : memref<10240x64xf32, #tpu.memory_space<vmem_shared>>)
    %dma_start3A_468 = arith.constant 4 : i32
    %dma_start3A_469 = arith.constant 0 : i32
    %dma_start3A_470 = tpu.memref_slice %arg7[%dma_start3A_468, %dma_start3A_469] : memref<32x128xi32, #tpu.memory_space<vmem>> -> memref<1x128xi32, #tpu.memory_space<vmem>>
    %dma_start3A_471 = tpu.memref_squeeze %dma_start3A_470 : memref<1x128xi32, #tpu.memory_space<vmem>> -> memref<128xi32, #tpu.memory_space<vmem>>
    %dma_start3A_472 = arith.constant 0 : i32
    %dma_start3A_473 = arith.constant 0 : i32
    %dma_start3A_474 = tpu.memref_slice %arg14[%dma_start3A_472, %dma_start3A_473] : memref<10000x64xf32, #tpu.memory_space<vmem_shared>> -> memref<10000x64xf32, #tpu.memory_space<vmem_shared>>
    tpu.enqueue_indirect_dma source(%dma_start3A_474 : memref<10000x64xf32, #tpu.memory_space<vmem_shared>>) target(%arg10 : memref<128x64xf32, #tpu.memory_space<vmem>>) offsets(%dma_start3A_471 : memref<128xi32, #tpu.memory_space<vmem>>) semaphore(%arg16 : memref<!tpu.dma_semaphore, #tpu.memory_space<semaphore_mem>>)
    %dma_wait3A_475 = arith.constant 3 : i32
    %dma_wait3A_476 = arith.constant 0 : i32
    %dma_wait3A_477 = tpu.memref_slice %arg7[%dma_wait3A_475, %dma_wait3A_476] : memref<32x128xi32, #tpu.memory_space<vmem>> -> memref<1x128xi32, #tpu.memory_space<vmem>>
    %dma_wait3A_478 = tpu.memref_squeeze %dma_wait3A_477 : memref<1x128xi32, #tpu.memory_space<vmem>> -> memref<128xi32, #tpu.memory_space<vmem>>
    %dma_wait3A_479 = arith.constant 0 : i32
    %dma_wait3A_480 = arith.constant 0 : i32
    %dma_wait3A_481 = tpu.memref_slice %arg14[%dma_wait3A_479, %dma_wait3A_480] : memref<10000x64xf32, #tpu.memory_space<vmem_shared>> -> memref<10000x64xf32, #tpu.memory_space<vmem_shared>>
    tpu.wait_indirect_dma semaphore(%arg19 : memref<!tpu.dma_semaphore, #tpu.memory_space<semaphore_mem>>) src(%dma_wait3A_481 : memref<10000x64xf32, #tpu.memory_space<vmem_shared>>) dst(%arg13 : memref<128x64xf32, #tpu.memory_space<vmem>>)
    %dma_start3A_482 = arith.constant 3 : i32
    %dma_start3A_483 = arith.constant 0 : i32
    %dma_start3A_484 = tpu.memref_slice %arg9[%dma_start3A_482, %dma_start3A_483] : memref<32x128xi32, #tpu.memory_space<vmem>> -> memref<1x128xi32, #tpu.memory_space<vmem>>
    %dma_start3A_485 = tpu.memref_squeeze %dma_start3A_484 : memref<1x128xi32, #tpu.memory_space<vmem>> -> memref<128xi32, #tpu.memory_space<vmem>>
    %dma_start3A_486 = arith.constant 0 : i32
    %dma_start3A_487 = arith.constant 0 : i32
    %dma_start3A_488 = tpu.memref_slice %arg15[%dma_start3A_486, %dma_start3A_487] : memref<10240x64xf32, #tpu.memory_space<vmem_shared>> -> memref<10240x64xf32, #tpu.memory_space<vmem_shared>>
    tpu.enqueue_indirect_dma source(%arg13 : memref<128x64xf32, #tpu.memory_space<vmem>>) target(%dma_start3A_488 : memref<10240x64xf32, #tpu.memory_space<vmem_shared>>) offsets(%dma_start3A_485 : memref<128xi32, #tpu.memory_space<vmem>>) semaphore(%arg23 : memref<!tpu.dma_semaphore, #tpu.memory_space<semaphore_mem>>) {add = true}
    %dma_wait3A_489 = arith.constant 1 : i32
    %dma_wait3A_490 = arith.constant 0 : i32
    %dma_wait3A_491 = tpu.memref_slice %arg9[%dma_wait3A_489, %dma_wait3A_490] : memref<32x128xi32, #tpu.memory_space<vmem>> -> memref<1x128xi32, #tpu.memory_space<vmem>>
    %dma_wait3A_492 = tpu.memref_squeeze %dma_wait3A_491 : memref<1x128xi32, #tpu.memory_space<vmem>> -> memref<128xi32, #tpu.memory_space<vmem>>
    %dma_wait3A_493 = arith.constant 0 : i32
    %dma_wait3A_494 = arith.constant 0 : i32
    %dma_wait3A_495 = tpu.memref_slice %arg15[%dma_wait3A_493, %dma_wait3A_494] : memref<10240x64xf32, #tpu.memory_space<vmem_shared>> -> memref<10240x64xf32, #tpu.memory_space<vmem_shared>>
    tpu.wait_indirect_dma semaphore(%arg21 : memref<!tpu.dma_semaphore, #tpu.memory_space<semaphore_mem>>) src(%arg11 : memref<128x64xf32, #tpu.memory_space<vmem>>) dst(%dma_wait3A_495 : memref<10240x64xf32, #tpu.memory_space<vmem_shared>>)
    %dma_start3A_496 = arith.constant 5 : i32
    %dma_start3A_497 = arith.constant 0 : i32
    %dma_start3A_498 = tpu.memref_slice %arg7[%dma_start3A_496, %dma_start3A_497] : memref<32x128xi32, #tpu.memory_space<vmem>> -> memref<1x128xi32, #tpu.memory_space<vmem>>
    %dma_start3A_499 = tpu.memref_squeeze %dma_start3A_498 : memref<1x128xi32, #tpu.memory_space<vmem>> -> memref<128xi32, #tpu.memory_space<vmem>>
    %dma_start3A_500 = arith.constant 0 : i32
    %dma_start3A_501 = arith.constant 0 : i32
    %dma_start3A_502 = tpu.memref_slice %arg14[%dma_start3A_500, %dma_start3A_501] : memref<10000x64xf32, #tpu.memory_space<vmem_shared>> -> memref<10000x64xf32, #tpu.memory_space<vmem_shared>>
    tpu.enqueue_indirect_dma source(%dma_start3A_502 : memref<10000x64xf32, #tpu.memory_space<vmem_shared>>) target(%arg11 : memref<128x64xf32, #tpu.memory_space<vmem>>) offsets(%dma_start3A_499 : memref<128xi32, #tpu.memory_space<vmem>>) semaphore(%arg17 : memref<!tpu.dma_semaphore, #tpu.memory_space<semaphore_mem>>)
    %scan3A_503 = arith.constant 0 : i32
    %scan3A_504 = arith.constant 0 : i32
    %scan3A_505 = arith.constant 6 : i32
    %scan3A_506 = arith.addi %scan3A_504, %scan3A_505 : i32
    %scan3A_507 = arith.constant 1 : i32
    scf.for %scan3A_1456 = %scan3A_504 to %scan3A_506 step %scan3A_507  : i32 {
      %mul3A_1457 = arith.constant 4 : i32
      %mul3A_1458 = arith.muli %scan3A_1456, %mul3A_1457 : i32
      %add3A = arith.constant 4 : i32
      %add3A_1459 = arith.addi %add3A, %mul3A_1458 : i32
      %add3A_1460 = arith.constant 0 : i32
      %add3A_1461 = arith.addi %add3A_1459, %add3A_1460 : i32
      %dma_wait3A_1462 = arith.constant 0 : i32
      %dma_wait3A_1463 = tpu.memref_slice %arg7[%add3A_1461, %dma_wait3A_1462] : memref<32x128xi32, #tpu.memory_space<vmem>> -> memref<1x128xi32, #tpu.memory_space<vmem>>
      %dma_wait3A_1464 = tpu.memref_squeeze %dma_wait3A_1463 : memref<1x128xi32, #tpu.memory_space<vmem>> -> memref<128xi32, #tpu.memory_space<vmem>>
      %dma_wait3A_1465 = arith.constant 0 : i32
      %dma_wait3A_1466 = arith.constant 0 : i32
      %dma_wait3A_1467 = tpu.memref_slice %arg14[%dma_wait3A_1465, %dma_wait3A_1466] : memref<10000x64xf32, #tpu.memory_space<vmem_shared>> -> memref<10000x64xf32, #tpu.memory_space<vmem_shared>>
      tpu.wait_indirect_dma semaphore(%arg16 : memref<!tpu.dma_semaphore, #tpu.memory_space<semaphore_mem>>) src(%dma_wait3A_1467 : memref<10000x64xf32, #tpu.memory_space<vmem_shared>>) dst(%arg10 : memref<128x64xf32, #tpu.memory_space<vmem>>)
      %dma_start3A_1468 = arith.constant 0 : i32
      %dma_start3A_1469 = tpu.memref_slice %arg9[%add3A_1461, %dma_start3A_1468] : memref<32x128xi32, #tpu.memory_space<vmem>> -> memref<1x128xi32, #tpu.memory_space<vmem>>
      %dma_start3A_1470 = tpu.memref_squeeze %dma_start3A_1469 : memref<1x128xi32, #tpu.memory_space<vmem>> -> memref<128xi32, #tpu.memory_space<vmem>>
      %dma_start3A_1471 = arith.constant 0 : i32
      %dma_start3A_1472 = arith.constant 0 : i32
      %dma_start3A_1473 = tpu.memref_slice %arg15[%dma_start3A_1471, %dma_start3A_1472] : memref<10240x64xf32, #tpu.memory_space<vmem_shared>> -> memref<10240x64xf32, #tpu.memory_space<vmem_shared>>
      tpu.enqueue_indirect_dma source(%arg10 : memref<128x64xf32, #tpu.memory_space<vmem>>) target(%dma_start3A_1473 : memref<10240x64xf32, #tpu.memory_space<vmem_shared>>) offsets(%dma_start3A_1470 : memref<128xi32, #tpu.memory_space<vmem>>) semaphore(%arg20 : memref<!tpu.dma_semaphore, #tpu.memory_space<semaphore_mem>>) {add = true}
      %sub3A = arith.constant 2 : i32
      %sub3A_1474 = arith.subi %add3A_1461, %sub3A : i32
      %dma_wait3A_1475 = arith.constant 0 : i32
      %dma_wait3A_1476 = tpu.memref_slice %arg9[%sub3A_1474, %dma_wait3A_1475] : memref<32x128xi32, #tpu.memory_space<vmem>> -> memref<1x128xi32, #tpu.memory_space<vmem>>
      %dma_wait3A_1477 = tpu.memref_squeeze %dma_wait3A_1476 : memref<1x128xi32, #tpu.memory_space<vmem>> -> memref<128xi32, #tpu.memory_space<vmem>>
      %dma_wait3A_1478 = arith.constant 0 : i32
      %dma_wait3A_1479 = arith.constant 0 : i32
      %dma_wait3A_1480 = tpu.memref_slice %arg15[%dma_wait3A_1478, %dma_wait3A_1479] : memref<10240x64xf32, #tpu.memory_space<vmem_shared>> -> memref<10240x64xf32, #tpu.memory_space<vmem_shared>>
      tpu.wait_indirect_dma semaphore(%arg22 : memref<!tpu.dma_semaphore, #tpu.memory_space<semaphore_mem>>) src(%arg12 : memref<128x64xf32, #tpu.memory_space<vmem>>) dst(%dma_wait3A_1480 : memref<10240x64xf32, #tpu.memory_space<vmem_shared>>)
      %add3A_1481 = arith.constant 2 : i32
      %add3A_1482 = arith.addi %add3A_1461, %add3A_1481 : i32
      %dma_start3A_1483 = arith.constant 0 : i32
      %dma_start3A_1484 = tpu.memref_slice %arg7[%add3A_1482, %dma_start3A_1483] : memref<32x128xi32, #tpu.memory_space<vmem>> -> memref<1x128xi32, #tpu.memory_space<vmem>>
      %dma_start3A_1485 = tpu.memref_squeeze %dma_start3A_1484 : memref<1x128xi32, #tpu.memory_space<vmem>> -> memref<128xi32, #tpu.memory_space<vmem>>
      %dma_start3A_1486 = arith.constant 0 : i32
      %dma_start3A_1487 = arith.constant 0 : i32
      %dma_start3A_1488 = tpu.memref_slice %arg14[%dma_start3A_1486, %dma_start3A_1487] : memref<10000x64xf32, #tpu.memory_space<vmem_shared>> -> memref<10000x64xf32, #tpu.memory_space<vmem_shared>>
      tpu.enqueue_indirect_dma source(%dma_start3A_1488 : memref<10000x64xf32, #tpu.memory_space<vmem_shared>>) target(%arg12 : memref<128x64xf32, #tpu.memory_space<vmem>>) offsets(%dma_start3A_1485 : memref<128xi32, #tpu.memory_space<vmem>>) semaphore(%arg18 : memref<!tpu.dma_semaphore, #tpu.memory_space<semaphore_mem>>)
      %add3A_1489 = arith.constant 1 : i32
      %add3A_1490 = arith.addi %add3A_1459, %add3A_1489 : i32
      %dma_wait3A_1491 = arith.constant 0 : i32
      %dma_wait3A_1492 = tpu.memref_slice %arg7[%add3A_1490, %dma_wait3A_1491] : memref<32x128xi32, #tpu.memory_space<vmem>> -> memref<1x128xi32, #tpu.memory_space<vmem>>
      %dma_wait3A_1493 = tpu.memref_squeeze %dma_wait3A_1492 : memref<1x128xi32, #tpu.memory_space<vmem>> -> memref<128xi32, #tpu.memory_space<vmem>>
      %dma_wait3A_1494 = arith.constant 0 : i32
      %dma_wait3A_1495 = arith.constant 0 : i32
      %dma_wait3A_1496 = tpu.memref_slice %arg14[%dma_wait3A_1494, %dma_wait3A_1495] : memref<10000x64xf32, #tpu.memory_space<vmem_shared>> -> memref<10000x64xf32, #tpu.memory_space<vmem_shared>>
      tpu.wait_indirect_dma semaphore(%arg17 : memref<!tpu.dma_semaphore, #tpu.memory_space<semaphore_mem>>) src(%dma_wait3A_1496 : memref<10000x64xf32, #tpu.memory_space<vmem_shared>>) dst(%arg11 : memref<128x64xf32, #tpu.memory_space<vmem>>)
      %dma_start3A_1497 = arith.constant 0 : i32
      %dma_start3A_1498 = tpu.memref_slice %arg9[%add3A_1490, %dma_start3A_1497] : memref<32x128xi32, #tpu.memory_space<vmem>> -> memref<1x128xi32, #tpu.memory_space<vmem>>
      %dma_start3A_1499 = tpu.memref_squeeze %dma_start3A_1498 : memref<1x128xi32, #tpu.memory_space<vmem>> -> memref<128xi32, #tpu.memory_space<vmem>>
      %dma_start3A_1500 = arith.constant 0 : i32
      %dma_start3A_1501 = arith.constant 0 : i32
      %dma_start3A_1502 = tpu.memref_slice %arg15[%dma_start3A_1500, %dma_start3A_1501] : memref<10240x64xf32, #tpu.memory_space<vmem_shared>> -> memref<10240x64xf32, #tpu.memory_space<vmem_shared>>
      tpu.enqueue_indirect_dma source(%arg11 : memref<128x64xf32, #tpu.memory_space<vmem>>) target(%dma_start3A_1502 : memref<10240x64xf32, #tpu.memory_space<vmem_shared>>) offsets(%dma_start3A_1499 : memref<128xi32, #tpu.memory_space<vmem>>) semaphore(%arg21 : memref<!tpu.dma_semaphore, #tpu.memory_space<semaphore_mem>>) {add = true}
      %sub3A_1503 = arith.constant 2 : i32
      %sub3A_1504 = arith.subi %add3A_1490, %sub3A_1503 : i32
      %dma_wait3A_1505 = arith.constant 0 : i32
      %dma_wait3A_1506 = tpu.memref_slice %arg9[%sub3A_1504, %dma_wait3A_1505] : memref<32x128xi32, #tpu.memory_space<vmem>> -> memref<1x128xi32, #tpu.memory_space<vmem>>
      %dma_wait3A_1507 = tpu.memref_squeeze %dma_wait3A_1506 : memref<1x128xi32, #tpu.memory_space<vmem>> -> memref<128xi32, #tpu.memory_space<vmem>>
      %dma_wait3A_1508 = arith.constant 0 : i32
      %dma_wait3A_1509 = arith.constant 0 : i32
      %dma_wait3A_1510 = tpu.memref_slice %arg15[%dma_wait3A_1508, %dma_wait3A_1509] : memref<10240x64xf32, #tpu.memory_space<vmem_shared>> -> memref<10240x64xf32, #tpu.memory_space<vmem_shared>>
      tpu.wait_indirect_dma semaphore(%arg23 : memref<!tpu.dma_semaphore, #tpu.memory_space<semaphore_mem>>) src(%arg13 : memref<128x64xf32, #tpu.memory_space<vmem>>) dst(%dma_wait3A_1510 : memref<10240x64xf32, #tpu.memory_space<vmem_shared>>)
      %add3A_1511 = arith.constant 2 : i32
      %add3A_1512 = arith.addi %add3A_1490, %add3A_1511 : i32
      %dma_start3A_1513 = arith.constant 0 : i32
      %dma_start3A_1514 = tpu.memref_slice %arg7[%add3A_1512, %dma_start3A_1513] : memref<32x128xi32, #tpu.memory_space<vmem>> -> memref<1x128xi32, #tpu.memory_space<vmem>>
      %dma_start3A_1515 = tpu.memref_squeeze %dma_start3A_1514 : memref<1x128xi32, #tpu.memory_space<vmem>> -> memref<128xi32, #tpu.memory_space<vmem>>
      %dma_start3A_1516 = arith.constant 0 : i32
      %dma_start3A_1517 = arith.constant 0 : i32
      %dma_start3A_1518 = tpu.memref_slice %arg14[%dma_start3A_1516, %dma_start3A_1517] : memref<10000x64xf32, #tpu.memory_space<vmem_shared>> -> memref<10000x64xf32, #tpu.memory_space<vmem_shared>>
      tpu.enqueue_indirect_dma source(%dma_start3A_1518 : memref<10000x64xf32, #tpu.memory_space<vmem_shared>>) target(%arg13 : memref<128x64xf32, #tpu.memory_space<vmem>>) offsets(%dma_start3A_1515 : memref<128xi32, #tpu.memory_space<vmem>>) semaphore(%arg19 : memref<!tpu.dma_semaphore, #tpu.memory_space<semaphore_mem>>)
      %add3A_1519 = arith.constant 2 : i32
      %add3A_1520 = arith.addi %add3A_1459, %add3A_1519 : i32
      %dma_wait3A_1521 = arith.constant 0 : i32
      %dma_wait3A_1522 = tpu.memref_slice %arg7[%add3A_1520, %dma_wait3A_1521] : memref<32x128xi32, #tpu.memory_space<vmem>> -> memref<1x128xi32, #tpu.memory_space<vmem>>
      %dma_wait3A_1523 = tpu.memref_squeeze %dma_wait3A_1522 : memref<1x128xi32, #tpu.memory_space<vmem>> -> memref<128xi32, #tpu.memory_space<vmem>>
      %dma_wait3A_1524 = arith.constant 0 : i32
      %dma_wait3A_1525 = arith.constant 0 : i32
      %dma_wait3A_1526 = tpu.memref_slice %arg14[%dma_wait3A_1524, %dma_wait3A_1525] : memref<10000x64xf32, #tpu.memory_space<vmem_shared>> -> memref<10000x64xf32, #tpu.memory_space<vmem_shared>>
      tpu.wait_indirect_dma semaphore(%arg18 : memref<!tpu.dma_semaphore, #tpu.memory_space<semaphore_mem>>) src(%dma_wait3A_1526 : memref<10000x64xf32, #tpu.memory_space<vmem_shared>>) dst(%arg12 : memref<128x64xf32, #tpu.memory_space<vmem>>)
      %dma_start3A_1527 = arith.constant 0 : i32
      %dma_start3A_1528 = tpu.memref_slice %arg9[%add3A_1520, %dma_start3A_1527] : memref<32x128xi32, #tpu.memory_space<vmem>> -> memref<1x128xi32, #tpu.memory_space<vmem>>
      %dma_start3A_1529 = tpu.memref_squeeze %dma_start3A_1528 : memref<1x128xi32, #tpu.memory_space<vmem>> -> memref<128xi32, #tpu.memory_space<vmem>>
      %dma_start3A_1530 = arith.constant 0 : i32
      %dma_start3A_1531 = arith.constant 0 : i32
      %dma_start3A_1532 = tpu.memref_slice %arg15[%dma_start3A_1530, %dma_start3A_1531] : memref<10240x64xf32, #tpu.memory_space<vmem_shared>> -> memref<10240x64xf32, #tpu.memory_space<vmem_shared>>
      tpu.enqueue_indirect_dma source(%arg12 : memref<128x64xf32, #tpu.memory_space<vmem>>) target(%dma_start3A_1532 : memref<10240x64xf32, #tpu.memory_space<vmem_shared>>) offsets(%dma_start3A_1529 : memref<128xi32, #tpu.memory_space<vmem>>) semaphore(%arg22 : memref<!tpu.dma_semaphore, #tpu.memory_space<semaphore_mem>>) {add = true}
      %sub3A_1533 = arith.constant 2 : i32
      %sub3A_1534 = arith.subi %add3A_1520, %sub3A_1533 : i32
      %dma_wait3A_1535 = arith.constant 0 : i32
      %dma_wait3A_1536 = tpu.memref_slice %arg9[%sub3A_1534, %dma_wait3A_1535] : memref<32x128xi32, #tpu.memory_space<vmem>> -> memref<1x128xi32, #tpu.memory_space<vmem>>
      %dma_wait3A_1537 = tpu.memref_squeeze %dma_wait3A_1536 : memref<1x128xi32, #tpu.memory_space<vmem>> -> memref<128xi32, #tpu.memory_space<vmem>>
      %dma_wait3A_1538 = arith.constant 0 : i32
      %dma_wait3A_1539 = arith.constant 0 : i32
      %dma_wait3A_1540 = tpu.memref_slice %arg15[%dma_wait3A_1538, %dma_wait3A_1539] : memref<10240x64xf32, #tpu.memory_space<vmem_shared>> -> memref<10240x64xf32, #tpu.memory_space<vmem_shared>>
      tpu.wait_indirect_dma semaphore(%arg20 : memref<!tpu.dma_semaphore, #tpu.memory_space<semaphore_mem>>) src(%arg10 : memref<128x64xf32, #tpu.memory_space<vmem>>) dst(%dma_wait3A_1540 : memref<10240x64xf32, #tpu.memory_space<vmem_shared>>)
      %add3A_1541 = arith.constant 2 : i32
      %add3A_1542 = arith.addi %add3A_1520, %add3A_1541 : i32
      %dma_start3A_1543 = arith.constant 0 : i32
      %dma_start3A_1544 = tpu.memref_slice %arg7[%add3A_1542, %dma_start3A_1543] : memref<32x128xi32, #tpu.memory_space<vmem>> -> memref<1x128xi32, #tpu.memory_space<vmem>>
      %dma_start3A_1545 = tpu.memref_squeeze %dma_start3A_1544 : memref<1x128xi32, #tpu.memory_space<vmem>> -> memref<128xi32, #tpu.memory_space<vmem>>
      %dma_start3A_1546 = arith.constant 0 : i32
      %dma_start3A_1547 = arith.constant 0 : i32
      %dma_start3A_1548 = tpu.memref_slice %arg14[%dma_start3A_1546, %dma_start3A_1547] : memref<10000x64xf32, #tpu.memory_space<vmem_shared>> -> memref<10000x64xf32, #tpu.memory_space<vmem_shared>>
      tpu.enqueue_indirect_dma source(%dma_start3A_1548 : memref<10000x64xf32, #tpu.memory_space<vmem_shared>>) target(%arg10 : memref<128x64xf32, #tpu.memory_space<vmem>>) offsets(%dma_start3A_1545 : memref<128xi32, #tpu.memory_space<vmem>>) semaphore(%arg16 : memref<!tpu.dma_semaphore, #tpu.memory_space<semaphore_mem>>)
      %add3A_1549 = arith.constant 3 : i32
      %add3A_1550 = arith.addi %add3A_1459, %add3A_1549 : i32
      %dma_wait3A_1551 = arith.constant 0 : i32
      %dma_wait3A_1552 = tpu.memref_slice %arg7[%add3A_1550, %dma_wait3A_1551] : memref<32x128xi32, #tpu.memory_space<vmem>> -> memref<1x128xi32, #tpu.memory_space<vmem>>
      %dma_wait3A_1553 = tpu.memref_squeeze %dma_wait3A_1552 : memref<1x128xi32, #tpu.memory_space<vmem>> -> memref<128xi32, #tpu.memory_space<vmem>>
      %dma_wait3A_1554 = arith.constant 0 : i32
      %dma_wait3A_1555 = arith.constant 0 : i32
      %dma_wait3A_1556 = tpu.memref_slice %arg14[%dma_wait3A_1554, %dma_wait3A_1555] : memref<10000x64xf32, #tpu.memory_space<vmem_shared>> -> memref<10000x64xf32, #tpu.memory_space<vmem_shared>>
      tpu.wait_indirect_dma semaphore(%arg19 : memref<!tpu.dma_semaphore, #tpu.memory_space<semaphore_mem>>) src(%dma_wait3A_1556 : memref<10000x64xf32, #tpu.memory_space<vmem_shared>>) dst(%arg13 : memref<128x64xf32, #tpu.memory_space<vmem>>)
      %dma_start3A_1557 = arith.constant 0 : i32
      %dma_start3A_1558 = tpu.memref_slice %arg9[%add3A_1550, %dma_start3A_1557] : memref<32x128xi32, #tpu.memory_space<vmem>> -> memref<1x128xi32, #tpu.memory_space<vmem>>
      %dma_start3A_1559 = tpu.memref_squeeze %dma_start3A_1558 : memref<1x128xi32, #tpu.memory_space<vmem>> -> memref<128xi32, #tpu.memory_space<vmem>>
      %dma_start3A_1560 = arith.constant 0 : i32
      %dma_start3A_1561 = arith.constant 0 : i32
      %dma_start3A_1562 = tpu.memref_slice %arg15[%dma_start3A_1560, %dma_start3A_1561] : memref<10240x64xf32, #tpu.memory_space<vmem_shared>> -> memref<10240x64xf32, #tpu.memory_space<vmem_shared>>
      tpu.enqueue_indirect_dma source(%arg13 : memref<128x64xf32, #tpu.memory_space<vmem>>) target(%dma_start3A_1562 : memref<10240x64xf32, #tpu.memory_space<vmem_shared>>) offsets(%dma_start3A_1559 : memref<128xi32, #tpu.memory_space<vmem>>) semaphore(%arg23 : memref<!tpu.dma_semaphore, #tpu.memory_space<semaphore_mem>>) {add = true}
      %sub3A_1563 = arith.constant 2 : i32
      %sub3A_1564 = arith.subi %add3A_1550, %sub3A_1563 : i32
      %dma_wait3A_1565 = arith.constant 0 : i32
      %dma_wait3A_1566 = tpu.memref_slice %arg9[%sub3A_1564, %dma_wait3A_1565] : memref<32x128xi32, #tpu.memory_space<vmem>> -> memref<1x128xi32, #tpu.memory_space<vmem>>
      %dma_wait3A_1567 = tpu.memref_squeeze %dma_wait3A_1566 : memref<1x128xi32, #tpu.memory_space<vmem>> -> memref<128xi32, #tpu.memory_space<vmem>>
      %dma_wait3A_1568 = arith.constant 0 : i32
      %dma_wait3A_1569 = arith.constant 0 : i32
      %dma_wait3A_1570 = tpu.memref_slice %arg15[%dma_wait3A_1568, %dma_wait3A_1569] : memref<10240x64xf32, #tpu.memory_space<vmem_shared>> -> memref<10240x64xf32, #tpu.memory_space<vmem_shared>>
      tpu.wait_indirect_dma semaphore(%arg21 : memref<!tpu.dma_semaphore, #tpu.memory_space<semaphore_mem>>) src(%arg11 : memref<128x64xf32, #tpu.memory_space<vmem>>) dst(%dma_wait3A_1570 : memref<10240x64xf32, #tpu.memory_space<vmem_shared>>)
      %add3A_1571 = arith.constant 2 : i32
      %add3A_1572 = arith.addi %add3A_1550, %add3A_1571 : i32
      %dma_start3A_1573 = arith.constant 0 : i32
      %dma_start3A_1574 = tpu.memref_slice %arg7[%add3A_1572, %dma_start3A_1573] : memref<32x128xi32, #tpu.memory_space<vmem>> -> memref<1x128xi32, #tpu.memory_space<vmem>>
      %dma_start3A_1575 = tpu.memref_squeeze %dma_start3A_1574 : memref<1x128xi32, #tpu.memory_space<vmem>> -> memref<128xi32, #tpu.memory_space<vmem>>
      %dma_start3A_1576 = arith.constant 0 : i32
      %dma_start3A_1577 = arith.constant 0 : i32
      %dma_start3A_1578 = tpu.memref_slice %arg14[%dma_start3A_1576, %dma_start3A_1577] : memref<10000x64xf32, #tpu.memory_space<vmem_shared>> -> memref<10000x64xf32, #tpu.memory_space<vmem_shared>>
      tpu.enqueue_indirect_dma source(%dma_start3A_1578 : memref<10000x64xf32, #tpu.memory_space<vmem_shared>>) target(%arg11 : memref<128x64xf32, #tpu.memory_space<vmem>>) offsets(%dma_start3A_1575 : memref<128xi32, #tpu.memory_space<vmem>>) semaphore(%arg17 : memref<!tpu.dma_semaphore, #tpu.memory_space<semaphore_mem>>)
    }
    %scan3A_508 = arith.constant 6 : i32
    %dma_wait3A_509 = arith.constant 28 : i32
    %dma_wait3A_510 = arith.constant 0 : i32
    %dma_wait3A_511 = tpu.memref_slice %arg7[%dma_wait3A_509, %dma_wait3A_510] : memref<32x128xi32, #tpu.memory_space<vmem>> -> memref<1x128xi32, #tpu.memory_space<vmem>>
    %dma_wait3A_512 = tpu.memref_squeeze %dma_wait3A_511 : memref<1x128xi32, #tpu.memory_space<vmem>> -> memref<128xi32, #tpu.memory_space<vmem>>
    %dma_wait3A_513 = arith.constant 0 : i32
    %dma_wait3A_514 = arith.constant 0 : i32
    %dma_wait3A_515 = tpu.memref_slice %arg14[%dma_wait3A_513, %dma_wait3A_514] : memref<10000x64xf32, #tpu.memory_space<vmem_shared>> -> memref<10000x64xf32, #tpu.memory_space<vmem_shared>>
    tpu.wait_indirect_dma semaphore(%arg16 : memref<!tpu.dma_semaphore, #tpu.memory_space<semaphore_mem>>) src(%dma_wait3A_515 : memref<10000x64xf32, #tpu.memory_space<vmem_shared>>) dst(%arg10 : memref<128x64xf32, #tpu.memory_space<vmem>>)
    %dma_start3A_516 = arith.constant 28 : i32
    %dma_start3A_517 = arith.constant 0 : i32
    %dma_start3A_518 = tpu.memref_slice %arg9[%dma_start3A_516, %dma_start3A_517] : memref<32x128xi32, #tpu.memory_space<vmem>> -> memref<1x128xi32, #tpu.memory_space<vmem>>
    %dma_start3A_519 = tpu.memref_squeeze %dma_start3A_518 : memref<1x128xi32, #tpu.memory_space<vmem>> -> memref<128xi32, #tpu.memory_space<vmem>>
    %dma_start3A_520 = arith.constant 0 : i32
    %dma_start3A_521 = arith.constant 0 : i32
    %dma_start3A_522 = tpu.memref_slice %arg15[%dma_start3A_520, %dma_start3A_521] : memref<10240x64xf32, #tpu.memory_space<vmem_shared>> -> memref<10240x64xf32, #tpu.memory_space<vmem_shared>>
    tpu.enqueue_indirect_dma source(%arg10 : memref<128x64xf32, #tpu.memory_space<vmem>>) target(%dma_start3A_522 : memref<10240x64xf32, #tpu.memory_space<vmem_shared>>) offsets(%dma_start3A_519 : memref<128xi32, #tpu.memory_space<vmem>>) semaphore(%arg20 : memref<!tpu.dma_semaphore, #tpu.memory_space<semaphore_mem>>) {add = true}
    %dma_wait3A_523 = arith.constant 26 : i32
    %dma_wait3A_524 = arith.constant 0 : i32
    %dma_wait3A_525 = tpu.memref_slice %arg9[%dma_wait3A_523, %dma_wait3A_524] : memref<32x128xi32, #tpu.memory_space<vmem>> -> memref<1x128xi32, #tpu.memory_space<vmem>>
    %dma_wait3A_526 = tpu.memref_squeeze %dma_wait3A_525 : memref<1x128xi32, #tpu.memory_space<vmem>> -> memref<128xi32, #tpu.memory_space<vmem>>
    %dma_wait3A_527 = arith.constant 0 : i32
    %dma_wait3A_528 = arith.constant 0 : i32
    %dma_wait3A_529 = tpu.memref_slice %arg15[%dma_wait3A_527, %dma_wait3A_528] : memref<10240x64xf32, #tpu.memory_space<vmem_shared>> -> memref<10240x64xf32, #tpu.memory_space<vmem_shared>>
    tpu.wait_indirect_dma semaphore(%arg22 : memref<!tpu.dma_semaphore, #tpu.memory_space<semaphore_mem>>) src(%arg12 : memref<128x64xf32, #tpu.memory_space<vmem>>) dst(%dma_wait3A_529 : memref<10240x64xf32, #tpu.memory_space<vmem_shared>>)
    %dma_start3A_530 = arith.constant 30 : i32
    %dma_start3A_531 = arith.constant 0 : i32
    %dma_start3A_532 = tpu.memref_slice %arg7[%dma_start3A_530, %dma_start3A_531] : memref<32x128xi32, #tpu.memory_space<vmem>> -> memref<1x128xi32, #tpu.memory_space<vmem>>
    %dma_start3A_533 = tpu.memref_squeeze %dma_start3A_532 : memref<1x128xi32, #tpu.memory_space<vmem>> -> memref<128xi32, #tpu.memory_space<vmem>>
    %dma_start3A_534 = arith.constant 0 : i32
    %dma_start3A_535 = arith.constant 0 : i32
    %dma_start3A_536 = tpu.memref_slice %arg14[%dma_start3A_534, %dma_start3A_535] : memref<10000x64xf32, #tpu.memory_space<vmem_shared>> -> memref<10000x64xf32, #tpu.memory_space<vmem_shared>>
    tpu.enqueue_indirect_dma source(%dma_start3A_536 : memref<10000x64xf32, #tpu.memory_space<vmem_shared>>) target(%arg12 : memref<128x64xf32, #tpu.memory_space<vmem>>) offsets(%dma_start3A_533 : memref<128xi32, #tpu.memory_space<vmem>>) semaphore(%arg18 : memref<!tpu.dma_semaphore, #tpu.memory_space<semaphore_mem>>)
    %dma_wait3A_537 = arith.constant 29 : i32
    %dma_wait3A_538 = arith.constant 0 : i32
    %dma_wait3A_539 = tpu.memref_slice %arg7[%dma_wait3A_537, %dma_wait3A_538] : memref<32x128xi32, #tpu.memory_space<vmem>> -> memref<1x128xi32, #tpu.memory_space<vmem>>
    %dma_wait3A_540 = tpu.memref_squeeze %dma_wait3A_539 : memref<1x128xi32, #tpu.memory_space<vmem>> -> memref<128xi32, #tpu.memory_space<vmem>>
    %dma_wait3A_541 = arith.constant 0 : i32
    %dma_wait3A_542 = arith.constant 0 : i32
    %dma_wait3A_543 = tpu.memref_slice %arg14[%dma_wait3A_541, %dma_wait3A_542] : memref<10000x64xf32, #tpu.memory_space<vmem_shared>> -> memref<10000x64xf32, #tpu.memory_space<vmem_shared>>
    tpu.wait_indirect_dma semaphore(%arg17 : memref<!tpu.dma_semaphore, #tpu.memory_space<semaphore_mem>>) src(%dma_wait3A_543 : memref<10000x64xf32, #tpu.memory_space<vmem_shared>>) dst(%arg11 : memref<128x64xf32, #tpu.memory_space<vmem>>)
    %dma_start3A_544 = arith.constant 29 : i32
    %dma_start3A_545 = arith.constant 0 : i32
    %dma_start3A_546 = tpu.memref_slice %arg9[%dma_start3A_544, %dma_start3A_545] : memref<32x128xi32, #tpu.memory_space<vmem>> -> memref<1x128xi32, #tpu.memory_space<vmem>>
    %dma_start3A_547 = tpu.memref_squeeze %dma_start3A_546 : memref<1x128xi32, #tpu.memory_space<vmem>> -> memref<128xi32, #tpu.memory_space<vmem>>
    %dma_start3A_548 = arith.constant 0 : i32
    %dma_start3A_549 = arith.constant 0 : i32
    %dma_start3A_550 = tpu.memref_slice %arg15[%dma_start3A_548, %dma_start3A_549] : memref<10240x64xf32, #tpu.memory_space<vmem_shared>> -> memref<10240x64xf32, #tpu.memory_space<vmem_shared>>
    tpu.enqueue_indirect_dma source(%arg11 : memref<128x64xf32, #tpu.memory_space<vmem>>) target(%dma_start3A_550 : memref<10240x64xf32, #tpu.memory_space<vmem_shared>>) offsets(%dma_start3A_547 : memref<128xi32, #tpu.memory_space<vmem>>) semaphore(%arg21 : memref<!tpu.dma_semaphore, #tpu.memory_space<semaphore_mem>>) {add = true}
    %dma_wait3A_551 = arith.constant 27 : i32
    %dma_wait3A_552 = arith.constant 0 : i32
    %dma_wait3A_553 = tpu.memref_slice %arg9[%dma_wait3A_551, %dma_wait3A_552] : memref<32x128xi32, #tpu.memory_space<vmem>> -> memref<1x128xi32, #tpu.memory_space<vmem>>
    %dma_wait3A_554 = tpu.memref_squeeze %dma_wait3A_553 : memref<1x128xi32, #tpu.memory_space<vmem>> -> memref<128xi32, #tpu.memory_space<vmem>>
    %dma_wait3A_555 = arith.constant 0 : i32
    %dma_wait3A_556 = arith.constant 0 : i32
    %dma_wait3A_557 = tpu.memref_slice %arg15[%dma_wait3A_555, %dma_wait3A_556] : memref<10240x64xf32, #tpu.memory_space<vmem_shared>> -> memref<10240x64xf32, #tpu.memory_space<vmem_shared>>
    tpu.wait_indirect_dma semaphore(%arg23 : memref<!tpu.dma_semaphore, #tpu.memory_space<semaphore_mem>>) src(%arg13 : memref<128x64xf32, #tpu.memory_space<vmem>>) dst(%dma_wait3A_557 : memref<10240x64xf32, #tpu.memory_space<vmem_shared>>)
    %dma_start3A_558 = arith.constant 31 : i32
    %dma_start3A_559 = arith.constant 0 : i32
    %dma_start3A_560 = tpu.memref_slice %arg7[%dma_start3A_558, %dma_start3A_559] : memref<32x128xi32, #tpu.memory_space<vmem>> -> memref<1x128xi32, #tpu.memory_space<vmem>>
    %dma_start3A_561 = tpu.memref_squeeze %dma_start3A_560 : memref<1x128xi32, #tpu.memory_space<vmem>> -> memref<128xi32, #tpu.memory_space<vmem>>
    %dma_start3A_562 = arith.constant 0 : i32
    %dma_start3A_563 = arith.constant 0 : i32
    %dma_start3A_564 = tpu.memref_slice %arg14[%dma_start3A_562, %dma_start3A_563] : memref<10000x64xf32, #tpu.memory_space<vmem_shared>> -> memref<10000x64xf32, #tpu.memory_space<vmem_shared>>
    tpu.enqueue_indirect_dma source(%dma_start3A_564 : memref<10000x64xf32, #tpu.memory_space<vmem_shared>>) target(%arg13 : memref<128x64xf32, #tpu.memory_space<vmem>>) offsets(%dma_start3A_561 : memref<128xi32, #tpu.memory_space<vmem>>) semaphore(%arg19 : memref<!tpu.dma_semaphore, #tpu.memory_space<semaphore_mem>>)
    %dma_wait3A_565 = arith.constant 30 : i32
    %dma_wait3A_566 = arith.constant 0 : i32
    %dma_wait3A_567 = tpu.memref_slice %arg7[%dma_wait3A_565, %dma_wait3A_566] : memref<32x128xi32, #tpu.memory_space<vmem>> -> memref<1x128xi32, #tpu.memory_space<vmem>>
    %dma_wait3A_568 = tpu.memref_squeeze %dma_wait3A_567 : memref<1x128xi32, #tpu.memory_space<vmem>> -> memref<128xi32, #tpu.memory_space<vmem>>
    %dma_wait3A_569 = arith.constant 0 : i32
    %dma_wait3A_570 = arith.constant 0 : i32
    %dma_wait3A_571 = tpu.memref_slice %arg14[%dma_wait3A_569, %dma_wait3A_570] : memref<10000x64xf32, #tpu.memory_space<vmem_shared>> -> memref<10000x64xf32, #tpu.memory_space<vmem_shared>>
    tpu.wait_indirect_dma semaphore(%arg18 : memref<!tpu.dma_semaphore, #tpu.memory_space<semaphore_mem>>) src(%dma_wait3A_571 : memref<10000x64xf32, #tpu.memory_space<vmem_shared>>) dst(%arg12 : memref<128x64xf32, #tpu.memory_space<vmem>>)
    %dma_start3A_572 = arith.constant 30 : i32
    %dma_start3A_573 = arith.constant 0 : i32
    %dma_start3A_574 = tpu.memref_slice %arg9[%dma_start3A_572, %dma_start3A_573] : memref<32x128xi32, #tpu.memory_space<vmem>> -> memref<1x128xi32, #tpu.memory_space<vmem>>
    %dma_start3A_575 = tpu.memref_squeeze %dma_start3A_574 : memref<1x128xi32, #tpu.memory_space<vmem>> -> memref<128xi32, #tpu.memory_space<vmem>>
    %dma_start3A_576 = arith.constant 0 : i32
    %dma_start3A_577 = arith.constant 0 : i32
    %dma_start3A_578 = tpu.memref_slice %arg15[%dma_start3A_576, %dma_start3A_577] : memref<10240x64xf32, #tpu.memory_space<vmem_shared>> -> memref<10240x64xf32, #tpu.memory_space<vmem_shared>>
    tpu.enqueue_indirect_dma source(%arg12 : memref<128x64xf32, #tpu.memory_space<vmem>>) target(%dma_start3A_578 : memref<10240x64xf32, #tpu.memory_space<vmem_shared>>) offsets(%dma_start3A_575 : memref<128xi32, #tpu.memory_space<vmem>>) semaphore(%arg22 : memref<!tpu.dma_semaphore, #tpu.memory_space<semaphore_mem>>) {add = true}
    %dma_wait3A_579 = arith.constant 28 : i32
    %dma_wait3A_580 = arith.constant 0 : i32
    %dma_wait3A_581 = tpu.memref_slice %arg9[%dma_wait3A_579, %dma_wait3A_580] : memref<32x128xi32, #tpu.memory_space<vmem>> -> memref<1x128xi32, #tpu.memory_space<vmem>>
    %dma_wait3A_582 = tpu.memref_squeeze %dma_wait3A_581 : memref<1x128xi32, #tpu.memory_space<vmem>> -> memref<128xi32, #tpu.memory_space<vmem>>
    %dma_wait3A_583 = arith.constant 0 : i32
    %dma_wait3A_584 = arith.constant 0 : i32
    %dma_wait3A_585 = tpu.memref_slice %arg15[%dma_wait3A_583, %dma_wait3A_584] : memref<10240x64xf32, #tpu.memory_space<vmem_shared>> -> memref<10240x64xf32, #tpu.memory_space<vmem_shared>>
    tpu.wait_indirect_dma semaphore(%arg20 : memref<!tpu.dma_semaphore, #tpu.memory_space<semaphore_mem>>) src(%arg10 : memref<128x64xf32, #tpu.memory_space<vmem>>) dst(%dma_wait3A_585 : memref<10240x64xf32, #tpu.memory_space<vmem_shared>>)
    %dma_wait3A_586 = arith.constant 31 : i32
    %dma_wait3A_587 = arith.constant 0 : i32
    %dma_wait3A_588 = tpu.memref_slice %arg7[%dma_wait3A_586, %dma_wait3A_587] : memref<32x128xi32, #tpu.memory_space<vmem>> -> memref<1x128xi32, #tpu.memory_space<vmem>>
    %dma_wait3A_589 = tpu.memref_squeeze %dma_wait3A_588 : memref<1x128xi32, #tpu.memory_space<vmem>> -> memref<128xi32, #tpu.memory_space<vmem>>
    %dma_wait3A_590 = arith.constant 0 : i32
    %dma_wait3A_591 = arith.constant 0 : i32
    %dma_wait3A_592 = tpu.memref_slice %arg14[%dma_wait3A_590, %dma_wait3A_591] : memref<10000x64xf32, #tpu.memory_space<vmem_shared>> -> memref<10000x64xf32, #tpu.memory_space<vmem_shared>>
    tpu.wait_indirect_dma semaphore(%arg19 : memref<!tpu.dma_semaphore, #tpu.memory_space<semaphore_mem>>) src(%dma_wait3A_592 : memref<10000x64xf32, #tpu.memory_space<vmem_shared>>) dst(%arg13 : memref<128x64xf32, #tpu.memory_space<vmem>>)
    %dma_start3A_593 = arith.constant 31 : i32
    %dma_start3A_594 = arith.constant 0 : i32
    %dma_start3A_595 = tpu.memref_slice %arg9[%dma_start3A_593, %dma_start3A_594] : memref<32x128xi32, #tpu.memory_space<vmem>> -> memref<1x128xi32, #tpu.memory_space<vmem>>
    %dma_start3A_596 = tpu.memref_squeeze %dma_start3A_595 : memref<1x128xi32, #tpu.memory_space<vmem>> -> memref<128xi32, #tpu.memory_space<vmem>>
    %dma_start3A_597 = arith.constant 0 : i32
    %dma_start3A_598 = arith.constant 0 : i32
    %dma_start3A_599 = tpu.memref_slice %arg15[%dma_start3A_597, %dma_start3A_598] : memref<10240x64xf32, #tpu.memory_space<vmem_shared>> -> memref<10240x64xf32, #tpu.memory_space<vmem_shared>>
    tpu.enqueue_indirect_dma source(%arg13 : memref<128x64xf32, #tpu.memory_space<vmem>>) target(%dma_start3A_599 : memref<10240x64xf32, #tpu.memory_space<vmem_shared>>) offsets(%dma_start3A_596 : memref<128xi32, #tpu.memory_space<vmem>>) semaphore(%arg23 : memref<!tpu.dma_semaphore, #tpu.memory_space<semaphore_mem>>) {add = true}
    %dma_wait3A_600 = arith.constant 29 : i32
    %dma_wait3A_601 = arith.constant 0 : i32
    %dma_wait3A_602 = tpu.memref_slice %arg9[%dma_wait3A_600, %dma_wait3A_601] : memref<32x128xi32, #tpu.memory_space<vmem>> -> memref<1x128xi32, #tpu.memory_space<vmem>>
    %dma_wait3A_603 = tpu.memref_squeeze %dma_wait3A_602 : memref<1x128xi32, #tpu.memory_space<vmem>> -> memref<128xi32, #tpu.memory_space<vmem>>
    %dma_wait3A_604 = arith.constant 0 : i32
    %dma_wait3A_605 = arith.constant 0 : i32
    %dma_wait3A_606 = tpu.memref_slice %arg15[%dma_wait3A_604, %dma_wait3A_605] : memref<10240x64xf32, #tpu.memory_space<vmem_shared>> -> memref<10240x64xf32, #tpu.memory_space<vmem_shared>>
    tpu.wait_indirect_dma semaphore(%arg21 : memref<!tpu.dma_semaphore, #tpu.memory_space<semaphore_mem>>) src(%arg11 : memref<128x64xf32, #tpu.memory_space<vmem>>) dst(%dma_wait3A_606 : memref<10240x64xf32, #tpu.memory_space<vmem_shared>>)
    %dma_wait3A_607 = arith.constant 30 : i32
    %dma_wait3A_608 = arith.constant 0 : i32
    %dma_wait3A_609 = tpu.memref_slice %arg9[%dma_wait3A_607, %dma_wait3A_608] : memref<32x128xi32, #tpu.memory_space<vmem>> -> memref<1x128xi32, #tpu.memory_space<vmem>>
    %dma_wait3A_610 = tpu.memref_squeeze %dma_wait3A_609 : memref<1x128xi32, #tpu.memory_space<vmem>> -> memref<128xi32, #tpu.memory_space<vmem>>
    %dma_wait3A_611 = arith.constant 0 : i32
    %dma_wait3A_612 = arith.constant 0 : i32
    %dma_wait3A_613 = tpu.memref_slice %arg15[%dma_wait3A_611, %dma_wait3A_612] : memref<10240x64xf32, #tpu.memory_space<vmem_shared>> -> memref<10240x64xf32, #tpu.memory_space<vmem_shared>>
    tpu.wait_indirect_dma semaphore(%arg22 : memref<!tpu.dma_semaphore, #tpu.memory_space<semaphore_mem>>) src(%arg12 : memref<128x64xf32, #tpu.memory_space<vmem>>) dst(%dma_wait3A_613 : memref<10240x64xf32, #tpu.memory_space<vmem_shared>>)
    %dma_wait3A_614 = arith.constant 31 : i32
    %dma_wait3A_615 = arith.constant 0 : i32
    %dma_wait3A_616 = tpu.memref_slice %arg9[%dma_wait3A_614, %dma_wait3A_615] : memref<32x128xi32, #tpu.memory_space<vmem>> -> memref<1x128xi32, #tpu.memory_space<vmem>>
    %dma_wait3A_617 = tpu.memref_squeeze %dma_wait3A_616 : memref<1x128xi32, #tpu.memory_space<vmem>> -> memref<128xi32, #tpu.memory_space<vmem>>
    %dma_wait3A_618 = arith.constant 0 : i32
    %dma_wait3A_619 = arith.constant 0 : i32
    %dma_wait3A_620 = tpu.memref_slice %arg15[%dma_wait3A_618, %dma_wait3A_619] : memref<10240x64xf32, #tpu.memory_space<vmem_shared>> -> memref<10240x64xf32, #tpu.memory_space<vmem_shared>>
    tpu.wait_indirect_dma semaphore(%arg23 : memref<!tpu.dma_semaphore, #tpu.memory_space<semaphore_mem>>) src(%arg13 : memref<128x64xf32, #tpu.memory_space<vmem>>) dst(%dma_wait3A_620 : memref<10240x64xf32, #tpu.memory_space<vmem_shared>>)
    %dma_wait3A_621 = arith.constant 0 : i32
    %dma_wait3A_622 = arith.constant 0 : i32
    %dma_wait3A_623 = tpu.memref_slice %arg3[%arg1, %dma_wait3A_621, %dma_wait3A_622] : memref<16x160x128xi32, #tpu.memory_space<hbm>> -> memref<1x160x128xi32, #tpu.memory_space<hbm>>
    %dma_wait3A_624 = tpu.memref_squeeze %dma_wait3A_623 : memref<1x160x128xi32, #tpu.memory_space<hbm>> -> memref<160x128xi32, #tpu.memory_space<hbm>>
    %dma_wait3A_625 = arith.constant 64 : i32
    %dma_wait3A_626 = arith.constant 0 : i32
    %dma_wait3A_627 = tpu.memref_slice %dma_wait3A_624[%dma_wait3A_625, %dma_wait3A_626] : memref<160x128xi32, #tpu.memory_space<hbm>> -> memref<32x128xi32, #tpu.memory_space<hbm>>
    %dma_wait3A_628 = arith.constant 0 : i32
    %dma_wait3A_629 = arith.constant 0 : i32
    %dma_wait3A_630 = tpu.memref_slice %arg3[%arg1, %dma_wait3A_628, %dma_wait3A_629] : memref<16x160x128xi32, #tpu.memory_space<hbm>> -> memref<1x160x128xi32, #tpu.memory_space<hbm>>
    %dma_wait3A_631 = tpu.memref_squeeze %dma_wait3A_630 : memref<1x160x128xi32, #tpu.memory_space<hbm>> -> memref<160x128xi32, #tpu.memory_space<hbm>>
    %dma_wait3A_632 = arith.constant 64 : i32
    %dma_wait3A_633 = arith.constant 0 : i32
    %dma_wait3A_634 = tpu.memref_slice %dma_wait3A_631[%dma_wait3A_632, %dma_wait3A_633] : memref<160x128xi32, #tpu.memory_space<hbm>> -> memref<32x128xi32, #tpu.memory_space<hbm>>
    tpu.wait_dma2 semaphore(%arg24 : memref<!tpu.dma_semaphore, #tpu.memory_space<semaphore_mem>>) src(%dma_wait3A_634 : memref<32x128xi32, #tpu.memory_space<hbm>>) dst(%arg6 : memref<32x128xi32, #tpu.memory_space<vmem>>)
    %dma_wait3A_635 = arith.constant 0 : i32
    %dma_wait3A_636 = arith.constant 0 : i32
    %dma_wait3A_637 = tpu.memref_slice %arg4[%arg1, %dma_wait3A_635, %dma_wait3A_636] : memref<16x160x128xi32, #tpu.memory_space<hbm>> -> memref<1x160x128xi32, #tpu.memory_space<hbm>>
    %dma_wait3A_638 = tpu.memref_squeeze %dma_wait3A_637 : memref<1x160x128xi32, #tpu.memory_space<hbm>> -> memref<160x128xi32, #tpu.memory_space<hbm>>
    %dma_wait3A_639 = arith.constant 64 : i32
    %dma_wait3A_640 = arith.constant 0 : i32
    %dma_wait3A_641 = tpu.memref_slice %dma_wait3A_638[%dma_wait3A_639, %dma_wait3A_640] : memref<160x128xi32, #tpu.memory_space<hbm>> -> memref<32x128xi32, #tpu.memory_space<hbm>>
    %dma_wait3A_642 = arith.constant 0 : i32
    %dma_wait3A_643 = arith.constant 0 : i32
    %dma_wait3A_644 = tpu.memref_slice %arg4[%arg1, %dma_wait3A_642, %dma_wait3A_643] : memref<16x160x128xi32, #tpu.memory_space<hbm>> -> memref<1x160x128xi32, #tpu.memory_space<hbm>>
    %dma_wait3A_645 = tpu.memref_squeeze %dma_wait3A_644 : memref<1x160x128xi32, #tpu.memory_space<hbm>> -> memref<160x128xi32, #tpu.memory_space<hbm>>
    %dma_wait3A_646 = arith.constant 64 : i32
    %dma_wait3A_647 = arith.constant 0 : i32
    %dma_wait3A_648 = tpu.memref_slice %dma_wait3A_645[%dma_wait3A_646, %dma_wait3A_647] : memref<160x128xi32, #tpu.memory_space<hbm>> -> memref<32x128xi32, #tpu.memory_space<hbm>>
    tpu.wait_dma2 semaphore(%arg24 : memref<!tpu.dma_semaphore, #tpu.memory_space<semaphore_mem>>) src(%dma_wait3A_648 : memref<32x128xi32, #tpu.memory_space<hbm>>) dst(%arg8 : memref<32x128xi32, #tpu.memory_space<vmem>>)
    %dma_start3A_649 = arith.constant 0 : i32
    %dma_start3A_650 = arith.constant 0 : i32
    %dma_start3A_651 = tpu.memref_slice %arg3[%arg1, %dma_start3A_649, %dma_start3A_650] : memref<16x160x128xi32, #tpu.memory_space<hbm>> -> memref<1x160x128xi32, #tpu.memory_space<hbm>>
    %dma_start3A_652 = tpu.memref_squeeze %dma_start3A_651 : memref<1x160x128xi32, #tpu.memory_space<hbm>> -> memref<160x128xi32, #tpu.memory_space<hbm>>
    %dma_start3A_653 = arith.constant 96 : i32
    %dma_start3A_654 = arith.constant 0 : i32
    %dma_start3A_655 = tpu.memref_slice %dma_start3A_652[%dma_start3A_653, %dma_start3A_654] : memref<160x128xi32, #tpu.memory_space<hbm>> -> memref<32x128xi32, #tpu.memory_space<hbm>>
    %dma_start3A_656 = arith.constant 0 : i32
    %dma_start3A_657 = arith.constant 0 : i32
    %dma_start3A_658 = tpu.memref_slice %arg3[%arg1, %dma_start3A_656, %dma_start3A_657] : memref<16x160x128xi32, #tpu.memory_space<hbm>> -> memref<1x160x128xi32, #tpu.memory_space<hbm>>
    %dma_start3A_659 = tpu.memref_squeeze %dma_start3A_658 : memref<1x160x128xi32, #tpu.memory_space<hbm>> -> memref<160x128xi32, #tpu.memory_space<hbm>>
    %dma_start3A_660 = arith.constant 96 : i32
    %dma_start3A_661 = arith.constant 0 : i32
    %dma_start3A_662 = tpu.memref_slice %dma_start3A_659[%dma_start3A_660, %dma_start3A_661] : memref<160x128xi32, #tpu.memory_space<hbm>> -> memref<32x128xi32, #tpu.memory_space<hbm>>
    tpu.enqueue_dma source(%dma_start3A_662 : memref<32x128xi32, #tpu.memory_space<hbm>>) target(%arg7 : memref<32x128xi32, #tpu.memory_space<vmem>>) target_semaphore(%arg25 : memref<!tpu.dma_semaphore, #tpu.memory_space<semaphore_mem>>)
    %dma_start3A_663 = arith.constant 0 : i32
    %dma_start3A_664 = arith.constant 0 : i32
    %dma_start3A_665 = tpu.memref_slice %arg4[%arg1, %dma_start3A_663, %dma_start3A_664] : memref<16x160x128xi32, #tpu.memory_space<hbm>> -> memref<1x160x128xi32, #tpu.memory_space<hbm>>
    %dma_start3A_666 = tpu.memref_squeeze %dma_start3A_665 : memref<1x160x128xi32, #tpu.memory_space<hbm>> -> memref<160x128xi32, #tpu.memory_space<hbm>>
    %dma_start3A_667 = arith.constant 96 : i32
    %dma_start3A_668 = arith.constant 0 : i32
    %dma_start3A_669 = tpu.memref_slice %dma_start3A_666[%dma_start3A_667, %dma_start3A_668] : memref<160x128xi32, #tpu.memory_space<hbm>> -> memref<32x128xi32, #tpu.memory_space<hbm>>
    %dma_start3A_670 = arith.constant 0 : i32
    %dma_start3A_671 = arith.constant 0 : i32
    %dma_start3A_672 = tpu.memref_slice %arg4[%arg1, %dma_start3A_670, %dma_start3A_671] : memref<16x160x128xi32, #tpu.memory_space<hbm>> -> memref<1x160x128xi32, #tpu.memory_space<hbm>>
    %dma_start3A_673 = tpu.memref_squeeze %dma_start3A_672 : memref<1x160x128xi32, #tpu.memory_space<hbm>> -> memref<160x128xi32, #tpu.memory_space<hbm>>
    %dma_start3A_674 = arith.constant 96 : i32
    %dma_start3A_675 = arith.constant 0 : i32
    %dma_start3A_676 = tpu.memref_slice %dma_start3A_673[%dma_start3A_674, %dma_start3A_675] : memref<160x128xi32, #tpu.memory_space<hbm>> -> memref<32x128xi32, #tpu.memory_space<hbm>>
    tpu.enqueue_dma source(%dma_start3A_676 : memref<32x128xi32, #tpu.memory_space<hbm>>) target(%arg9 : memref<32x128xi32, #tpu.memory_space<vmem>>) target_semaphore(%arg25 : memref<!tpu.dma_semaphore, #tpu.memory_space<semaphore_mem>>)
    %dma_start3A_677 = arith.constant 0 : i32
    %dma_start3A_678 = arith.constant 0 : i32
    %dma_start3A_679 = tpu.memref_slice %arg6[%dma_start3A_677, %dma_start3A_678] : memref<32x128xi32, #tpu.memory_space<vmem>> -> memref<1x128xi32, #tpu.memory_space<vmem>>
    %dma_start3A_680 = tpu.memref_squeeze %dma_start3A_679 : memref<1x128xi32, #tpu.memory_space<vmem>> -> memref<128xi32, #tpu.memory_space<vmem>>
    %dma_start3A_681 = arith.constant 0 : i32
    %dma_start3A_682 = arith.constant 0 : i32
    %dma_start3A_683 = tpu.memref_slice %arg14[%dma_start3A_681, %dma_start3A_682] : memref<10000x64xf32, #tpu.memory_space<vmem_shared>> -> memref<10000x64xf32, #tpu.memory_space<vmem_shared>>
    tpu.enqueue_indirect_dma source(%dma_start3A_683 : memref<10000x64xf32, #tpu.memory_space<vmem_shared>>) target(%arg10 : memref<128x64xf32, #tpu.memory_space<vmem>>) offsets(%dma_start3A_680 : memref<128xi32, #tpu.memory_space<vmem>>) semaphore(%arg16 : memref<!tpu.dma_semaphore, #tpu.memory_space<semaphore_mem>>)
    %dma_start3A_684 = arith.constant 1 : i32
    %dma_start3A_685 = arith.constant 0 : i32
    %dma_start3A_686 = tpu.memref_slice %arg6[%dma_start3A_684, %dma_start3A_685] : memref<32x128xi32, #tpu.memory_space<vmem>> -> memref<1x128xi32, #tpu.memory_space<vmem>>
    %dma_start3A_687 = tpu.memref_squeeze %dma_start3A_686 : memref<1x128xi32, #tpu.memory_space<vmem>> -> memref<128xi32, #tpu.memory_space<vmem>>
    %dma_start3A_688 = arith.constant 0 : i32
    %dma_start3A_689 = arith.constant 0 : i32
    %dma_start3A_690 = tpu.memref_slice %arg14[%dma_start3A_688, %dma_start3A_689] : memref<10000x64xf32, #tpu.memory_space<vmem_shared>> -> memref<10000x64xf32, #tpu.memory_space<vmem_shared>>
    tpu.enqueue_indirect_dma source(%dma_start3A_690 : memref<10000x64xf32, #tpu.memory_space<vmem_shared>>) target(%arg11 : memref<128x64xf32, #tpu.memory_space<vmem>>) offsets(%dma_start3A_687 : memref<128xi32, #tpu.memory_space<vmem>>) semaphore(%arg17 : memref<!tpu.dma_semaphore, #tpu.memory_space<semaphore_mem>>)
    %dma_wait3A_691 = arith.constant 0 : i32
    %dma_wait3A_692 = arith.constant 0 : i32
    %dma_wait3A_693 = tpu.memref_slice %arg6[%dma_wait3A_691, %dma_wait3A_692] : memref<32x128xi32, #tpu.memory_space<vmem>> -> memref<1x128xi32, #tpu.memory_space<vmem>>
    %dma_wait3A_694 = tpu.memref_squeeze %dma_wait3A_693 : memref<1x128xi32, #tpu.memory_space<vmem>> -> memref<128xi32, #tpu.memory_space<vmem>>
    %dma_wait3A_695 = arith.constant 0 : i32
    %dma_wait3A_696 = arith.constant 0 : i32
    %dma_wait3A_697 = tpu.memref_slice %arg14[%dma_wait3A_695, %dma_wait3A_696] : memref<10000x64xf32, #tpu.memory_space<vmem_shared>> -> memref<10000x64xf32, #tpu.memory_space<vmem_shared>>
    tpu.wait_indirect_dma semaphore(%arg16 : memref<!tpu.dma_semaphore, #tpu.memory_space<semaphore_mem>>) src(%dma_wait3A_697 : memref<10000x64xf32, #tpu.memory_space<vmem_shared>>) dst(%arg10 : memref<128x64xf32, #tpu.memory_space<vmem>>)
    %dma_start3A_698 = arith.constant 0 : i32
    %dma_start3A_699 = arith.constant 0 : i32
    %dma_start3A_700 = tpu.memref_slice %arg8[%dma_start3A_698, %dma_start3A_699] : memref<32x128xi32, #tpu.memory_space<vmem>> -> memref<1x128xi32, #tpu.memory_space<vmem>>
    %dma_start3A_701 = tpu.memref_squeeze %dma_start3A_700 : memref<1x128xi32, #tpu.memory_space<vmem>> -> memref<128xi32, #tpu.memory_space<vmem>>
    %dma_start3A_702 = arith.constant 0 : i32
    %dma_start3A_703 = arith.constant 0 : i32
    %dma_start3A_704 = tpu.memref_slice %arg15[%dma_start3A_702, %dma_start3A_703] : memref<10240x64xf32, #tpu.memory_space<vmem_shared>> -> memref<10240x64xf32, #tpu.memory_space<vmem_shared>>
    tpu.enqueue_indirect_dma source(%arg10 : memref<128x64xf32, #tpu.memory_space<vmem>>) target(%dma_start3A_704 : memref<10240x64xf32, #tpu.memory_space<vmem_shared>>) offsets(%dma_start3A_701 : memref<128xi32, #tpu.memory_space<vmem>>) semaphore(%arg20 : memref<!tpu.dma_semaphore, #tpu.memory_space<semaphore_mem>>) {add = true}
    %dma_start3A_705 = arith.constant 2 : i32
    %dma_start3A_706 = arith.constant 0 : i32
    %dma_start3A_707 = tpu.memref_slice %arg6[%dma_start3A_705, %dma_start3A_706] : memref<32x128xi32, #tpu.memory_space<vmem>> -> memref<1x128xi32, #tpu.memory_space<vmem>>
    %dma_start3A_708 = tpu.memref_squeeze %dma_start3A_707 : memref<1x128xi32, #tpu.memory_space<vmem>> -> memref<128xi32, #tpu.memory_space<vmem>>
    %dma_start3A_709 = arith.constant 0 : i32
    %dma_start3A_710 = arith.constant 0 : i32
    %dma_start3A_711 = tpu.memref_slice %arg14[%dma_start3A_709, %dma_start3A_710] : memref<10000x64xf32, #tpu.memory_space<vmem_shared>> -> memref<10000x64xf32, #tpu.memory_space<vmem_shared>>
    tpu.enqueue_indirect_dma source(%dma_start3A_711 : memref<10000x64xf32, #tpu.memory_space<vmem_shared>>) target(%arg12 : memref<128x64xf32, #tpu.memory_space<vmem>>) offsets(%dma_start3A_708 : memref<128xi32, #tpu.memory_space<vmem>>) semaphore(%arg18 : memref<!tpu.dma_semaphore, #tpu.memory_space<semaphore_mem>>)
    %dma_wait3A_712 = arith.constant 1 : i32
    %dma_wait3A_713 = arith.constant 0 : i32
    %dma_wait3A_714 = tpu.memref_slice %arg6[%dma_wait3A_712, %dma_wait3A_713] : memref<32x128xi32, #tpu.memory_space<vmem>> -> memref<1x128xi32, #tpu.memory_space<vmem>>
    %dma_wait3A_715 = tpu.memref_squeeze %dma_wait3A_714 : memref<1x128xi32, #tpu.memory_space<vmem>> -> memref<128xi32, #tpu.memory_space<vmem>>
    %dma_wait3A_716 = arith.constant 0 : i32
    %dma_wait3A_717 = arith.constant 0 : i32
    %dma_wait3A_718 = tpu.memref_slice %arg14[%dma_wait3A_716, %dma_wait3A_717] : memref<10000x64xf32, #tpu.memory_space<vmem_shared>> -> memref<10000x64xf32, #tpu.memory_space<vmem_shared>>
    tpu.wait_indirect_dma semaphore(%arg17 : memref<!tpu.dma_semaphore, #tpu.memory_space<semaphore_mem>>) src(%dma_wait3A_718 : memref<10000x64xf32, #tpu.memory_space<vmem_shared>>) dst(%arg11 : memref<128x64xf32, #tpu.memory_space<vmem>>)
    %dma_start3A_719 = arith.constant 1 : i32
    %dma_start3A_720 = arith.constant 0 : i32
    %dma_start3A_721 = tpu.memref_slice %arg8[%dma_start3A_719, %dma_start3A_720] : memref<32x128xi32, #tpu.memory_space<vmem>> -> memref<1x128xi32, #tpu.memory_space<vmem>>
    %dma_start3A_722 = tpu.memref_squeeze %dma_start3A_721 : memref<1x128xi32, #tpu.memory_space<vmem>> -> memref<128xi32, #tpu.memory_space<vmem>>
    %dma_start3A_723 = arith.constant 0 : i32
    %dma_start3A_724 = arith.constant 0 : i32
    %dma_start3A_725 = tpu.memref_slice %arg15[%dma_start3A_723, %dma_start3A_724] : memref<10240x64xf32, #tpu.memory_space<vmem_shared>> -> memref<10240x64xf32, #tpu.memory_space<vmem_shared>>
    tpu.enqueue_indirect_dma source(%arg11 : memref<128x64xf32, #tpu.memory_space<vmem>>) target(%dma_start3A_725 : memref<10240x64xf32, #tpu.memory_space<vmem_shared>>) offsets(%dma_start3A_722 : memref<128xi32, #tpu.memory_space<vmem>>) semaphore(%arg21 : memref<!tpu.dma_semaphore, #tpu.memory_space<semaphore_mem>>) {add = true}
    %dma_start3A_726 = arith.constant 3 : i32
    %dma_start3A_727 = arith.constant 0 : i32
    %dma_start3A_728 = tpu.memref_slice %arg6[%dma_start3A_726, %dma_start3A_727] : memref<32x128xi32, #tpu.memory_space<vmem>> -> memref<1x128xi32, #tpu.memory_space<vmem>>
    %dma_start3A_729 = tpu.memref_squeeze %dma_start3A_728 : memref<1x128xi32, #tpu.memory_space<vmem>> -> memref<128xi32, #tpu.memory_space<vmem>>
    %dma_start3A_730 = arith.constant 0 : i32
    %dma_start3A_731 = arith.constant 0 : i32
    %dma_start3A_732 = tpu.memref_slice %arg14[%dma_start3A_730, %dma_start3A_731] : memref<10000x64xf32, #tpu.memory_space<vmem_shared>> -> memref<10000x64xf32, #tpu.memory_space<vmem_shared>>
    tpu.enqueue_indirect_dma source(%dma_start3A_732 : memref<10000x64xf32, #tpu.memory_space<vmem_shared>>) target(%arg13 : memref<128x64xf32, #tpu.memory_space<vmem>>) offsets(%dma_start3A_729 : memref<128xi32, #tpu.memory_space<vmem>>) semaphore(%arg19 : memref<!tpu.dma_semaphore, #tpu.memory_space<semaphore_mem>>)
    %dma_wait3A_733 = arith.constant 2 : i32
    %dma_wait3A_734 = arith.constant 0 : i32
    %dma_wait3A_735 = tpu.memref_slice %arg6[%dma_wait3A_733, %dma_wait3A_734] : memref<32x128xi32, #tpu.memory_space<vmem>> -> memref<1x128xi32, #tpu.memory_space<vmem>>
    %dma_wait3A_736 = tpu.memref_squeeze %dma_wait3A_735 : memref<1x128xi32, #tpu.memory_space<vmem>> -> memref<128xi32, #tpu.memory_space<vmem>>
    %dma_wait3A_737 = arith.constant 0 : i32
    %dma_wait3A_738 = arith.constant 0 : i32
    %dma_wait3A_739 = tpu.memref_slice %arg14[%dma_wait3A_737, %dma_wait3A_738] : memref<10000x64xf32, #tpu.memory_space<vmem_shared>> -> memref<10000x64xf32, #tpu.memory_space<vmem_shared>>
    tpu.wait_indirect_dma semaphore(%arg18 : memref<!tpu.dma_semaphore, #tpu.memory_space<semaphore_mem>>) src(%dma_wait3A_739 : memref<10000x64xf32, #tpu.memory_space<vmem_shared>>) dst(%arg12 : memref<128x64xf32, #tpu.memory_space<vmem>>)
    %dma_start3A_740 = arith.constant 2 : i32
    %dma_start3A_741 = arith.constant 0 : i32
    %dma_start3A_742 = tpu.memref_slice %arg8[%dma_start3A_740, %dma_start3A_741] : memref<32x128xi32, #tpu.memory_space<vmem>> -> memref<1x128xi32, #tpu.memory_space<vmem>>
    %dma_start3A_743 = tpu.memref_squeeze %dma_start3A_742 : memref<1x128xi32, #tpu.memory_space<vmem>> -> memref<128xi32, #tpu.memory_space<vmem>>
    %dma_start3A_744 = arith.constant 0 : i32
    %dma_start3A_745 = arith.constant 0 : i32
    %dma_start3A_746 = tpu.memref_slice %arg15[%dma_start3A_744, %dma_start3A_745] : memref<10240x64xf32, #tpu.memory_space<vmem_shared>> -> memref<10240x64xf32, #tpu.memory_space<vmem_shared>>
    tpu.enqueue_indirect_dma source(%arg12 : memref<128x64xf32, #tpu.memory_space<vmem>>) target(%dma_start3A_746 : memref<10240x64xf32, #tpu.memory_space<vmem_shared>>) offsets(%dma_start3A_743 : memref<128xi32, #tpu.memory_space<vmem>>) semaphore(%arg22 : memref<!tpu.dma_semaphore, #tpu.memory_space<semaphore_mem>>) {add = true}
    %dma_wait3A_747 = arith.constant 0 : i32
    %dma_wait3A_748 = arith.constant 0 : i32
    %dma_wait3A_749 = tpu.memref_slice %arg8[%dma_wait3A_747, %dma_wait3A_748] : memref<32x128xi32, #tpu.memory_space<vmem>> -> memref<1x128xi32, #tpu.memory_space<vmem>>
    %dma_wait3A_750 = tpu.memref_squeeze %dma_wait3A_749 : memref<1x128xi32, #tpu.memory_space<vmem>> -> memref<128xi32, #tpu.memory_space<vmem>>
    %dma_wait3A_751 = arith.constant 0 : i32
    %dma_wait3A_752 = arith.constant 0 : i32
    %dma_wait3A_753 = tpu.memref_slice %arg15[%dma_wait3A_751, %dma_wait3A_752] : memref<10240x64xf32, #tpu.memory_space<vmem_shared>> -> memref<10240x64xf32, #tpu.memory_space<vmem_shared>>
    tpu.wait_indirect_dma semaphore(%arg20 : memref<!tpu.dma_semaphore, #tpu.memory_space<semaphore_mem>>) src(%arg10 : memref<128x64xf32, #tpu.memory_space<vmem>>) dst(%dma_wait3A_753 : memref<10240x64xf32, #tpu.memory_space<vmem_shared>>)
    %dma_start3A_754 = arith.constant 4 : i32
    %dma_start3A_755 = arith.constant 0 : i32
    %dma_start3A_756 = tpu.memref_slice %arg6[%dma_start3A_754, %dma_start3A_755] : memref<32x128xi32, #tpu.memory_space<vmem>> -> memref<1x128xi32, #tpu.memory_space<vmem>>
    %dma_start3A_757 = tpu.memref_squeeze %dma_start3A_756 : memref<1x128xi32, #tpu.memory_space<vmem>> -> memref<128xi32, #tpu.memory_space<vmem>>
    %dma_start3A_758 = arith.constant 0 : i32
    %dma_start3A_759 = arith.constant 0 : i32
    %dma_start3A_760 = tpu.memref_slice %arg14[%dma_start3A_758, %dma_start3A_759] : memref<10000x64xf32, #tpu.memory_space<vmem_shared>> -> memref<10000x64xf32, #tpu.memory_space<vmem_shared>>
    tpu.enqueue_indirect_dma source(%dma_start3A_760 : memref<10000x64xf32, #tpu.memory_space<vmem_shared>>) target(%arg10 : memref<128x64xf32, #tpu.memory_space<vmem>>) offsets(%dma_start3A_757 : memref<128xi32, #tpu.memory_space<vmem>>) semaphore(%arg16 : memref<!tpu.dma_semaphore, #tpu.memory_space<semaphore_mem>>)
    %dma_wait3A_761 = arith.constant 3 : i32
    %dma_wait3A_762 = arith.constant 0 : i32
    %dma_wait3A_763 = tpu.memref_slice %arg6[%dma_wait3A_761, %dma_wait3A_762] : memref<32x128xi32, #tpu.memory_space<vmem>> -> memref<1x128xi32, #tpu.memory_space<vmem>>
    %dma_wait3A_764 = tpu.memref_squeeze %dma_wait3A_763 : memref<1x128xi32, #tpu.memory_space<vmem>> -> memref<128xi32, #tpu.memory_space<vmem>>
    %dma_wait3A_765 = arith.constant 0 : i32
    %dma_wait3A_766 = arith.constant 0 : i32
    %dma_wait3A_767 = tpu.memref_slice %arg14[%dma_wait3A_765, %dma_wait3A_766] : memref<10000x64xf32, #tpu.memory_space<vmem_shared>> -> memref<10000x64xf32, #tpu.memory_space<vmem_shared>>
    tpu.wait_indirect_dma semaphore(%arg19 : memref<!tpu.dma_semaphore, #tpu.memory_space<semaphore_mem>>) src(%dma_wait3A_767 : memref<10000x64xf32, #tpu.memory_space<vmem_shared>>) dst(%arg13 : memref<128x64xf32, #tpu.memory_space<vmem>>)
    %dma_start3A_768 = arith.constant 3 : i32
    %dma_start3A_769 = arith.constant 0 : i32
    %dma_start3A_770 = tpu.memref_slice %arg8[%dma_start3A_768, %dma_start3A_769] : memref<32x128xi32, #tpu.memory_space<vmem>> -> memref<1x128xi32, #tpu.memory_space<vmem>>
    %dma_start3A_771 = tpu.memref_squeeze %dma_start3A_770 : memref<1x128xi32, #tpu.memory_space<vmem>> -> memref<128xi32, #tpu.memory_space<vmem>>
    %dma_start3A_772 = arith.constant 0 : i32
    %dma_start3A_773 = arith.constant 0 : i32
    %dma_start3A_774 = tpu.memref_slice %arg15[%dma_start3A_772, %dma_start3A_773] : memref<10240x64xf32, #tpu.memory_space<vmem_shared>> -> memref<10240x64xf32, #tpu.memory_space<vmem_shared>>
    tpu.enqueue_indirect_dma source(%arg13 : memref<128x64xf32, #tpu.memory_space<vmem>>) target(%dma_start3A_774 : memref<10240x64xf32, #tpu.memory_space<vmem_shared>>) offsets(%dma_start3A_771 : memref<128xi32, #tpu.memory_space<vmem>>) semaphore(%arg23 : memref<!tpu.dma_semaphore, #tpu.memory_space<semaphore_mem>>) {add = true}
    %dma_wait3A_775 = arith.constant 1 : i32
    %dma_wait3A_776 = arith.constant 0 : i32
    %dma_wait3A_777 = tpu.memref_slice %arg8[%dma_wait3A_775, %dma_wait3A_776] : memref<32x128xi32, #tpu.memory_space<vmem>> -> memref<1x128xi32, #tpu.memory_space<vmem>>
    %dma_wait3A_778 = tpu.memref_squeeze %dma_wait3A_777 : memref<1x128xi32, #tpu.memory_space<vmem>> -> memref<128xi32, #tpu.memory_space<vmem>>
    %dma_wait3A_779 = arith.constant 0 : i32
    %dma_wait3A_780 = arith.constant 0 : i32
    %dma_wait3A_781 = tpu.memref_slice %arg15[%dma_wait3A_779, %dma_wait3A_780] : memref<10240x64xf32, #tpu.memory_space<vmem_shared>> -> memref<10240x64xf32, #tpu.memory_space<vmem_shared>>
    tpu.wait_indirect_dma semaphore(%arg21 : memref<!tpu.dma_semaphore, #tpu.memory_space<semaphore_mem>>) src(%arg11 : memref<128x64xf32, #tpu.memory_space<vmem>>) dst(%dma_wait3A_781 : memref<10240x64xf32, #tpu.memory_space<vmem_shared>>)
    %dma_start3A_782 = arith.constant 5 : i32
    %dma_start3A_783 = arith.constant 0 : i32
    %dma_start3A_784 = tpu.memref_slice %arg6[%dma_start3A_782, %dma_start3A_783] : memref<32x128xi32, #tpu.memory_space<vmem>> -> memref<1x128xi32, #tpu.memory_space<vmem>>
    %dma_start3A_785 = tpu.memref_squeeze %dma_start3A_784 : memref<1x128xi32, #tpu.memory_space<vmem>> -> memref<128xi32, #tpu.memory_space<vmem>>
    %dma_start3A_786 = arith.constant 0 : i32
    %dma_start3A_787 = arith.constant 0 : i32
    %dma_start3A_788 = tpu.memref_slice %arg14[%dma_start3A_786, %dma_start3A_787] : memref<10000x64xf32, #tpu.memory_space<vmem_shared>> -> memref<10000x64xf32, #tpu.memory_space<vmem_shared>>
    tpu.enqueue_indirect_dma source(%dma_start3A_788 : memref<10000x64xf32, #tpu.memory_space<vmem_shared>>) target(%arg11 : memref<128x64xf32, #tpu.memory_space<vmem>>) offsets(%dma_start3A_785 : memref<128xi32, #tpu.memory_space<vmem>>) semaphore(%arg17 : memref<!tpu.dma_semaphore, #tpu.memory_space<semaphore_mem>>)
    %scan3A_789 = arith.constant 0 : i32
    %scan3A_790 = arith.constant 0 : i32
    %scan3A_791 = arith.constant 6 : i32
    %scan3A_792 = arith.addi %scan3A_790, %scan3A_791 : i32
    %scan3A_793 = arith.constant 1 : i32
    scf.for %scan3A_1456 = %scan3A_790 to %scan3A_792 step %scan3A_793  : i32 {
      %mul3A_1457 = arith.constant 4 : i32
      %mul3A_1458 = arith.muli %scan3A_1456, %mul3A_1457 : i32
      %add3A = arith.constant 4 : i32
      %add3A_1459 = arith.addi %add3A, %mul3A_1458 : i32
      %add3A_1460 = arith.constant 0 : i32
      %add3A_1461 = arith.addi %add3A_1459, %add3A_1460 : i32
      %dma_wait3A_1462 = arith.constant 0 : i32
      %dma_wait3A_1463 = tpu.memref_slice %arg6[%add3A_1461, %dma_wait3A_1462] : memref<32x128xi32, #tpu.memory_space<vmem>> -> memref<1x128xi32, #tpu.memory_space<vmem>>
      %dma_wait3A_1464 = tpu.memref_squeeze %dma_wait3A_1463 : memref<1x128xi32, #tpu.memory_space<vmem>> -> memref<128xi32, #tpu.memory_space<vmem>>
      %dma_wait3A_1465 = arith.constant 0 : i32
      %dma_wait3A_1466 = arith.constant 0 : i32
      %dma_wait3A_1467 = tpu.memref_slice %arg14[%dma_wait3A_1465, %dma_wait3A_1466] : memref<10000x64xf32, #tpu.memory_space<vmem_shared>> -> memref<10000x64xf32, #tpu.memory_space<vmem_shared>>
      tpu.wait_indirect_dma semaphore(%arg16 : memref<!tpu.dma_semaphore, #tpu.memory_space<semaphore_mem>>) src(%dma_wait3A_1467 : memref<10000x64xf32, #tpu.memory_space<vmem_shared>>) dst(%arg10 : memref<128x64xf32, #tpu.memory_space<vmem>>)
      %dma_start3A_1468 = arith.constant 0 : i32
      %dma_start3A_1469 = tpu.memref_slice %arg8[%add3A_1461, %dma_start3A_1468] : memref<32x128xi32, #tpu.memory_space<vmem>> -> memref<1x128xi32, #tpu.memory_space<vmem>>
      %dma_start3A_1470 = tpu.memref_squeeze %dma_start3A_1469 : memref<1x128xi32, #tpu.memory_space<vmem>> -> memref<128xi32, #tpu.memory_space<vmem>>
      %dma_start3A_1471 = arith.constant 0 : i32
      %dma_start3A_1472 = arith.constant 0 : i32
      %dma_start3A_1473 = tpu.memref_slice %arg15[%dma_start3A_1471, %dma_start3A_1472] : memref<10240x64xf32, #tpu.memory_space<vmem_shared>> -> memref<10240x64xf32, #tpu.memory_space<vmem_shared>>
      tpu.enqueue_indirect_dma source(%arg10 : memref<128x64xf32, #tpu.memory_space<vmem>>) target(%dma_start3A_1473 : memref<10240x64xf32, #tpu.memory_space<vmem_shared>>) offsets(%dma_start3A_1470 : memref<128xi32, #tpu.memory_space<vmem>>) semaphore(%arg20 : memref<!tpu.dma_semaphore, #tpu.memory_space<semaphore_mem>>) {add = true}
      %sub3A = arith.constant 2 : i32
      %sub3A_1474 = arith.subi %add3A_1461, %sub3A : i32
      %dma_wait3A_1475 = arith.constant 0 : i32
      %dma_wait3A_1476 = tpu.memref_slice %arg8[%sub3A_1474, %dma_wait3A_1475] : memref<32x128xi32, #tpu.memory_space<vmem>> -> memref<1x128xi32, #tpu.memory_space<vmem>>
      %dma_wait3A_1477 = tpu.memref_squeeze %dma_wait3A_1476 : memref<1x128xi32, #tpu.memory_space<vmem>> -> memref<128xi32, #tpu.memory_space<vmem>>
      %dma_wait3A_1478 = arith.constant 0 : i32
      %dma_wait3A_1479 = arith.constant 0 : i32
      %dma_wait3A_1480 = tpu.memref_slice %arg15[%dma_wait3A_1478, %dma_wait3A_1479] : memref<10240x64xf32, #tpu.memory_space<vmem_shared>> -> memref<10240x64xf32, #tpu.memory_space<vmem_shared>>
      tpu.wait_indirect_dma semaphore(%arg22 : memref<!tpu.dma_semaphore, #tpu.memory_space<semaphore_mem>>) src(%arg12 : memref<128x64xf32, #tpu.memory_space<vmem>>) dst(%dma_wait3A_1480 : memref<10240x64xf32, #tpu.memory_space<vmem_shared>>)
      %add3A_1481 = arith.constant 2 : i32
      %add3A_1482 = arith.addi %add3A_1461, %add3A_1481 : i32
      %dma_start3A_1483 = arith.constant 0 : i32
      %dma_start3A_1484 = tpu.memref_slice %arg6[%add3A_1482, %dma_start3A_1483] : memref<32x128xi32, #tpu.memory_space<vmem>> -> memref<1x128xi32, #tpu.memory_space<vmem>>
      %dma_start3A_1485 = tpu.memref_squeeze %dma_start3A_1484 : memref<1x128xi32, #tpu.memory_space<vmem>> -> memref<128xi32, #tpu.memory_space<vmem>>
      %dma_start3A_1486 = arith.constant 0 : i32
      %dma_start3A_1487 = arith.constant 0 : i32
      %dma_start3A_1488 = tpu.memref_slice %arg14[%dma_start3A_1486, %dma_start3A_1487] : memref<10000x64xf32, #tpu.memory_space<vmem_shared>> -> memref<10000x64xf32, #tpu.memory_space<vmem_shared>>
      tpu.enqueue_indirect_dma source(%dma_start3A_1488 : memref<10000x64xf32, #tpu.memory_space<vmem_shared>>) target(%arg12 : memref<128x64xf32, #tpu.memory_space<vmem>>) offsets(%dma_start3A_1485 : memref<128xi32, #tpu.memory_space<vmem>>) semaphore(%arg18 : memref<!tpu.dma_semaphore, #tpu.memory_space<semaphore_mem>>)
      %add3A_1489 = arith.constant 1 : i32
      %add3A_1490 = arith.addi %add3A_1459, %add3A_1489 : i32
      %dma_wait3A_1491 = arith.constant 0 : i32
      %dma_wait3A_1492 = tpu.memref_slice %arg6[%add3A_1490, %dma_wait3A_1491] : memref<32x128xi32, #tpu.memory_space<vmem>> -> memref<1x128xi32, #tpu.memory_space<vmem>>
      %dma_wait3A_1493 = tpu.memref_squeeze %dma_wait3A_1492 : memref<1x128xi32, #tpu.memory_space<vmem>> -> memref<128xi32, #tpu.memory_space<vmem>>
      %dma_wait3A_1494 = arith.constant 0 : i32
      %dma_wait3A_1495 = arith.constant 0 : i32
      %dma_wait3A_1496 = tpu.memref_slice %arg14[%dma_wait3A_1494, %dma_wait3A_1495] : memref<10000x64xf32, #tpu.memory_space<vmem_shared>> -> memref<10000x64xf32, #tpu.memory_space<vmem_shared>>
      tpu.wait_indirect_dma semaphore(%arg17 : memref<!tpu.dma_semaphore, #tpu.memory_space<semaphore_mem>>) src(%dma_wait3A_1496 : memref<10000x64xf32, #tpu.memory_space<vmem_shared>>) dst(%arg11 : memref<128x64xf32, #tpu.memory_space<vmem>>)
      %dma_start3A_1497 = arith.constant 0 : i32
      %dma_start3A_1498 = tpu.memref_slice %arg8[%add3A_1490, %dma_start3A_1497] : memref<32x128xi32, #tpu.memory_space<vmem>> -> memref<1x128xi32, #tpu.memory_space<vmem>>
      %dma_start3A_1499 = tpu.memref_squeeze %dma_start3A_1498 : memref<1x128xi32, #tpu.memory_space<vmem>> -> memref<128xi32, #tpu.memory_space<vmem>>
      %dma_start3A_1500 = arith.constant 0 : i32
      %dma_start3A_1501 = arith.constant 0 : i32
      %dma_start3A_1502 = tpu.memref_slice %arg15[%dma_start3A_1500, %dma_start3A_1501] : memref<10240x64xf32, #tpu.memory_space<vmem_shared>> -> memref<10240x64xf32, #tpu.memory_space<vmem_shared>>
      tpu.enqueue_indirect_dma source(%arg11 : memref<128x64xf32, #tpu.memory_space<vmem>>) target(%dma_start3A_1502 : memref<10240x64xf32, #tpu.memory_space<vmem_shared>>) offsets(%dma_start3A_1499 : memref<128xi32, #tpu.memory_space<vmem>>) semaphore(%arg21 : memref<!tpu.dma_semaphore, #tpu.memory_space<semaphore_mem>>) {add = true}
      %sub3A_1503 = arith.constant 2 : i32
      %sub3A_1504 = arith.subi %add3A_1490, %sub3A_1503 : i32
      %dma_wait3A_1505 = arith.constant 0 : i32
      %dma_wait3A_1506 = tpu.memref_slice %arg8[%sub3A_1504, %dma_wait3A_1505] : memref<32x128xi32, #tpu.memory_space<vmem>> -> memref<1x128xi32, #tpu.memory_space<vmem>>
      %dma_wait3A_1507 = tpu.memref_squeeze %dma_wait3A_1506 : memref<1x128xi32, #tpu.memory_space<vmem>> -> memref<128xi32, #tpu.memory_space<vmem>>
      %dma_wait3A_1508 = arith.constant 0 : i32
      %dma_wait3A_1509 = arith.constant 0 : i32
      %dma_wait3A_1510 = tpu.memref_slice %arg15[%dma_wait3A_1508, %dma_wait3A_1509] : memref<10240x64xf32, #tpu.memory_space<vmem_shared>> -> memref<10240x64xf32, #tpu.memory_space<vmem_shared>>
      tpu.wait_indirect_dma semaphore(%arg23 : memref<!tpu.dma_semaphore, #tpu.memory_space<semaphore_mem>>) src(%arg13 : memref<128x64xf32, #tpu.memory_space<vmem>>) dst(%dma_wait3A_1510 : memref<10240x64xf32, #tpu.memory_space<vmem_shared>>)
      %add3A_1511 = arith.constant 2 : i32
      %add3A_1512 = arith.addi %add3A_1490, %add3A_1511 : i32
      %dma_start3A_1513 = arith.constant 0 : i32
      %dma_start3A_1514 = tpu.memref_slice %arg6[%add3A_1512, %dma_start3A_1513] : memref<32x128xi32, #tpu.memory_space<vmem>> -> memref<1x128xi32, #tpu.memory_space<vmem>>
      %dma_start3A_1515 = tpu.memref_squeeze %dma_start3A_1514 : memref<1x128xi32, #tpu.memory_space<vmem>> -> memref<128xi32, #tpu.memory_space<vmem>>
      %dma_start3A_1516 = arith.constant 0 : i32
      %dma_start3A_1517 = arith.constant 0 : i32
      %dma_start3A_1518 = tpu.memref_slice %arg14[%dma_start3A_1516, %dma_start3A_1517] : memref<10000x64xf32, #tpu.memory_space<vmem_shared>> -> memref<10000x64xf32, #tpu.memory_space<vmem_shared>>
      tpu.enqueue_indirect_dma source(%dma_start3A_1518 : memref<10000x64xf32, #tpu.memory_space<vmem_shared>>) target(%arg13 : memref<128x64xf32, #tpu.memory_space<vmem>>) offsets(%dma_start3A_1515 : memref<128xi32, #tpu.memory_space<vmem>>) semaphore(%arg19 : memref<!tpu.dma_semaphore, #tpu.memory_space<semaphore_mem>>)
      %add3A_1519 = arith.constant 2 : i32
      %add3A_1520 = arith.addi %add3A_1459, %add3A_1519 : i32
      %dma_wait3A_1521 = arith.constant 0 : i32
      %dma_wait3A_1522 = tpu.memref_slice %arg6[%add3A_1520, %dma_wait3A_1521] : memref<32x128xi32, #tpu.memory_space<vmem>> -> memref<1x128xi32, #tpu.memory_space<vmem>>
      %dma_wait3A_1523 = tpu.memref_squeeze %dma_wait3A_1522 : memref<1x128xi32, #tpu.memory_space<vmem>> -> memref<128xi32, #tpu.memory_space<vmem>>
      %dma_wait3A_1524 = arith.constant 0 : i32
      %dma_wait3A_1525 = arith.constant 0 : i32
      %dma_wait3A_1526 = tpu.memref_slice %arg14[%dma_wait3A_1524, %dma_wait3A_1525] : memref<10000x64xf32, #tpu.memory_space<vmem_shared>> -> memref<10000x64xf32, #tpu.memory_space<vmem_shared>>
      tpu.wait_indirect_dma semaphore(%arg18 : memref<!tpu.dma_semaphore, #tpu.memory_space<semaphore_mem>>) src(%dma_wait3A_1526 : memref<10000x64xf32, #tpu.memory_space<vmem_shared>>) dst(%arg12 : memref<128x64xf32, #tpu.memory_space<vmem>>)
      %dma_start3A_1527 = arith.constant 0 : i32
      %dma_start3A_1528 = tpu.memref_slice %arg8[%add3A_1520, %dma_start3A_1527] : memref<32x128xi32, #tpu.memory_space<vmem>> -> memref<1x128xi32, #tpu.memory_space<vmem>>
      %dma_start3A_1529 = tpu.memref_squeeze %dma_start3A_1528 : memref<1x128xi32, #tpu.memory_space<vmem>> -> memref<128xi32, #tpu.memory_space<vmem>>
      %dma_start3A_1530 = arith.constant 0 : i32
      %dma_start3A_1531 = arith.constant 0 : i32
      %dma_start3A_1532 = tpu.memref_slice %arg15[%dma_start3A_1530, %dma_start3A_1531] : memref<10240x64xf32, #tpu.memory_space<vmem_shared>> -> memref<10240x64xf32, #tpu.memory_space<vmem_shared>>
      tpu.enqueue_indirect_dma source(%arg12 : memref<128x64xf32, #tpu.memory_space<vmem>>) target(%dma_start3A_1532 : memref<10240x64xf32, #tpu.memory_space<vmem_shared>>) offsets(%dma_start3A_1529 : memref<128xi32, #tpu.memory_space<vmem>>) semaphore(%arg22 : memref<!tpu.dma_semaphore, #tpu.memory_space<semaphore_mem>>) {add = true}
      %sub3A_1533 = arith.constant 2 : i32
      %sub3A_1534 = arith.subi %add3A_1520, %sub3A_1533 : i32
      %dma_wait3A_1535 = arith.constant 0 : i32
      %dma_wait3A_1536 = tpu.memref_slice %arg8[%sub3A_1534, %dma_wait3A_1535] : memref<32x128xi32, #tpu.memory_space<vmem>> -> memref<1x128xi32, #tpu.memory_space<vmem>>
      %dma_wait3A_1537 = tpu.memref_squeeze %dma_wait3A_1536 : memref<1x128xi32, #tpu.memory_space<vmem>> -> memref<128xi32, #tpu.memory_space<vmem>>
      %dma_wait3A_1538 = arith.constant 0 : i32
      %dma_wait3A_1539 = arith.constant 0 : i32
      %dma_wait3A_1540 = tpu.memref_slice %arg15[%dma_wait3A_1538, %dma_wait3A_1539] : memref<10240x64xf32, #tpu.memory_space<vmem_shared>> -> memref<10240x64xf32, #tpu.memory_space<vmem_shared>>
      tpu.wait_indirect_dma semaphore(%arg20 : memref<!tpu.dma_semaphore, #tpu.memory_space<semaphore_mem>>) src(%arg10 : memref<128x64xf32, #tpu.memory_space<vmem>>) dst(%dma_wait3A_1540 : memref<10240x64xf32, #tpu.memory_space<vmem_shared>>)
      %add3A_1541 = arith.constant 2 : i32
      %add3A_1542 = arith.addi %add3A_1520, %add3A_1541 : i32
      %dma_start3A_1543 = arith.constant 0 : i32
      %dma_start3A_1544 = tpu.memref_slice %arg6[%add3A_1542, %dma_start3A_1543] : memref<32x128xi32, #tpu.memory_space<vmem>> -> memref<1x128xi32, #tpu.memory_space<vmem>>
      %dma_start3A_1545 = tpu.memref_squeeze %dma_start3A_1544 : memref<1x128xi32, #tpu.memory_space<vmem>> -> memref<128xi32, #tpu.memory_space<vmem>>
      %dma_start3A_1546 = arith.constant 0 : i32
      %dma_start3A_1547 = arith.constant 0 : i32
      %dma_start3A_1548 = tpu.memref_slice %arg14[%dma_start3A_1546, %dma_start3A_1547] : memref<10000x64xf32, #tpu.memory_space<vmem_shared>> -> memref<10000x64xf32, #tpu.memory_space<vmem_shared>>
      tpu.enqueue_indirect_dma source(%dma_start3A_1548 : memref<10000x64xf32, #tpu.memory_space<vmem_shared>>) target(%arg10 : memref<128x64xf32, #tpu.memory_space<vmem>>) offsets(%dma_start3A_1545 : memref<128xi32, #tpu.memory_space<vmem>>) semaphore(%arg16 : memref<!tpu.dma_semaphore, #tpu.memory_space<semaphore_mem>>)
      %add3A_1549 = arith.constant 3 : i32
      %add3A_1550 = arith.addi %add3A_1459, %add3A_1549 : i32
      %dma_wait3A_1551 = arith.constant 0 : i32
      %dma_wait3A_1552 = tpu.memref_slice %arg6[%add3A_1550, %dma_wait3A_1551] : memref<32x128xi32, #tpu.memory_space<vmem>> -> memref<1x128xi32, #tpu.memory_space<vmem>>
      %dma_wait3A_1553 = tpu.memref_squeeze %dma_wait3A_1552 : memref<1x128xi32, #tpu.memory_space<vmem>> -> memref<128xi32, #tpu.memory_space<vmem>>
      %dma_wait3A_1554 = arith.constant 0 : i32
      %dma_wait3A_1555 = arith.constant 0 : i32
      %dma_wait3A_1556 = tpu.memref_slice %arg14[%dma_wait3A_1554, %dma_wait3A_1555] : memref<10000x64xf32, #tpu.memory_space<vmem_shared>> -> memref<10000x64xf32, #tpu.memory_space<vmem_shared>>
      tpu.wait_indirect_dma semaphore(%arg19 : memref<!tpu.dma_semaphore, #tpu.memory_space<semaphore_mem>>) src(%dma_wait3A_1556 : memref<10000x64xf32, #tpu.memory_space<vmem_shared>>) dst(%arg13 : memref<128x64xf32, #tpu.memory_space<vmem>>)
      %dma_start3A_1557 = arith.constant 0 : i32
      %dma_start3A_1558 = tpu.memref_slice %arg8[%add3A_1550, %dma_start3A_1557] : memref<32x128xi32, #tpu.memory_space<vmem>> -> memref<1x128xi32, #tpu.memory_space<vmem>>
      %dma_start3A_1559 = tpu.memref_squeeze %dma_start3A_1558 : memref<1x128xi32, #tpu.memory_space<vmem>> -> memref<128xi32, #tpu.memory_space<vmem>>
      %dma_start3A_1560 = arith.constant 0 : i32
      %dma_start3A_1561 = arith.constant 0 : i32
      %dma_start3A_1562 = tpu.memref_slice %arg15[%dma_start3A_1560, %dma_start3A_1561] : memref<10240x64xf32, #tpu.memory_space<vmem_shared>> -> memref<10240x64xf32, #tpu.memory_space<vmem_shared>>
      tpu.enqueue_indirect_dma source(%arg13 : memref<128x64xf32, #tpu.memory_space<vmem>>) target(%dma_start3A_1562 : memref<10240x64xf32, #tpu.memory_space<vmem_shared>>) offsets(%dma_start3A_1559 : memref<128xi32, #tpu.memory_space<vmem>>) semaphore(%arg23 : memref<!tpu.dma_semaphore, #tpu.memory_space<semaphore_mem>>) {add = true}
      %sub3A_1563 = arith.constant 2 : i32
      %sub3A_1564 = arith.subi %add3A_1550, %sub3A_1563 : i32
      %dma_wait3A_1565 = arith.constant 0 : i32
      %dma_wait3A_1566 = tpu.memref_slice %arg8[%sub3A_1564, %dma_wait3A_1565] : memref<32x128xi32, #tpu.memory_space<vmem>> -> memref<1x128xi32, #tpu.memory_space<vmem>>
      %dma_wait3A_1567 = tpu.memref_squeeze %dma_wait3A_1566 : memref<1x128xi32, #tpu.memory_space<vmem>> -> memref<128xi32, #tpu.memory_space<vmem>>
      %dma_wait3A_1568 = arith.constant 0 : i32
      %dma_wait3A_1569 = arith.constant 0 : i32
      %dma_wait3A_1570 = tpu.memref_slice %arg15[%dma_wait3A_1568, %dma_wait3A_1569] : memref<10240x64xf32, #tpu.memory_space<vmem_shared>> -> memref<10240x64xf32, #tpu.memory_space<vmem_shared>>
      tpu.wait_indirect_dma semaphore(%arg21 : memref<!tpu.dma_semaphore, #tpu.memory_space<semaphore_mem>>) src(%arg11 : memref<128x64xf32, #tpu.memory_space<vmem>>) dst(%dma_wait3A_1570 : memref<10240x64xf32, #tpu.memory_space<vmem_shared>>)
      %add3A_1571 = arith.constant 2 : i32
      %add3A_1572 = arith.addi %add3A_1550, %add3A_1571 : i32
      %dma_start3A_1573 = arith.constant 0 : i32
      %dma_start3A_1574 = tpu.memref_slice %arg6[%add3A_1572, %dma_start3A_1573] : memref<32x128xi32, #tpu.memory_space<vmem>> -> memref<1x128xi32, #tpu.memory_space<vmem>>
      %dma_start3A_1575 = tpu.memref_squeeze %dma_start3A_1574 : memref<1x128xi32, #tpu.memory_space<vmem>> -> memref<128xi32, #tpu.memory_space<vmem>>
      %dma_start3A_1576 = arith.constant 0 : i32
      %dma_start3A_1577 = arith.constant 0 : i32
      %dma_start3A_1578 = tpu.memref_slice %arg14[%dma_start3A_1576, %dma_start3A_1577] : memref<10000x64xf32, #tpu.memory_space<vmem_shared>> -> memref<10000x64xf32, #tpu.memory_space<vmem_shared>>
      tpu.enqueue_indirect_dma source(%dma_start3A_1578 : memref<10000x64xf32, #tpu.memory_space<vmem_shared>>) target(%arg11 : memref<128x64xf32, #tpu.memory_space<vmem>>) offsets(%dma_start3A_1575 : memref<128xi32, #tpu.memory_space<vmem>>) semaphore(%arg17 : memref<!tpu.dma_semaphore, #tpu.memory_space<semaphore_mem>>)
    }
    %scan3A_794 = arith.constant 6 : i32
    %dma_wait3A_795 = arith.constant 28 : i32
    %dma_wait3A_796 = arith.constant 0 : i32
    %dma_wait3A_797 = tpu.memref_slice %arg6[%dma_wait3A_795, %dma_wait3A_796] : memref<32x128xi32, #tpu.memory_space<vmem>> -> memref<1x128xi32, #tpu.memory_space<vmem>>
    %dma_wait3A_798 = tpu.memref_squeeze %dma_wait3A_797 : memref<1x128xi32, #tpu.memory_space<vmem>> -> memref<128xi32, #tpu.memory_space<vmem>>
    %dma_wait3A_799 = arith.constant 0 : i32
    %dma_wait3A_800 = arith.constant 0 : i32
    %dma_wait3A_801 = tpu.memref_slice %arg14[%dma_wait3A_799, %dma_wait3A_800] : memref<10000x64xf32, #tpu.memory_space<vmem_shared>> -> memref<10000x64xf32, #tpu.memory_space<vmem_shared>>
    tpu.wait_indirect_dma semaphore(%arg16 : memref<!tpu.dma_semaphore, #tpu.memory_space<semaphore_mem>>) src(%dma_wait3A_801 : memref<10000x64xf32, #tpu.memory_space<vmem_shared>>) dst(%arg10 : memref<128x64xf32, #tpu.memory_space<vmem>>)
    %dma_start3A_802 = arith.constant 28 : i32
    %dma_start3A_803 = arith.constant 0 : i32
    %dma_start3A_804 = tpu.memref_slice %arg8[%dma_start3A_802, %dma_start3A_803] : memref<32x128xi32, #tpu.memory_space<vmem>> -> memref<1x128xi32, #tpu.memory_space<vmem>>
    %dma_start3A_805 = tpu.memref_squeeze %dma_start3A_804 : memref<1x128xi32, #tpu.memory_space<vmem>> -> memref<128xi32, #tpu.memory_space<vmem>>
    %dma_start3A_806 = arith.constant 0 : i32
    %dma_start3A_807 = arith.constant 0 : i32
    %dma_start3A_808 = tpu.memref_slice %arg15[%dma_start3A_806, %dma_start3A_807] : memref<10240x64xf32, #tpu.memory_space<vmem_shared>> -> memref<10240x64xf32, #tpu.memory_space<vmem_shared>>
    tpu.enqueue_indirect_dma source(%arg10 : memref<128x64xf32, #tpu.memory_space<vmem>>) target(%dma_start3A_808 : memref<10240x64xf32, #tpu.memory_space<vmem_shared>>) offsets(%dma_start3A_805 : memref<128xi32, #tpu.memory_space<vmem>>) semaphore(%arg20 : memref<!tpu.dma_semaphore, #tpu.memory_space<semaphore_mem>>) {add = true}
    %dma_wait3A_809 = arith.constant 26 : i32
    %dma_wait3A_810 = arith.constant 0 : i32
    %dma_wait3A_811 = tpu.memref_slice %arg8[%dma_wait3A_809, %dma_wait3A_810] : memref<32x128xi32, #tpu.memory_space<vmem>> -> memref<1x128xi32, #tpu.memory_space<vmem>>
    %dma_wait3A_812 = tpu.memref_squeeze %dma_wait3A_811 : memref<1x128xi32, #tpu.memory_space<vmem>> -> memref<128xi32, #tpu.memory_space<vmem>>
    %dma_wait3A_813 = arith.constant 0 : i32
    %dma_wait3A_814 = arith.constant 0 : i32
    %dma_wait3A_815 = tpu.memref_slice %arg15[%dma_wait3A_813, %dma_wait3A_814] : memref<10240x64xf32, #tpu.memory_space<vmem_shared>> -> memref<10240x64xf32, #tpu.memory_space<vmem_shared>>
    tpu.wait_indirect_dma semaphore(%arg22 : memref<!tpu.dma_semaphore, #tpu.memory_space<semaphore_mem>>) src(%arg12 : memref<128x64xf32, #tpu.memory_space<vmem>>) dst(%dma_wait3A_815 : memref<10240x64xf32, #tpu.memory_space<vmem_shared>>)
    %dma_start3A_816 = arith.constant 30 : i32
    %dma_start3A_817 = arith.constant 0 : i32
    %dma_start3A_818 = tpu.memref_slice %arg6[%dma_start3A_816, %dma_start3A_817] : memref<32x128xi32, #tpu.memory_space<vmem>> -> memref<1x128xi32, #tpu.memory_space<vmem>>
    %dma_start3A_819 = tpu.memref_squeeze %dma_start3A_818 : memref<1x128xi32, #tpu.memory_space<vmem>> -> memref<128xi32, #tpu.memory_space<vmem>>
    %dma_start3A_820 = arith.constant 0 : i32
    %dma_start3A_821 = arith.constant 0 : i32
    %dma_start3A_822 = tpu.memref_slice %arg14[%dma_start3A_820, %dma_start3A_821] : memref<10000x64xf32, #tpu.memory_space<vmem_shared>> -> memref<10000x64xf32, #tpu.memory_space<vmem_shared>>
    tpu.enqueue_indirect_dma source(%dma_start3A_822 : memref<10000x64xf32, #tpu.memory_space<vmem_shared>>) target(%arg12 : memref<128x64xf32, #tpu.memory_space<vmem>>) offsets(%dma_start3A_819 : memref<128xi32, #tpu.memory_space<vmem>>) semaphore(%arg18 : memref<!tpu.dma_semaphore, #tpu.memory_space<semaphore_mem>>)
    %dma_wait3A_823 = arith.constant 29 : i32
    %dma_wait3A_824 = arith.constant 0 : i32
    %dma_wait3A_825 = tpu.memref_slice %arg6[%dma_wait3A_823, %dma_wait3A_824] : memref<32x128xi32, #tpu.memory_space<vmem>> -> memref<1x128xi32, #tpu.memory_space<vmem>>
    %dma_wait3A_826 = tpu.memref_squeeze %dma_wait3A_825 : memref<1x128xi32, #tpu.memory_space<vmem>> -> memref<128xi32, #tpu.memory_space<vmem>>
    %dma_wait3A_827 = arith.constant 0 : i32
    %dma_wait3A_828 = arith.constant 0 : i32
    %dma_wait3A_829 = tpu.memref_slice %arg14[%dma_wait3A_827, %dma_wait3A_828] : memref<10000x64xf32, #tpu.memory_space<vmem_shared>> -> memref<10000x64xf32, #tpu.memory_space<vmem_shared>>
    tpu.wait_indirect_dma semaphore(%arg17 : memref<!tpu.dma_semaphore, #tpu.memory_space<semaphore_mem>>) src(%dma_wait3A_829 : memref<10000x64xf32, #tpu.memory_space<vmem_shared>>) dst(%arg11 : memref<128x64xf32, #tpu.memory_space<vmem>>)
    %dma_start3A_830 = arith.constant 29 : i32
    %dma_start3A_831 = arith.constant 0 : i32
    %dma_start3A_832 = tpu.memref_slice %arg8[%dma_start3A_830, %dma_start3A_831] : memref<32x128xi32, #tpu.memory_space<vmem>> -> memref<1x128xi32, #tpu.memory_space<vmem>>
    %dma_start3A_833 = tpu.memref_squeeze %dma_start3A_832 : memref<1x128xi32, #tpu.memory_space<vmem>> -> memref<128xi32, #tpu.memory_space<vmem>>
    %dma_start3A_834 = arith.constant 0 : i32
    %dma_start3A_835 = arith.constant 0 : i32
    %dma_start3A_836 = tpu.memref_slice %arg15[%dma_start3A_834, %dma_start3A_835] : memref<10240x64xf32, #tpu.memory_space<vmem_shared>> -> memref<10240x64xf32, #tpu.memory_space<vmem_shared>>
    tpu.enqueue_indirect_dma source(%arg11 : memref<128x64xf32, #tpu.memory_space<vmem>>) target(%dma_start3A_836 : memref<10240x64xf32, #tpu.memory_space<vmem_shared>>) offsets(%dma_start3A_833 : memref<128xi32, #tpu.memory_space<vmem>>) semaphore(%arg21 : memref<!tpu.dma_semaphore, #tpu.memory_space<semaphore_mem>>) {add = true}
    %dma_wait3A_837 = arith.constant 27 : i32
    %dma_wait3A_838 = arith.constant 0 : i32
    %dma_wait3A_839 = tpu.memref_slice %arg8[%dma_wait3A_837, %dma_wait3A_838] : memref<32x128xi32, #tpu.memory_space<vmem>> -> memref<1x128xi32, #tpu.memory_space<vmem>>
    %dma_wait3A_840 = tpu.memref_squeeze %dma_wait3A_839 : memref<1x128xi32, #tpu.memory_space<vmem>> -> memref<128xi32, #tpu.memory_space<vmem>>
    %dma_wait3A_841 = arith.constant 0 : i32
    %dma_wait3A_842 = arith.constant 0 : i32
    %dma_wait3A_843 = tpu.memref_slice %arg15[%dma_wait3A_841, %dma_wait3A_842] : memref<10240x64xf32, #tpu.memory_space<vmem_shared>> -> memref<10240x64xf32, #tpu.memory_space<vmem_shared>>
    tpu.wait_indirect_dma semaphore(%arg23 : memref<!tpu.dma_semaphore, #tpu.memory_space<semaphore_mem>>) src(%arg13 : memref<128x64xf32, #tpu.memory_space<vmem>>) dst(%dma_wait3A_843 : memref<10240x64xf32, #tpu.memory_space<vmem_shared>>)
    %dma_start3A_844 = arith.constant 31 : i32
    %dma_start3A_845 = arith.constant 0 : i32
    %dma_start3A_846 = tpu.memref_slice %arg6[%dma_start3A_844, %dma_start3A_845] : memref<32x128xi32, #tpu.memory_space<vmem>> -> memref<1x128xi32, #tpu.memory_space<vmem>>
    %dma_start3A_847 = tpu.memref_squeeze %dma_start3A_846 : memref<1x128xi32, #tpu.memory_space<vmem>> -> memref<128xi32, #tpu.memory_space<vmem>>
    %dma_start3A_848 = arith.constant 0 : i32
    %dma_start3A_849 = arith.constant 0 : i32
    %dma_start3A_850 = tpu.memref_slice %arg14[%dma_start3A_848, %dma_start3A_849] : memref<10000x64xf32, #tpu.memory_space<vmem_shared>> -> memref<10000x64xf32, #tpu.memory_space<vmem_shared>>
    tpu.enqueue_indirect_dma source(%dma_start3A_850 : memref<10000x64xf32, #tpu.memory_space<vmem_shared>>) target(%arg13 : memref<128x64xf32, #tpu.memory_space<vmem>>) offsets(%dma_start3A_847 : memref<128xi32, #tpu.memory_space<vmem>>) semaphore(%arg19 : memref<!tpu.dma_semaphore, #tpu.memory_space<semaphore_mem>>)
    %dma_wait3A_851 = arith.constant 30 : i32
    %dma_wait3A_852 = arith.constant 0 : i32
    %dma_wait3A_853 = tpu.memref_slice %arg6[%dma_wait3A_851, %dma_wait3A_852] : memref<32x128xi32, #tpu.memory_space<vmem>> -> memref<1x128xi32, #tpu.memory_space<vmem>>
    %dma_wait3A_854 = tpu.memref_squeeze %dma_wait3A_853 : memref<1x128xi32, #tpu.memory_space<vmem>> -> memref<128xi32, #tpu.memory_space<vmem>>
    %dma_wait3A_855 = arith.constant 0 : i32
    %dma_wait3A_856 = arith.constant 0 : i32
    %dma_wait3A_857 = tpu.memref_slice %arg14[%dma_wait3A_855, %dma_wait3A_856] : memref<10000x64xf32, #tpu.memory_space<vmem_shared>> -> memref<10000x64xf32, #tpu.memory_space<vmem_shared>>
    tpu.wait_indirect_dma semaphore(%arg18 : memref<!tpu.dma_semaphore, #tpu.memory_space<semaphore_mem>>) src(%dma_wait3A_857 : memref<10000x64xf32, #tpu.memory_space<vmem_shared>>) dst(%arg12 : memref<128x64xf32, #tpu.memory_space<vmem>>)
    %dma_start3A_858 = arith.constant 30 : i32
    %dma_start3A_859 = arith.constant 0 : i32
    %dma_start3A_860 = tpu.memref_slice %arg8[%dma_start3A_858, %dma_start3A_859] : memref<32x128xi32, #tpu.memory_space<vmem>> -> memref<1x128xi32, #tpu.memory_space<vmem>>
    %dma_start3A_861 = tpu.memref_squeeze %dma_start3A_860 : memref<1x128xi32, #tpu.memory_space<vmem>> -> memref<128xi32, #tpu.memory_space<vmem>>
    %dma_start3A_862 = arith.constant 0 : i32
    %dma_start3A_863 = arith.constant 0 : i32
    %dma_start3A_864 = tpu.memref_slice %arg15[%dma_start3A_862, %dma_start3A_863] : memref<10240x64xf32, #tpu.memory_space<vmem_shared>> -> memref<10240x64xf32, #tpu.memory_space<vmem_shared>>
    tpu.enqueue_indirect_dma source(%arg12 : memref<128x64xf32, #tpu.memory_space<vmem>>) target(%dma_start3A_864 : memref<10240x64xf32, #tpu.memory_space<vmem_shared>>) offsets(%dma_start3A_861 : memref<128xi32, #tpu.memory_space<vmem>>) semaphore(%arg22 : memref<!tpu.dma_semaphore, #tpu.memory_space<semaphore_mem>>) {add = true}
    %dma_wait3A_865 = arith.constant 28 : i32
    %dma_wait3A_866 = arith.constant 0 : i32
    %dma_wait3A_867 = tpu.memref_slice %arg8[%dma_wait3A_865, %dma_wait3A_866] : memref<32x128xi32, #tpu.memory_space<vmem>> -> memref<1x128xi32, #tpu.memory_space<vmem>>
    %dma_wait3A_868 = tpu.memref_squeeze %dma_wait3A_867 : memref<1x128xi32, #tpu.memory_space<vmem>> -> memref<128xi32, #tpu.memory_space<vmem>>
    %dma_wait3A_869 = arith.constant 0 : i32
    %dma_wait3A_870 = arith.constant 0 : i32
    %dma_wait3A_871 = tpu.memref_slice %arg15[%dma_wait3A_869, %dma_wait3A_870] : memref<10240x64xf32, #tpu.memory_space<vmem_shared>> -> memref<10240x64xf32, #tpu.memory_space<vmem_shared>>
    tpu.wait_indirect_dma semaphore(%arg20 : memref<!tpu.dma_semaphore, #tpu.memory_space<semaphore_mem>>) src(%arg10 : memref<128x64xf32, #tpu.memory_space<vmem>>) dst(%dma_wait3A_871 : memref<10240x64xf32, #tpu.memory_space<vmem_shared>>)
    %dma_wait3A_872 = arith.constant 31 : i32
    %dma_wait3A_873 = arith.constant 0 : i32
    %dma_wait3A_874 = tpu.memref_slice %arg6[%dma_wait3A_872, %dma_wait3A_873] : memref<32x128xi32, #tpu.memory_space<vmem>> -> memref<1x128xi32, #tpu.memory_space<vmem>>
    %dma_wait3A_875 = tpu.memref_squeeze %dma_wait3A_874 : memref<1x128xi32, #tpu.memory_space<vmem>> -> memref<128xi32, #tpu.memory_space<vmem>>
    %dma_wait3A_876 = arith.constant 0 : i32
    %dma_wait3A_877 = arith.constant 0 : i32
    %dma_wait3A_878 = tpu.memref_slice %arg14[%dma_wait3A_876, %dma_wait3A_877] : memref<10000x64xf32, #tpu.memory_space<vmem_shared>> -> memref<10000x64xf32, #tpu.memory_space<vmem_shared>>
    tpu.wait_indirect_dma semaphore(%arg19 : memref<!tpu.dma_semaphore, #tpu.memory_space<semaphore_mem>>) src(%dma_wait3A_878 : memref<10000x64xf32, #tpu.memory_space<vmem_shared>>) dst(%arg13 : memref<128x64xf32, #tpu.memory_space<vmem>>)
    %dma_start3A_879 = arith.constant 31 : i32
    %dma_start3A_880 = arith.constant 0 : i32
    %dma_start3A_881 = tpu.memref_slice %arg8[%dma_start3A_879, %dma_start3A_880] : memref<32x128xi32, #tpu.memory_space<vmem>> -> memref<1x128xi32, #tpu.memory_space<vmem>>
    %dma_start3A_882 = tpu.memref_squeeze %dma_start3A_881 : memref<1x128xi32, #tpu.memory_space<vmem>> -> memref<128xi32, #tpu.memory_space<vmem>>
    %dma_start3A_883 = arith.constant 0 : i32
    %dma_start3A_884 = arith.constant 0 : i32
    %dma_start3A_885 = tpu.memref_slice %arg15[%dma_start3A_883, %dma_start3A_884] : memref<10240x64xf32, #tpu.memory_space<vmem_shared>> -> memref<10240x64xf32, #tpu.memory_space<vmem_shared>>
    tpu.enqueue_indirect_dma source(%arg13 : memref<128x64xf32, #tpu.memory_space<vmem>>) target(%dma_start3A_885 : memref<10240x64xf32, #tpu.memory_space<vmem_shared>>) offsets(%dma_start3A_882 : memref<128xi32, #tpu.memory_space<vmem>>) semaphore(%arg23 : memref<!tpu.dma_semaphore, #tpu.memory_space<semaphore_mem>>) {add = true}
    %dma_wait3A_886 = arith.constant 29 : i32
    %dma_wait3A_887 = arith.constant 0 : i32
    %dma_wait3A_888 = tpu.memref_slice %arg8[%dma_wait3A_886, %dma_wait3A_887] : memref<32x128xi32, #tpu.memory_space<vmem>> -> memref<1x128xi32, #tpu.memory_space<vmem>>
    %dma_wait3A_889 = tpu.memref_squeeze %dma_wait3A_888 : memref<1x128xi32, #tpu.memory_space<vmem>> -> memref<128xi32, #tpu.memory_space<vmem>>
    %dma_wait3A_890 = arith.constant 0 : i32
    %dma_wait3A_891 = arith.constant 0 : i32
    %dma_wait3A_892 = tpu.memref_slice %arg15[%dma_wait3A_890, %dma_wait3A_891] : memref<10240x64xf32, #tpu.memory_space<vmem_shared>> -> memref<10240x64xf32, #tpu.memory_space<vmem_shared>>
    tpu.wait_indirect_dma semaphore(%arg21 : memref<!tpu.dma_semaphore, #tpu.memory_space<semaphore_mem>>) src(%arg11 : memref<128x64xf32, #tpu.memory_space<vmem>>) dst(%dma_wait3A_892 : memref<10240x64xf32, #tpu.memory_space<vmem_shared>>)
    %dma_wait3A_893 = arith.constant 30 : i32
    %dma_wait3A_894 = arith.constant 0 : i32
    %dma_wait3A_895 = tpu.memref_slice %arg8[%dma_wait3A_893, %dma_wait3A_894] : memref<32x128xi32, #tpu.memory_space<vmem>> -> memref<1x128xi32, #tpu.memory_space<vmem>>
    %dma_wait3A_896 = tpu.memref_squeeze %dma_wait3A_895 : memref<1x128xi32, #tpu.memory_space<vmem>> -> memref<128xi32, #tpu.memory_space<vmem>>
    %dma_wait3A_897 = arith.constant 0 : i32
    %dma_wait3A_898 = arith.constant 0 : i32
    %dma_wait3A_899 = tpu.memref_slice %arg15[%dma_wait3A_897, %dma_wait3A_898] : memref<10240x64xf32, #tpu.memory_space<vmem_shared>> -> memref<10240x64xf32, #tpu.memory_space<vmem_shared>>
    tpu.wait_indirect_dma semaphore(%arg22 : memref<!tpu.dma_semaphore, #tpu.memory_space<semaphore_mem>>) src(%arg12 : memref<128x64xf32, #tpu.memory_space<vmem>>) dst(%dma_wait3A_899 : memref<10240x64xf32, #tpu.memory_space<vmem_shared>>)
    %dma_wait3A_900 = arith.constant 31 : i32
    %dma_wait3A_901 = arith.constant 0 : i32
    %dma_wait3A_902 = tpu.memref_slice %arg8[%dma_wait3A_900, %dma_wait3A_901] : memref<32x128xi32, #tpu.memory_space<vmem>> -> memref<1x128xi32, #tpu.memory_space<vmem>>
    %dma_wait3A_903 = tpu.memref_squeeze %dma_wait3A_902 : memref<1x128xi32, #tpu.memory_space<vmem>> -> memref<128xi32, #tpu.memory_space<vmem>>
    %dma_wait3A_904 = arith.constant 0 : i32
    %dma_wait3A_905 = arith.constant 0 : i32
    %dma_wait3A_906 = tpu.memref_slice %arg15[%dma_wait3A_904, %dma_wait3A_905] : memref<10240x64xf32, #tpu.memory_space<vmem_shared>> -> memref<10240x64xf32, #tpu.memory_space<vmem_shared>>
    tpu.wait_indirect_dma semaphore(%arg23 : memref<!tpu.dma_semaphore, #tpu.memory_space<semaphore_mem>>) src(%arg13 : memref<128x64xf32, #tpu.memory_space<vmem>>) dst(%dma_wait3A_906 : memref<10240x64xf32, #tpu.memory_space<vmem_shared>>)
    %dma_wait3A_907 = arith.constant 0 : i32
    %dma_wait3A_908 = arith.constant 0 : i32
    %dma_wait3A_909 = tpu.memref_slice %arg3[%arg1, %dma_wait3A_907, %dma_wait3A_908] : memref<16x160x128xi32, #tpu.memory_space<hbm>> -> memref<1x160x128xi32, #tpu.memory_space<hbm>>
    %dma_wait3A_910 = tpu.memref_squeeze %dma_wait3A_909 : memref<1x160x128xi32, #tpu.memory_space<hbm>> -> memref<160x128xi32, #tpu.memory_space<hbm>>
    %dma_wait3A_911 = arith.constant 96 : i32
    %dma_wait3A_912 = arith.constant 0 : i32
    %dma_wait3A_913 = tpu.memref_slice %dma_wait3A_910[%dma_wait3A_911, %dma_wait3A_912] : memref<160x128xi32, #tpu.memory_space<hbm>> -> memref<32x128xi32, #tpu.memory_space<hbm>>
    %dma_wait3A_914 = arith.constant 0 : i32
    %dma_wait3A_915 = arith.constant 0 : i32
    %dma_wait3A_916 = tpu.memref_slice %arg3[%arg1, %dma_wait3A_914, %dma_wait3A_915] : memref<16x160x128xi32, #tpu.memory_space<hbm>> -> memref<1x160x128xi32, #tpu.memory_space<hbm>>
    %dma_wait3A_917 = tpu.memref_squeeze %dma_wait3A_916 : memref<1x160x128xi32, #tpu.memory_space<hbm>> -> memref<160x128xi32, #tpu.memory_space<hbm>>
    %dma_wait3A_918 = arith.constant 96 : i32
    %dma_wait3A_919 = arith.constant 0 : i32
    %dma_wait3A_920 = tpu.memref_slice %dma_wait3A_917[%dma_wait3A_918, %dma_wait3A_919] : memref<160x128xi32, #tpu.memory_space<hbm>> -> memref<32x128xi32, #tpu.memory_space<hbm>>
    tpu.wait_dma2 semaphore(%arg25 : memref<!tpu.dma_semaphore, #tpu.memory_space<semaphore_mem>>) src(%dma_wait3A_920 : memref<32x128xi32, #tpu.memory_space<hbm>>) dst(%arg7 : memref<32x128xi32, #tpu.memory_space<vmem>>)
    %dma_wait3A_921 = arith.constant 0 : i32
    %dma_wait3A_922 = arith.constant 0 : i32
    %dma_wait3A_923 = tpu.memref_slice %arg4[%arg1, %dma_wait3A_921, %dma_wait3A_922] : memref<16x160x128xi32, #tpu.memory_space<hbm>> -> memref<1x160x128xi32, #tpu.memory_space<hbm>>
    %dma_wait3A_924 = tpu.memref_squeeze %dma_wait3A_923 : memref<1x160x128xi32, #tpu.memory_space<hbm>> -> memref<160x128xi32, #tpu.memory_space<hbm>>
    %dma_wait3A_925 = arith.constant 96 : i32
    %dma_wait3A_926 = arith.constant 0 : i32
    %dma_wait3A_927 = tpu.memref_slice %dma_wait3A_924[%dma_wait3A_925, %dma_wait3A_926] : memref<160x128xi32, #tpu.memory_space<hbm>> -> memref<32x128xi32, #tpu.memory_space<hbm>>
    %dma_wait3A_928 = arith.constant 0 : i32
    %dma_wait3A_929 = arith.constant 0 : i32
    %dma_wait3A_930 = tpu.memref_slice %arg4[%arg1, %dma_wait3A_928, %dma_wait3A_929] : memref<16x160x128xi32, #tpu.memory_space<hbm>> -> memref<1x160x128xi32, #tpu.memory_space<hbm>>
    %dma_wait3A_931 = tpu.memref_squeeze %dma_wait3A_930 : memref<1x160x128xi32, #tpu.memory_space<hbm>> -> memref<160x128xi32, #tpu.memory_space<hbm>>
    %dma_wait3A_932 = arith.constant 96 : i32
    %dma_wait3A_933 = arith.constant 0 : i32
    %dma_wait3A_934 = tpu.memref_slice %dma_wait3A_931[%dma_wait3A_932, %dma_wait3A_933] : memref<160x128xi32, #tpu.memory_space<hbm>> -> memref<32x128xi32, #tpu.memory_space<hbm>>
    tpu.wait_dma2 semaphore(%arg25 : memref<!tpu.dma_semaphore, #tpu.memory_space<semaphore_mem>>) src(%dma_wait3A_934 : memref<32x128xi32, #tpu.memory_space<hbm>>) dst(%arg9 : memref<32x128xi32, #tpu.memory_space<vmem>>)
    %dma_start3A_935 = arith.constant 0 : i32
    %dma_start3A_936 = arith.constant 0 : i32
    %dma_start3A_937 = tpu.memref_slice %arg3[%arg1, %dma_start3A_935, %dma_start3A_936] : memref<16x160x128xi32, #tpu.memory_space<hbm>> -> memref<1x160x128xi32, #tpu.memory_space<hbm>>
    %dma_start3A_938 = tpu.memref_squeeze %dma_start3A_937 : memref<1x160x128xi32, #tpu.memory_space<hbm>> -> memref<160x128xi32, #tpu.memory_space<hbm>>
    %dma_start3A_939 = arith.constant 128 : i32
    %dma_start3A_940 = arith.constant 0 : i32
    %dma_start3A_941 = tpu.memref_slice %dma_start3A_938[%dma_start3A_939, %dma_start3A_940] : memref<160x128xi32, #tpu.memory_space<hbm>> -> memref<32x128xi32, #tpu.memory_space<hbm>>
    %dma_start3A_942 = arith.constant 0 : i32
    %dma_start3A_943 = arith.constant 0 : i32
    %dma_start3A_944 = tpu.memref_slice %arg3[%arg1, %dma_start3A_942, %dma_start3A_943] : memref<16x160x128xi32, #tpu.memory_space<hbm>> -> memref<1x160x128xi32, #tpu.memory_space<hbm>>
    %dma_start3A_945 = tpu.memref_squeeze %dma_start3A_944 : memref<1x160x128xi32, #tpu.memory_space<hbm>> -> memref<160x128xi32, #tpu.memory_space<hbm>>
    %dma_start3A_946 = arith.constant 128 : i32
    %dma_start3A_947 = arith.constant 0 : i32
    %dma_start3A_948 = tpu.memref_slice %dma_start3A_945[%dma_start3A_946, %dma_start3A_947] : memref<160x128xi32, #tpu.memory_space<hbm>> -> memref<32x128xi32, #tpu.memory_space<hbm>>
    tpu.enqueue_dma source(%dma_start3A_948 : memref<32x128xi32, #tpu.memory_space<hbm>>) target(%arg6 : memref<32x128xi32, #tpu.memory_space<vmem>>) target_semaphore(%arg24 : memref<!tpu.dma_semaphore, #tpu.memory_space<semaphore_mem>>)
    %dma_start3A_949 = arith.constant 0 : i32
    %dma_start3A_950 = arith.constant 0 : i32
    %dma_start3A_951 = tpu.memref_slice %arg4[%arg1, %dma_start3A_949, %dma_start3A_950] : memref<16x160x128xi32, #tpu.memory_space<hbm>> -> memref<1x160x128xi32, #tpu.memory_space<hbm>>
    %dma_start3A_952 = tpu.memref_squeeze %dma_start3A_951 : memref<1x160x128xi32, #tpu.memory_space<hbm>> -> memref<160x128xi32, #tpu.memory_space<hbm>>
    %dma_start3A_953 = arith.constant 128 : i32
    %dma_start3A_954 = arith.constant 0 : i32
    %dma_start3A_955 = tpu.memref_slice %dma_start3A_952[%dma_start3A_953, %dma_start3A_954] : memref<160x128xi32, #tpu.memory_space<hbm>> -> memref<32x128xi32, #tpu.memory_space<hbm>>
    %dma_start3A_956 = arith.constant 0 : i32
    %dma_start3A_957 = arith.constant 0 : i32
    %dma_start3A_958 = tpu.memref_slice %arg4[%arg1, %dma_start3A_956, %dma_start3A_957] : memref<16x160x128xi32, #tpu.memory_space<hbm>> -> memref<1x160x128xi32, #tpu.memory_space<hbm>>
    %dma_start3A_959 = tpu.memref_squeeze %dma_start3A_958 : memref<1x160x128xi32, #tpu.memory_space<hbm>> -> memref<160x128xi32, #tpu.memory_space<hbm>>
    %dma_start3A_960 = arith.constant 128 : i32
    %dma_start3A_961 = arith.constant 0 : i32
    %dma_start3A_962 = tpu.memref_slice %dma_start3A_959[%dma_start3A_960, %dma_start3A_961] : memref<160x128xi32, #tpu.memory_space<hbm>> -> memref<32x128xi32, #tpu.memory_space<hbm>>
    tpu.enqueue_dma source(%dma_start3A_962 : memref<32x128xi32, #tpu.memory_space<hbm>>) target(%arg8 : memref<32x128xi32, #tpu.memory_space<vmem>>) target_semaphore(%arg24 : memref<!tpu.dma_semaphore, #tpu.memory_space<semaphore_mem>>)
    %dma_start3A_963 = arith.constant 0 : i32
    %dma_start3A_964 = arith.constant 0 : i32
    %dma_start3A_965 = tpu.memref_slice %arg7[%dma_start3A_963, %dma_start3A_964] : memref<32x128xi32, #tpu.memory_space<vmem>> -> memref<1x128xi32, #tpu.memory_space<vmem>>
    %dma_start3A_966 = tpu.memref_squeeze %dma_start3A_965 : memref<1x128xi32, #tpu.memory_space<vmem>> -> memref<128xi32, #tpu.memory_space<vmem>>
    %dma_start3A_967 = arith.constant 0 : i32
    %dma_start3A_968 = arith.constant 0 : i32
    %dma_start3A_969 = tpu.memref_slice %arg14[%dma_start3A_967, %dma_start3A_968] : memref<10000x64xf32, #tpu.memory_space<vmem_shared>> -> memref<10000x64xf32, #tpu.memory_space<vmem_shared>>
    tpu.enqueue_indirect_dma source(%dma_start3A_969 : memref<10000x64xf32, #tpu.memory_space<vmem_shared>>) target(%arg10 : memref<128x64xf32, #tpu.memory_space<vmem>>) offsets(%dma_start3A_966 : memref<128xi32, #tpu.memory_space<vmem>>) semaphore(%arg16 : memref<!tpu.dma_semaphore, #tpu.memory_space<semaphore_mem>>)
    %dma_start3A_970 = arith.constant 1 : i32
    %dma_start3A_971 = arith.constant 0 : i32
    %dma_start3A_972 = tpu.memref_slice %arg7[%dma_start3A_970, %dma_start3A_971] : memref<32x128xi32, #tpu.memory_space<vmem>> -> memref<1x128xi32, #tpu.memory_space<vmem>>
    %dma_start3A_973 = tpu.memref_squeeze %dma_start3A_972 : memref<1x128xi32, #tpu.memory_space<vmem>> -> memref<128xi32, #tpu.memory_space<vmem>>
    %dma_start3A_974 = arith.constant 0 : i32
    %dma_start3A_975 = arith.constant 0 : i32
    %dma_start3A_976 = tpu.memref_slice %arg14[%dma_start3A_974, %dma_start3A_975] : memref<10000x64xf32, #tpu.memory_space<vmem_shared>> -> memref<10000x64xf32, #tpu.memory_space<vmem_shared>>
    tpu.enqueue_indirect_dma source(%dma_start3A_976 : memref<10000x64xf32, #tpu.memory_space<vmem_shared>>) target(%arg11 : memref<128x64xf32, #tpu.memory_space<vmem>>) offsets(%dma_start3A_973 : memref<128xi32, #tpu.memory_space<vmem>>) semaphore(%arg17 : memref<!tpu.dma_semaphore, #tpu.memory_space<semaphore_mem>>)
    %dma_wait3A_977 = arith.constant 0 : i32
    %dma_wait3A_978 = arith.constant 0 : i32
    %dma_wait3A_979 = tpu.memref_slice %arg7[%dma_wait3A_977, %dma_wait3A_978] : memref<32x128xi32, #tpu.memory_space<vmem>> -> memref<1x128xi32, #tpu.memory_space<vmem>>
    %dma_wait3A_980 = tpu.memref_squeeze %dma_wait3A_979 : memref<1x128xi32, #tpu.memory_space<vmem>> -> memref<128xi32, #tpu.memory_space<vmem>>
    %dma_wait3A_981 = arith.constant 0 : i32
    %dma_wait3A_982 = arith.constant 0 : i32
    %dma_wait3A_983 = tpu.memref_slice %arg14[%dma_wait3A_981, %dma_wait3A_982] : memref<10000x64xf32, #tpu.memory_space<vmem_shared>> -> memref<10000x64xf32, #tpu.memory_space<vmem_shared>>
    tpu.wait_indirect_dma semaphore(%arg16 : memref<!tpu.dma_semaphore, #tpu.memory_space<semaphore_mem>>) src(%dma_wait3A_983 : memref<10000x64xf32, #tpu.memory_space<vmem_shared>>) dst(%arg10 : memref<128x64xf32, #tpu.memory_space<vmem>>)
    %dma_start3A_984 = arith.constant 0 : i32
    %dma_start3A_985 = arith.constant 0 : i32
    %dma_start3A_986 = tpu.memref_slice %arg9[%dma_start3A_984, %dma_start3A_985] : memref<32x128xi32, #tpu.memory_space<vmem>> -> memref<1x128xi32, #tpu.memory_space<vmem>>
    %dma_start3A_987 = tpu.memref_squeeze %dma_start3A_986 : memref<1x128xi32, #tpu.memory_space<vmem>> -> memref<128xi32, #tpu.memory_space<vmem>>
    %dma_start3A_988 = arith.constant 0 : i32
    %dma_start3A_989 = arith.constant 0 : i32
    %dma_start3A_990 = tpu.memref_slice %arg15[%dma_start3A_988, %dma_start3A_989] : memref<10240x64xf32, #tpu.memory_space<vmem_shared>> -> memref<10240x64xf32, #tpu.memory_space<vmem_shared>>
    tpu.enqueue_indirect_dma source(%arg10 : memref<128x64xf32, #tpu.memory_space<vmem>>) target(%dma_start3A_990 : memref<10240x64xf32, #tpu.memory_space<vmem_shared>>) offsets(%dma_start3A_987 : memref<128xi32, #tpu.memory_space<vmem>>) semaphore(%arg20 : memref<!tpu.dma_semaphore, #tpu.memory_space<semaphore_mem>>) {add = true}
    %dma_start3A_991 = arith.constant 2 : i32
    %dma_start3A_992 = arith.constant 0 : i32
    %dma_start3A_993 = tpu.memref_slice %arg7[%dma_start3A_991, %dma_start3A_992] : memref<32x128xi32, #tpu.memory_space<vmem>> -> memref<1x128xi32, #tpu.memory_space<vmem>>
    %dma_start3A_994 = tpu.memref_squeeze %dma_start3A_993 : memref<1x128xi32, #tpu.memory_space<vmem>> -> memref<128xi32, #tpu.memory_space<vmem>>
    %dma_start3A_995 = arith.constant 0 : i32
    %dma_start3A_996 = arith.constant 0 : i32
    %dma_start3A_997 = tpu.memref_slice %arg14[%dma_start3A_995, %dma_start3A_996] : memref<10000x64xf32, #tpu.memory_space<vmem_shared>> -> memref<10000x64xf32, #tpu.memory_space<vmem_shared>>
    tpu.enqueue_indirect_dma source(%dma_start3A_997 : memref<10000x64xf32, #tpu.memory_space<vmem_shared>>) target(%arg12 : memref<128x64xf32, #tpu.memory_space<vmem>>) offsets(%dma_start3A_994 : memref<128xi32, #tpu.memory_space<vmem>>) semaphore(%arg18 : memref<!tpu.dma_semaphore, #tpu.memory_space<semaphore_mem>>)
    %dma_wait3A_998 = arith.constant 1 : i32
    %dma_wait3A_999 = arith.constant 0 : i32
    %dma_wait3A_1000 = tpu.memref_slice %arg7[%dma_wait3A_998, %dma_wait3A_999] : memref<32x128xi32, #tpu.memory_space<vmem>> -> memref<1x128xi32, #tpu.memory_space<vmem>>
    %dma_wait3A_1001 = tpu.memref_squeeze %dma_wait3A_1000 : memref<1x128xi32, #tpu.memory_space<vmem>> -> memref<128xi32, #tpu.memory_space<vmem>>
    %dma_wait3A_1002 = arith.constant 0 : i32
    %dma_wait3A_1003 = arith.constant 0 : i32
    %dma_wait3A_1004 = tpu.memref_slice %arg14[%dma_wait3A_1002, %dma_wait3A_1003] : memref<10000x64xf32, #tpu.memory_space<vmem_shared>> -> memref<10000x64xf32, #tpu.memory_space<vmem_shared>>
    tpu.wait_indirect_dma semaphore(%arg17 : memref<!tpu.dma_semaphore, #tpu.memory_space<semaphore_mem>>) src(%dma_wait3A_1004 : memref<10000x64xf32, #tpu.memory_space<vmem_shared>>) dst(%arg11 : memref<128x64xf32, #tpu.memory_space<vmem>>)
    %dma_start3A_1005 = arith.constant 1 : i32
    %dma_start3A_1006 = arith.constant 0 : i32
    %dma_start3A_1007 = tpu.memref_slice %arg9[%dma_start3A_1005, %dma_start3A_1006] : memref<32x128xi32, #tpu.memory_space<vmem>> -> memref<1x128xi32, #tpu.memory_space<vmem>>
    %dma_start3A_1008 = tpu.memref_squeeze %dma_start3A_1007 : memref<1x128xi32, #tpu.memory_space<vmem>> -> memref<128xi32, #tpu.memory_space<vmem>>
    %dma_start3A_1009 = arith.constant 0 : i32
    %dma_start3A_1010 = arith.constant 0 : i32
    %dma_start3A_1011 = tpu.memref_slice %arg15[%dma_start3A_1009, %dma_start3A_1010] : memref<10240x64xf32, #tpu.memory_space<vmem_shared>> -> memref<10240x64xf32, #tpu.memory_space<vmem_shared>>
    tpu.enqueue_indirect_dma source(%arg11 : memref<128x64xf32, #tpu.memory_space<vmem>>) target(%dma_start3A_1011 : memref<10240x64xf32, #tpu.memory_space<vmem_shared>>) offsets(%dma_start3A_1008 : memref<128xi32, #tpu.memory_space<vmem>>) semaphore(%arg21 : memref<!tpu.dma_semaphore, #tpu.memory_space<semaphore_mem>>) {add = true}
    %dma_start3A_1012 = arith.constant 3 : i32
    %dma_start3A_1013 = arith.constant 0 : i32
    %dma_start3A_1014 = tpu.memref_slice %arg7[%dma_start3A_1012, %dma_start3A_1013] : memref<32x128xi32, #tpu.memory_space<vmem>> -> memref<1x128xi32, #tpu.memory_space<vmem>>
    %dma_start3A_1015 = tpu.memref_squeeze %dma_start3A_1014 : memref<1x128xi32, #tpu.memory_space<vmem>> -> memref<128xi32, #tpu.memory_space<vmem>>
    %dma_start3A_1016 = arith.constant 0 : i32
    %dma_start3A_1017 = arith.constant 0 : i32
    %dma_start3A_1018 = tpu.memref_slice %arg14[%dma_start3A_1016, %dma_start3A_1017] : memref<10000x64xf32, #tpu.memory_space<vmem_shared>> -> memref<10000x64xf32, #tpu.memory_space<vmem_shared>>
    tpu.enqueue_indirect_dma source(%dma_start3A_1018 : memref<10000x64xf32, #tpu.memory_space<vmem_shared>>) target(%arg13 : memref<128x64xf32, #tpu.memory_space<vmem>>) offsets(%dma_start3A_1015 : memref<128xi32, #tpu.memory_space<vmem>>) semaphore(%arg19 : memref<!tpu.dma_semaphore, #tpu.memory_space<semaphore_mem>>)
    %dma_wait3A_1019 = arith.constant 2 : i32
    %dma_wait3A_1020 = arith.constant 0 : i32
    %dma_wait3A_1021 = tpu.memref_slice %arg7[%dma_wait3A_1019, %dma_wait3A_1020] : memref<32x128xi32, #tpu.memory_space<vmem>> -> memref<1x128xi32, #tpu.memory_space<vmem>>
    %dma_wait3A_1022 = tpu.memref_squeeze %dma_wait3A_1021 : memref<1x128xi32, #tpu.memory_space<vmem>> -> memref<128xi32, #tpu.memory_space<vmem>>
    %dma_wait3A_1023 = arith.constant 0 : i32
    %dma_wait3A_1024 = arith.constant 0 : i32
    %dma_wait3A_1025 = tpu.memref_slice %arg14[%dma_wait3A_1023, %dma_wait3A_1024] : memref<10000x64xf32, #tpu.memory_space<vmem_shared>> -> memref<10000x64xf32, #tpu.memory_space<vmem_shared>>
    tpu.wait_indirect_dma semaphore(%arg18 : memref<!tpu.dma_semaphore, #tpu.memory_space<semaphore_mem>>) src(%dma_wait3A_1025 : memref<10000x64xf32, #tpu.memory_space<vmem_shared>>) dst(%arg12 : memref<128x64xf32, #tpu.memory_space<vmem>>)
    %dma_start3A_1026 = arith.constant 2 : i32
    %dma_start3A_1027 = arith.constant 0 : i32
    %dma_start3A_1028 = tpu.memref_slice %arg9[%dma_start3A_1026, %dma_start3A_1027] : memref<32x128xi32, #tpu.memory_space<vmem>> -> memref<1x128xi32, #tpu.memory_space<vmem>>
    %dma_start3A_1029 = tpu.memref_squeeze %dma_start3A_1028 : memref<1x128xi32, #tpu.memory_space<vmem>> -> memref<128xi32, #tpu.memory_space<vmem>>
    %dma_start3A_1030 = arith.constant 0 : i32
    %dma_start3A_1031 = arith.constant 0 : i32
    %dma_start3A_1032 = tpu.memref_slice %arg15[%dma_start3A_1030, %dma_start3A_1031] : memref<10240x64xf32, #tpu.memory_space<vmem_shared>> -> memref<10240x64xf32, #tpu.memory_space<vmem_shared>>
    tpu.enqueue_indirect_dma source(%arg12 : memref<128x64xf32, #tpu.memory_space<vmem>>) target(%dma_start3A_1032 : memref<10240x64xf32, #tpu.memory_space<vmem_shared>>) offsets(%dma_start3A_1029 : memref<128xi32, #tpu.memory_space<vmem>>) semaphore(%arg22 : memref<!tpu.dma_semaphore, #tpu.memory_space<semaphore_mem>>) {add = true}
    %dma_wait3A_1033 = arith.constant 0 : i32
    %dma_wait3A_1034 = arith.constant 0 : i32
    %dma_wait3A_1035 = tpu.memref_slice %arg9[%dma_wait3A_1033, %dma_wait3A_1034] : memref<32x128xi32, #tpu.memory_space<vmem>> -> memref<1x128xi32, #tpu.memory_space<vmem>>
    %dma_wait3A_1036 = tpu.memref_squeeze %dma_wait3A_1035 : memref<1x128xi32, #tpu.memory_space<vmem>> -> memref<128xi32, #tpu.memory_space<vmem>>
    %dma_wait3A_1037 = arith.constant 0 : i32
    %dma_wait3A_1038 = arith.constant 0 : i32
    %dma_wait3A_1039 = tpu.memref_slice %arg15[%dma_wait3A_1037, %dma_wait3A_1038] : memref<10240x64xf32, #tpu.memory_space<vmem_shared>> -> memref<10240x64xf32, #tpu.memory_space<vmem_shared>>
    tpu.wait_indirect_dma semaphore(%arg20 : memref<!tpu.dma_semaphore, #tpu.memory_space<semaphore_mem>>) src(%arg10 : memref<128x64xf32, #tpu.memory_space<vmem>>) dst(%dma_wait3A_1039 : memref<10240x64xf32, #tpu.memory_space<vmem_shared>>)
    %dma_start3A_1040 = arith.constant 4 : i32
    %dma_start3A_1041 = arith.constant 0 : i32
    %dma_start3A_1042 = tpu.memref_slice %arg7[%dma_start3A_1040, %dma_start3A_1041] : memref<32x128xi32, #tpu.memory_space<vmem>> -> memref<1x128xi32, #tpu.memory_space<vmem>>
    %dma_start3A_1043 = tpu.memref_squeeze %dma_start3A_1042 : memref<1x128xi32, #tpu.memory_space<vmem>> -> memref<128xi32, #tpu.memory_space<vmem>>
    %dma_start3A_1044 = arith.constant 0 : i32
    %dma_start3A_1045 = arith.constant 0 : i32
    %dma_start3A_1046 = tpu.memref_slice %arg14[%dma_start3A_1044, %dma_start3A_1045] : memref<10000x64xf32, #tpu.memory_space<vmem_shared>> -> memref<10000x64xf32, #tpu.memory_space<vmem_shared>>
    tpu.enqueue_indirect_dma source(%dma_start3A_1046 : memref<10000x64xf32, #tpu.memory_space<vmem_shared>>) target(%arg10 : memref<128x64xf32, #tpu.memory_space<vmem>>) offsets(%dma_start3A_1043 : memref<128xi32, #tpu.memory_space<vmem>>) semaphore(%arg16 : memref<!tpu.dma_semaphore, #tpu.memory_space<semaphore_mem>>)
    %dma_wait3A_1047 = arith.constant 3 : i32
    %dma_wait3A_1048 = arith.constant 0 : i32
    %dma_wait3A_1049 = tpu.memref_slice %arg7[%dma_wait3A_1047, %dma_wait3A_1048] : memref<32x128xi32, #tpu.memory_space<vmem>> -> memref<1x128xi32, #tpu.memory_space<vmem>>
    %dma_wait3A_1050 = tpu.memref_squeeze %dma_wait3A_1049 : memref<1x128xi32, #tpu.memory_space<vmem>> -> memref<128xi32, #tpu.memory_space<vmem>>
    %dma_wait3A_1051 = arith.constant 0 : i32
    %dma_wait3A_1052 = arith.constant 0 : i32
    %dma_wait3A_1053 = tpu.memref_slice %arg14[%dma_wait3A_1051, %dma_wait3A_1052] : memref<10000x64xf32, #tpu.memory_space<vmem_shared>> -> memref<10000x64xf32, #tpu.memory_space<vmem_shared>>
    tpu.wait_indirect_dma semaphore(%arg19 : memref<!tpu.dma_semaphore, #tpu.memory_space<semaphore_mem>>) src(%dma_wait3A_1053 : memref<10000x64xf32, #tpu.memory_space<vmem_shared>>) dst(%arg13 : memref<128x64xf32, #tpu.memory_space<vmem>>)
    %dma_start3A_1054 = arith.constant 3 : i32
    %dma_start3A_1055 = arith.constant 0 : i32
    %dma_start3A_1056 = tpu.memref_slice %arg9[%dma_start3A_1054, %dma_start3A_1055] : memref<32x128xi32, #tpu.memory_space<vmem>> -> memref<1x128xi32, #tpu.memory_space<vmem>>
    %dma_start3A_1057 = tpu.memref_squeeze %dma_start3A_1056 : memref<1x128xi32, #tpu.memory_space<vmem>> -> memref<128xi32, #tpu.memory_space<vmem>>
    %dma_start3A_1058 = arith.constant 0 : i32
    %dma_start3A_1059 = arith.constant 0 : i32
    %dma_start3A_1060 = tpu.memref_slice %arg15[%dma_start3A_1058, %dma_start3A_1059] : memref<10240x64xf32, #tpu.memory_space<vmem_shared>> -> memref<10240x64xf32, #tpu.memory_space<vmem_shared>>
    tpu.enqueue_indirect_dma source(%arg13 : memref<128x64xf32, #tpu.memory_space<vmem>>) target(%dma_start3A_1060 : memref<10240x64xf32, #tpu.memory_space<vmem_shared>>) offsets(%dma_start3A_1057 : memref<128xi32, #tpu.memory_space<vmem>>) semaphore(%arg23 : memref<!tpu.dma_semaphore, #tpu.memory_space<semaphore_mem>>) {add = true}
    %dma_wait3A_1061 = arith.constant 1 : i32
    %dma_wait3A_1062 = arith.constant 0 : i32
    %dma_wait3A_1063 = tpu.memref_slice %arg9[%dma_wait3A_1061, %dma_wait3A_1062] : memref<32x128xi32, #tpu.memory_space<vmem>> -> memref<1x128xi32, #tpu.memory_space<vmem>>
    %dma_wait3A_1064 = tpu.memref_squeeze %dma_wait3A_1063 : memref<1x128xi32, #tpu.memory_space<vmem>> -> memref<128xi32, #tpu.memory_space<vmem>>
    %dma_wait3A_1065 = arith.constant 0 : i32
    %dma_wait3A_1066 = arith.constant 0 : i32
    %dma_wait3A_1067 = tpu.memref_slice %arg15[%dma_wait3A_1065, %dma_wait3A_1066] : memref<10240x64xf32, #tpu.memory_space<vmem_shared>> -> memref<10240x64xf32, #tpu.memory_space<vmem_shared>>
    tpu.wait_indirect_dma semaphore(%arg21 : memref<!tpu.dma_semaphore, #tpu.memory_space<semaphore_mem>>) src(%arg11 : memref<128x64xf32, #tpu.memory_space<vmem>>) dst(%dma_wait3A_1067 : memref<10240x64xf32, #tpu.memory_space<vmem_shared>>)
    %dma_start3A_1068 = arith.constant 5 : i32
    %dma_start3A_1069 = arith.constant 0 : i32
    %dma_start3A_1070 = tpu.memref_slice %arg7[%dma_start3A_1068, %dma_start3A_1069] : memref<32x128xi32, #tpu.memory_space<vmem>> -> memref<1x128xi32, #tpu.memory_space<vmem>>
    %dma_start3A_1071 = tpu.memref_squeeze %dma_start3A_1070 : memref<1x128xi32, #tpu.memory_space<vmem>> -> memref<128xi32, #tpu.memory_space<vmem>>
    %dma_start3A_1072 = arith.constant 0 : i32
    %dma_start3A_1073 = arith.constant 0 : i32
    %dma_start3A_1074 = tpu.memref_slice %arg14[%dma_start3A_1072, %dma_start3A_1073] : memref<10000x64xf32, #tpu.memory_space<vmem_shared>> -> memref<10000x64xf32, #tpu.memory_space<vmem_shared>>
    tpu.enqueue_indirect_dma source(%dma_start3A_1074 : memref<10000x64xf32, #tpu.memory_space<vmem_shared>>) target(%arg11 : memref<128x64xf32, #tpu.memory_space<vmem>>) offsets(%dma_start3A_1071 : memref<128xi32, #tpu.memory_space<vmem>>) semaphore(%arg17 : memref<!tpu.dma_semaphore, #tpu.memory_space<semaphore_mem>>)
    %scan3A_1075 = arith.constant 0 : i32
    %scan3A_1076 = arith.constant 0 : i32
    %scan3A_1077 = arith.constant 6 : i32
    %scan3A_1078 = arith.addi %scan3A_1076, %scan3A_1077 : i32
    %scan3A_1079 = arith.constant 1 : i32
    scf.for %scan3A_1456 = %scan3A_1076 to %scan3A_1078 step %scan3A_1079  : i32 {
      %mul3A_1457 = arith.constant 4 : i32
      %mul3A_1458 = arith.muli %scan3A_1456, %mul3A_1457 : i32
      %add3A = arith.constant 4 : i32
      %add3A_1459 = arith.addi %add3A, %mul3A_1458 : i32
      %add3A_1460 = arith.constant 0 : i32
      %add3A_1461 = arith.addi %add3A_1459, %add3A_1460 : i32
      %dma_wait3A_1462 = arith.constant 0 : i32
      %dma_wait3A_1463 = tpu.memref_slice %arg7[%add3A_1461, %dma_wait3A_1462] : memref<32x128xi32, #tpu.memory_space<vmem>> -> memref<1x128xi32, #tpu.memory_space<vmem>>
      %dma_wait3A_1464 = tpu.memref_squeeze %dma_wait3A_1463 : memref<1x128xi32, #tpu.memory_space<vmem>> -> memref<128xi32, #tpu.memory_space<vmem>>
      %dma_wait3A_1465 = arith.constant 0 : i32
      %dma_wait3A_1466 = arith.constant 0 : i32
      %dma_wait3A_1467 = tpu.memref_slice %arg14[%dma_wait3A_1465, %dma_wait3A_1466] : memref<10000x64xf32, #tpu.memory_space<vmem_shared>> -> memref<10000x64xf32, #tpu.memory_space<vmem_shared>>
      tpu.wait_indirect_dma semaphore(%arg16 : memref<!tpu.dma_semaphore, #tpu.memory_space<semaphore_mem>>) src(%dma_wait3A_1467 : memref<10000x64xf32, #tpu.memory_space<vmem_shared>>) dst(%arg10 : memref<128x64xf32, #tpu.memory_space<vmem>>)
      %dma_start3A_1468 = arith.constant 0 : i32
      %dma_start3A_1469 = tpu.memref_slice %arg9[%add3A_1461, %dma_start3A_1468] : memref<32x128xi32, #tpu.memory_space<vmem>> -> memref<1x128xi32, #tpu.memory_space<vmem>>
      %dma_start3A_1470 = tpu.memref_squeeze %dma_start3A_1469 : memref<1x128xi32, #tpu.memory_space<vmem>> -> memref<128xi32, #tpu.memory_space<vmem>>
      %dma_start3A_1471 = arith.constant 0 : i32
      %dma_start3A_1472 = arith.constant 0 : i32
      %dma_start3A_1473 = tpu.memref_slice %arg15[%dma_start3A_1471, %dma_start3A_1472] : memref<10240x64xf32, #tpu.memory_space<vmem_shared>> -> memref<10240x64xf32, #tpu.memory_space<vmem_shared>>
      tpu.enqueue_indirect_dma source(%arg10 : memref<128x64xf32, #tpu.memory_space<vmem>>) target(%dma_start3A_1473 : memref<10240x64xf32, #tpu.memory_space<vmem_shared>>) offsets(%dma_start3A_1470 : memref<128xi32, #tpu.memory_space<vmem>>) semaphore(%arg20 : memref<!tpu.dma_semaphore, #tpu.memory_space<semaphore_mem>>) {add = true}
      %sub3A = arith.constant 2 : i32
      %sub3A_1474 = arith.subi %add3A_1461, %sub3A : i32
      %dma_wait3A_1475 = arith.constant 0 : i32
      %dma_wait3A_1476 = tpu.memref_slice %arg9[%sub3A_1474, %dma_wait3A_1475] : memref<32x128xi32, #tpu.memory_space<vmem>> -> memref<1x128xi32, #tpu.memory_space<vmem>>
      %dma_wait3A_1477 = tpu.memref_squeeze %dma_wait3A_1476 : memref<1x128xi32, #tpu.memory_space<vmem>> -> memref<128xi32, #tpu.memory_space<vmem>>
      %dma_wait3A_1478 = arith.constant 0 : i32
      %dma_wait3A_1479 = arith.constant 0 : i32
      %dma_wait3A_1480 = tpu.memref_slice %arg15[%dma_wait3A_1478, %dma_wait3A_1479] : memref<10240x64xf32, #tpu.memory_space<vmem_shared>> -> memref<10240x64xf32, #tpu.memory_space<vmem_shared>>
      tpu.wait_indirect_dma semaphore(%arg22 : memref<!tpu.dma_semaphore, #tpu.memory_space<semaphore_mem>>) src(%arg12 : memref<128x64xf32, #tpu.memory_space<vmem>>) dst(%dma_wait3A_1480 : memref<10240x64xf32, #tpu.memory_space<vmem_shared>>)
      %add3A_1481 = arith.constant 2 : i32
      %add3A_1482 = arith.addi %add3A_1461, %add3A_1481 : i32
      %dma_start3A_1483 = arith.constant 0 : i32
      %dma_start3A_1484 = tpu.memref_slice %arg7[%add3A_1482, %dma_start3A_1483] : memref<32x128xi32, #tpu.memory_space<vmem>> -> memref<1x128xi32, #tpu.memory_space<vmem>>
      %dma_start3A_1485 = tpu.memref_squeeze %dma_start3A_1484 : memref<1x128xi32, #tpu.memory_space<vmem>> -> memref<128xi32, #tpu.memory_space<vmem>>
      %dma_start3A_1486 = arith.constant 0 : i32
      %dma_start3A_1487 = arith.constant 0 : i32
      %dma_start3A_1488 = tpu.memref_slice %arg14[%dma_start3A_1486, %dma_start3A_1487] : memref<10000x64xf32, #tpu.memory_space<vmem_shared>> -> memref<10000x64xf32, #tpu.memory_space<vmem_shared>>
      tpu.enqueue_indirect_dma source(%dma_start3A_1488 : memref<10000x64xf32, #tpu.memory_space<vmem_shared>>) target(%arg12 : memref<128x64xf32, #tpu.memory_space<vmem>>) offsets(%dma_start3A_1485 : memref<128xi32, #tpu.memory_space<vmem>>) semaphore(%arg18 : memref<!tpu.dma_semaphore, #tpu.memory_space<semaphore_mem>>)
      %add3A_1489 = arith.constant 1 : i32
      %add3A_1490 = arith.addi %add3A_1459, %add3A_1489 : i32
      %dma_wait3A_1491 = arith.constant 0 : i32
      %dma_wait3A_1492 = tpu.memref_slice %arg7[%add3A_1490, %dma_wait3A_1491] : memref<32x128xi32, #tpu.memory_space<vmem>> -> memref<1x128xi32, #tpu.memory_space<vmem>>
      %dma_wait3A_1493 = tpu.memref_squeeze %dma_wait3A_1492 : memref<1x128xi32, #tpu.memory_space<vmem>> -> memref<128xi32, #tpu.memory_space<vmem>>
      %dma_wait3A_1494 = arith.constant 0 : i32
      %dma_wait3A_1495 = arith.constant 0 : i32
      %dma_wait3A_1496 = tpu.memref_slice %arg14[%dma_wait3A_1494, %dma_wait3A_1495] : memref<10000x64xf32, #tpu.memory_space<vmem_shared>> -> memref<10000x64xf32, #tpu.memory_space<vmem_shared>>
      tpu.wait_indirect_dma semaphore(%arg17 : memref<!tpu.dma_semaphore, #tpu.memory_space<semaphore_mem>>) src(%dma_wait3A_1496 : memref<10000x64xf32, #tpu.memory_space<vmem_shared>>) dst(%arg11 : memref<128x64xf32, #tpu.memory_space<vmem>>)
      %dma_start3A_1497 = arith.constant 0 : i32
      %dma_start3A_1498 = tpu.memref_slice %arg9[%add3A_1490, %dma_start3A_1497] : memref<32x128xi32, #tpu.memory_space<vmem>> -> memref<1x128xi32, #tpu.memory_space<vmem>>
      %dma_start3A_1499 = tpu.memref_squeeze %dma_start3A_1498 : memref<1x128xi32, #tpu.memory_space<vmem>> -> memref<128xi32, #tpu.memory_space<vmem>>
      %dma_start3A_1500 = arith.constant 0 : i32
      %dma_start3A_1501 = arith.constant 0 : i32
      %dma_start3A_1502 = tpu.memref_slice %arg15[%dma_start3A_1500, %dma_start3A_1501] : memref<10240x64xf32, #tpu.memory_space<vmem_shared>> -> memref<10240x64xf32, #tpu.memory_space<vmem_shared>>
      tpu.enqueue_indirect_dma source(%arg11 : memref<128x64xf32, #tpu.memory_space<vmem>>) target(%dma_start3A_1502 : memref<10240x64xf32, #tpu.memory_space<vmem_shared>>) offsets(%dma_start3A_1499 : memref<128xi32, #tpu.memory_space<vmem>>) semaphore(%arg21 : memref<!tpu.dma_semaphore, #tpu.memory_space<semaphore_mem>>) {add = true}
      %sub3A_1503 = arith.constant 2 : i32
      %sub3A_1504 = arith.subi %add3A_1490, %sub3A_1503 : i32
      %dma_wait3A_1505 = arith.constant 0 : i32
      %dma_wait3A_1506 = tpu.memref_slice %arg9[%sub3A_1504, %dma_wait3A_1505] : memref<32x128xi32, #tpu.memory_space<vmem>> -> memref<1x128xi32, #tpu.memory_space<vmem>>
      %dma_wait3A_1507 = tpu.memref_squeeze %dma_wait3A_1506 : memref<1x128xi32, #tpu.memory_space<vmem>> -> memref<128xi32, #tpu.memory_space<vmem>>
      %dma_wait3A_1508 = arith.constant 0 : i32
      %dma_wait3A_1509 = arith.constant 0 : i32
      %dma_wait3A_1510 = tpu.memref_slice %arg15[%dma_wait3A_1508, %dma_wait3A_1509] : memref<10240x64xf32, #tpu.memory_space<vmem_shared>> -> memref<10240x64xf32, #tpu.memory_space<vmem_shared>>
      tpu.wait_indirect_dma semaphore(%arg23 : memref<!tpu.dma_semaphore, #tpu.memory_space<semaphore_mem>>) src(%arg13 : memref<128x64xf32, #tpu.memory_space<vmem>>) dst(%dma_wait3A_1510 : memref<10240x64xf32, #tpu.memory_space<vmem_shared>>)
      %add3A_1511 = arith.constant 2 : i32
      %add3A_1512 = arith.addi %add3A_1490, %add3A_1511 : i32
      %dma_start3A_1513 = arith.constant 0 : i32
      %dma_start3A_1514 = tpu.memref_slice %arg7[%add3A_1512, %dma_start3A_1513] : memref<32x128xi32, #tpu.memory_space<vmem>> -> memref<1x128xi32, #tpu.memory_space<vmem>>
      %dma_start3A_1515 = tpu.memref_squeeze %dma_start3A_1514 : memref<1x128xi32, #tpu.memory_space<vmem>> -> memref<128xi32, #tpu.memory_space<vmem>>
      %dma_start3A_1516 = arith.constant 0 : i32
      %dma_start3A_1517 = arith.constant 0 : i32
      %dma_start3A_1518 = tpu.memref_slice %arg14[%dma_start3A_1516, %dma_start3A_1517] : memref<10000x64xf32, #tpu.memory_space<vmem_shared>> -> memref<10000x64xf32, #tpu.memory_space<vmem_shared>>
      tpu.enqueue_indirect_dma source(%dma_start3A_1518 : memref<10000x64xf32, #tpu.memory_space<vmem_shared>>) target(%arg13 : memref<128x64xf32, #tpu.memory_space<vmem>>) offsets(%dma_start3A_1515 : memref<128xi32, #tpu.memory_space<vmem>>) semaphore(%arg19 : memref<!tpu.dma_semaphore, #tpu.memory_space<semaphore_mem>>)
      %add3A_1519 = arith.constant 2 : i32
      %add3A_1520 = arith.addi %add3A_1459, %add3A_1519 : i32
      %dma_wait3A_1521 = arith.constant 0 : i32
      %dma_wait3A_1522 = tpu.memref_slice %arg7[%add3A_1520, %dma_wait3A_1521] : memref<32x128xi32, #tpu.memory_space<vmem>> -> memref<1x128xi32, #tpu.memory_space<vmem>>
      %dma_wait3A_1523 = tpu.memref_squeeze %dma_wait3A_1522 : memref<1x128xi32, #tpu.memory_space<vmem>> -> memref<128xi32, #tpu.memory_space<vmem>>
      %dma_wait3A_1524 = arith.constant 0 : i32
      %dma_wait3A_1525 = arith.constant 0 : i32
      %dma_wait3A_1526 = tpu.memref_slice %arg14[%dma_wait3A_1524, %dma_wait3A_1525] : memref<10000x64xf32, #tpu.memory_space<vmem_shared>> -> memref<10000x64xf32, #tpu.memory_space<vmem_shared>>
      tpu.wait_indirect_dma semaphore(%arg18 : memref<!tpu.dma_semaphore, #tpu.memory_space<semaphore_mem>>) src(%dma_wait3A_1526 : memref<10000x64xf32, #tpu.memory_space<vmem_shared>>) dst(%arg12 : memref<128x64xf32, #tpu.memory_space<vmem>>)
      %dma_start3A_1527 = arith.constant 0 : i32
      %dma_start3A_1528 = tpu.memref_slice %arg9[%add3A_1520, %dma_start3A_1527] : memref<32x128xi32, #tpu.memory_space<vmem>> -> memref<1x128xi32, #tpu.memory_space<vmem>>
      %dma_start3A_1529 = tpu.memref_squeeze %dma_start3A_1528 : memref<1x128xi32, #tpu.memory_space<vmem>> -> memref<128xi32, #tpu.memory_space<vmem>>
      %dma_start3A_1530 = arith.constant 0 : i32
      %dma_start3A_1531 = arith.constant 0 : i32
      %dma_start3A_1532 = tpu.memref_slice %arg15[%dma_start3A_1530, %dma_start3A_1531] : memref<10240x64xf32, #tpu.memory_space<vmem_shared>> -> memref<10240x64xf32, #tpu.memory_space<vmem_shared>>
      tpu.enqueue_indirect_dma source(%arg12 : memref<128x64xf32, #tpu.memory_space<vmem>>) target(%dma_start3A_1532 : memref<10240x64xf32, #tpu.memory_space<vmem_shared>>) offsets(%dma_start3A_1529 : memref<128xi32, #tpu.memory_space<vmem>>) semaphore(%arg22 : memref<!tpu.dma_semaphore, #tpu.memory_space<semaphore_mem>>) {add = true}
      %sub3A_1533 = arith.constant 2 : i32
      %sub3A_1534 = arith.subi %add3A_1520, %sub3A_1533 : i32
      %dma_wait3A_1535 = arith.constant 0 : i32
      %dma_wait3A_1536 = tpu.memref_slice %arg9[%sub3A_1534, %dma_wait3A_1535] : memref<32x128xi32, #tpu.memory_space<vmem>> -> memref<1x128xi32, #tpu.memory_space<vmem>>
      %dma_wait3A_1537 = tpu.memref_squeeze %dma_wait3A_1536 : memref<1x128xi32, #tpu.memory_space<vmem>> -> memref<128xi32, #tpu.memory_space<vmem>>
      %dma_wait3A_1538 = arith.constant 0 : i32
      %dma_wait3A_1539 = arith.constant 0 : i32
      %dma_wait3A_1540 = tpu.memref_slice %arg15[%dma_wait3A_1538, %dma_wait3A_1539] : memref<10240x64xf32, #tpu.memory_space<vmem_shared>> -> memref<10240x64xf32, #tpu.memory_space<vmem_shared>>
      tpu.wait_indirect_dma semaphore(%arg20 : memref<!tpu.dma_semaphore, #tpu.memory_space<semaphore_mem>>) src(%arg10 : memref<128x64xf32, #tpu.memory_space<vmem>>) dst(%dma_wait3A_1540 : memref<10240x64xf32, #tpu.memory_space<vmem_shared>>)
      %add3A_1541 = arith.constant 2 : i32
      %add3A_1542 = arith.addi %add3A_1520, %add3A_1541 : i32
      %dma_start3A_1543 = arith.constant 0 : i32
      %dma_start3A_1544 = tpu.memref_slice %arg7[%add3A_1542, %dma_start3A_1543] : memref<32x128xi32, #tpu.memory_space<vmem>> -> memref<1x128xi32, #tpu.memory_space<vmem>>
      %dma_start3A_1545 = tpu.memref_squeeze %dma_start3A_1544 : memref<1x128xi32, #tpu.memory_space<vmem>> -> memref<128xi32, #tpu.memory_space<vmem>>
      %dma_start3A_1546 = arith.constant 0 : i32
      %dma_start3A_1547 = arith.constant 0 : i32
      %dma_start3A_1548 = tpu.memref_slice %arg14[%dma_start3A_1546, %dma_start3A_1547] : memref<10000x64xf32, #tpu.memory_space<vmem_shared>> -> memref<10000x64xf32, #tpu.memory_space<vmem_shared>>
      tpu.enqueue_indirect_dma source(%dma_start3A_1548 : memref<10000x64xf32, #tpu.memory_space<vmem_shared>>) target(%arg10 : memref<128x64xf32, #tpu.memory_space<vmem>>) offsets(%dma_start3A_1545 : memref<128xi32, #tpu.memory_space<vmem>>) semaphore(%arg16 : memref<!tpu.dma_semaphore, #tpu.memory_space<semaphore_mem>>)
      %add3A_1549 = arith.constant 3 : i32
      %add3A_1550 = arith.addi %add3A_1459, %add3A_1549 : i32
      %dma_wait3A_1551 = arith.constant 0 : i32
      %dma_wait3A_1552 = tpu.memref_slice %arg7[%add3A_1550, %dma_wait3A_1551] : memref<32x128xi32, #tpu.memory_space<vmem>> -> memref<1x128xi32, #tpu.memory_space<vmem>>
      %dma_wait3A_1553 = tpu.memref_squeeze %dma_wait3A_1552 : memref<1x128xi32, #tpu.memory_space<vmem>> -> memref<128xi32, #tpu.memory_space<vmem>>
      %dma_wait3A_1554 = arith.constant 0 : i32
      %dma_wait3A_1555 = arith.constant 0 : i32
      %dma_wait3A_1556 = tpu.memref_slice %arg14[%dma_wait3A_1554, %dma_wait3A_1555] : memref<10000x64xf32, #tpu.memory_space<vmem_shared>> -> memref<10000x64xf32, #tpu.memory_space<vmem_shared>>
      tpu.wait_indirect_dma semaphore(%arg19 : memref<!tpu.dma_semaphore, #tpu.memory_space<semaphore_mem>>) src(%dma_wait3A_1556 : memref<10000x64xf32, #tpu.memory_space<vmem_shared>>) dst(%arg13 : memref<128x64xf32, #tpu.memory_space<vmem>>)
      %dma_start3A_1557 = arith.constant 0 : i32
      %dma_start3A_1558 = tpu.memref_slice %arg9[%add3A_1550, %dma_start3A_1557] : memref<32x128xi32, #tpu.memory_space<vmem>> -> memref<1x128xi32, #tpu.memory_space<vmem>>
      %dma_start3A_1559 = tpu.memref_squeeze %dma_start3A_1558 : memref<1x128xi32, #tpu.memory_space<vmem>> -> memref<128xi32, #tpu.memory_space<vmem>>
      %dma_start3A_1560 = arith.constant 0 : i32
      %dma_start3A_1561 = arith.constant 0 : i32
      %dma_start3A_1562 = tpu.memref_slice %arg15[%dma_start3A_1560, %dma_start3A_1561] : memref<10240x64xf32, #tpu.memory_space<vmem_shared>> -> memref<10240x64xf32, #tpu.memory_space<vmem_shared>>
      tpu.enqueue_indirect_dma source(%arg13 : memref<128x64xf32, #tpu.memory_space<vmem>>) target(%dma_start3A_1562 : memref<10240x64xf32, #tpu.memory_space<vmem_shared>>) offsets(%dma_start3A_1559 : memref<128xi32, #tpu.memory_space<vmem>>) semaphore(%arg23 : memref<!tpu.dma_semaphore, #tpu.memory_space<semaphore_mem>>) {add = true}
      %sub3A_1563 = arith.constant 2 : i32
      %sub3A_1564 = arith.subi %add3A_1550, %sub3A_1563 : i32
      %dma_wait3A_1565 = arith.constant 0 : i32
      %dma_wait3A_1566 = tpu.memref_slice %arg9[%sub3A_1564, %dma_wait3A_1565] : memref<32x128xi32, #tpu.memory_space<vmem>> -> memref<1x128xi32, #tpu.memory_space<vmem>>
      %dma_wait3A_1567 = tpu.memref_squeeze %dma_wait3A_1566 : memref<1x128xi32, #tpu.memory_space<vmem>> -> memref<128xi32, #tpu.memory_space<vmem>>
      %dma_wait3A_1568 = arith.constant 0 : i32
      %dma_wait3A_1569 = arith.constant 0 : i32
      %dma_wait3A_1570 = tpu.memref_slice %arg15[%dma_wait3A_1568, %dma_wait3A_1569] : memref<10240x64xf32, #tpu.memory_space<vmem_shared>> -> memref<10240x64xf32, #tpu.memory_space<vmem_shared>>
      tpu.wait_indirect_dma semaphore(%arg21 : memref<!tpu.dma_semaphore, #tpu.memory_space<semaphore_mem>>) src(%arg11 : memref<128x64xf32, #tpu.memory_space<vmem>>) dst(%dma_wait3A_1570 : memref<10240x64xf32, #tpu.memory_space<vmem_shared>>)
      %add3A_1571 = arith.constant 2 : i32
      %add3A_1572 = arith.addi %add3A_1550, %add3A_1571 : i32
      %dma_start3A_1573 = arith.constant 0 : i32
      %dma_start3A_1574 = tpu.memref_slice %arg7[%add3A_1572, %dma_start3A_1573] : memref<32x128xi32, #tpu.memory_space<vmem>> -> memref<1x128xi32, #tpu.memory_space<vmem>>
      %dma_start3A_1575 = tpu.memref_squeeze %dma_start3A_1574 : memref<1x128xi32, #tpu.memory_space<vmem>> -> memref<128xi32, #tpu.memory_space<vmem>>
      %dma_start3A_1576 = arith.constant 0 : i32
      %dma_start3A_1577 = arith.constant 0 : i32
      %dma_start3A_1578 = tpu.memref_slice %arg14[%dma_start3A_1576, %dma_start3A_1577] : memref<10000x64xf32, #tpu.memory_space<vmem_shared>> -> memref<10000x64xf32, #tpu.memory_space<vmem_shared>>
      tpu.enqueue_indirect_dma source(%dma_start3A_1578 : memref<10000x64xf32, #tpu.memory_space<vmem_shared>>) target(%arg11 : memref<128x64xf32, #tpu.memory_space<vmem>>) offsets(%dma_start3A_1575 : memref<128xi32, #tpu.memory_space<vmem>>) semaphore(%arg17 : memref<!tpu.dma_semaphore, #tpu.memory_space<semaphore_mem>>)
    }
    %scan3A_1080 = arith.constant 6 : i32
    %dma_wait3A_1081 = arith.constant 28 : i32
    %dma_wait3A_1082 = arith.constant 0 : i32
    %dma_wait3A_1083 = tpu.memref_slice %arg7[%dma_wait3A_1081, %dma_wait3A_1082] : memref<32x128xi32, #tpu.memory_space<vmem>> -> memref<1x128xi32, #tpu.memory_space<vmem>>
    %dma_wait3A_1084 = tpu.memref_squeeze %dma_wait3A_1083 : memref<1x128xi32, #tpu.memory_space<vmem>> -> memref<128xi32, #tpu.memory_space<vmem>>
    %dma_wait3A_1085 = arith.constant 0 : i32
    %dma_wait3A_1086 = arith.constant 0 : i32
    %dma_wait3A_1087 = tpu.memref_slice %arg14[%dma_wait3A_1085, %dma_wait3A_1086] : memref<10000x64xf32, #tpu.memory_space<vmem_shared>> -> memref<10000x64xf32, #tpu.memory_space<vmem_shared>>
    tpu.wait_indirect_dma semaphore(%arg16 : memref<!tpu.dma_semaphore, #tpu.memory_space<semaphore_mem>>) src(%dma_wait3A_1087 : memref<10000x64xf32, #tpu.memory_space<vmem_shared>>) dst(%arg10 : memref<128x64xf32, #tpu.memory_space<vmem>>)
    %dma_start3A_1088 = arith.constant 28 : i32
    %dma_start3A_1089 = arith.constant 0 : i32
    %dma_start3A_1090 = tpu.memref_slice %arg9[%dma_start3A_1088, %dma_start3A_1089] : memref<32x128xi32, #tpu.memory_space<vmem>> -> memref<1x128xi32, #tpu.memory_space<vmem>>
    %dma_start3A_1091 = tpu.memref_squeeze %dma_start3A_1090 : memref<1x128xi32, #tpu.memory_space<vmem>> -> memref<128xi32, #tpu.memory_space<vmem>>
    %dma_start3A_1092 = arith.constant 0 : i32
    %dma_start3A_1093 = arith.constant 0 : i32
    %dma_start3A_1094 = tpu.memref_slice %arg15[%dma_start3A_1092, %dma_start3A_1093] : memref<10240x64xf32, #tpu.memory_space<vmem_shared>> -> memref<10240x64xf32, #tpu.memory_space<vmem_shared>>
    tpu.enqueue_indirect_dma source(%arg10 : memref<128x64xf32, #tpu.memory_space<vmem>>) target(%dma_start3A_1094 : memref<10240x64xf32, #tpu.memory_space<vmem_shared>>) offsets(%dma_start3A_1091 : memref<128xi32, #tpu.memory_space<vmem>>) semaphore(%arg20 : memref<!tpu.dma_semaphore, #tpu.memory_space<semaphore_mem>>) {add = true}
    %dma_wait3A_1095 = arith.constant 26 : i32
    %dma_wait3A_1096 = arith.constant 0 : i32
    %dma_wait3A_1097 = tpu.memref_slice %arg9[%dma_wait3A_1095, %dma_wait3A_1096] : memref<32x128xi32, #tpu.memory_space<vmem>> -> memref<1x128xi32, #tpu.memory_space<vmem>>
    %dma_wait3A_1098 = tpu.memref_squeeze %dma_wait3A_1097 : memref<1x128xi32, #tpu.memory_space<vmem>> -> memref<128xi32, #tpu.memory_space<vmem>>
    %dma_wait3A_1099 = arith.constant 0 : i32
    %dma_wait3A_1100 = arith.constant 0 : i32
    %dma_wait3A_1101 = tpu.memref_slice %arg15[%dma_wait3A_1099, %dma_wait3A_1100] : memref<10240x64xf32, #tpu.memory_space<vmem_shared>> -> memref<10240x64xf32, #tpu.memory_space<vmem_shared>>
    tpu.wait_indirect_dma semaphore(%arg22 : memref<!tpu.dma_semaphore, #tpu.memory_space<semaphore_mem>>) src(%arg12 : memref<128x64xf32, #tpu.memory_space<vmem>>) dst(%dma_wait3A_1101 : memref<10240x64xf32, #tpu.memory_space<vmem_shared>>)
    %dma_start3A_1102 = arith.constant 30 : i32
    %dma_start3A_1103 = arith.constant 0 : i32
    %dma_start3A_1104 = tpu.memref_slice %arg7[%dma_start3A_1102, %dma_start3A_1103] : memref<32x128xi32, #tpu.memory_space<vmem>> -> memref<1x128xi32, #tpu.memory_space<vmem>>
    %dma_start3A_1105 = tpu.memref_squeeze %dma_start3A_1104 : memref<1x128xi32, #tpu.memory_space<vmem>> -> memref<128xi32, #tpu.memory_space<vmem>>
    %dma_start3A_1106 = arith.constant 0 : i32
    %dma_start3A_1107 = arith.constant 0 : i32
    %dma_start3A_1108 = tpu.memref_slice %arg14[%dma_start3A_1106, %dma_start3A_1107] : memref<10000x64xf32, #tpu.memory_space<vmem_shared>> -> memref<10000x64xf32, #tpu.memory_space<vmem_shared>>
    tpu.enqueue_indirect_dma source(%dma_start3A_1108 : memref<10000x64xf32, #tpu.memory_space<vmem_shared>>) target(%arg12 : memref<128x64xf32, #tpu.memory_space<vmem>>) offsets(%dma_start3A_1105 : memref<128xi32, #tpu.memory_space<vmem>>) semaphore(%arg18 : memref<!tpu.dma_semaphore, #tpu.memory_space<semaphore_mem>>)
    %dma_wait3A_1109 = arith.constant 29 : i32
    %dma_wait3A_1110 = arith.constant 0 : i32
    %dma_wait3A_1111 = tpu.memref_slice %arg7[%dma_wait3A_1109, %dma_wait3A_1110] : memref<32x128xi32, #tpu.memory_space<vmem>> -> memref<1x128xi32, #tpu.memory_space<vmem>>
    %dma_wait3A_1112 = tpu.memref_squeeze %dma_wait3A_1111 : memref<1x128xi32, #tpu.memory_space<vmem>> -> memref<128xi32, #tpu.memory_space<vmem>>
    %dma_wait3A_1113 = arith.constant 0 : i32
    %dma_wait3A_1114 = arith.constant 0 : i32
    %dma_wait3A_1115 = tpu.memref_slice %arg14[%dma_wait3A_1113, %dma_wait3A_1114] : memref<10000x64xf32, #tpu.memory_space<vmem_shared>> -> memref<10000x64xf32, #tpu.memory_space<vmem_shared>>
    tpu.wait_indirect_dma semaphore(%arg17 : memref<!tpu.dma_semaphore, #tpu.memory_space<semaphore_mem>>) src(%dma_wait3A_1115 : memref<10000x64xf32, #tpu.memory_space<vmem_shared>>) dst(%arg11 : memref<128x64xf32, #tpu.memory_space<vmem>>)
    %dma_start3A_1116 = arith.constant 29 : i32
    %dma_start3A_1117 = arith.constant 0 : i32
    %dma_start3A_1118 = tpu.memref_slice %arg9[%dma_start3A_1116, %dma_start3A_1117] : memref<32x128xi32, #tpu.memory_space<vmem>> -> memref<1x128xi32, #tpu.memory_space<vmem>>
    %dma_start3A_1119 = tpu.memref_squeeze %dma_start3A_1118 : memref<1x128xi32, #tpu.memory_space<vmem>> -> memref<128xi32, #tpu.memory_space<vmem>>
    %dma_start3A_1120 = arith.constant 0 : i32
    %dma_start3A_1121 = arith.constant 0 : i32
    %dma_start3A_1122 = tpu.memref_slice %arg15[%dma_start3A_1120, %dma_start3A_1121] : memref<10240x64xf32, #tpu.memory_space<vmem_shared>> -> memref<10240x64xf32, #tpu.memory_space<vmem_shared>>
    tpu.enqueue_indirect_dma source(%arg11 : memref<128x64xf32, #tpu.memory_space<vmem>>) target(%dma_start3A_1122 : memref<10240x64xf32, #tpu.memory_space<vmem_shared>>) offsets(%dma_start3A_1119 : memref<128xi32, #tpu.memory_space<vmem>>) semaphore(%arg21 : memref<!tpu.dma_semaphore, #tpu.memory_space<semaphore_mem>>) {add = true}
    %dma_wait3A_1123 = arith.constant 27 : i32
    %dma_wait3A_1124 = arith.constant 0 : i32
    %dma_wait3A_1125 = tpu.memref_slice %arg9[%dma_wait3A_1123, %dma_wait3A_1124] : memref<32x128xi32, #tpu.memory_space<vmem>> -> memref<1x128xi32, #tpu.memory_space<vmem>>
    %dma_wait3A_1126 = tpu.memref_squeeze %dma_wait3A_1125 : memref<1x128xi32, #tpu.memory_space<vmem>> -> memref<128xi32, #tpu.memory_space<vmem>>
    %dma_wait3A_1127 = arith.constant 0 : i32
    %dma_wait3A_1128 = arith.constant 0 : i32
    %dma_wait3A_1129 = tpu.memref_slice %arg15[%dma_wait3A_1127, %dma_wait3A_1128] : memref<10240x64xf32, #tpu.memory_space<vmem_shared>> -> memref<10240x64xf32, #tpu.memory_space<vmem_shared>>
    tpu.wait_indirect_dma semaphore(%arg23 : memref<!tpu.dma_semaphore, #tpu.memory_space<semaphore_mem>>) src(%arg13 : memref<128x64xf32, #tpu.memory_space<vmem>>) dst(%dma_wait3A_1129 : memref<10240x64xf32, #tpu.memory_space<vmem_shared>>)
    %dma_start3A_1130 = arith.constant 31 : i32
    %dma_start3A_1131 = arith.constant 0 : i32
    %dma_start3A_1132 = tpu.memref_slice %arg7[%dma_start3A_1130, %dma_start3A_1131] : memref<32x128xi32, #tpu.memory_space<vmem>> -> memref<1x128xi32, #tpu.memory_space<vmem>>
    %dma_start3A_1133 = tpu.memref_squeeze %dma_start3A_1132 : memref<1x128xi32, #tpu.memory_space<vmem>> -> memref<128xi32, #tpu.memory_space<vmem>>
    %dma_start3A_1134 = arith.constant 0 : i32
    %dma_start3A_1135 = arith.constant 0 : i32
    %dma_start3A_1136 = tpu.memref_slice %arg14[%dma_start3A_1134, %dma_start3A_1135] : memref<10000x64xf32, #tpu.memory_space<vmem_shared>> -> memref<10000x64xf32, #tpu.memory_space<vmem_shared>>
    tpu.enqueue_indirect_dma source(%dma_start3A_1136 : memref<10000x64xf32, #tpu.memory_space<vmem_shared>>) target(%arg13 : memref<128x64xf32, #tpu.memory_space<vmem>>) offsets(%dma_start3A_1133 : memref<128xi32, #tpu.memory_space<vmem>>) semaphore(%arg19 : memref<!tpu.dma_semaphore, #tpu.memory_space<semaphore_mem>>)
    %dma_wait3A_1137 = arith.constant 30 : i32
    %dma_wait3A_1138 = arith.constant 0 : i32
    %dma_wait3A_1139 = tpu.memref_slice %arg7[%dma_wait3A_1137, %dma_wait3A_1138] : memref<32x128xi32, #tpu.memory_space<vmem>> -> memref<1x128xi32, #tpu.memory_space<vmem>>
    %dma_wait3A_1140 = tpu.memref_squeeze %dma_wait3A_1139 : memref<1x128xi32, #tpu.memory_space<vmem>> -> memref<128xi32, #tpu.memory_space<vmem>>
    %dma_wait3A_1141 = arith.constant 0 : i32
    %dma_wait3A_1142 = arith.constant 0 : i32
    %dma_wait3A_1143 = tpu.memref_slice %arg14[%dma_wait3A_1141, %dma_wait3A_1142] : memref<10000x64xf32, #tpu.memory_space<vmem_shared>> -> memref<10000x64xf32, #tpu.memory_space<vmem_shared>>
    tpu.wait_indirect_dma semaphore(%arg18 : memref<!tpu.dma_semaphore, #tpu.memory_space<semaphore_mem>>) src(%dma_wait3A_1143 : memref<10000x64xf32, #tpu.memory_space<vmem_shared>>) dst(%arg12 : memref<128x64xf32, #tpu.memory_space<vmem>>)
    %dma_start3A_1144 = arith.constant 30 : i32
    %dma_start3A_1145 = arith.constant 0 : i32
    %dma_start3A_1146 = tpu.memref_slice %arg9[%dma_start3A_1144, %dma_start3A_1145] : memref<32x128xi32, #tpu.memory_space<vmem>> -> memref<1x128xi32, #tpu.memory_space<vmem>>
    %dma_start3A_1147 = tpu.memref_squeeze %dma_start3A_1146 : memref<1x128xi32, #tpu.memory_space<vmem>> -> memref<128xi32, #tpu.memory_space<vmem>>
    %dma_start3A_1148 = arith.constant 0 : i32
    %dma_start3A_1149 = arith.constant 0 : i32
    %dma_start3A_1150 = tpu.memref_slice %arg15[%dma_start3A_1148, %dma_start3A_1149] : memref<10240x64xf32, #tpu.memory_space<vmem_shared>> -> memref<10240x64xf32, #tpu.memory_space<vmem_shared>>
    tpu.enqueue_indirect_dma source(%arg12 : memref<128x64xf32, #tpu.memory_space<vmem>>) target(%dma_start3A_1150 : memref<10240x64xf32, #tpu.memory_space<vmem_shared>>) offsets(%dma_start3A_1147 : memref<128xi32, #tpu.memory_space<vmem>>) semaphore(%arg22 : memref<!tpu.dma_semaphore, #tpu.memory_space<semaphore_mem>>) {add = true}
    %dma_wait3A_1151 = arith.constant 28 : i32
    %dma_wait3A_1152 = arith.constant 0 : i32
    %dma_wait3A_1153 = tpu.memref_slice %arg9[%dma_wait3A_1151, %dma_wait3A_1152] : memref<32x128xi32, #tpu.memory_space<vmem>> -> memref<1x128xi32, #tpu.memory_space<vmem>>
    %dma_wait3A_1154 = tpu.memref_squeeze %dma_wait3A_1153 : memref<1x128xi32, #tpu.memory_space<vmem>> -> memref<128xi32, #tpu.memory_space<vmem>>
    %dma_wait3A_1155 = arith.constant 0 : i32
    %dma_wait3A_1156 = arith.constant 0 : i32
    %dma_wait3A_1157 = tpu.memref_slice %arg15[%dma_wait3A_1155, %dma_wait3A_1156] : memref<10240x64xf32, #tpu.memory_space<vmem_shared>> -> memref<10240x64xf32, #tpu.memory_space<vmem_shared>>
    tpu.wait_indirect_dma semaphore(%arg20 : memref<!tpu.dma_semaphore, #tpu.memory_space<semaphore_mem>>) src(%arg10 : memref<128x64xf32, #tpu.memory_space<vmem>>) dst(%dma_wait3A_1157 : memref<10240x64xf32, #tpu.memory_space<vmem_shared>>)
    %dma_wait3A_1158 = arith.constant 31 : i32
    %dma_wait3A_1159 = arith.constant 0 : i32
    %dma_wait3A_1160 = tpu.memref_slice %arg7[%dma_wait3A_1158, %dma_wait3A_1159] : memref<32x128xi32, #tpu.memory_space<vmem>> -> memref<1x128xi32, #tpu.memory_space<vmem>>
    %dma_wait3A_1161 = tpu.memref_squeeze %dma_wait3A_1160 : memref<1x128xi32, #tpu.memory_space<vmem>> -> memref<128xi32, #tpu.memory_space<vmem>>
    %dma_wait3A_1162 = arith.constant 0 : i32
    %dma_wait3A_1163 = arith.constant 0 : i32
    %dma_wait3A_1164 = tpu.memref_slice %arg14[%dma_wait3A_1162, %dma_wait3A_1163] : memref<10000x64xf32, #tpu.memory_space<vmem_shared>> -> memref<10000x64xf32, #tpu.memory_space<vmem_shared>>
    tpu.wait_indirect_dma semaphore(%arg19 : memref<!tpu.dma_semaphore, #tpu.memory_space<semaphore_mem>>) src(%dma_wait3A_1164 : memref<10000x64xf32, #tpu.memory_space<vmem_shared>>) dst(%arg13 : memref<128x64xf32, #tpu.memory_space<vmem>>)
    %dma_start3A_1165 = arith.constant 31 : i32
    %dma_start3A_1166 = arith.constant 0 : i32
    %dma_start3A_1167 = tpu.memref_slice %arg9[%dma_start3A_1165, %dma_start3A_1166] : memref<32x128xi32, #tpu.memory_space<vmem>> -> memref<1x128xi32, #tpu.memory_space<vmem>>
    %dma_start3A_1168 = tpu.memref_squeeze %dma_start3A_1167 : memref<1x128xi32, #tpu.memory_space<vmem>> -> memref<128xi32, #tpu.memory_space<vmem>>
    %dma_start3A_1169 = arith.constant 0 : i32
    %dma_start3A_1170 = arith.constant 0 : i32
    %dma_start3A_1171 = tpu.memref_slice %arg15[%dma_start3A_1169, %dma_start3A_1170] : memref<10240x64xf32, #tpu.memory_space<vmem_shared>> -> memref<10240x64xf32, #tpu.memory_space<vmem_shared>>
    tpu.enqueue_indirect_dma source(%arg13 : memref<128x64xf32, #tpu.memory_space<vmem>>) target(%dma_start3A_1171 : memref<10240x64xf32, #tpu.memory_space<vmem_shared>>) offsets(%dma_start3A_1168 : memref<128xi32, #tpu.memory_space<vmem>>) semaphore(%arg23 : memref<!tpu.dma_semaphore, #tpu.memory_space<semaphore_mem>>) {add = true}
    %dma_wait3A_1172 = arith.constant 29 : i32
    %dma_wait3A_1173 = arith.constant 0 : i32
    %dma_wait3A_1174 = tpu.memref_slice %arg9[%dma_wait3A_1172, %dma_wait3A_1173] : memref<32x128xi32, #tpu.memory_space<vmem>> -> memref<1x128xi32, #tpu.memory_space<vmem>>
    %dma_wait3A_1175 = tpu.memref_squeeze %dma_wait3A_1174 : memref<1x128xi32, #tpu.memory_space<vmem>> -> memref<128xi32, #tpu.memory_space<vmem>>
    %dma_wait3A_1176 = arith.constant 0 : i32
    %dma_wait3A_1177 = arith.constant 0 : i32
    %dma_wait3A_1178 = tpu.memref_slice %arg15[%dma_wait3A_1176, %dma_wait3A_1177] : memref<10240x64xf32, #tpu.memory_space<vmem_shared>> -> memref<10240x64xf32, #tpu.memory_space<vmem_shared>>
    tpu.wait_indirect_dma semaphore(%arg21 : memref<!tpu.dma_semaphore, #tpu.memory_space<semaphore_mem>>) src(%arg11 : memref<128x64xf32, #tpu.memory_space<vmem>>) dst(%dma_wait3A_1178 : memref<10240x64xf32, #tpu.memory_space<vmem_shared>>)
    %dma_wait3A_1179 = arith.constant 30 : i32
    %dma_wait3A_1180 = arith.constant 0 : i32
    %dma_wait3A_1181 = tpu.memref_slice %arg9[%dma_wait3A_1179, %dma_wait3A_1180] : memref<32x128xi32, #tpu.memory_space<vmem>> -> memref<1x128xi32, #tpu.memory_space<vmem>>
    %dma_wait3A_1182 = tpu.memref_squeeze %dma_wait3A_1181 : memref<1x128xi32, #tpu.memory_space<vmem>> -> memref<128xi32, #tpu.memory_space<vmem>>
    %dma_wait3A_1183 = arith.constant 0 : i32
    %dma_wait3A_1184 = arith.constant 0 : i32
    %dma_wait3A_1185 = tpu.memref_slice %arg15[%dma_wait3A_1183, %dma_wait3A_1184] : memref<10240x64xf32, #tpu.memory_space<vmem_shared>> -> memref<10240x64xf32, #tpu.memory_space<vmem_shared>>
    tpu.wait_indirect_dma semaphore(%arg22 : memref<!tpu.dma_semaphore, #tpu.memory_space<semaphore_mem>>) src(%arg12 : memref<128x64xf32, #tpu.memory_space<vmem>>) dst(%dma_wait3A_1185 : memref<10240x64xf32, #tpu.memory_space<vmem_shared>>)
    %dma_wait3A_1186 = arith.constant 31 : i32
    %dma_wait3A_1187 = arith.constant 0 : i32
    %dma_wait3A_1188 = tpu.memref_slice %arg9[%dma_wait3A_1186, %dma_wait3A_1187] : memref<32x128xi32, #tpu.memory_space<vmem>> -> memref<1x128xi32, #tpu.memory_space<vmem>>
    %dma_wait3A_1189 = tpu.memref_squeeze %dma_wait3A_1188 : memref<1x128xi32, #tpu.memory_space<vmem>> -> memref<128xi32, #tpu.memory_space<vmem>>
    %dma_wait3A_1190 = arith.constant 0 : i32
    %dma_wait3A_1191 = arith.constant 0 : i32
    %dma_wait3A_1192 = tpu.memref_slice %arg15[%dma_wait3A_1190, %dma_wait3A_1191] : memref<10240x64xf32, #tpu.memory_space<vmem_shared>> -> memref<10240x64xf32, #tpu.memory_space<vmem_shared>>
    tpu.wait_indirect_dma semaphore(%arg23 : memref<!tpu.dma_semaphore, #tpu.memory_space<semaphore_mem>>) src(%arg13 : memref<128x64xf32, #tpu.memory_space<vmem>>) dst(%dma_wait3A_1192 : memref<10240x64xf32, #tpu.memory_space<vmem_shared>>)
    %dma_wait3A_1193 = arith.constant 0 : i32
    %dma_wait3A_1194 = arith.constant 0 : i32
    %dma_wait3A_1195 = tpu.memref_slice %arg3[%arg1, %dma_wait3A_1193, %dma_wait3A_1194] : memref<16x160x128xi32, #tpu.memory_space<hbm>> -> memref<1x160x128xi32, #tpu.memory_space<hbm>>
    %dma_wait3A_1196 = tpu.memref_squeeze %dma_wait3A_1195 : memref<1x160x128xi32, #tpu.memory_space<hbm>> -> memref<160x128xi32, #tpu.memory_space<hbm>>
    %dma_wait3A_1197 = arith.constant 128 : i32
    %dma_wait3A_1198 = arith.constant 0 : i32
    %dma_wait3A_1199 = tpu.memref_slice %dma_wait3A_1196[%dma_wait3A_1197, %dma_wait3A_1198] : memref<160x128xi32, #tpu.memory_space<hbm>> -> memref<32x128xi32, #tpu.memory_space<hbm>>
    %dma_wait3A_1200 = arith.constant 0 : i32
    %dma_wait3A_1201 = arith.constant 0 : i32
    %dma_wait3A_1202 = tpu.memref_slice %arg3[%arg1, %dma_wait3A_1200, %dma_wait3A_1201] : memref<16x160x128xi32, #tpu.memory_space<hbm>> -> memref<1x160x128xi32, #tpu.memory_space<hbm>>
    %dma_wait3A_1203 = tpu.memref_squeeze %dma_wait3A_1202 : memref<1x160x128xi32, #tpu.memory_space<hbm>> -> memref<160x128xi32, #tpu.memory_space<hbm>>
    %dma_wait3A_1204 = arith.constant 128 : i32
    %dma_wait3A_1205 = arith.constant 0 : i32
    %dma_wait3A_1206 = tpu.memref_slice %dma_wait3A_1203[%dma_wait3A_1204, %dma_wait3A_1205] : memref<160x128xi32, #tpu.memory_space<hbm>> -> memref<32x128xi32, #tpu.memory_space<hbm>>
    tpu.wait_dma2 semaphore(%arg24 : memref<!tpu.dma_semaphore, #tpu.memory_space<semaphore_mem>>) src(%dma_wait3A_1206 : memref<32x128xi32, #tpu.memory_space<hbm>>) dst(%arg6 : memref<32x128xi32, #tpu.memory_space<vmem>>)
    %dma_wait3A_1207 = arith.constant 0 : i32
    %dma_wait3A_1208 = arith.constant 0 : i32
    %dma_wait3A_1209 = tpu.memref_slice %arg4[%arg1, %dma_wait3A_1207, %dma_wait3A_1208] : memref<16x160x128xi32, #tpu.memory_space<hbm>> -> memref<1x160x128xi32, #tpu.memory_space<hbm>>
    %dma_wait3A_1210 = tpu.memref_squeeze %dma_wait3A_1209 : memref<1x160x128xi32, #tpu.memory_space<hbm>> -> memref<160x128xi32, #tpu.memory_space<hbm>>
    %dma_wait3A_1211 = arith.constant 128 : i32
    %dma_wait3A_1212 = arith.constant 0 : i32
    %dma_wait3A_1213 = tpu.memref_slice %dma_wait3A_1210[%dma_wait3A_1211, %dma_wait3A_1212] : memref<160x128xi32, #tpu.memory_space<hbm>> -> memref<32x128xi32, #tpu.memory_space<hbm>>
    %dma_wait3A_1214 = arith.constant 0 : i32
    %dma_wait3A_1215 = arith.constant 0 : i32
    %dma_wait3A_1216 = tpu.memref_slice %arg4[%arg1, %dma_wait3A_1214, %dma_wait3A_1215] : memref<16x160x128xi32, #tpu.memory_space<hbm>> -> memref<1x160x128xi32, #tpu.memory_space<hbm>>
    %dma_wait3A_1217 = tpu.memref_squeeze %dma_wait3A_1216 : memref<1x160x128xi32, #tpu.memory_space<hbm>> -> memref<160x128xi32, #tpu.memory_space<hbm>>
    %dma_wait3A_1218 = arith.constant 128 : i32
    %dma_wait3A_1219 = arith.constant 0 : i32
    %dma_wait3A_1220 = tpu.memref_slice %dma_wait3A_1217[%dma_wait3A_1218, %dma_wait3A_1219] : memref<160x128xi32, #tpu.memory_space<hbm>> -> memref<32x128xi32, #tpu.memory_space<hbm>>
    tpu.wait_dma2 semaphore(%arg24 : memref<!tpu.dma_semaphore, #tpu.memory_space<semaphore_mem>>) src(%dma_wait3A_1220 : memref<32x128xi32, #tpu.memory_space<hbm>>) dst(%arg8 : memref<32x128xi32, #tpu.memory_space<vmem>>)
    %dma_start3A_1221 = arith.constant 0 : i32
    %dma_start3A_1222 = arith.constant 0 : i32
    %dma_start3A_1223 = tpu.memref_slice %arg6[%dma_start3A_1221, %dma_start3A_1222] : memref<32x128xi32, #tpu.memory_space<vmem>> -> memref<1x128xi32, #tpu.memory_space<vmem>>
    %dma_start3A_1224 = tpu.memref_squeeze %dma_start3A_1223 : memref<1x128xi32, #tpu.memory_space<vmem>> -> memref<128xi32, #tpu.memory_space<vmem>>
    %dma_start3A_1225 = arith.constant 0 : i32
    %dma_start3A_1226 = arith.constant 0 : i32
    %dma_start3A_1227 = tpu.memref_slice %arg14[%dma_start3A_1225, %dma_start3A_1226] : memref<10000x64xf32, #tpu.memory_space<vmem_shared>> -> memref<10000x64xf32, #tpu.memory_space<vmem_shared>>
    tpu.enqueue_indirect_dma source(%dma_start3A_1227 : memref<10000x64xf32, #tpu.memory_space<vmem_shared>>) target(%arg10 : memref<128x64xf32, #tpu.memory_space<vmem>>) offsets(%dma_start3A_1224 : memref<128xi32, #tpu.memory_space<vmem>>) semaphore(%arg16 : memref<!tpu.dma_semaphore, #tpu.memory_space<semaphore_mem>>)
    %dma_start3A_1228 = arith.constant 1 : i32
    %dma_start3A_1229 = arith.constant 0 : i32
    %dma_start3A_1230 = tpu.memref_slice %arg6[%dma_start3A_1228, %dma_start3A_1229] : memref<32x128xi32, #tpu.memory_space<vmem>> -> memref<1x128xi32, #tpu.memory_space<vmem>>
    %dma_start3A_1231 = tpu.memref_squeeze %dma_start3A_1230 : memref<1x128xi32, #tpu.memory_space<vmem>> -> memref<128xi32, #tpu.memory_space<vmem>>
    %dma_start3A_1232 = arith.constant 0 : i32
    %dma_start3A_1233 = arith.constant 0 : i32
    %dma_start3A_1234 = tpu.memref_slice %arg14[%dma_start3A_1232, %dma_start3A_1233] : memref<10000x64xf32, #tpu.memory_space<vmem_shared>> -> memref<10000x64xf32, #tpu.memory_space<vmem_shared>>
    tpu.enqueue_indirect_dma source(%dma_start3A_1234 : memref<10000x64xf32, #tpu.memory_space<vmem_shared>>) target(%arg11 : memref<128x64xf32, #tpu.memory_space<vmem>>) offsets(%dma_start3A_1231 : memref<128xi32, #tpu.memory_space<vmem>>) semaphore(%arg17 : memref<!tpu.dma_semaphore, #tpu.memory_space<semaphore_mem>>)
    %dma_wait3A_1235 = arith.constant 0 : i32
    %dma_wait3A_1236 = arith.constant 0 : i32
    %dma_wait3A_1237 = tpu.memref_slice %arg6[%dma_wait3A_1235, %dma_wait3A_1236] : memref<32x128xi32, #tpu.memory_space<vmem>> -> memref<1x128xi32, #tpu.memory_space<vmem>>
    %dma_wait3A_1238 = tpu.memref_squeeze %dma_wait3A_1237 : memref<1x128xi32, #tpu.memory_space<vmem>> -> memref<128xi32, #tpu.memory_space<vmem>>
    %dma_wait3A_1239 = arith.constant 0 : i32
    %dma_wait3A_1240 = arith.constant 0 : i32
    %dma_wait3A_1241 = tpu.memref_slice %arg14[%dma_wait3A_1239, %dma_wait3A_1240] : memref<10000x64xf32, #tpu.memory_space<vmem_shared>> -> memref<10000x64xf32, #tpu.memory_space<vmem_shared>>
    tpu.wait_indirect_dma semaphore(%arg16 : memref<!tpu.dma_semaphore, #tpu.memory_space<semaphore_mem>>) src(%dma_wait3A_1241 : memref<10000x64xf32, #tpu.memory_space<vmem_shared>>) dst(%arg10 : memref<128x64xf32, #tpu.memory_space<vmem>>)
    %dma_start3A_1242 = arith.constant 0 : i32
    %dma_start3A_1243 = arith.constant 0 : i32
    %dma_start3A_1244 = tpu.memref_slice %arg8[%dma_start3A_1242, %dma_start3A_1243] : memref<32x128xi32, #tpu.memory_space<vmem>> -> memref<1x128xi32, #tpu.memory_space<vmem>>
    %dma_start3A_1245 = tpu.memref_squeeze %dma_start3A_1244 : memref<1x128xi32, #tpu.memory_space<vmem>> -> memref<128xi32, #tpu.memory_space<vmem>>
    %dma_start3A_1246 = arith.constant 0 : i32
    %dma_start3A_1247 = arith.constant 0 : i32
    %dma_start3A_1248 = tpu.memref_slice %arg15[%dma_start3A_1246, %dma_start3A_1247] : memref<10240x64xf32, #tpu.memory_space<vmem_shared>> -> memref<10240x64xf32, #tpu.memory_space<vmem_shared>>
    tpu.enqueue_indirect_dma source(%arg10 : memref<128x64xf32, #tpu.memory_space<vmem>>) target(%dma_start3A_1248 : memref<10240x64xf32, #tpu.memory_space<vmem_shared>>) offsets(%dma_start3A_1245 : memref<128xi32, #tpu.memory_space<vmem>>) semaphore(%arg20 : memref<!tpu.dma_semaphore, #tpu.memory_space<semaphore_mem>>) {add = true}
    %dma_start3A_1249 = arith.constant 2 : i32
    %dma_start3A_1250 = arith.constant 0 : i32
    %dma_start3A_1251 = tpu.memref_slice %arg6[%dma_start3A_1249, %dma_start3A_1250] : memref<32x128xi32, #tpu.memory_space<vmem>> -> memref<1x128xi32, #tpu.memory_space<vmem>>
    %dma_start3A_1252 = tpu.memref_squeeze %dma_start3A_1251 : memref<1x128xi32, #tpu.memory_space<vmem>> -> memref<128xi32, #tpu.memory_space<vmem>>
    %dma_start3A_1253 = arith.constant 0 : i32
    %dma_start3A_1254 = arith.constant 0 : i32
    %dma_start3A_1255 = tpu.memref_slice %arg14[%dma_start3A_1253, %dma_start3A_1254] : memref<10000x64xf32, #tpu.memory_space<vmem_shared>> -> memref<10000x64xf32, #tpu.memory_space<vmem_shared>>
    tpu.enqueue_indirect_dma source(%dma_start3A_1255 : memref<10000x64xf32, #tpu.memory_space<vmem_shared>>) target(%arg12 : memref<128x64xf32, #tpu.memory_space<vmem>>) offsets(%dma_start3A_1252 : memref<128xi32, #tpu.memory_space<vmem>>) semaphore(%arg18 : memref<!tpu.dma_semaphore, #tpu.memory_space<semaphore_mem>>)
    %dma_wait3A_1256 = arith.constant 1 : i32
    %dma_wait3A_1257 = arith.constant 0 : i32
    %dma_wait3A_1258 = tpu.memref_slice %arg6[%dma_wait3A_1256, %dma_wait3A_1257] : memref<32x128xi32, #tpu.memory_space<vmem>> -> memref<1x128xi32, #tpu.memory_space<vmem>>
    %dma_wait3A_1259 = tpu.memref_squeeze %dma_wait3A_1258 : memref<1x128xi32, #tpu.memory_space<vmem>> -> memref<128xi32, #tpu.memory_space<vmem>>
    %dma_wait3A_1260 = arith.constant 0 : i32
    %dma_wait3A_1261 = arith.constant 0 : i32
    %dma_wait3A_1262 = tpu.memref_slice %arg14[%dma_wait3A_1260, %dma_wait3A_1261] : memref<10000x64xf32, #tpu.memory_space<vmem_shared>> -> memref<10000x64xf32, #tpu.memory_space<vmem_shared>>
    tpu.wait_indirect_dma semaphore(%arg17 : memref<!tpu.dma_semaphore, #tpu.memory_space<semaphore_mem>>) src(%dma_wait3A_1262 : memref<10000x64xf32, #tpu.memory_space<vmem_shared>>) dst(%arg11 : memref<128x64xf32, #tpu.memory_space<vmem>>)
    %dma_start3A_1263 = arith.constant 1 : i32
    %dma_start3A_1264 = arith.constant 0 : i32
    %dma_start3A_1265 = tpu.memref_slice %arg8[%dma_start3A_1263, %dma_start3A_1264] : memref<32x128xi32, #tpu.memory_space<vmem>> -> memref<1x128xi32, #tpu.memory_space<vmem>>
    %dma_start3A_1266 = tpu.memref_squeeze %dma_start3A_1265 : memref<1x128xi32, #tpu.memory_space<vmem>> -> memref<128xi32, #tpu.memory_space<vmem>>
    %dma_start3A_1267 = arith.constant 0 : i32
    %dma_start3A_1268 = arith.constant 0 : i32
    %dma_start3A_1269 = tpu.memref_slice %arg15[%dma_start3A_1267, %dma_start3A_1268] : memref<10240x64xf32, #tpu.memory_space<vmem_shared>> -> memref<10240x64xf32, #tpu.memory_space<vmem_shared>>
    tpu.enqueue_indirect_dma source(%arg11 : memref<128x64xf32, #tpu.memory_space<vmem>>) target(%dma_start3A_1269 : memref<10240x64xf32, #tpu.memory_space<vmem_shared>>) offsets(%dma_start3A_1266 : memref<128xi32, #tpu.memory_space<vmem>>) semaphore(%arg21 : memref<!tpu.dma_semaphore, #tpu.memory_space<semaphore_mem>>) {add = true}
    %dma_start3A_1270 = arith.constant 3 : i32
    %dma_start3A_1271 = arith.constant 0 : i32
    %dma_start3A_1272 = tpu.memref_slice %arg6[%dma_start3A_1270, %dma_start3A_1271] : memref<32x128xi32, #tpu.memory_space<vmem>> -> memref<1x128xi32, #tpu.memory_space<vmem>>
    %dma_start3A_1273 = tpu.memref_squeeze %dma_start3A_1272 : memref<1x128xi32, #tpu.memory_space<vmem>> -> memref<128xi32, #tpu.memory_space<vmem>>
    %dma_start3A_1274 = arith.constant 0 : i32
    %dma_start3A_1275 = arith.constant 0 : i32
    %dma_start3A_1276 = tpu.memref_slice %arg14[%dma_start3A_1274, %dma_start3A_1275] : memref<10000x64xf32, #tpu.memory_space<vmem_shared>> -> memref<10000x64xf32, #tpu.memory_space<vmem_shared>>
    tpu.enqueue_indirect_dma source(%dma_start3A_1276 : memref<10000x64xf32, #tpu.memory_space<vmem_shared>>) target(%arg13 : memref<128x64xf32, #tpu.memory_space<vmem>>) offsets(%dma_start3A_1273 : memref<128xi32, #tpu.memory_space<vmem>>) semaphore(%arg19 : memref<!tpu.dma_semaphore, #tpu.memory_space<semaphore_mem>>)
    %dma_wait3A_1277 = arith.constant 2 : i32
    %dma_wait3A_1278 = arith.constant 0 : i32
    %dma_wait3A_1279 = tpu.memref_slice %arg6[%dma_wait3A_1277, %dma_wait3A_1278] : memref<32x128xi32, #tpu.memory_space<vmem>> -> memref<1x128xi32, #tpu.memory_space<vmem>>
    %dma_wait3A_1280 = tpu.memref_squeeze %dma_wait3A_1279 : memref<1x128xi32, #tpu.memory_space<vmem>> -> memref<128xi32, #tpu.memory_space<vmem>>
    %dma_wait3A_1281 = arith.constant 0 : i32
    %dma_wait3A_1282 = arith.constant 0 : i32
    %dma_wait3A_1283 = tpu.memref_slice %arg14[%dma_wait3A_1281, %dma_wait3A_1282] : memref<10000x64xf32, #tpu.memory_space<vmem_shared>> -> memref<10000x64xf32, #tpu.memory_space<vmem_shared>>
    tpu.wait_indirect_dma semaphore(%arg18 : memref<!tpu.dma_semaphore, #tpu.memory_space<semaphore_mem>>) src(%dma_wait3A_1283 : memref<10000x64xf32, #tpu.memory_space<vmem_shared>>) dst(%arg12 : memref<128x64xf32, #tpu.memory_space<vmem>>)
    %dma_start3A_1284 = arith.constant 2 : i32
    %dma_start3A_1285 = arith.constant 0 : i32
    %dma_start3A_1286 = tpu.memref_slice %arg8[%dma_start3A_1284, %dma_start3A_1285] : memref<32x128xi32, #tpu.memory_space<vmem>> -> memref<1x128xi32, #tpu.memory_space<vmem>>
    %dma_start3A_1287 = tpu.memref_squeeze %dma_start3A_1286 : memref<1x128xi32, #tpu.memory_space<vmem>> -> memref<128xi32, #tpu.memory_space<vmem>>
    %dma_start3A_1288 = arith.constant 0 : i32
    %dma_start3A_1289 = arith.constant 0 : i32
    %dma_start3A_1290 = tpu.memref_slice %arg15[%dma_start3A_1288, %dma_start3A_1289] : memref<10240x64xf32, #tpu.memory_space<vmem_shared>> -> memref<10240x64xf32, #tpu.memory_space<vmem_shared>>
    tpu.enqueue_indirect_dma source(%arg12 : memref<128x64xf32, #tpu.memory_space<vmem>>) target(%dma_start3A_1290 : memref<10240x64xf32, #tpu.memory_space<vmem_shared>>) offsets(%dma_start3A_1287 : memref<128xi32, #tpu.memory_space<vmem>>) semaphore(%arg22 : memref<!tpu.dma_semaphore, #tpu.memory_space<semaphore_mem>>) {add = true}
    %dma_wait3A_1291 = arith.constant 0 : i32
    %dma_wait3A_1292 = arith.constant 0 : i32
    %dma_wait3A_1293 = tpu.memref_slice %arg8[%dma_wait3A_1291, %dma_wait3A_1292] : memref<32x128xi32, #tpu.memory_space<vmem>> -> memref<1x128xi32, #tpu.memory_space<vmem>>
    %dma_wait3A_1294 = tpu.memref_squeeze %dma_wait3A_1293 : memref<1x128xi32, #tpu.memory_space<vmem>> -> memref<128xi32, #tpu.memory_space<vmem>>
    %dma_wait3A_1295 = arith.constant 0 : i32
    %dma_wait3A_1296 = arith.constant 0 : i32
    %dma_wait3A_1297 = tpu.memref_slice %arg15[%dma_wait3A_1295, %dma_wait3A_1296] : memref<10240x64xf32, #tpu.memory_space<vmem_shared>> -> memref<10240x64xf32, #tpu.memory_space<vmem_shared>>
    tpu.wait_indirect_dma semaphore(%arg20 : memref<!tpu.dma_semaphore, #tpu.memory_space<semaphore_mem>>) src(%arg10 : memref<128x64xf32, #tpu.memory_space<vmem>>) dst(%dma_wait3A_1297 : memref<10240x64xf32, #tpu.memory_space<vmem_shared>>)
    %dma_start3A_1298 = arith.constant 4 : i32
    %dma_start3A_1299 = arith.constant 0 : i32
    %dma_start3A_1300 = tpu.memref_slice %arg6[%dma_start3A_1298, %dma_start3A_1299] : memref<32x128xi32, #tpu.memory_space<vmem>> -> memref<1x128xi32, #tpu.memory_space<vmem>>
    %dma_start3A_1301 = tpu.memref_squeeze %dma_start3A_1300 : memref<1x128xi32, #tpu.memory_space<vmem>> -> memref<128xi32, #tpu.memory_space<vmem>>
    %dma_start3A_1302 = arith.constant 0 : i32
    %dma_start3A_1303 = arith.constant 0 : i32
    %dma_start3A_1304 = tpu.memref_slice %arg14[%dma_start3A_1302, %dma_start3A_1303] : memref<10000x64xf32, #tpu.memory_space<vmem_shared>> -> memref<10000x64xf32, #tpu.memory_space<vmem_shared>>
    tpu.enqueue_indirect_dma source(%dma_start3A_1304 : memref<10000x64xf32, #tpu.memory_space<vmem_shared>>) target(%arg10 : memref<128x64xf32, #tpu.memory_space<vmem>>) offsets(%dma_start3A_1301 : memref<128xi32, #tpu.memory_space<vmem>>) semaphore(%arg16 : memref<!tpu.dma_semaphore, #tpu.memory_space<semaphore_mem>>)
    %dma_wait3A_1305 = arith.constant 3 : i32
    %dma_wait3A_1306 = arith.constant 0 : i32
    %dma_wait3A_1307 = tpu.memref_slice %arg6[%dma_wait3A_1305, %dma_wait3A_1306] : memref<32x128xi32, #tpu.memory_space<vmem>> -> memref<1x128xi32, #tpu.memory_space<vmem>>
    %dma_wait3A_1308 = tpu.memref_squeeze %dma_wait3A_1307 : memref<1x128xi32, #tpu.memory_space<vmem>> -> memref<128xi32, #tpu.memory_space<vmem>>
    %dma_wait3A_1309 = arith.constant 0 : i32
    %dma_wait3A_1310 = arith.constant 0 : i32
    %dma_wait3A_1311 = tpu.memref_slice %arg14[%dma_wait3A_1309, %dma_wait3A_1310] : memref<10000x64xf32, #tpu.memory_space<vmem_shared>> -> memref<10000x64xf32, #tpu.memory_space<vmem_shared>>
    tpu.wait_indirect_dma semaphore(%arg19 : memref<!tpu.dma_semaphore, #tpu.memory_space<semaphore_mem>>) src(%dma_wait3A_1311 : memref<10000x64xf32, #tpu.memory_space<vmem_shared>>) dst(%arg13 : memref<128x64xf32, #tpu.memory_space<vmem>>)
    %dma_start3A_1312 = arith.constant 3 : i32
    %dma_start3A_1313 = arith.constant 0 : i32
    %dma_start3A_1314 = tpu.memref_slice %arg8[%dma_start3A_1312, %dma_start3A_1313] : memref<32x128xi32, #tpu.memory_space<vmem>> -> memref<1x128xi32, #tpu.memory_space<vmem>>
    %dma_start3A_1315 = tpu.memref_squeeze %dma_start3A_1314 : memref<1x128xi32, #tpu.memory_space<vmem>> -> memref<128xi32, #tpu.memory_space<vmem>>
    %dma_start3A_1316 = arith.constant 0 : i32
    %dma_start3A_1317 = arith.constant 0 : i32
    %dma_start3A_1318 = tpu.memref_slice %arg15[%dma_start3A_1316, %dma_start3A_1317] : memref<10240x64xf32, #tpu.memory_space<vmem_shared>> -> memref<10240x64xf32, #tpu.memory_space<vmem_shared>>
    tpu.enqueue_indirect_dma source(%arg13 : memref<128x64xf32, #tpu.memory_space<vmem>>) target(%dma_start3A_1318 : memref<10240x64xf32, #tpu.memory_space<vmem_shared>>) offsets(%dma_start3A_1315 : memref<128xi32, #tpu.memory_space<vmem>>) semaphore(%arg23 : memref<!tpu.dma_semaphore, #tpu.memory_space<semaphore_mem>>) {add = true}
    %dma_wait3A_1319 = arith.constant 1 : i32
    %dma_wait3A_1320 = arith.constant 0 : i32
    %dma_wait3A_1321 = tpu.memref_slice %arg8[%dma_wait3A_1319, %dma_wait3A_1320] : memref<32x128xi32, #tpu.memory_space<vmem>> -> memref<1x128xi32, #tpu.memory_space<vmem>>
    %dma_wait3A_1322 = tpu.memref_squeeze %dma_wait3A_1321 : memref<1x128xi32, #tpu.memory_space<vmem>> -> memref<128xi32, #tpu.memory_space<vmem>>
    %dma_wait3A_1323 = arith.constant 0 : i32
    %dma_wait3A_1324 = arith.constant 0 : i32
    %dma_wait3A_1325 = tpu.memref_slice %arg15[%dma_wait3A_1323, %dma_wait3A_1324] : memref<10240x64xf32, #tpu.memory_space<vmem_shared>> -> memref<10240x64xf32, #tpu.memory_space<vmem_shared>>
    tpu.wait_indirect_dma semaphore(%arg21 : memref<!tpu.dma_semaphore, #tpu.memory_space<semaphore_mem>>) src(%arg11 : memref<128x64xf32, #tpu.memory_space<vmem>>) dst(%dma_wait3A_1325 : memref<10240x64xf32, #tpu.memory_space<vmem_shared>>)
    %dma_start3A_1326 = arith.constant 5 : i32
    %dma_start3A_1327 = arith.constant 0 : i32
    %dma_start3A_1328 = tpu.memref_slice %arg6[%dma_start3A_1326, %dma_start3A_1327] : memref<32x128xi32, #tpu.memory_space<vmem>> -> memref<1x128xi32, #tpu.memory_space<vmem>>
    %dma_start3A_1329 = tpu.memref_squeeze %dma_start3A_1328 : memref<1x128xi32, #tpu.memory_space<vmem>> -> memref<128xi32, #tpu.memory_space<vmem>>
    %dma_start3A_1330 = arith.constant 0 : i32
    %dma_start3A_1331 = arith.constant 0 : i32
    %dma_start3A_1332 = tpu.memref_slice %arg14[%dma_start3A_1330, %dma_start3A_1331] : memref<10000x64xf32, #tpu.memory_space<vmem_shared>> -> memref<10000x64xf32, #tpu.memory_space<vmem_shared>>
    tpu.enqueue_indirect_dma source(%dma_start3A_1332 : memref<10000x64xf32, #tpu.memory_space<vmem_shared>>) target(%arg11 : memref<128x64xf32, #tpu.memory_space<vmem>>) offsets(%dma_start3A_1329 : memref<128xi32, #tpu.memory_space<vmem>>) semaphore(%arg17 : memref<!tpu.dma_semaphore, #tpu.memory_space<semaphore_mem>>)
    %scan3A_1333 = arith.constant 0 : i32
    %scan3A_1334 = arith.constant 0 : i32
    %scan3A_1335 = arith.constant 6 : i32
    %scan3A_1336 = arith.addi %scan3A_1334, %scan3A_1335 : i32
    %scan3A_1337 = arith.constant 1 : i32
    scf.for %scan3A_1456 = %scan3A_1334 to %scan3A_1336 step %scan3A_1337  : i32 {
      %mul3A_1457 = arith.constant 4 : i32
      %mul3A_1458 = arith.muli %scan3A_1456, %mul3A_1457 : i32
      %add3A = arith.constant 4 : i32
      %add3A_1459 = arith.addi %add3A, %mul3A_1458 : i32
      %add3A_1460 = arith.constant 0 : i32
      %add3A_1461 = arith.addi %add3A_1459, %add3A_1460 : i32
      %dma_wait3A_1462 = arith.constant 0 : i32
      %dma_wait3A_1463 = tpu.memref_slice %arg6[%add3A_1461, %dma_wait3A_1462] : memref<32x128xi32, #tpu.memory_space<vmem>> -> memref<1x128xi32, #tpu.memory_space<vmem>>
      %dma_wait3A_1464 = tpu.memref_squeeze %dma_wait3A_1463 : memref<1x128xi32, #tpu.memory_space<vmem>> -> memref<128xi32, #tpu.memory_space<vmem>>
      %dma_wait3A_1465 = arith.constant 0 : i32
      %dma_wait3A_1466 = arith.constant 0 : i32
      %dma_wait3A_1467 = tpu.memref_slice %arg14[%dma_wait3A_1465, %dma_wait3A_1466] : memref<10000x64xf32, #tpu.memory_space<vmem_shared>> -> memref<10000x64xf32, #tpu.memory_space<vmem_shared>>
      tpu.wait_indirect_dma semaphore(%arg16 : memref<!tpu.dma_semaphore, #tpu.memory_space<semaphore_mem>>) src(%dma_wait3A_1467 : memref<10000x64xf32, #tpu.memory_space<vmem_shared>>) dst(%arg10 : memref<128x64xf32, #tpu.memory_space<vmem>>)
      %dma_start3A_1468 = arith.constant 0 : i32
      %dma_start3A_1469 = tpu.memref_slice %arg8[%add3A_1461, %dma_start3A_1468] : memref<32x128xi32, #tpu.memory_space<vmem>> -> memref<1x128xi32, #tpu.memory_space<vmem>>
      %dma_start3A_1470 = tpu.memref_squeeze %dma_start3A_1469 : memref<1x128xi32, #tpu.memory_space<vmem>> -> memref<128xi32, #tpu.memory_space<vmem>>
      %dma_start3A_1471 = arith.constant 0 : i32
      %dma_start3A_1472 = arith.constant 0 : i32
      %dma_start3A_1473 = tpu.memref_slice %arg15[%dma_start3A_1471, %dma_start3A_1472] : memref<10240x64xf32, #tpu.memory_space<vmem_shared>> -> memref<10240x64xf32, #tpu.memory_space<vmem_shared>>
      tpu.enqueue_indirect_dma source(%arg10 : memref<128x64xf32, #tpu.memory_space<vmem>>) target(%dma_start3A_1473 : memref<10240x64xf32, #tpu.memory_space<vmem_shared>>) offsets(%dma_start3A_1470 : memref<128xi32, #tpu.memory_space<vmem>>) semaphore(%arg20 : memref<!tpu.dma_semaphore, #tpu.memory_space<semaphore_mem>>) {add = true}
      %sub3A = arith.constant 2 : i32
      %sub3A_1474 = arith.subi %add3A_1461, %sub3A : i32
      %dma_wait3A_1475 = arith.constant 0 : i32
      %dma_wait3A_1476 = tpu.memref_slice %arg8[%sub3A_1474, %dma_wait3A_1475] : memref<32x128xi32, #tpu.memory_space<vmem>> -> memref<1x128xi32, #tpu.memory_space<vmem>>
      %dma_wait3A_1477 = tpu.memref_squeeze %dma_wait3A_1476 : memref<1x128xi32, #tpu.memory_space<vmem>> -> memref<128xi32, #tpu.memory_space<vmem>>
      %dma_wait3A_1478 = arith.constant 0 : i32
      %dma_wait3A_1479 = arith.constant 0 : i32
      %dma_wait3A_1480 = tpu.memref_slice %arg15[%dma_wait3A_1478, %dma_wait3A_1479] : memref<10240x64xf32, #tpu.memory_space<vmem_shared>> -> memref<10240x64xf32, #tpu.memory_space<vmem_shared>>
      tpu.wait_indirect_dma semaphore(%arg22 : memref<!tpu.dma_semaphore, #tpu.memory_space<semaphore_mem>>) src(%arg12 : memref<128x64xf32, #tpu.memory_space<vmem>>) dst(%dma_wait3A_1480 : memref<10240x64xf32, #tpu.memory_space<vmem_shared>>)
      %add3A_1481 = arith.constant 2 : i32
      %add3A_1482 = arith.addi %add3A_1461, %add3A_1481 : i32
      %dma_start3A_1483 = arith.constant 0 : i32
      %dma_start3A_1484 = tpu.memref_slice %arg6[%add3A_1482, %dma_start3A_1483] : memref<32x128xi32, #tpu.memory_space<vmem>> -> memref<1x128xi32, #tpu.memory_space<vmem>>
      %dma_start3A_1485 = tpu.memref_squeeze %dma_start3A_1484 : memref<1x128xi32, #tpu.memory_space<vmem>> -> memref<128xi32, #tpu.memory_space<vmem>>
      %dma_start3A_1486 = arith.constant 0 : i32
      %dma_start3A_1487 = arith.constant 0 : i32
      %dma_start3A_1488 = tpu.memref_slice %arg14[%dma_start3A_1486, %dma_start3A_1487] : memref<10000x64xf32, #tpu.memory_space<vmem_shared>> -> memref<10000x64xf32, #tpu.memory_space<vmem_shared>>
      tpu.enqueue_indirect_dma source(%dma_start3A_1488 : memref<10000x64xf32, #tpu.memory_space<vmem_shared>>) target(%arg12 : memref<128x64xf32, #tpu.memory_space<vmem>>) offsets(%dma_start3A_1485 : memref<128xi32, #tpu.memory_space<vmem>>) semaphore(%arg18 : memref<!tpu.dma_semaphore, #tpu.memory_space<semaphore_mem>>)
      %add3A_1489 = arith.constant 1 : i32
      %add3A_1490 = arith.addi %add3A_1459, %add3A_1489 : i32
      %dma_wait3A_1491 = arith.constant 0 : i32
      %dma_wait3A_1492 = tpu.memref_slice %arg6[%add3A_1490, %dma_wait3A_1491] : memref<32x128xi32, #tpu.memory_space<vmem>> -> memref<1x128xi32, #tpu.memory_space<vmem>>
      %dma_wait3A_1493 = tpu.memref_squeeze %dma_wait3A_1492 : memref<1x128xi32, #tpu.memory_space<vmem>> -> memref<128xi32, #tpu.memory_space<vmem>>
      %dma_wait3A_1494 = arith.constant 0 : i32
      %dma_wait3A_1495 = arith.constant 0 : i32
      %dma_wait3A_1496 = tpu.memref_slice %arg14[%dma_wait3A_1494, %dma_wait3A_1495] : memref<10000x64xf32, #tpu.memory_space<vmem_shared>> -> memref<10000x64xf32, #tpu.memory_space<vmem_shared>>
      tpu.wait_indirect_dma semaphore(%arg17 : memref<!tpu.dma_semaphore, #tpu.memory_space<semaphore_mem>>) src(%dma_wait3A_1496 : memref<10000x64xf32, #tpu.memory_space<vmem_shared>>) dst(%arg11 : memref<128x64xf32, #tpu.memory_space<vmem>>)
      %dma_start3A_1497 = arith.constant 0 : i32
      %dma_start3A_1498 = tpu.memref_slice %arg8[%add3A_1490, %dma_start3A_1497] : memref<32x128xi32, #tpu.memory_space<vmem>> -> memref<1x128xi32, #tpu.memory_space<vmem>>
      %dma_start3A_1499 = tpu.memref_squeeze %dma_start3A_1498 : memref<1x128xi32, #tpu.memory_space<vmem>> -> memref<128xi32, #tpu.memory_space<vmem>>
      %dma_start3A_1500 = arith.constant 0 : i32
      %dma_start3A_1501 = arith.constant 0 : i32
      %dma_start3A_1502 = tpu.memref_slice %arg15[%dma_start3A_1500, %dma_start3A_1501] : memref<10240x64xf32, #tpu.memory_space<vmem_shared>> -> memref<10240x64xf32, #tpu.memory_space<vmem_shared>>
      tpu.enqueue_indirect_dma source(%arg11 : memref<128x64xf32, #tpu.memory_space<vmem>>) target(%dma_start3A_1502 : memref<10240x64xf32, #tpu.memory_space<vmem_shared>>) offsets(%dma_start3A_1499 : memref<128xi32, #tpu.memory_space<vmem>>) semaphore(%arg21 : memref<!tpu.dma_semaphore, #tpu.memory_space<semaphore_mem>>) {add = true}
      %sub3A_1503 = arith.constant 2 : i32
      %sub3A_1504 = arith.subi %add3A_1490, %sub3A_1503 : i32
      %dma_wait3A_1505 = arith.constant 0 : i32
      %dma_wait3A_1506 = tpu.memref_slice %arg8[%sub3A_1504, %dma_wait3A_1505] : memref<32x128xi32, #tpu.memory_space<vmem>> -> memref<1x128xi32, #tpu.memory_space<vmem>>
      %dma_wait3A_1507 = tpu.memref_squeeze %dma_wait3A_1506 : memref<1x128xi32, #tpu.memory_space<vmem>> -> memref<128xi32, #tpu.memory_space<vmem>>
      %dma_wait3A_1508 = arith.constant 0 : i32
      %dma_wait3A_1509 = arith.constant 0 : i32
      %dma_wait3A_1510 = tpu.memref_slice %arg15[%dma_wait3A_1508, %dma_wait3A_1509] : memref<10240x64xf32, #tpu.memory_space<vmem_shared>> -> memref<10240x64xf32, #tpu.memory_space<vmem_shared>>
      tpu.wait_indirect_dma semaphore(%arg23 : memref<!tpu.dma_semaphore, #tpu.memory_space<semaphore_mem>>) src(%arg13 : memref<128x64xf32, #tpu.memory_space<vmem>>) dst(%dma_wait3A_1510 : memref<10240x64xf32, #tpu.memory_space<vmem_shared>>)
      %add3A_1511 = arith.constant 2 : i32
      %add3A_1512 = arith.addi %add3A_1490, %add3A_1511 : i32
      %dma_start3A_1513 = arith.constant 0 : i32
      %dma_start3A_1514 = tpu.memref_slice %arg6[%add3A_1512, %dma_start3A_1513] : memref<32x128xi32, #tpu.memory_space<vmem>> -> memref<1x128xi32, #tpu.memory_space<vmem>>
      %dma_start3A_1515 = tpu.memref_squeeze %dma_start3A_1514 : memref<1x128xi32, #tpu.memory_space<vmem>> -> memref<128xi32, #tpu.memory_space<vmem>>
      %dma_start3A_1516 = arith.constant 0 : i32
      %dma_start3A_1517 = arith.constant 0 : i32
      %dma_start3A_1518 = tpu.memref_slice %arg14[%dma_start3A_1516, %dma_start3A_1517] : memref<10000x64xf32, #tpu.memory_space<vmem_shared>> -> memref<10000x64xf32, #tpu.memory_space<vmem_shared>>
      tpu.enqueue_indirect_dma source(%dma_start3A_1518 : memref<10000x64xf32, #tpu.memory_space<vmem_shared>>) target(%arg13 : memref<128x64xf32, #tpu.memory_space<vmem>>) offsets(%dma_start3A_1515 : memref<128xi32, #tpu.memory_space<vmem>>) semaphore(%arg19 : memref<!tpu.dma_semaphore, #tpu.memory_space<semaphore_mem>>)
      %add3A_1519 = arith.constant 2 : i32
      %add3A_1520 = arith.addi %add3A_1459, %add3A_1519 : i32
      %dma_wait3A_1521 = arith.constant 0 : i32
      %dma_wait3A_1522 = tpu.memref_slice %arg6[%add3A_1520, %dma_wait3A_1521] : memref<32x128xi32, #tpu.memory_space<vmem>> -> memref<1x128xi32, #tpu.memory_space<vmem>>
      %dma_wait3A_1523 = tpu.memref_squeeze %dma_wait3A_1522 : memref<1x128xi32, #tpu.memory_space<vmem>> -> memref<128xi32, #tpu.memory_space<vmem>>
      %dma_wait3A_1524 = arith.constant 0 : i32
      %dma_wait3A_1525 = arith.constant 0 : i32
      %dma_wait3A_1526 = tpu.memref_slice %arg14[%dma_wait3A_1524, %dma_wait3A_1525] : memref<10000x64xf32, #tpu.memory_space<vmem_shared>> -> memref<10000x64xf32, #tpu.memory_space<vmem_shared>>
      tpu.wait_indirect_dma semaphore(%arg18 : memref<!tpu.dma_semaphore, #tpu.memory_space<semaphore_mem>>) src(%dma_wait3A_1526 : memref<10000x64xf32, #tpu.memory_space<vmem_shared>>) dst(%arg12 : memref<128x64xf32, #tpu.memory_space<vmem>>)
      %dma_start3A_1527 = arith.constant 0 : i32
      %dma_start3A_1528 = tpu.memref_slice %arg8[%add3A_1520, %dma_start3A_1527] : memref<32x128xi32, #tpu.memory_space<vmem>> -> memref<1x128xi32, #tpu.memory_space<vmem>>
      %dma_start3A_1529 = tpu.memref_squeeze %dma_start3A_1528 : memref<1x128xi32, #tpu.memory_space<vmem>> -> memref<128xi32, #tpu.memory_space<vmem>>
      %dma_start3A_1530 = arith.constant 0 : i32
      %dma_start3A_1531 = arith.constant 0 : i32
      %dma_start3A_1532 = tpu.memref_slice %arg15[%dma_start3A_1530, %dma_start3A_1531] : memref<10240x64xf32, #tpu.memory_space<vmem_shared>> -> memref<10240x64xf32, #tpu.memory_space<vmem_shared>>
      tpu.enqueue_indirect_dma source(%arg12 : memref<128x64xf32, #tpu.memory_space<vmem>>) target(%dma_start3A_1532 : memref<10240x64xf32, #tpu.memory_space<vmem_shared>>) offsets(%dma_start3A_1529 : memref<128xi32, #tpu.memory_space<vmem>>) semaphore(%arg22 : memref<!tpu.dma_semaphore, #tpu.memory_space<semaphore_mem>>) {add = true}
      %sub3A_1533 = arith.constant 2 : i32
      %sub3A_1534 = arith.subi %add3A_1520, %sub3A_1533 : i32
      %dma_wait3A_1535 = arith.constant 0 : i32
      %dma_wait3A_1536 = tpu.memref_slice %arg8[%sub3A_1534, %dma_wait3A_1535] : memref<32x128xi32, #tpu.memory_space<vmem>> -> memref<1x128xi32, #tpu.memory_space<vmem>>
      %dma_wait3A_1537 = tpu.memref_squeeze %dma_wait3A_1536 : memref<1x128xi32, #tpu.memory_space<vmem>> -> memref<128xi32, #tpu.memory_space<vmem>>
      %dma_wait3A_1538 = arith.constant 0 : i32
      %dma_wait3A_1539 = arith.constant 0 : i32
      %dma_wait3A_1540 = tpu.memref_slice %arg15[%dma_wait3A_1538, %dma_wait3A_1539] : memref<10240x64xf32, #tpu.memory_space<vmem_shared>> -> memref<10240x64xf32, #tpu.memory_space<vmem_shared>>
      tpu.wait_indirect_dma semaphore(%arg20 : memref<!tpu.dma_semaphore, #tpu.memory_space<semaphore_mem>>) src(%arg10 : memref<128x64xf32, #tpu.memory_space<vmem>>) dst(%dma_wait3A_1540 : memref<10240x64xf32, #tpu.memory_space<vmem_shared>>)
      %add3A_1541 = arith.constant 2 : i32
      %add3A_1542 = arith.addi %add3A_1520, %add3A_1541 : i32
      %dma_start3A_1543 = arith.constant 0 : i32
      %dma_start3A_1544 = tpu.memref_slice %arg6[%add3A_1542, %dma_start3A_1543] : memref<32x128xi32, #tpu.memory_space<vmem>> -> memref<1x128xi32, #tpu.memory_space<vmem>>
      %dma_start3A_1545 = tpu.memref_squeeze %dma_start3A_1544 : memref<1x128xi32, #tpu.memory_space<vmem>> -> memref<128xi32, #tpu.memory_space<vmem>>
      %dma_start3A_1546 = arith.constant 0 : i32
      %dma_start3A_1547 = arith.constant 0 : i32
      %dma_start3A_1548 = tpu.memref_slice %arg14[%dma_start3A_1546, %dma_start3A_1547] : memref<10000x64xf32, #tpu.memory_space<vmem_shared>> -> memref<10000x64xf32, #tpu.memory_space<vmem_shared>>
      tpu.enqueue_indirect_dma source(%dma_start3A_1548 : memref<10000x64xf32, #tpu.memory_space<vmem_shared>>) target(%arg10 : memref<128x64xf32, #tpu.memory_space<vmem>>) offsets(%dma_start3A_1545 : memref<128xi32, #tpu.memory_space<vmem>>) semaphore(%arg16 : memref<!tpu.dma_semaphore, #tpu.memory_space<semaphore_mem>>)
      %add3A_1549 = arith.constant 3 : i32
      %add3A_1550 = arith.addi %add3A_1459, %add3A_1549 : i32
      %dma_wait3A_1551 = arith.constant 0 : i32
      %dma_wait3A_1552 = tpu.memref_slice %arg6[%add3A_1550, %dma_wait3A_1551] : memref<32x128xi32, #tpu.memory_space<vmem>> -> memref<1x128xi32, #tpu.memory_space<vmem>>
      %dma_wait3A_1553 = tpu.memref_squeeze %dma_wait3A_1552 : memref<1x128xi32, #tpu.memory_space<vmem>> -> memref<128xi32, #tpu.memory_space<vmem>>
      %dma_wait3A_1554 = arith.constant 0 : i32
      %dma_wait3A_1555 = arith.constant 0 : i32
      %dma_wait3A_1556 = tpu.memref_slice %arg14[%dma_wait3A_1554, %dma_wait3A_1555] : memref<10000x64xf32, #tpu.memory_space<vmem_shared>> -> memref<10000x64xf32, #tpu.memory_space<vmem_shared>>
      tpu.wait_indirect_dma semaphore(%arg19 : memref<!tpu.dma_semaphore, #tpu.memory_space<semaphore_mem>>) src(%dma_wait3A_1556 : memref<10000x64xf32, #tpu.memory_space<vmem_shared>>) dst(%arg13 : memref<128x64xf32, #tpu.memory_space<vmem>>)
      %dma_start3A_1557 = arith.constant 0 : i32
      %dma_start3A_1558 = tpu.memref_slice %arg8[%add3A_1550, %dma_start3A_1557] : memref<32x128xi32, #tpu.memory_space<vmem>> -> memref<1x128xi32, #tpu.memory_space<vmem>>
      %dma_start3A_1559 = tpu.memref_squeeze %dma_start3A_1558 : memref<1x128xi32, #tpu.memory_space<vmem>> -> memref<128xi32, #tpu.memory_space<vmem>>
      %dma_start3A_1560 = arith.constant 0 : i32
      %dma_start3A_1561 = arith.constant 0 : i32
      %dma_start3A_1562 = tpu.memref_slice %arg15[%dma_start3A_1560, %dma_start3A_1561] : memref<10240x64xf32, #tpu.memory_space<vmem_shared>> -> memref<10240x64xf32, #tpu.memory_space<vmem_shared>>
      tpu.enqueue_indirect_dma source(%arg13 : memref<128x64xf32, #tpu.memory_space<vmem>>) target(%dma_start3A_1562 : memref<10240x64xf32, #tpu.memory_space<vmem_shared>>) offsets(%dma_start3A_1559 : memref<128xi32, #tpu.memory_space<vmem>>) semaphore(%arg23 : memref<!tpu.dma_semaphore, #tpu.memory_space<semaphore_mem>>) {add = true}
      %sub3A_1563 = arith.constant 2 : i32
      %sub3A_1564 = arith.subi %add3A_1550, %sub3A_1563 : i32
      %dma_wait3A_1565 = arith.constant 0 : i32
      %dma_wait3A_1566 = tpu.memref_slice %arg8[%sub3A_1564, %dma_wait3A_1565] : memref<32x128xi32, #tpu.memory_space<vmem>> -> memref<1x128xi32, #tpu.memory_space<vmem>>
      %dma_wait3A_1567 = tpu.memref_squeeze %dma_wait3A_1566 : memref<1x128xi32, #tpu.memory_space<vmem>> -> memref<128xi32, #tpu.memory_space<vmem>>
      %dma_wait3A_1568 = arith.constant 0 : i32
      %dma_wait3A_1569 = arith.constant 0 : i32
      %dma_wait3A_1570 = tpu.memref_slice %arg15[%dma_wait3A_1568, %dma_wait3A_1569] : memref<10240x64xf32, #tpu.memory_space<vmem_shared>> -> memref<10240x64xf32, #tpu.memory_space<vmem_shared>>
      tpu.wait_indirect_dma semaphore(%arg21 : memref<!tpu.dma_semaphore, #tpu.memory_space<semaphore_mem>>) src(%arg11 : memref<128x64xf32, #tpu.memory_space<vmem>>) dst(%dma_wait3A_1570 : memref<10240x64xf32, #tpu.memory_space<vmem_shared>>)
      %add3A_1571 = arith.constant 2 : i32
      %add3A_1572 = arith.addi %add3A_1550, %add3A_1571 : i32
      %dma_start3A_1573 = arith.constant 0 : i32
      %dma_start3A_1574 = tpu.memref_slice %arg6[%add3A_1572, %dma_start3A_1573] : memref<32x128xi32, #tpu.memory_space<vmem>> -> memref<1x128xi32, #tpu.memory_space<vmem>>
      %dma_start3A_1575 = tpu.memref_squeeze %dma_start3A_1574 : memref<1x128xi32, #tpu.memory_space<vmem>> -> memref<128xi32, #tpu.memory_space<vmem>>
      %dma_start3A_1576 = arith.constant 0 : i32
      %dma_start3A_1577 = arith.constant 0 : i32
      %dma_start3A_1578 = tpu.memref_slice %arg14[%dma_start3A_1576, %dma_start3A_1577] : memref<10000x64xf32, #tpu.memory_space<vmem_shared>> -> memref<10000x64xf32, #tpu.memory_space<vmem_shared>>
      tpu.enqueue_indirect_dma source(%dma_start3A_1578 : memref<10000x64xf32, #tpu.memory_space<vmem_shared>>) target(%arg11 : memref<128x64xf32, #tpu.memory_space<vmem>>) offsets(%dma_start3A_1575 : memref<128xi32, #tpu.memory_space<vmem>>) semaphore(%arg17 : memref<!tpu.dma_semaphore, #tpu.memory_space<semaphore_mem>>)
    }
    %scan3A_1338 = arith.constant 6 : i32
    %dma_wait3A_1339 = arith.constant 28 : i32
    %dma_wait3A_1340 = arith.constant 0 : i32
    %dma_wait3A_1341 = tpu.memref_slice %arg6[%dma_wait3A_1339, %dma_wait3A_1340] : memref<32x128xi32, #tpu.memory_space<vmem>> -> memref<1x128xi32, #tpu.memory_space<vmem>>
    %dma_wait3A_1342 = tpu.memref_squeeze %dma_wait3A_1341 : memref<1x128xi32, #tpu.memory_space<vmem>> -> memref<128xi32, #tpu.memory_space<vmem>>
    %dma_wait3A_1343 = arith.constant 0 : i32
    %dma_wait3A_1344 = arith.constant 0 : i32
    %dma_wait3A_1345 = tpu.memref_slice %arg14[%dma_wait3A_1343, %dma_wait3A_1344] : memref<10000x64xf32, #tpu.memory_space<vmem_shared>> -> memref<10000x64xf32, #tpu.memory_space<vmem_shared>>
    tpu.wait_indirect_dma semaphore(%arg16 : memref<!tpu.dma_semaphore, #tpu.memory_space<semaphore_mem>>) src(%dma_wait3A_1345 : memref<10000x64xf32, #tpu.memory_space<vmem_shared>>) dst(%arg10 : memref<128x64xf32, #tpu.memory_space<vmem>>)
    %dma_start3A_1346 = arith.constant 28 : i32
    %dma_start3A_1347 = arith.constant 0 : i32
    %dma_start3A_1348 = tpu.memref_slice %arg8[%dma_start3A_1346, %dma_start3A_1347] : memref<32x128xi32, #tpu.memory_space<vmem>> -> memref<1x128xi32, #tpu.memory_space<vmem>>
    %dma_start3A_1349 = tpu.memref_squeeze %dma_start3A_1348 : memref<1x128xi32, #tpu.memory_space<vmem>> -> memref<128xi32, #tpu.memory_space<vmem>>
    %dma_start3A_1350 = arith.constant 0 : i32
    %dma_start3A_1351 = arith.constant 0 : i32
    %dma_start3A_1352 = tpu.memref_slice %arg15[%dma_start3A_1350, %dma_start3A_1351] : memref<10240x64xf32, #tpu.memory_space<vmem_shared>> -> memref<10240x64xf32, #tpu.memory_space<vmem_shared>>
    tpu.enqueue_indirect_dma source(%arg10 : memref<128x64xf32, #tpu.memory_space<vmem>>) target(%dma_start3A_1352 : memref<10240x64xf32, #tpu.memory_space<vmem_shared>>) offsets(%dma_start3A_1349 : memref<128xi32, #tpu.memory_space<vmem>>) semaphore(%arg20 : memref<!tpu.dma_semaphore, #tpu.memory_space<semaphore_mem>>) {add = true}
    %dma_wait3A_1353 = arith.constant 26 : i32
    %dma_wait3A_1354 = arith.constant 0 : i32
    %dma_wait3A_1355 = tpu.memref_slice %arg8[%dma_wait3A_1353, %dma_wait3A_1354] : memref<32x128xi32, #tpu.memory_space<vmem>> -> memref<1x128xi32, #tpu.memory_space<vmem>>
    %dma_wait3A_1356 = tpu.memref_squeeze %dma_wait3A_1355 : memref<1x128xi32, #tpu.memory_space<vmem>> -> memref<128xi32, #tpu.memory_space<vmem>>
    %dma_wait3A_1357 = arith.constant 0 : i32
    %dma_wait3A_1358 = arith.constant 0 : i32
    %dma_wait3A_1359 = tpu.memref_slice %arg15[%dma_wait3A_1357, %dma_wait3A_1358] : memref<10240x64xf32, #tpu.memory_space<vmem_shared>> -> memref<10240x64xf32, #tpu.memory_space<vmem_shared>>
    tpu.wait_indirect_dma semaphore(%arg22 : memref<!tpu.dma_semaphore, #tpu.memory_space<semaphore_mem>>) src(%arg12 : memref<128x64xf32, #tpu.memory_space<vmem>>) dst(%dma_wait3A_1359 : memref<10240x64xf32, #tpu.memory_space<vmem_shared>>)
    %dma_start3A_1360 = arith.constant 30 : i32
    %dma_start3A_1361 = arith.constant 0 : i32
    %dma_start3A_1362 = tpu.memref_slice %arg6[%dma_start3A_1360, %dma_start3A_1361] : memref<32x128xi32, #tpu.memory_space<vmem>> -> memref<1x128xi32, #tpu.memory_space<vmem>>
    %dma_start3A_1363 = tpu.memref_squeeze %dma_start3A_1362 : memref<1x128xi32, #tpu.memory_space<vmem>> -> memref<128xi32, #tpu.memory_space<vmem>>
    %dma_start3A_1364 = arith.constant 0 : i32
    %dma_start3A_1365 = arith.constant 0 : i32
    %dma_start3A_1366 = tpu.memref_slice %arg14[%dma_start3A_1364, %dma_start3A_1365] : memref<10000x64xf32, #tpu.memory_space<vmem_shared>> -> memref<10000x64xf32, #tpu.memory_space<vmem_shared>>
    tpu.enqueue_indirect_dma source(%dma_start3A_1366 : memref<10000x64xf32, #tpu.memory_space<vmem_shared>>) target(%arg12 : memref<128x64xf32, #tpu.memory_space<vmem>>) offsets(%dma_start3A_1363 : memref<128xi32, #tpu.memory_space<vmem>>) semaphore(%arg18 : memref<!tpu.dma_semaphore, #tpu.memory_space<semaphore_mem>>)
    %dma_wait3A_1367 = arith.constant 29 : i32
    %dma_wait3A_1368 = arith.constant 0 : i32
    %dma_wait3A_1369 = tpu.memref_slice %arg6[%dma_wait3A_1367, %dma_wait3A_1368] : memref<32x128xi32, #tpu.memory_space<vmem>> -> memref<1x128xi32, #tpu.memory_space<vmem>>
    %dma_wait3A_1370 = tpu.memref_squeeze %dma_wait3A_1369 : memref<1x128xi32, #tpu.memory_space<vmem>> -> memref<128xi32, #tpu.memory_space<vmem>>
    %dma_wait3A_1371 = arith.constant 0 : i32
    %dma_wait3A_1372 = arith.constant 0 : i32
    %dma_wait3A_1373 = tpu.memref_slice %arg14[%dma_wait3A_1371, %dma_wait3A_1372] : memref<10000x64xf32, #tpu.memory_space<vmem_shared>> -> memref<10000x64xf32, #tpu.memory_space<vmem_shared>>
    tpu.wait_indirect_dma semaphore(%arg17 : memref<!tpu.dma_semaphore, #tpu.memory_space<semaphore_mem>>) src(%dma_wait3A_1373 : memref<10000x64xf32, #tpu.memory_space<vmem_shared>>) dst(%arg11 : memref<128x64xf32, #tpu.memory_space<vmem>>)
    %dma_start3A_1374 = arith.constant 29 : i32
    %dma_start3A_1375 = arith.constant 0 : i32
    %dma_start3A_1376 = tpu.memref_slice %arg8[%dma_start3A_1374, %dma_start3A_1375] : memref<32x128xi32, #tpu.memory_space<vmem>> -> memref<1x128xi32, #tpu.memory_space<vmem>>
    %dma_start3A_1377 = tpu.memref_squeeze %dma_start3A_1376 : memref<1x128xi32, #tpu.memory_space<vmem>> -> memref<128xi32, #tpu.memory_space<vmem>>
    %dma_start3A_1378 = arith.constant 0 : i32
    %dma_start3A_1379 = arith.constant 0 : i32
    %dma_start3A_1380 = tpu.memref_slice %arg15[%dma_start3A_1378, %dma_start3A_1379] : memref<10240x64xf32, #tpu.memory_space<vmem_shared>> -> memref<10240x64xf32, #tpu.memory_space<vmem_shared>>
    tpu.enqueue_indirect_dma source(%arg11 : memref<128x64xf32, #tpu.memory_space<vmem>>) target(%dma_start3A_1380 : memref<10240x64xf32, #tpu.memory_space<vmem_shared>>) offsets(%dma_start3A_1377 : memref<128xi32, #tpu.memory_space<vmem>>) semaphore(%arg21 : memref<!tpu.dma_semaphore, #tpu.memory_space<semaphore_mem>>) {add = true}
    %dma_wait3A_1381 = arith.constant 27 : i32
    %dma_wait3A_1382 = arith.constant 0 : i32
    %dma_wait3A_1383 = tpu.memref_slice %arg8[%dma_wait3A_1381, %dma_wait3A_1382] : memref<32x128xi32, #tpu.memory_space<vmem>> -> memref<1x128xi32, #tpu.memory_space<vmem>>
    %dma_wait3A_1384 = tpu.memref_squeeze %dma_wait3A_1383 : memref<1x128xi32, #tpu.memory_space<vmem>> -> memref<128xi32, #tpu.memory_space<vmem>>
    %dma_wait3A_1385 = arith.constant 0 : i32
    %dma_wait3A_1386 = arith.constant 0 : i32
    %dma_wait3A_1387 = tpu.memref_slice %arg15[%dma_wait3A_1385, %dma_wait3A_1386] : memref<10240x64xf32, #tpu.memory_space<vmem_shared>> -> memref<10240x64xf32, #tpu.memory_space<vmem_shared>>
    tpu.wait_indirect_dma semaphore(%arg23 : memref<!tpu.dma_semaphore, #tpu.memory_space<semaphore_mem>>) src(%arg13 : memref<128x64xf32, #tpu.memory_space<vmem>>) dst(%dma_wait3A_1387 : memref<10240x64xf32, #tpu.memory_space<vmem_shared>>)
    %dma_start3A_1388 = arith.constant 31 : i32
    %dma_start3A_1389 = arith.constant 0 : i32
    %dma_start3A_1390 = tpu.memref_slice %arg6[%dma_start3A_1388, %dma_start3A_1389] : memref<32x128xi32, #tpu.memory_space<vmem>> -> memref<1x128xi32, #tpu.memory_space<vmem>>
    %dma_start3A_1391 = tpu.memref_squeeze %dma_start3A_1390 : memref<1x128xi32, #tpu.memory_space<vmem>> -> memref<128xi32, #tpu.memory_space<vmem>>
    %dma_start3A_1392 = arith.constant 0 : i32
    %dma_start3A_1393 = arith.constant 0 : i32
    %dma_start3A_1394 = tpu.memref_slice %arg14[%dma_start3A_1392, %dma_start3A_1393] : memref<10000x64xf32, #tpu.memory_space<vmem_shared>> -> memref<10000x64xf32, #tpu.memory_space<vmem_shared>>
    tpu.enqueue_indirect_dma source(%dma_start3A_1394 : memref<10000x64xf32, #tpu.memory_space<vmem_shared>>) target(%arg13 : memref<128x64xf32, #tpu.memory_space<vmem>>) offsets(%dma_start3A_1391 : memref<128xi32, #tpu.memory_space<vmem>>) semaphore(%arg19 : memref<!tpu.dma_semaphore, #tpu.memory_space<semaphore_mem>>)
    %dma_wait3A_1395 = arith.constant 30 : i32
    %dma_wait3A_1396 = arith.constant 0 : i32
    %dma_wait3A_1397 = tpu.memref_slice %arg6[%dma_wait3A_1395, %dma_wait3A_1396] : memref<32x128xi32, #tpu.memory_space<vmem>> -> memref<1x128xi32, #tpu.memory_space<vmem>>
    %dma_wait3A_1398 = tpu.memref_squeeze %dma_wait3A_1397 : memref<1x128xi32, #tpu.memory_space<vmem>> -> memref<128xi32, #tpu.memory_space<vmem>>
    %dma_wait3A_1399 = arith.constant 0 : i32
    %dma_wait3A_1400 = arith.constant 0 : i32
    %dma_wait3A_1401 = tpu.memref_slice %arg14[%dma_wait3A_1399, %dma_wait3A_1400] : memref<10000x64xf32, #tpu.memory_space<vmem_shared>> -> memref<10000x64xf32, #tpu.memory_space<vmem_shared>>
    tpu.wait_indirect_dma semaphore(%arg18 : memref<!tpu.dma_semaphore, #tpu.memory_space<semaphore_mem>>) src(%dma_wait3A_1401 : memref<10000x64xf32, #tpu.memory_space<vmem_shared>>) dst(%arg12 : memref<128x64xf32, #tpu.memory_space<vmem>>)
    %dma_start3A_1402 = arith.constant 30 : i32
    %dma_start3A_1403 = arith.constant 0 : i32
    %dma_start3A_1404 = tpu.memref_slice %arg8[%dma_start3A_1402, %dma_start3A_1403] : memref<32x128xi32, #tpu.memory_space<vmem>> -> memref<1x128xi32, #tpu.memory_space<vmem>>
    %dma_start3A_1405 = tpu.memref_squeeze %dma_start3A_1404 : memref<1x128xi32, #tpu.memory_space<vmem>> -> memref<128xi32, #tpu.memory_space<vmem>>
    %dma_start3A_1406 = arith.constant 0 : i32
    %dma_start3A_1407 = arith.constant 0 : i32
    %dma_start3A_1408 = tpu.memref_slice %arg15[%dma_start3A_1406, %dma_start3A_1407] : memref<10240x64xf32, #tpu.memory_space<vmem_shared>> -> memref<10240x64xf32, #tpu.memory_space<vmem_shared>>
    tpu.enqueue_indirect_dma source(%arg12 : memref<128x64xf32, #tpu.memory_space<vmem>>) target(%dma_start3A_1408 : memref<10240x64xf32, #tpu.memory_space<vmem_shared>>) offsets(%dma_start3A_1405 : memref<128xi32, #tpu.memory_space<vmem>>) semaphore(%arg22 : memref<!tpu.dma_semaphore, #tpu.memory_space<semaphore_mem>>) {add = true}
    %dma_wait3A_1409 = arith.constant 28 : i32
    %dma_wait3A_1410 = arith.constant 0 : i32
    %dma_wait3A_1411 = tpu.memref_slice %arg8[%dma_wait3A_1409, %dma_wait3A_1410] : memref<32x128xi32, #tpu.memory_space<vmem>> -> memref<1x128xi32, #tpu.memory_space<vmem>>
    %dma_wait3A_1412 = tpu.memref_squeeze %dma_wait3A_1411 : memref<1x128xi32, #tpu.memory_space<vmem>> -> memref<128xi32, #tpu.memory_space<vmem>>
    %dma_wait3A_1413 = arith.constant 0 : i32
    %dma_wait3A_1414 = arith.constant 0 : i32
    %dma_wait3A_1415 = tpu.memref_slice %arg15[%dma_wait3A_1413, %dma_wait3A_1414] : memref<10240x64xf32, #tpu.memory_space<vmem_shared>> -> memref<10240x64xf32, #tpu.memory_space<vmem_shared>>
    tpu.wait_indirect_dma semaphore(%arg20 : memref<!tpu.dma_semaphore, #tpu.memory_space<semaphore_mem>>) src(%arg10 : memref<128x64xf32, #tpu.memory_space<vmem>>) dst(%dma_wait3A_1415 : memref<10240x64xf32, #tpu.memory_space<vmem_shared>>)
    %dma_wait3A_1416 = arith.constant 31 : i32
    %dma_wait3A_1417 = arith.constant 0 : i32
    %dma_wait3A_1418 = tpu.memref_slice %arg6[%dma_wait3A_1416, %dma_wait3A_1417] : memref<32x128xi32, #tpu.memory_space<vmem>> -> memref<1x128xi32, #tpu.memory_space<vmem>>
    %dma_wait3A_1419 = tpu.memref_squeeze %dma_wait3A_1418 : memref<1x128xi32, #tpu.memory_space<vmem>> -> memref<128xi32, #tpu.memory_space<vmem>>
    %dma_wait3A_1420 = arith.constant 0 : i32
    %dma_wait3A_1421 = arith.constant 0 : i32
    %dma_wait3A_1422 = tpu.memref_slice %arg14[%dma_wait3A_1420, %dma_wait3A_1421] : memref<10000x64xf32, #tpu.memory_space<vmem_shared>> -> memref<10000x64xf32, #tpu.memory_space<vmem_shared>>
    tpu.wait_indirect_dma semaphore(%arg19 : memref<!tpu.dma_semaphore, #tpu.memory_space<semaphore_mem>>) src(%dma_wait3A_1422 : memref<10000x64xf32, #tpu.memory_space<vmem_shared>>) dst(%arg13 : memref<128x64xf32, #tpu.memory_space<vmem>>)
    %dma_start3A_1423 = arith.constant 31 : i32
    %dma_start3A_1424 = arith.constant 0 : i32
    %dma_start3A_1425 = tpu.memref_slice %arg8[%dma_start3A_1423, %dma_start3A_1424] : memref<32x128xi32, #tpu.memory_space<vmem>> -> memref<1x128xi32, #tpu.memory_space<vmem>>
    %dma_start3A_1426 = tpu.memref_squeeze %dma_start3A_1425 : memref<1x128xi32, #tpu.memory_space<vmem>> -> memref<128xi32, #tpu.memory_space<vmem>>
    %dma_start3A_1427 = arith.constant 0 : i32
    %dma_start3A_1428 = arith.constant 0 : i32
    %dma_start3A_1429 = tpu.memref_slice %arg15[%dma_start3A_1427, %dma_start3A_1428] : memref<10240x64xf32, #tpu.memory_space<vmem_shared>> -> memref<10240x64xf32, #tpu.memory_space<vmem_shared>>
    tpu.enqueue_indirect_dma source(%arg13 : memref<128x64xf32, #tpu.memory_space<vmem>>) target(%dma_start3A_1429 : memref<10240x64xf32, #tpu.memory_space<vmem_shared>>) offsets(%dma_start3A_1426 : memref<128xi32, #tpu.memory_space<vmem>>) semaphore(%arg23 : memref<!tpu.dma_semaphore, #tpu.memory_space<semaphore_mem>>) {add = true}
    %dma_wait3A_1430 = arith.constant 29 : i32
    %dma_wait3A_1431 = arith.constant 0 : i32
    %dma_wait3A_1432 = tpu.memref_slice %arg8[%dma_wait3A_1430, %dma_wait3A_1431] : memref<32x128xi32, #tpu.memory_space<vmem>> -> memref<1x128xi32, #tpu.memory_space<vmem>>
    %dma_wait3A_1433 = tpu.memref_squeeze %dma_wait3A_1432 : memref<1x128xi32, #tpu.memory_space<vmem>> -> memref<128xi32, #tpu.memory_space<vmem>>
    %dma_wait3A_1434 = arith.constant 0 : i32
    %dma_wait3A_1435 = arith.constant 0 : i32
    %dma_wait3A_1436 = tpu.memref_slice %arg15[%dma_wait3A_1434, %dma_wait3A_1435] : memref<10240x64xf32, #tpu.memory_space<vmem_shared>> -> memref<10240x64xf32, #tpu.memory_space<vmem_shared>>
    tpu.wait_indirect_dma semaphore(%arg21 : memref<!tpu.dma_semaphore, #tpu.memory_space<semaphore_mem>>) src(%arg11 : memref<128x64xf32, #tpu.memory_space<vmem>>) dst(%dma_wait3A_1436 : memref<10240x64xf32, #tpu.memory_space<vmem_shared>>)
    %dma_wait3A_1437 = arith.constant 30 : i32
    %dma_wait3A_1438 = arith.constant 0 : i32
    %dma_wait3A_1439 = tpu.memref_slice %arg8[%dma_wait3A_1437, %dma_wait3A_1438] : memref<32x128xi32, #tpu.memory_space<vmem>> -> memref<1x128xi32, #tpu.memory_space<vmem>>
    %dma_wait3A_1440 = tpu.memref_squeeze %dma_wait3A_1439 : memref<1x128xi32, #tpu.memory_space<vmem>> -> memref<128xi32, #tpu.memory_space<vmem>>
    %dma_wait3A_1441 = arith.constant 0 : i32
    %dma_wait3A_1442 = arith.constant 0 : i32
    %dma_wait3A_1443 = tpu.memref_slice %arg15[%dma_wait3A_1441, %dma_wait3A_1442] : memref<10240x64xf32, #tpu.memory_space<vmem_shared>> -> memref<10240x64xf32, #tpu.memory_space<vmem_shared>>
    tpu.wait_indirect_dma semaphore(%arg22 : memref<!tpu.dma_semaphore, #tpu.memory_space<semaphore_mem>>) src(%arg12 : memref<128x64xf32, #tpu.memory_space<vmem>>) dst(%dma_wait3A_1443 : memref<10240x64xf32, #tpu.memory_space<vmem_shared>>)
    %dma_wait3A_1444 = arith.constant 31 : i32
    %dma_wait3A_1445 = arith.constant 0 : i32
    %dma_wait3A_1446 = tpu.memref_slice %arg8[%dma_wait3A_1444, %dma_wait3A_1445] : memref<32x128xi32, #tpu.memory_space<vmem>> -> memref<1x128xi32, #tpu.memory_space<vmem>>
    %dma_wait3A_1447 = tpu.memref_squeeze %dma_wait3A_1446 : memref<1x128xi32, #tpu.memory_space<vmem>> -> memref<128xi32, #tpu.memory_space<vmem>>
    %dma_wait3A_1448 = arith.constant 0 : i32
    %dma_wait3A_1449 = arith.constant 0 : i32
    %dma_wait3A_1450 = tpu.memref_slice %arg15[%dma_wait3A_1448, %dma_wait3A_1449] : memref<10240x64xf32, #tpu.memory_space<vmem_shared>> -> memref<10240x64xf32, #tpu.memory_space<vmem_shared>>
    tpu.wait_indirect_dma semaphore(%arg23 : memref<!tpu.dma_semaphore, #tpu.memory_space<semaphore_mem>>) src(%arg13 : memref<128x64xf32, #tpu.memory_space<vmem>>) dst(%dma_wait3A_1450 : memref<10240x64xf32, #tpu.memory_space<vmem_shared>>)
    %barrier3A_1451 = arith.constant 0 : index
    tpu.barrier barrier_id(%barrier3A_1451)
    %mul3A_1452 = arith.constant 640 : i32
    %mul3A_1453 = arith.muli %arg1, %mul3A_1452 : i32
    %mul3A_1454 = arith.constant 640 : i32
    %mul3A_1455 = arith.muli %arg1, %mul3A_1454 : i32
    "tpu.region"() ({
      %run_scoped3A = tpu.sem_alloc : memref<!tpu.dma_semaphore, #tpu.memory_space<semaphore_mem>>
      %dma_start3A_1456 = arith.constant 0 : i32
      %dma_start3A_1457 = arith.constant 0 : i32
      %dma_start3A_1458 = tpu.memref_slice %arg5[%arg0, %dma_start3A_1456, %dma_start3A_1457] : memref<2x10240x64xf32, #tpu.memory_space<hbm>> -> memref<1x10240x64xf32, #tpu.memory_space<hbm>>
      %dma_start3A_1459 = tpu.memref_squeeze %dma_start3A_1458 : memref<1x10240x64xf32, #tpu.memory_space<hbm>> -> memref<10240x64xf32, #tpu.memory_space<hbm>>
      %dma_start3A_1460 = arith.constant 0 : i32
      %dma_start3A_1461 = tpu.memref_slice %dma_start3A_1459[%mul3A_1455, %dma_start3A_1460] : memref<10240x64xf32, #tpu.memory_space<hbm>> -> memref<640x64xf32, #tpu.memory_space<hbm>>
      %dma_start3A_1462 = arith.constant 0 : i32
      %dma_start3A_1463 = tpu.memref_slice %arg15[%mul3A_1453, %dma_start3A_1462] : memref<10240x64xf32, #tpu.memory_space<vmem_shared>> -> memref<640x64xf32, #tpu.memory_space<vmem_shared>>
      tpu.enqueue_dma source(%dma_start3A_1463 : memref<640x64xf32, #tpu.memory_space<vmem_shared>>) target(%dma_start3A_1461 : memref<640x64xf32, #tpu.memory_space<hbm>>) target_semaphore(%run_scoped3A : memref<!tpu.dma_semaphore, #tpu.memory_space<semaphore_mem>>)
      %dma_wait3A_1464 = arith.constant 0 : i32
      %dma_wait3A_1465 = arith.constant 0 : i32
      %dma_wait3A_1466 = tpu.memref_slice %arg5[%arg0, %dma_wait3A_1464, %dma_wait3A_1465] : memref<2x10240x64xf32, #tpu.memory_space<hbm>> -> memref<1x10240x64xf32, #tpu.memory_space<hbm>>
      %dma_wait3A_1467 = tpu.memref_squeeze %dma_wait3A_1466 : memref<1x10240x64xf32, #tpu.memory_space<hbm>> -> memref<10240x64xf32, #tpu.memory_space<hbm>>
      %dma_wait3A_1468 = arith.constant 0 : i32
      %dma_wait3A_1469 = tpu.memref_slice %dma_wait3A_1467[%mul3A_1455, %dma_wait3A_1468] : memref<10240x64xf32, #tpu.memory_space<hbm>> -> memref<640x64xf32, #tpu.memory_space<hbm>>
      %dma_wait3A_1470 = arith.constant 0 : i32
      %dma_wait3A_1471 = tpu.memref_slice %arg15[%mul3A_1453, %dma_wait3A_1470] : memref<10240x64xf32, #tpu.memory_space<vmem_shared>> -> memref<640x64xf32, #tpu.memory_space<vmem_shared>>
      tpu.wait_dma2 semaphore(%run_scoped3A : memref<!tpu.dma_semaphore, #tpu.memory_space<semaphore_mem>>) src(%dma_wait3A_1471 : memref<640x64xf32, #tpu.memory_space<vmem_shared>>) dst(%dma_wait3A_1469 : memref<640x64xf32, #tpu.memory_space<hbm>>)
      tpu.yield
    }) : () -> ()
    return
  }
}

module attributes {stable_mosaic.version = 14 : i64} {
  func.func @body(%arg0: i32, %arg1: memref<2x2000x64xf32, #tpu.memory_space<vmem>>, %arg2: memref<2000x128xf32, #tpu.memory_space<vmem>>, %arg3: memref<128x128xf32, #tpu.memory_space<vmem>>, %arg4: memref<2000x128xf32, #tpu.memory_space<vmem>>) attributes {dimension_semantics = [#tpu.dimension_semantics<arbitrary>], iteration_bounds = array<i64: 5>, scalar_prefetch = 0 : i64, scratch_operands = 0 : i64, tpu.core_type = #tpu.core_type<tc>, window_params = [{transform_indices = @transform_0, window_bounds = array<i64: 2, 2000, 64>}, {transform_indices = @transform_1, window_bounds = array<i64: 2000, 128>}, {pipeline_mode = #tpu.pipeline_mode<synchronous>, transform_indices = @transform_2, window_bounds = array<i64: 128, 128>}, {transform_indices = @transform_3, window_bounds = array<i64: 2000, 128>}]} {
    %get3A = arith.constant 0 : index
    %get3A_0 = arith.constant 0 : index
    %get3A_1 = arith.constant 0 : index
    %get3A_2 = vector.load %arg1[%get3A, %get3A_0, %get3A_1] : memref<2x2000x64xf32, #tpu.memory_space<vmem>>, vector<1x2000x64xf32>
    %get3A_3 = vector.shape_cast %get3A_2 : vector<1x2000x64xf32> to vector<2000x64xf32>
    %get3A_4 = arith.constant 1 : index
    %get3A_5 = arith.constant 0 : index
    %get3A_6 = arith.constant 0 : index
    %get3A_7 = vector.load %arg1[%get3A_4, %get3A_5, %get3A_6] : memref<2x2000x64xf32, #tpu.memory_space<vmem>>, vector<1x2000x64xf32>
    %get3A_8 = vector.shape_cast %get3A_7 : vector<1x2000x64xf32> to vector<2000x64xf32>
    %concatenate3A = tpu.concatenate %get3A_3, %get3A_8 in 1 : vector<2000x64xf32>, vector<2000x64xf32> -> vector<2000x128xf32>
    %get3A_9 = arith.constant 0 : index
    %get3A_10 = arith.constant 0 : index
    %get3A_11 = vector.load %arg2[%get3A_9, %get3A_10] : memref<2000x128xf32, #tpu.memory_space<vmem>>, vector<2000x128xf32>
    %add3A = arith.addf %concatenate3A, %get3A_11 : vector<2000x128xf32>
    %get3A_12 = arith.constant 0 : index
    %get3A_13 = arith.constant 0 : index
    %get3A_14 = vector.load %arg3[%get3A_12, %get3A_13] : memref<128x128xf32, #tpu.memory_space<vmem>>, vector<128x128xf32>
    %dot_general3A = arith.constant dense<0.000000e+00> : vector<2000x128xf32>
    %dot_general3A_15 = tpu.matmul %add3A, %get3A_14, %dot_general3A {dimension_numbers = #tpu.dot_dimension_numbers<[1], [1], [0], [0], [0, 0, 1, 0], [], []>, transpose_lhs_hint = false} : vector<2000x128xf32>, vector<128x128xf32>, vector<2000x128xf32> -> vector<2000x128xf32>
    %swap3A = arith.constant 0 : index
    %swap3A_16 = arith.constant 0 : index
    %swap3A_17 = vector.load %arg4[%swap3A, %swap3A_16] : memref<2000x128xf32, #tpu.memory_space<vmem>>, vector<2000x128xf32>
    tpu.vector_store %arg4[%swap3A, %swap3A_16], %dot_general3A_15 {strides = array<i32>} : memref<2000x128xf32, #tpu.memory_space<vmem>>, vector<2000x128xf32>,
    return
  }
  func.func @transform_0(%arg0: i32) -> (i32, i32, i32) {
    %c0_i32 = arith.constant 0 : i32
    %c0_i32_0 = arith.constant 0 : i32
    %c0_i32_1 = arith.constant 0 : i32
    return %c0_i32, %arg0, %c0_i32_0 : i32, i32, i32
  }
  func.func @transform_1(%arg0: i32) -> (i32, i32) {
    %c0_i32 = arith.constant 0 : i32
    %c0_i32_0 = arith.constant 0 : i32
    return %arg0, %c0_i32 : i32, i32
  }
  func.func @transform_2(%arg0: i32) -> (i32, i32) {
    %c0_i32 = arith.constant 0 : i32
    %c0_i32_0 = arith.constant 0 : i32
    %c0_i32_1 = arith.constant 0 : i32
    return %c0_i32, %c0_i32_0 : i32, i32
  }
  func.func @transform_3(%arg0: i32) -> (i32, i32) {
    %c0_i32 = arith.constant 0 : i32
    %c0_i32_0 = arith.constant 0 : i32
    return %arg0, %c0_i32 : i32, i32
  }
}

</mosaic_0001>

<sc_bundles>
// kernel: kernel.4.cloned.1.call-start
scs
__scs_entry_jumppad:
0x0: {  	(pc) =	sbr.rel $0x88, $3  }
0x1: {  	(tag) =	ssettag $0x0;
	lr =	simm.s32 $0x1  }
0x2: {  	[smem:$0x3F9E] =	sst lr;
	_ =	strace $0xD0000000  }
0x3: {  	_ = 	snop  }
0x4: {  	_ = 	snop  }
0x5: {  	_ = 	snop  }
0x6: {  	_ = 	snop  }
0x7: {  	_ = 	snop  }
__scs_overlays_trampoline_lowered:
0x8: {  	[smem:$0x3FAD] =	sst s0  }
0x9: {  	[smem:$0x3FAE] =	sst s1  }
0xa: {  	[smem:$0x3FAF] =	sst s2  }
0xb: {  	[smem:$0x3FB0] =	sst s3  }
0xc: {  	[smem:$0x3FB1] =	sst s4  }
0xd: {  	[smem:$0x3FB2] =	sst s5  }
0xe: {  	[smem:$0x3FB3] =	sst s6  }
0xf: {  	[smem:$0x3FB4] =	sst s7  }
0x10: {  	[smem:$0x3FB5] =	sst s8  }
0x11: {  	[smem:$0x3FB6] =	sst s9;
	s0 =	simm.s32 @!p0 $0x0  }
0x12: {  	s1 =	sld [smem:$0x3F9C];
	s0 =	simm.s32 @p0 $0x1  }
0x13: {  	[smem:$0x3FB7] =	sst s0;
	s0 =	simm.s32 @!p1 $0x0  }
0x14: {  	s2 =	sld [smem:$0x3F9B];
	s0 =	simm.s32 @p1 $0x1  }
0x15: {  	[smem:$0x3FB8] =	sst s0;
	s0 =	simm.s32 @!p2 $0x0  }
0x16: {  	s3 =	sld [smem:$0x3FDB];
	s0 =	simm.s32 @p2 $0x1  }
0x17: {  	s4 =	simm.s32 $0x1BF5;
	[smem:$0x3FBA] =	sst s0  }
0x18: {  	s0 =	sld [smem:$0x3F9D];
	_ =	swait.ge [sflag:s4], $0x0  }
0x19: {  	s7 =	sld [smem:$0x3F9E]  }
0x1a: {  	s8 =	sadd.s32 $0xFFFFE003, lr  }
0x1b: {  	s9 =	sadd.s32 $0xFFFFFEF7, lr;
	s5 =	simm.s32 $0xFFFFFFFF;
	p2 =	slt.u32 s8, $0xFFFFF086  }
0x1c: {  	p1 =	slt.u32 s9, $0xF7A;
	s5 =	simm.s32 @!p2 $0x0  }
0x1d: {  	s5 =	simm.s32 @p1 $0x1;
	p0 =	seq.s32 s7, s2  }
0x1e: {  	s7 =	smul.u32 @!p0 $0xF7A, s2;
	p2 =	seq.s32 @!p0 s5, $0x0  }
0x1f: {  	s9 =	smul.u32 $0xF7A, s1;
	s8 =	simm.s32 @!p0 $0x1BF5;
	p2 =	por !p2, p0  }
0x20: {  	[sflag:s8] =	ssyncset.s32 @!p0 $0xFFFFF086;
	s6 =	sadd.s32 @!p0 s3, s7;
	s7 =	simm.s32 @!p0 $0x108  }
0x21: {  	s3 =	sadd.s32 s3, s9;
	s6 =	sadd.s32 @!p0 $0x88, s6;
	s7 =	simm.s32 @p2 $0x1082  }
0x22: {  	[simem:s7], [sflag:s8] =	dma.local @!p0 [hbm:s6], $0xF7A  }
0x23: {  	s9 =	sor.u32 $0xD0000000, s2;
	s6 =	simm.s32 $0x108;
	_ =	swait.ge @!p0 [sflag:s8], $0x0  }
0x24: {  	s3 =	sadd.s32 $0x88, s3;
	s6 =	simm.s32 @!p1 $0x1082;
	[sflag:s4] =	ssyncset.s32 $0xFFFFF086  }
0x25: {  	[simem:s6], [sflag:s4] =	dma.local [hbm:s3], $0xF7A  }
0x26: {  	[smem:$0x3F9E] =	sst s1;
	(tag) =	ssettag s2;
	_ =	strace s9  }
0x27: {  	s1 =	sld [smem:$0x3FAE]  }
0x28: {  	s2 =	sld [smem:$0x3FAF]  }
0x29: {  	s4 =	sld [smem:$0x3FB1]  }
0x2a: {  	p0 =	seq.s32 s5, $0x0;
	s5 =	sld [smem:$0x3FB2]  }
0x2b: {  	s6 =	sld [smem:$0x3FB3]  }
0x2c: {  	s7 =	sld [smem:$0x3FB4]  }
0x2d: {  	s3 =	simm.s32 $0x108;
	s8 =	sld [smem:$0x3FB5]  }
0x2e: {  	s3 =	simm.s32 @!p0 $0x1082;
	s9 =	sld [smem:$0x3FB6]  }
0x2f: {  	lr =	sadd.s32 s0, s3;
	s0 =	sld [smem:$0x3FAD]  }
0x30: {  	s3 =	sld [smem:$0x3FB0]  }
0x31: {  	[smem:$0x3FB9] =	sst s10  }
0x32: {  	s10 =	sld [smem:$0x3FB7];
	_ =	sdelay $0x3  }
0x33: {  	p0 =	seq.s32 s10, $0x1;
	s10 =	sld [smem:$0x3FB9];
	_ =	sdelay $0x3  }
0x34: {  	[smem:$0x3FB9] =	sst s10  }
0x35: {  	s10 =	sld [smem:$0x3FB8];
	_ =	sdelay $0x3  }
0x36: {  	p1 =	seq.s32 s10, $0x1;
	s10 =	sld [smem:$0x3FB9];
	_ =	sdelay $0x3  }
0x37: {  	[smem:$0x3FB9] =	sst s10  }
0x38: {  	s10 =	sld [smem:$0x3FBA]  }
0x39: {  	_ = 	snop;
	(pc) =	sbr.ind lr, $3  }
0x3a: {  	_ = 	snop  }
0x3b: {  	_ = 	snop  }
0x3c: {  	p2 =	seq.s32 s10, $0x1;
	s10 =	sld [smem:$0x3FB9]  }
0x3d: {  	_ =	shalt  }
0x3e: {  	_ =	shalt  }
0x3f: {  	_ =	shalt  }
0x40: {  	_ =	shalt  }
0x41: {  	_ =	shalt  }
0x42: {  	_ =	shalt  }
0x43: {  	_ =	shalt  }
0x44: {  	_ =	shalt  }
0x45: {  	_ =	shalt  }
0x46: {  	_ =	shalt  }
0x47: {  	_ =	shalt  }
0x48: {  	_ =	shalt  }
0x49: {  	_ =	shalt  }
0x4a: {  	_ =	shalt  }
0x4b: {  	_ =	shalt  }
0x4c: {  	_ =	shalt  }
0x4d: {  	_ =	shalt  }
0x4e: {  	_ =	shalt  }
0x4f: {  	_ =	shalt  }
0x50: {  	_ =	shalt  }
0x51: {  	_ =	shalt  }
0x52: {  	_ =	shalt  }
0x53: {  	_ =	shalt  }
0x54: {  	_ =	shalt  }
0x55: {  	_ =	shalt  }
0x56: {  	_ =	shalt  }
0x57: {  	_ =	shalt  }
0x58: {  	_ =	shalt  }
0x59: {  	_ =	shalt  }
0x5a: {  	_ =	shalt  }
0x5b: {  	_ =	shalt  }
0x5c: {  	_ =	shalt  }
0x5d: {  	_ =	shalt  }
0x5e: {  	_ =	shalt  }
0x5f: {  	_ =	shalt  }
0x60: {  	_ =	shalt  }
0x61: {  	_ =	shalt  }
0x62: {  	_ =	shalt  }
0x63: {  	_ =	shalt  }
0x64: {  	_ =	shalt  }
0x65: {  	_ =	shalt  }
0x66: {  	_ =	shalt  }
0x67: {  	_ =	shalt  }
0x68: {  	_ =	shalt  }
0x69: {  	_ =	shalt  }
0x6a: {  	_ =	shalt  }
0x6b: {  	_ =	shalt  }
0x6c: {  	_ =	shalt  }
0x6d: {  	_ =	shalt  }
0x6e: {  	_ =	shalt  }
0x6f: {  	_ =	shalt  }
0x70: {  	_ =	shalt  }
0x71: {  	_ =	shalt  }
0x72: {  	_ =	shalt  }
0x73: {  	_ =	shalt  }
0x74: {  	_ =	shalt  }
0x75: {  	_ =	shalt  }
0x76: {  	_ =	shalt  }
0x77: {  	_ =	shalt  }
0x78: {  	_ =	shalt  }
0x79: {  	_ =	shalt  }
0x7a: {  	_ =	shalt  }
0x7b: {  	_ =	shalt  }
0x7c: {  	_ =	shalt  }
0x7d: {  	_ =	shalt  }
0x7e: {  	_ =	shalt  }
0x7f: {  	_ =	shalt  }
0x80: {  	_ =	shalt  }
0x81: {  	_ =	shalt  }
0x82: {  	_ =	shalt  }
0x83: {  	_ =	shalt  }
0x84: {  	_ =	shalt  }
0x85: {  	_ =	shalt  }
0x86: {  	_ =	shalt  }
0x87: {  	_ =	shalt  }
.Lfunc_end0:
.L_simem_size_0:
called_computation_lowered:
.L_overlay_start_0:
0x88: {  	s2 =	sld [smem:$0x3FD9]  }
0x89: {  	s3 =	sld [smem:$0x3FFE];
	_ =	sdelay $0x1  }
0x8a: {  	s1 =	srdreg.scid  }
0x8b: {  	s0 =	sand.u32 $0x1, s1  }
0x8c: {  	s17 =	sshll.u32 s0, $0xA;
	s2 =	sadd.s32 s3, s2  }
0x8d: {  	s2 =	sadd.s32 s2, s17  }
0x8e: {  	[smem:$0x3FC5] =	sst s2  }
0x8f: {  	_ = 	snop  }
0x90: {  	s2 =	sld [smem:$0x3FC9]  }
0x91: {  	s18 =	sld [smem:$0x3FD0];
	(tm) =	ssettm $0x1  }
0x92: {  	s4 =	sld [smem:$0x3FFB];
	_ =	sdelay $0x3  }
0x93: {  	_ =	strace s4  }
0x94: {  	s4 =	sld [smem:$0x3FFC];
	_ =	sdelay $0x3  }
0x95: {  	_ =	strace s4  }
0x96: {  	s4 =	sld [smem:$0x3FFD];
	_ =	sdelay $0x3  }
0x97: {  	_ =	strace s4  }
0x98: {  	_ =	strace $0x8FFFFFFF  }
0x99: {  	s19 =	sld [smem:$0x3FDB];
	_ =	sdelay $0x1  }
0x9a: {  	s5 =	simm.s32 $_scs_section_size  }
0x9b: {  	s6 =	simm.s32 $_size__tile_overlayer_lowered;
	s7 =	simm.s32 $_tile_overlayer_lowered  }
0x9c: {  	s22 =	simm.s32 $0x1BFF;
	s21 =	sshll.u32 s7, $0x1;
	s4 =	sadd.s32 s5, s19  }
0x9d: {  	s8 =	simm.s32 $0x0;
	s20 =	sshll.u32 s6, $0x1;
	s6 =	sadd.s32 s21, s4  }
0x9e: {  	[timem:s8], [sflag:s22] =	dma.local [hbm:s6], s20  }
0x9f: {  	_ =	swait.ge [sflag:s22], s20  }
0xa0: {  	s5 =	ssub.s32 $0x0, s20;
	[sflag:s22] =	ssyncset.done $0x0  }
0xa1: {  	[sflag:s22] =	ssyncadd.s32 s5;
	_ =	sdelay $0x1  }
0xa2: {  	s23 =	simm.s32 $0x1B8B  }
0xa3: {  	_ =	swait.ge [sflag:s23], $0x1  }
0xa4: {  	[sflag:s23] =	ssyncset.done $0x0  }
0xa5: {  	s25 =	simm.s32 $0x1B8E;
	s24 =	sld [smem:$0x3FFE];
	[sflag:s23] =	ssyncadd.s32 $0xFFFFFFFF  }
0xa6: {  	s26 =	simm.s32 $execute0_lowered;
	[smem:$0x3FD2] =	sst s25  }
0xa7: {  	s6 =	sshll.u32 s26, $0x1;
	_ =	strace $0x80000046;
	[dreg:$0x1] =	wrdreg $0xFFFFFFFF  }
0xa8: {  	s28 =	simm.s32 $_size_execute0_lowered;
	s4 =	sadd.s32 s4, s6;
	[dreg:$0x0] =	wrdreg $0x0  }
0xa9: {  	s6 =	sshll.u32 s28, $0x1;
	[dreg:$0x2] =	wrdreg s4  }
0xaa: {  	[dreg:$0x3] =	wrdreg s6  }
0xab: {  	[dreg:$0x4] =	wrdreg $0xC0  }
0xac: {  	_ =	task [dreg:s8], $0x5FFFF  }
0xad: {  	[dreg:$0x1] =	wrdreg $0xFFFFFFFF  }
0xae: {  	[dreg:$0x0] =	wrdreg $0x60  }
0xaf: {  	[dreg:$0x2] =	wrdreg s2  }
0xb0: {  	[dreg:$0x3] =	wrdreg s18  }
0xb1: {  	[dreg:$0x4] =	wrdreg s24  }
0xb2: {  	[dreg:$0x5] =	wrdreg $0xC0000  }
0xb3: {  	[dreg:$0x6] =	wrdreg $0x15C400  }
0xb4: {  	[dreg:$0x7] =	wrdreg $0x9  }
0xb5: {  	_ =	task.clear_ibuf [dreg:s8], $0x8FFFF;
	_ =	strace $0x90000046  }
0xb6: {  	s29 =	simm.s32 $0x9;
	_ =	strace $0x80000048  }
0xb7: {  	_ =	swait.ge [sflag:s29], $0x1  }
0xb8: {  	[sflag:s29] =	ssyncadd.s32 $0xFFFFFFFF  }
0xb9: {  	_ =	strace $0x90000048  }
0xba: {  	_ =	sfence  }
0xbb: {  	s30 =	sld [smem:$0x0];
	_ =	sdelay $0x2  }
0xbc: {  	s31 =	sshll.u32 s1, $0xD;
	s1 =	sshrl.u32 s1, $0x2  }
0xbd: {  	s3 =	sand.u32 $0x4000, s31;
	s1 =	sadd.s32 s1, s30  }
0xbe: {  	s0 =	sor.u32 s3, s0;
	s1 =	sshll.u32 s1, $0x11  }
0xbf: {  	s0 =	sor.u32 s1, s0  }
0xc0: {  	s0 =	sadd.s32 $0x8F2B, s0  }
0xc1: {  	[sflag:s0] =	ssyncadd.remote.s32 $0x1  }
0xc2: {  	_ =	sfence.sel $0xFFFF  }
0xc3: {  	[dreg:$0x0] =	wrdreg $0xFFFFFFFF;
	(pc) =	sbr.abs _section_cstart, $3  }
0xc4: {  	[dreg:$0x1] =	wrdreg $0xFFFFFFFF  }
0xc5: {  	_ =	task.clear_ibuf [dreg:s8], $0x2FFFF;
	_ =	strace $0x9FFFFFFF  }
0xc6: {  	(tm) =	ssettm $0x7FFFFFFF  }
0xc7: {  	_ =	shalt  }
tec
execute0_lowered:
.L_overlay_start_1:
0x0: {  	(tag) =	ssettag $0x1  }
0x1: {  	s0 =	rddreg [dreg:$0x0]  }
0x2: {  	s1 =	rddreg [dreg:$0x1]  }
0x3: {  	s5 =	rddreg [dreg:$0x2]  }
0x4: {  	s2 =	rddreg [dreg:$0x3];
	s13 =	stileid.u32  }
0x5: {  	s3 =	rddreg [dreg:$0x4];
	s7 =	smul.u32 $0xA00, s13  }
0x6: {  	s6 =	srdreg.scid;
	s4 =	simm.s32 $0x0;
	s9 =	smul.u32 $0x13880, s13  }
0x7: {  	s17 =	simm.s32 $0x1;
	s18 =	simm.s32 $0x8;
	s12 =	smul.u32 $0x27100, s13  }
0x8: {  	s20 =	simm.s32 $0x4000;
	s29 =	simm.s32 $0x80;
	s26 =	smul.u32 $0x28000, s13  }
0x9: {  	s30 =	simm.s32 $0x6000;
	s6 =	sand.u32 $0x1, s6;
	s14 =	smul.u32 $0xA000, s13  }
0xa: {  	s28 =	simm.s32 $0x1000;
	[smem:$0x7FF] =	sst s4;
	s8 =	smul.u32 $0x14000, s6  }
0xb: {  	_ =	strace $0x80000047;
	s11 =	ssub.s32 $0x2, s6;
	s6 =	sshll.u32 s6, $0x6  }
0xc: {  	s10 =	sadd.s32 s7, s5;
	s24 =	sshrl.u32 s11, $0x1;
	s6 =	sor.u32 s6, s9  }
0xd: {  	s25 =	sshrl.u32 s12, $0x2;
	s12 =	sshrl.u32 s26, $0x2;
	s16 =	sshrl.u32 s14, $0x3  }
0xe: {  	s19 =	sadd.s32 s14, s3;
	s14 =	simm.s32 $0x1100;
	s5 =	sadd.s32 s8, s5  }
0xf: {  	s6 =	sshrl.u32 s6, $0x3;
	s8 =	ssub.s32 s11, s24;
	s12 =	sadd.s32 s12, s3  }
0x10: {  	s31 =	sadd.s32 s25, s2;
	s0 =	sadd.s32 s0, s6;
	[dreg:$0x9] =	wrdreg s12  }
0x11: {  	s10 =	sadd.s32 $0x600, s10;
	s6 =	sshll.u32 s13, $0x6;
	[dreg:$0x6] =	wrdreg s0  }
0x12: {  	s11 =	simm.s32 $0x3;
	s21 =	smax.u32 s8, $0x1;
	[dreg:$0x7] =	wrdreg s6  }
0x13: {  	s15 =	sadd.s32 $0xA600, s5;
	s22 =	sadd.s32 $0x2000, s12;
	[dreg:$0xa] =	wrdreg s21  }
0x14: {  	s23 =	sadd.s32 $0x4000, s12;
	s24 =	sadd.s32 $0x6000, s12;
	[dreg:$0xb] =	wrdreg s22  }
0x15: {  	s25 =	sadd.s32 $0x8000, s12;
	s26 =	sshrl.u32 s31, $0x3;
	[dreg:$0xc] =	wrdreg s23  }
0x16: {  	s31 =	sshrl.u32 s19, $0x3;
	s13 =	simm.s32 $0x5;
	[dreg:$0xd] =	wrdreg s24  }
0x17: {  	s8 =	simm.s32 $0x7;
	s12 =	simm.s32 $0x3000;
	[dreg:$0xe] =	wrdreg s25  }
0x18: {  	s9 =	sor.u32 $0x1C09, s6;
	[dreg:$0xf] =	wrdreg s26;
	s21 =	simm.s32 $0xB  }
0x19: {  	s22 =	simm.s32 $0x9;
	s0 =	sadd.s32 s16, s15;
	[dreg:$0x11] =	wrdreg s31  }
0x1a: {  	s15 =	simm.s32 $0x4;
	s23 =	simm.s32 $0x6;
	s16 =	simm.s32 $0xA  }
0x1b: {  	s25 =	simm.s32 $0x0;
	s24 =	simm.s32 $0x1180;
	[dreg:$0x8] =	wrdreg s9  }
0x1c: {  	s26 =	simm.s32 $0x3100;
	s9 =	sadd.s32 s1, s7;
	[dreg:$0x10] =	wrdreg s0  }
0x1d: {  	v0 =	vimm.f32 $0.0e+00;
	s0 =	simm.s32 $0x8000;
	s1 =	simm.s32 $0x2;
	s7 =	simm.s32 $0xA000  }
.LBB2_1:
0x1e: {  	s6 =	rddreg [dreg:$0x6]  }
0x1f: {  	s19 =	rddreg [dreg:$0x8]  }
0x20: {  	s31 =	rddreg [dreg:$0xf];
	s5 =	simm.s32 $0x10  }
0x21: {  	[spmem:s31@s18], [sflag:s19] =	dma.strided [hbm:s6@s5], $0x1388, s17, $0x8   }
0x22: {  	s31 =	simm.s32 $0x100;
	s6 =	simm.s32 $0x0  }
.LBB2_2:
0x23: {  	p0 =	seq.s32 s31, $0x7F00;
	[tilespmem:s6+$0x4030] =	vst v0;
	s19 =	smov.u32 s31;
	s31 =	sadd.s32 $0x100, s31  }
.Ltmp0:
0x24: {  	[tilespmem:s6+$0x4020] =	vst v0;
	(pc) =	sbr.rel @!p0 .LBB2_2-.Ltmp0, $3  }
0x25: {  	[tilespmem:s6+$0x4000] =	vst v0  }
0x26: {  	[tilespmem:s6+$0x4010] =	vst v0;
	_ =	sdelay $0x1  }
0x27: {  	s6 =	sshra.s32 s19, $0x2  }
0x28: {  	[tilespmem:s6+$0x4030] =	vst v0  }
0x29: {  	[tilespmem:s6+$0x4020] =	vst v0  }
0x2a: {  	[tilespmem:s6+$0x4000] =	vst v0  }
0x2b: {  	[tilespmem:s6+$0x4010] =	vst v0;
	s5 =	rddreg [dreg:$0x9]  }
0x2c: {  	[spmem:s5] =	stream.linear.scatter [tilespmem:s20], [sflag:$0xB], $0x2000, $0x38;
	[tilespmem:$0x1FC40] =	vst v63  }
0x2d: {  	_ =	swait.ge [sflag:s21], $0x2000  }
0x2e: {  	[sflag:s21] =	ssyncset.done $0x0  }
0x2f: {  	s19 =	rddreg [dreg:$0xb];
	[sflag:s21] =	ssyncadd.s32 $0xFFFFE000  }
0x30: {  	[spmem:s19] =	stream.linear.scatter [tilespmem:s20], [sflag:$0xB], $0x2000, $0x38;
	[tilespmem:$0x1FC40] =	vst v63  }
0x31: {  	_ =	swait.ge [sflag:s21], $0x2000  }
0x32: {  	[sflag:s21] =	ssyncset.done $0x0  }
0x33: {  	s31 =	rddreg [dreg:$0xc];
	[sflag:s21] =	ssyncadd.s32 $0xFFFFE000  }
0x34: {  	[spmem:s31] =	stream.linear.scatter [tilespmem:s20], [sflag:$0xB], $0x2000, $0x38;
	[tilespmem:$0x1FC40] =	vst v63  }
0x35: {  	_ =	swait.ge [sflag:s21], $0x2000  }
0x36: {  	[sflag:s21] =	ssyncset.done $0x0  }
0x37: {  	s5 =	rddreg [dreg:$0xd];
	[sflag:s21] =	ssyncadd.s32 $0xFFFFE000  }
0x38: {  	[spmem:s5] =	stream.linear.scatter [tilespmem:s20], [sflag:$0xB], $0x2000, $0x38;
	[tilespmem:$0x1FC40] =	vst v63  }
0x39: {  	_ =	swait.ge [sflag:s21], $0x2000  }
0x3a: {  	[sflag:s21] =	ssyncset.done $0x0  }
0x3b: {  	s19 =	rddreg [dreg:$0xe];
	[sflag:s21] =	ssyncadd.s32 $0xFFFFE000  }
0x3c: {  	[spmem:s19] =	stream.linear.scatter [tilespmem:s20], [sflag:$0xB], $0x2000, $0x38;
	[tilespmem:$0x1FC40] =	vst v63  }
0x3d: {  	_ =	swait.ge [sflag:s21], $0x2000  }
0x3e: {  	[sflag:s21] =	ssyncset.done $0x0  }
0x3f: {  	[sflag:s21] =	ssyncadd.s32 $0xFFFFE000  }
0x40: {  	_ =	swait.ge [sflag:s22], $0x1388  }
0x41: {  	[sflag:s22] =	ssyncset.done $0x0  }
0x42: {  	[sflag:s22] =	ssyncadd.s32 $0xFFFFEC78  }
0x43: {  	[bflag:$0x0] =	sbarrier.arrive $0xFFFF  }
0x44: {  	[tilespmem:s4], [sflag:$0x9] =	stream.linear.gather [hbm4b:s9+s4], $0x1000, $0x38;
	[tilespmem:$0x1FC40] =	vst v63  }
0x45: {  	s5 =	simm.s32 $0x2000  }
0x46: {  	[tilespmem:s5], [sflag:$0x9] =	stream.linear.gather [hbm4b:s10+s4], $0x1000, $0x38;
	[tilespmem:$0x1FC40] =	vst v63  }
0x47: {  	_ =	swait.ge [sflag:s22], $0x1000  }
0x48: {  	[sflag:s22] =	ssyncset.done $0x0  }
0x49: {  	[sflag:s22] =	ssyncadd.s32 $0xFFFFF000  }
0x4a: {  	_ =	swait.ge [sflag:s22], $0x1000  }
0x4b: {  	[sflag:s22] =	ssyncset.done $0x0  }
0x4c: {  	s31 =	sadd.s32 $0x200, s9;
	[sflag:s22] =	ssyncadd.s32 $0xFFFFF000  }
0x4d: {  	[tilespmem:s28], [sflag:$0xA] =	stream.linear.gather [hbm4b:s31+s4], $0x1000, $0x38;
	[tilespmem:$0x1FC40] =	vst v63  }
0x4e: {  	s19 =	sadd.s32 $0x200, s10  }
0x4f: {  	[tilespmem:s12], [sflag:$0xA] =	stream.linear.gather [hbm4b:s19+s4], $0x1000, $0x38;
	[tilespmem:$0x1FC40] =	vst v63  }
0x50: {  	_ = 	snop  }
0x51: {  	[tilespmem:s20], [sflag:$0x1] =	stream.indirect.gather [spmem:s2], $0x40, s4, s29, $0xb8;
	[tilespmem:$0x1FC40] =	vst v63  }
0x52: {  	_ = 	snop  }
0x53: {  	[tilespmem:s30], [sflag:$0x2] =	stream.indirect.gather [spmem:s2], $0x40, s29, s29, $0xb8;
	[tilespmem:$0x1FC40] =	vst v63  }
0x54: {  	_ =	swait.ge [sflag:s17], $0x2000  }
0x55: {  	[sflag:s17] =	ssyncset.done $0x0  }
0x56: {  	[sflag:s17] =	ssyncadd.s32 $0xFFFFE000  }
0x57: {  	[spmem:s3] =	stream.indirect.scatter.add.f32 [tilespmem:s20], [sflag:$0x5], $0x40, s5, s29, $0xb8;
	[tilespmem:$0x1FC40] =	vst v63  }
0x58: {  	s31 =	simm.s32 $0x100  }
0x59: {  	[tilespmem:s0], [sflag:$0x3] =	stream.indirect.gather [spmem:s2], $0x40, s31, s29, $0xb8;
	[tilespmem:$0x1FC40] =	vst v63  }
0x5a: {  	_ =	swait.ge [sflag:s1], $0x2000  }
0x5b: {  	[sflag:s1] =	ssyncset.done $0x0  }
0x5c: {  	s19 =	simm.s32 $0x2080;
	[sflag:s1] =	ssyncadd.s32 $0xFFFFE000  }
0x5d: {  	[spmem:s3] =	stream.indirect.scatter.add.f32 [tilespmem:s30], [sflag:$0x6], $0x40, s19, s29, $0xb8;
	[tilespmem:$0x1FC40] =	vst v63  }
0x5e: {  	s31 =	simm.s32 $0x180  }
0x5f: {  	[tilespmem:s7], [sflag:$0x4] =	stream.indirect.gather [spmem:s2], $0x40, s31, s29, $0xb8;
	[tilespmem:$0x1FC40] =	vst v63  }
0x60: {  	_ =	swait.ge [sflag:s11], $0x2000  }
0x61: {  	[sflag:s11] =	ssyncset.done $0x0  }
0x62: {  	s19 =	simm.s32 $0x2100;
	[sflag:s11] =	ssyncadd.s32 $0xFFFFE000  }
0x63: {  	[spmem:s3] =	stream.indirect.scatter.add.f32 [tilespmem:s0], [sflag:$0x7], $0x40, s19, s29, $0xb8;
	[tilespmem:$0x1FC40] =	vst v63  }
0x64: {  	_ =	swait.ge [sflag:s13], $0x2000  }
0x65: {  	[sflag:s13] =	ssyncset.done $0x0  }
0x66: {  	s31 =	simm.s32 $0x200;
	[sflag:s13] =	ssyncadd.s32 $0xFFFFE000  }
0x67: {  	[tilespmem:s20], [sflag:$0x1] =	stream.indirect.gather [spmem:s2], $0x40, s31, s29, $0xb8;
	[tilespmem:$0x1FC40] =	vst v63  }
0x68: {  	_ =	swait.ge [sflag:s15], $0x2000  }
0x69: {  	[sflag:s15] =	ssyncset.done $0x0  }
0x6a: {  	s19 =	simm.s32 $0x2180;
	[sflag:s15] =	ssyncadd.s32 $0xFFFFE000  }
0x6b: {  	[spmem:s3] =	stream.indirect.scatter.add.f32 [tilespmem:s7], [sflag:$0x8], $0x40, s19, s29, $0xb8;
	[tilespmem:$0x1FC40] =	vst v63  }
0x6c: {  	_ =	swait.ge [sflag:s23], $0x2000  }
0x6d: {  	[sflag:s23] =	ssyncset.done $0x0  }
0x6e: {  	s31 =	simm.s32 $0x280;
	[sflag:s23] =	ssyncadd.s32 $0xFFFFE000  }
0x6f: {  	[tilespmem:s30], [sflag:$0x2] =	stream.indirect.gather [spmem:s2], $0x40, s31, s29, $0xb8;
	[tilespmem:$0x1FC40] =	vst v63  }
0x70: {  	_ =	swait.ge [sflag:s17], $0x2000  }
0x71: {  	[sflag:s17] =	ssyncset.done $0x0  }
0x72: {  	s19 =	simm.s32 $0x2200;
	[sflag:s17] =	ssyncadd.s32 $0xFFFFE000  }
0x73: {  	[spmem:s3] =	stream.indirect.scatter.add.f32 [tilespmem:s20], [sflag:$0x5], $0x40, s19, s29, $0xb8;
	[tilespmem:$0x1FC40] =	vst v63  }
0x74: {  	_ =	swait.ge [sflag:s8], $0x2000  }
0x75: {  	[sflag:s8] =	ssyncset.done $0x0  }
0x76: {  	s31 =	simm.s32 $0x300;
	[sflag:s8] =	ssyncadd.s32 $0xFFFFE000  }
0x77: {  	[tilespmem:s0], [sflag:$0x3] =	stream.indirect.gather [spmem:s2], $0x40, s31, s29, $0xb8;
	[tilespmem:$0x1FC40] =	vst v63  }
0x78: {  	_ =	swait.ge [sflag:s1], $0x2000  }
0x79: {  	[sflag:s1] =	ssyncset.done $0x0  }
0x7a: {  	s19 =	simm.s32 $0x2280;
	[sflag:s1] =	ssyncadd.s32 $0xFFFFE000  }
0x7b: {  	[spmem:s3] =	stream.indirect.scatter.add.f32 [tilespmem:s30], [sflag:$0x6], $0x40, s19, s29, $0xb8;
	[tilespmem:$0x1FC40] =	vst v63  }
0x7c: {  	_ =	swait.ge [sflag:s18], $0x2000  }
0x7d: {  	[sflag:s18] =	ssyncset.done $0x0  }
0x7e: {  	s31 =	simm.s32 $0x380;
	[sflag:s18] =	ssyncadd.s32 $0xFFFFE000  }
0x7f: {  	[tilespmem:s7], [sflag:$0x4] =	stream.indirect.gather [spmem:s2], $0x40, s31, s29, $0xb8;
	[tilespmem:$0x1FC40] =	vst v63  }
0x80: {  	_ =	swait.ge [sflag:s11], $0x2000  }
0x81: {  	[sflag:s11] =	ssyncset.done $0x0  }
0x82: {  	s19 =	simm.s32 $0x2300;
	[sflag:s11] =	ssyncadd.s32 $0xFFFFE000  }
0x83: {  	[spmem:s3] =	stream.indirect.scatter.add.f32 [tilespmem:s0], [sflag:$0x7], $0x40, s19, s29, $0xb8;
	[tilespmem:$0x1FC40] =	vst v63  }
0x84: {  	_ =	swait.ge [sflag:s13], $0x2000  }
0x85: {  	[sflag:s13] =	ssyncset.done $0x0  }
0x86: {  	s31 =	simm.s32 $0x400;
	[sflag:s13] =	ssyncadd.s32 $0xFFFFE000  }
0x87: {  	[tilespmem:s20], [sflag:$0x1] =	stream.indirect.gather [spmem:s2], $0x40, s31, s29, $0xb8;
	[tilespmem:$0x1FC40] =	vst v63  }
0x88: {  	_ =	swait.ge [sflag:s15], $0x2000  }
0x89: {  	[sflag:s15] =	ssyncset.done $0x0  }
0x8a: {  	s19 =	simm.s32 $0x2380;
	[sflag:s15] =	ssyncadd.s32 $0xFFFFE000  }
0x8b: {  	[spmem:s3] =	stream.indirect.scatter.add.f32 [tilespmem:s7], [sflag:$0x8], $0x40, s19, s29, $0xb8;
	[tilespmem:$0x1FC40] =	vst v63  }
0x8c: {  	_ =	swait.ge [sflag:s23], $0x2000  }
0x8d: {  	[sflag:s23] =	ssyncset.done $0x0  }
0x8e: {  	s31 =	simm.s32 $0x480;
	[sflag:s23] =	ssyncadd.s32 $0xFFFFE000  }
0x8f: {  	[tilespmem:s30], [sflag:$0x2] =	stream.indirect.gather [spmem:s2], $0x40, s31, s29, $0xb8;
	[tilespmem:$0x1FC40] =	vst v63  }
0x90: {  	_ =	swait.ge [sflag:s17], $0x2000  }
0x91: {  	[sflag:s17] =	ssyncset.done $0x0  }
0x92: {  	s19 =	simm.s32 $0x2400;
	[sflag:s17] =	ssyncadd.s32 $0xFFFFE000  }
0x93: {  	[spmem:s3] =	stream.indirect.scatter.add.f32 [tilespmem:s20], [sflag:$0x5], $0x40, s19, s29, $0xb8;
	[tilespmem:$0x1FC40] =	vst v63  }
0x94: {  	_ =	swait.ge [sflag:s8], $0x2000  }
0x95: {  	[sflag:s8] =	ssyncset.done $0x0  }
0x96: {  	s31 =	simm.s32 $0x500;
	[sflag:s8] =	ssyncadd.s32 $0xFFFFE000  }
0x97: {  	[tilespmem:s0], [sflag:$0x3] =	stream.indirect.gather [spmem:s2], $0x40, s31, s29, $0xb8;
	[tilespmem:$0x1FC40] =	vst v63  }
0x98: {  	_ =	swait.ge [sflag:s1], $0x2000  }
0x99: {  	[sflag:s1] =	ssyncset.done $0x0  }
0x9a: {  	s19 =	simm.s32 $0x2480;
	[sflag:s1] =	ssyncadd.s32 $0xFFFFE000  }
0x9b: {  	[spmem:s3] =	stream.indirect.scatter.add.f32 [tilespmem:s30], [sflag:$0x6], $0x40, s19, s29, $0xb8;
	[tilespmem:$0x1FC40] =	vst v63  }
0x9c: {  	_ =	swait.ge [sflag:s18], $0x2000  }
0x9d: {  	[sflag:s18] =	ssyncset.done $0x0  }
0x9e: {  	s31 =	simm.s32 $0x580;
	[sflag:s18] =	ssyncadd.s32 $0xFFFFE000  }
0x9f: {  	[tilespmem:s7], [sflag:$0x4] =	stream.indirect.gather [spmem:s2], $0x40, s31, s29, $0xb8;
	[tilespmem:$0x1FC40] =	vst v63  }
0xa0: {  	_ =	swait.ge [sflag:s11], $0x2000  }
0xa1: {  	[sflag:s11] =	ssyncset.done $0x0  }
0xa2: {  	s19 =	simm.s32 $0x2500;
	[sflag:s11] =	ssyncadd.s32 $0xFFFFE000  }
0xa3: {  	[spmem:s3] =	stream.indirect.scatter.add.f32 [tilespmem:s0], [sflag:$0x7], $0x40, s19, s29, $0xb8;
	[tilespmem:$0x1FC40] =	vst v63  }
0xa4: {  	_ =	swait.ge [sflag:s13], $0x2000  }
0xa5: {  	[sflag:s13] =	ssyncset.done $0x0  }
0xa6: {  	s31 =	simm.s32 $0x600;
	[sflag:s13] =	ssyncadd.s32 $0xFFFFE000  }
0xa7: {  	[tilespmem:s20], [sflag:$0x1] =	stream.indirect.gather [spmem:s2], $0x40, s31, s29, $0xb8;
	[tilespmem:$0x1FC40] =	vst v63  }
0xa8: {  	_ =	swait.ge [sflag:s15], $0x2000  }
0xa9: {  	[sflag:s15] =	ssyncset.done $0x0  }
0xaa: {  	s19 =	simm.s32 $0x2580;
	[sflag:s15] =	ssyncadd.s32 $0xFFFFE000  }
0xab: {  	[spmem:s3] =	stream.indirect.scatter.add.f32 [tilespmem:s7], [sflag:$0x8], $0x40, s19, s29, $0xb8;
	[tilespmem:$0x1FC40] =	vst v63  }
0xac: {  	_ =	swait.ge [sflag:s23], $0x2000  }
0xad: {  	[sflag:s23] =	ssyncset.done $0x0  }
0xae: {  	s31 =	simm.s32 $0x680;
	[sflag:s23] =	ssyncadd.s32 $0xFFFFE000  }
0xaf: {  	[tilespmem:s30], [sflag:$0x2] =	stream.indirect.gather [spmem:s2], $0x40, s31, s29, $0xb8;
	[tilespmem:$0x1FC40] =	vst v63  }
0xb0: {  	_ =	swait.ge [sflag:s17], $0x2000  }
0xb1: {  	[sflag:s17] =	ssyncset.done $0x0  }
0xb2: {  	s19 =	simm.s32 $0x2600;
	[sflag:s17] =	ssyncadd.s32 $0xFFFFE000  }
0xb3: {  	[spmem:s3] =	stream.indirect.scatter.add.f32 [tilespmem:s20], [sflag:$0x5], $0x40, s19, s29, $0xb8;
	[tilespmem:$0x1FC40] =	vst v63  }
0xb4: {  	_ =	swait.ge [sflag:s8], $0x2000  }
0xb5: {  	[sflag:s8] =	ssyncset.done $0x0  }
0xb6: {  	s31 =	simm.s32 $0x700;
	[sflag:s8] =	ssyncadd.s32 $0xFFFFE000  }
0xb7: {  	[tilespmem:s0], [sflag:$0x3] =	stream.indirect.gather [spmem:s2], $0x40, s31, s29, $0xb8;
	[tilespmem:$0x1FC40] =	vst v63  }
0xb8: {  	_ =	swait.ge [sflag:s1], $0x2000  }
0xb9: {  	[sflag:s1] =	ssyncset.done $0x0  }
0xba: {  	s19 =	simm.s32 $0x2680;
	[sflag:s1] =	ssyncadd.s32 $0xFFFFE000  }
0xbb: {  	[spmem:s3] =	stream.indirect.scatter.add.f32 [tilespmem:s30], [sflag:$0x6], $0x40, s19, s29, $0xb8;
	[tilespmem:$0x1FC40] =	vst v63  }
0xbc: {  	_ =	swait.ge [sflag:s18], $0x2000  }
0xbd: {  	[sflag:s18] =	ssyncset.done $0x0  }
0xbe: {  	s31 =	simm.s32 $0x780;
	[sflag:s18] =	ssyncadd.s32 $0xFFFFE000  }
0xbf: {  	[tilespmem:s7], [sflag:$0x4] =	stream.indirect.gather [spmem:s2], $0x40, s31, s29, $0xb8;
	[tilespmem:$0x1FC40] =	vst v63  }
0xc0: {  	_ =	swait.ge [sflag:s11], $0x2000  }
0xc1: {  	[sflag:s11] =	ssyncset.done $0x0  }
0xc2: {  	s19 =	simm.s32 $0x2700;
	[sflag:s11] =	ssyncadd.s32 $0xFFFFE000  }
0xc3: {  	[spmem:s3] =	stream.indirect.scatter.add.f32 [tilespmem:s0], [sflag:$0x7], $0x40, s19, s29, $0xb8;
	[tilespmem:$0x1FC40] =	vst v63  }
0xc4: {  	_ =	swait.ge [sflag:s13], $0x2000  }
0xc5: {  	[sflag:s13] =	ssyncset.done $0x0  }
0xc6: {  	s31 =	simm.s32 $0x800;
	[sflag:s13] =	ssyncadd.s32 $0xFFFFE000  }
0xc7: {  	[tilespmem:s20], [sflag:$0x1] =	stream.indirect.gather [spmem:s2], $0x40, s31, s29, $0xb8;
	[tilespmem:$0x1FC40] =	vst v63  }
0xc8: {  	_ =	swait.ge [sflag:s15], $0x2000  }
0xc9: {  	[sflag:s15] =	ssyncset.done $0x0  }
0xca: {  	s19 =	simm.s32 $0x2780;
	[sflag:s15] =	ssyncadd.s32 $0xFFFFE000  }
0xcb: {  	[spmem:s3] =	stream.indirect.scatter.add.f32 [tilespmem:s7], [sflag:$0x8], $0x40, s19, s29, $0xb8;
	[tilespmem:$0x1FC40] =	vst v63  }
0xcc: {  	_ =	swait.ge [sflag:s23], $0x2000  }
0xcd: {  	[sflag:s23] =	ssyncset.done $0x0  }
0xce: {  	s31 =	simm.s32 $0x880;
	[sflag:s23] =	ssyncadd.s32 $0xFFFFE000  }
0xcf: {  	[tilespmem:s30], [sflag:$0x2] =	stream.indirect.gather [spmem:s2], $0x40, s31, s29, $0xb8;
	[tilespmem:$0x1FC40] =	vst v63  }
0xd0: {  	_ =	swait.ge [sflag:s17], $0x2000  }
0xd1: {  	[sflag:s17] =	ssyncset.done $0x0  }
0xd2: {  	s19 =	simm.s32 $0x2800;
	[sflag:s17] =	ssyncadd.s32 $0xFFFFE000  }
0xd3: {  	[spmem:s3] =	stream.indirect.scatter.add.f32 [tilespmem:s20], [sflag:$0x5], $0x40, s19, s29, $0xb8;
	[tilespmem:$0x1FC40] =	vst v63  }
0xd4: {  	_ =	swait.ge [sflag:s8], $0x2000  }
0xd5: {  	[sflag:s8] =	ssyncset.done $0x0  }
0xd6: {  	s31 =	simm.s32 $0x900;
	[sflag:s8] =	ssyncadd.s32 $0xFFFFE000  }
0xd7: {  	[tilespmem:s0], [sflag:$0x3] =	stream.indirect.gather [spmem:s2], $0x40, s31, s29, $0xb8;
	[tilespmem:$0x1FC40] =	vst v63  }
0xd8: {  	_ =	swait.ge [sflag:s1], $0x2000  }
0xd9: {  	[sflag:s1] =	ssyncset.done $0x0  }
0xda: {  	s19 =	simm.s32 $0x2880;
	[sflag:s1] =	ssyncadd.s32 $0xFFFFE000  }
0xdb: {  	[spmem:s3] =	stream.indirect.scatter.add.f32 [tilespmem:s30], [sflag:$0x6], $0x40, s19, s29, $0xb8;
	[tilespmem:$0x1FC40] =	vst v63  }
0xdc: {  	_ =	swait.ge [sflag:s18], $0x2000  }
0xdd: {  	[sflag:s18] =	ssyncset.done $0x0  }
0xde: {  	s31 =	simm.s32 $0x980;
	[sflag:s18] =	ssyncadd.s32 $0xFFFFE000  }
0xdf: {  	[tilespmem:s7], [sflag:$0x4] =	stream.indirect.gather [spmem:s2], $0x40, s31, s29, $0xb8;
	[tilespmem:$0x1FC40] =	vst v63  }
0xe0: {  	_ =	swait.ge [sflag:s11], $0x2000  }
0xe1: {  	[sflag:s11] =	ssyncset.done $0x0  }
0xe2: {  	s19 =	simm.s32 $0x2900;
	[sflag:s11] =	ssyncadd.s32 $0xFFFFE000  }
0xe3: {  	[spmem:s3] =	stream.indirect.scatter.add.f32 [tilespmem:s0], [sflag:$0x7], $0x40, s19, s29, $0xb8;
	[tilespmem:$0x1FC40] =	vst v63  }
0xe4: {  	_ =	swait.ge [sflag:s13], $0x2000  }
0xe5: {  	[sflag:s13] =	ssyncset.done $0x0  }
0xe6: {  	s31 =	simm.s32 $0xA00;
	[sflag:s13] =	ssyncadd.s32 $0xFFFFE000  }
0xe7: {  	[tilespmem:s20], [sflag:$0x1] =	stream.indirect.gather [spmem:s2], $0x40, s31, s29, $0xb8;
	[tilespmem:$0x1FC40] =	vst v63  }
0xe8: {  	_ =	swait.ge [sflag:s15], $0x2000  }
0xe9: {  	[sflag:s15] =	ssyncset.done $0x0  }
0xea: {  	s19 =	simm.s32 $0x2980;
	[sflag:s15] =	ssyncadd.s32 $0xFFFFE000  }
0xeb: {  	[spmem:s3] =	stream.indirect.scatter.add.f32 [tilespmem:s7], [sflag:$0x8], $0x40, s19, s29, $0xb8;
	[tilespmem:$0x1FC40] =	vst v63  }
0xec: {  	_ =	swait.ge [sflag:s23], $0x2000  }
0xed: {  	[sflag:s23] =	ssyncset.done $0x0  }
0xee: {  	s31 =	simm.s32 $0xA80;
	[sflag:s23] =	ssyncadd.s32 $0xFFFFE000  }
0xef: {  	[tilespmem:s30], [sflag:$0x2] =	stream.indirect.gather [spmem:s2], $0x40, s31, s29, $0xb8;
	[tilespmem:$0x1FC40] =	vst v63  }
0xf0: {  	_ =	swait.ge [sflag:s17], $0x2000  }
0xf1: {  	[sflag:s17] =	ssyncset.done $0x0  }
0xf2: {  	s19 =	simm.s32 $0x2A00;
	[sflag:s17] =	ssyncadd.s32 $0xFFFFE000  }
0xf3: {  	[spmem:s3] =	stream.indirect.scatter.add.f32 [tilespmem:s20], [sflag:$0x5], $0x40, s19, s29, $0xb8;
	[tilespmem:$0x1FC40] =	vst v63  }
0xf4: {  	_ =	swait.ge [sflag:s8], $0x2000  }
0xf5: {  	[sflag:s8] =	ssyncset.done $0x0  }
0xf6: {  	s31 =	simm.s32 $0xB00;
	[sflag:s8] =	ssyncadd.s32 $0xFFFFE000  }
0xf7: {  	[tilespmem:s0], [sflag:$0x3] =	stream.indirect.gather [spmem:s2], $0x40, s31, s29, $0xb8;
	[tilespmem:$0x1FC40] =	vst v63  }
0xf8: {  	_ =	swait.ge [sflag:s1], $0x2000  }
0xf9: {  	[sflag:s1] =	ssyncset.done $0x0  }
0xfa: {  	s19 =	simm.s32 $0x2A80;
	[sflag:s1] =	ssyncadd.s32 $0xFFFFE000  }
0xfb: {  	[spmem:s3] =	stream.indirect.scatter.add.f32 [tilespmem:s30], [sflag:$0x6], $0x40, s19, s29, $0xb8;
	[tilespmem:$0x1FC40] =	vst v63  }
0xfc: {  	_ =	swait.ge [sflag:s18], $0x2000  }
0xfd: {  	[sflag:s18] =	ssyncset.done $0x0  }
0xfe: {  	s31 =	simm.s32 $0xB80;
	[sflag:s18] =	ssyncadd.s32 $0xFFFFE000  }
0xff: {  	[tilespmem:s7], [sflag:$0x4] =	stream.indirect.gather [spmem:s2], $0x40, s31, s29, $0xb8;
	[tilespmem:$0x1FC40] =	vst v63  }
0x100: {  	_ =	swait.ge [sflag:s11], $0x2000  }
0x101: {  	[sflag:s11] =	ssyncset.done $0x0  }
0x102: {  	s19 =	simm.s32 $0x2B00;
	[sflag:s11] =	ssyncadd.s32 $0xFFFFE000  }
0x103: {  	[spmem:s3] =	stream.indirect.scatter.add.f32 [tilespmem:s0], [sflag:$0x7], $0x40, s19, s29, $0xb8;
	[tilespmem:$0x1FC40] =	vst v63  }
0x104: {  	_ =	swait.ge [sflag:s13], $0x2000  }
0x105: {  	[sflag:s13] =	ssyncset.done $0x0  }
0x106: {  	s31 =	simm.s32 $0xC00;
	[sflag:s13] =	ssyncadd.s32 $0xFFFFE000  }
0x107: {  	[tilespmem:s20], [sflag:$0x1] =	stream.indirect.gather [spmem:s2], $0x40, s31, s29, $0xb8;
	[tilespmem:$0x1FC40] =	vst v63  }
0x108: {  	_ =	swait.ge [sflag:s15], $0x2000  }
0x109: {  	[sflag:s15] =	ssyncset.done $0x0  }
0x10a: {  	s19 =	simm.s32 $0x2B80;
	[sflag:s15] =	ssyncadd.s32 $0xFFFFE000  }
0x10b: {  	[spmem:s3] =	stream.indirect.scatter.add.f32 [tilespmem:s7], [sflag:$0x8], $0x40, s19, s29, $0xb8;
	[tilespmem:$0x1FC40] =	vst v63  }
0x10c: {  	_ =	swait.ge [sflag:s23], $0x2000  }
0x10d: {  	[sflag:s23] =	ssyncset.done $0x0  }
0x10e: {  	s31 =	simm.s32 $0xC80;
	[sflag:s23] =	ssyncadd.s32 $0xFFFFE000  }
0x10f: {  	[tilespmem:s30], [sflag:$0x2] =	stream.indirect.gather [spmem:s2], $0x40, s31, s29, $0xb8;
	[tilespmem:$0x1FC40] =	vst v63  }
0x110: {  	_ =	swait.ge [sflag:s17], $0x2000  }
0x111: {  	[sflag:s17] =	ssyncset.done $0x0  }
0x112: {  	s19 =	simm.s32 $0x2C00;
	[sflag:s17] =	ssyncadd.s32 $0xFFFFE000  }
0x113: {  	[spmem:s3] =	stream.indirect.scatter.add.f32 [tilespmem:s20], [sflag:$0x5], $0x40, s19, s29, $0xb8;
	[tilespmem:$0x1FC40] =	vst v63  }
0x114: {  	_ =	swait.ge [sflag:s8], $0x2000  }
0x115: {  	[sflag:s8] =	ssyncset.done $0x0  }
0x116: {  	s31 =	simm.s32 $0xD00;
	[sflag:s8] =	ssyncadd.s32 $0xFFFFE000  }
0x117: {  	[tilespmem:s0], [sflag:$0x3] =	stream.indirect.gather [spmem:s2], $0x40, s31, s29, $0xb8;
	[tilespmem:$0x1FC40] =	vst v63  }
0x118: {  	_ =	swait.ge [sflag:s1], $0x2000  }
0x119: {  	[sflag:s1] =	ssyncset.done $0x0  }
0x11a: {  	s19 =	simm.s32 $0x2C80;
	[sflag:s1] =	ssyncadd.s32 $0xFFFFE000  }
0x11b: {  	[spmem:s3] =	stream.indirect.scatter.add.f32 [tilespmem:s30], [sflag:$0x6], $0x40, s19, s29, $0xb8;
	[tilespmem:$0x1FC40] =	vst v63  }
0x11c: {  	_ =	swait.ge [sflag:s18], $0x2000  }
0x11d: {  	[sflag:s18] =	ssyncset.done $0x0  }
0x11e: {  	s31 =	simm.s32 $0xD80;
	[sflag:s18] =	ssyncadd.s32 $0xFFFFE000  }
0x11f: {  	[tilespmem:s7], [sflag:$0x4] =	stream.indirect.gather [spmem:s2], $0x40, s31, s29, $0xb8;
	[tilespmem:$0x1FC40] =	vst v63  }
0x120: {  	_ =	swait.ge [sflag:s11], $0x2000  }
0x121: {  	[sflag:s11] =	ssyncset.done $0x0  }
0x122: {  	s19 =	simm.s32 $0x2D00;
	[sflag:s11] =	ssyncadd.s32 $0xFFFFE000  }
0x123: {  	[spmem:s3] =	stream.indirect.scatter.add.f32 [tilespmem:s0], [sflag:$0x7], $0x40, s19, s29, $0xb8;
	[tilespmem:$0x1FC40] =	vst v63  }
0x124: {  	_ =	swait.ge [sflag:s13], $0x2000  }
0x125: {  	[sflag:s13] =	ssyncset.done $0x0  }
0x126: {  	s31 =	simm.s32 $0xE00;
	[sflag:s13] =	ssyncadd.s32 $0xFFFFE000  }
0x127: {  	[tilespmem:s20], [sflag:$0x1] =	stream.indirect.gather [spmem:s2], $0x40, s31, s29, $0xb8;
	[tilespmem:$0x1FC40] =	vst v63  }
0x128: {  	_ =	swait.ge [sflag:s15], $0x2000  }
0x129: {  	[sflag:s15] =	ssyncset.done $0x0  }
0x12a: {  	s19 =	simm.s32 $0x2D80;
	[sflag:s15] =	ssyncadd.s32 $0xFFFFE000  }
0x12b: {  	[spmem:s3] =	stream.indirect.scatter.add.f32 [tilespmem:s7], [sflag:$0x8], $0x40, s19, s29, $0xb8;
	[tilespmem:$0x1FC40] =	vst v63  }
0x12c: {  	_ =	swait.ge [sflag:s23], $0x2000  }
0x12d: {  	[sflag:s23] =	ssyncset.done $0x0  }
0x12e: {  	s31 =	simm.s32 $0xE80;
	[sflag:s23] =	ssyncadd.s32 $0xFFFFE000  }
0x12f: {  	[tilespmem:s30], [sflag:$0x2] =	stream.indirect.gather [spmem:s2], $0x40, s31, s29, $0xb8;
	[tilespmem:$0x1FC40] =	vst v63  }
0x130: {  	_ =	swait.ge [sflag:s17], $0x2000  }
0x131: {  	[sflag:s17] =	ssyncset.done $0x0  }
0x132: {  	s19 =	simm.s32 $0x2E00;
	[sflag:s17] =	ssyncadd.s32 $0xFFFFE000  }
0x133: {  	[spmem:s3] =	stream.indirect.scatter.add.f32 [tilespmem:s20], [sflag:$0x5], $0x40, s19, s29, $0xb8;
	[tilespmem:$0x1FC40] =	vst v63  }
0x134: {  	_ =	swait.ge [sflag:s8], $0x2000  }
0x135: {  	[sflag:s8] =	ssyncset.done $0x0  }
0x136: {  	s31 =	simm.s32 $0xF00;
	[sflag:s8] =	ssyncadd.s32 $0xFFFFE000  }
0x137: {  	[tilespmem:s0], [sflag:$0x3] =	stream.indirect.gather [spmem:s2], $0x40, s31, s29, $0xb8;
	[tilespmem:$0x1FC40] =	vst v63  }
0x138: {  	_ =	swait.ge [sflag:s1], $0x2000  }
0x139: {  	[sflag:s1] =	ssyncset.done $0x0  }
0x13a: {  	s19 =	simm.s32 $0x2E80;
	[sflag:s1] =	ssyncadd.s32 $0xFFFFE000  }
0x13b: {  	[spmem:s3] =	stream.indirect.scatter.add.f32 [tilespmem:s30], [sflag:$0x6], $0x40, s19, s29, $0xb8;
	[tilespmem:$0x1FC40] =	vst v63  }
0x13c: {  	_ =	swait.ge [sflag:s18], $0x2000  }
0x13d: {  	[sflag:s18] =	ssyncset.done $0x0  }
0x13e: {  	s31 =	simm.s32 $0xF80;
	[sflag:s18] =	ssyncadd.s32 $0xFFFFE000  }
0x13f: {  	[tilespmem:s7], [sflag:$0x4] =	stream.indirect.gather [spmem:s2], $0x40, s31, s29, $0xb8;
	[tilespmem:$0x1FC40] =	vst v63  }
0x140: {  	_ =	swait.ge [sflag:s11], $0x2000  }
0x141: {  	[sflag:s11] =	ssyncset.done $0x0  }
0x142: {  	s19 =	simm.s32 $0x2F00;
	[sflag:s11] =	ssyncadd.s32 $0xFFFFE000  }
0x143: {  	[spmem:s3] =	stream.indirect.scatter.add.f32 [tilespmem:s0], [sflag:$0x7], $0x40, s19, s29, $0xb8;
	[tilespmem:$0x1FC40] =	vst v63  }
0x144: {  	_ =	swait.ge [sflag:s13], $0x2000  }
0x145: {  	[sflag:s13] =	ssyncset.done $0x0  }
0x146: {  	[sflag:s13] =	ssyncadd.s32 $0xFFFFE000  }
0x147: {  	_ =	swait.ge [sflag:s15], $0x2000  }
0x148: {  	[sflag:s15] =	ssyncset.done $0x0  }
0x149: {  	s31 =	simm.s32 $0x2F80;
	[sflag:s15] =	ssyncadd.s32 $0xFFFFE000  }
0x14a: {  	[spmem:s3] =	stream.indirect.scatter.add.f32 [tilespmem:s7], [sflag:$0x8], $0x40, s31, s29, $0xb8;
	[tilespmem:$0x1FC40] =	vst v63  }
0x14b: {  	_ =	swait.ge [sflag:s23], $0x2000  }
0x14c: {  	[sflag:s23] =	ssyncset.done $0x0  }
0x14d: {  	[sflag:s23] =	ssyncadd.s32 $0xFFFFE000  }
0x14e: {  	_ =	swait.ge [sflag:s8], $0x2000  }
0x14f: {  	[sflag:s8] =	ssyncset.done $0x0  }
0x150: {  	[sflag:s8] =	ssyncadd.s32 $0xFFFFE000  }
0x151: {  	_ =	swait.ge [sflag:s18], $0x2000  }
0x152: {  	[sflag:s18] =	ssyncset.done $0x0  }
0x153: {  	[sflag:s18] =	ssyncadd.s32 $0xFFFFE000  }
0x154: {  	_ =	swait.ge [sflag:s16], $0x1000  }
0x155: {  	[sflag:s16] =	ssyncset.done $0x0  }
0x156: {  	[sflag:s16] =	ssyncadd.s32 $0xFFFFF000  }
0x157: {  	_ =	swait.ge [sflag:s16], $0x1000  }
0x158: {  	[sflag:s16] =	ssyncset.done $0x0  }
0x159: {  	s19 =	sadd.s32 $0x400, s9;
	[sflag:s16] =	ssyncadd.s32 $0xFFFFF000  }
0x15a: {  	[tilespmem:s4], [sflag:$0x9] =	stream.linear.gather [hbm4b:s19+s4], $0x1000, $0x38;
	[tilespmem:$0x1FC40] =	vst v63  }
0x15b: {  	s31 =	sadd.s32 $0x400, s10  }
0x15c: {  	[tilespmem:s5], [sflag:$0x9] =	stream.linear.gather [hbm4b:s31+s4], $0x1000, $0x38;
	[tilespmem:$0x1FC40] =	vst v63  }
0x15d: {  	_ = 	snop  }
0x15e: {  	[tilespmem:s20], [sflag:$0x1] =	stream.indirect.gather [spmem:s2], $0x40, s28, s29, $0xb8;
	[tilespmem:$0x1FC40] =	vst v63  }
0x15f: {  	s31 =	simm.s32 $0x1080  }
0x160: {  	[tilespmem:s30], [sflag:$0x2] =	stream.indirect.gather [spmem:s2], $0x40, s31, s29, $0xb8;
	[tilespmem:$0x1FC40] =	vst v63  }
0x161: {  	_ =	swait.ge [sflag:s17], $0x2000  }
0x162: {  	[sflag:s17] =	ssyncset.done $0x0  }
0x163: {  	[sflag:s17] =	ssyncadd.s32 $0xFFFFE000  }
0x164: {  	[spmem:s3] =	stream.indirect.scatter.add.f32 [tilespmem:s20], [sflag:$0x5], $0x40, s12, s29, $0xb8;
	[tilespmem:$0x1FC40] =	vst v63  }
0x165: {  	_ = 	snop  }
0x166: {  	[tilespmem:s0], [sflag:$0x3] =	stream.indirect.gather [spmem:s2], $0x40, s14, s29, $0xb8;
	[tilespmem:$0x1FC40] =	vst v63  }
0x167: {  	_ =	swait.ge [sflag:s1], $0x2000  }
0x168: {  	[sflag:s1] =	ssyncset.done $0x0  }
0x169: {  	s19 =	simm.s32 $0x3080;
	[sflag:s1] =	ssyncadd.s32 $0xFFFFE000  }
0x16a: {  	[spmem:s3] =	stream.indirect.scatter.add.f32 [tilespmem:s30], [sflag:$0x6], $0x40, s19, s29, $0xb8;
	[tilespmem:$0x1FC40] =	vst v63  }
0x16b: {  	_ = 	snop  }
0x16c: {  	[tilespmem:s7], [sflag:$0x4] =	stream.indirect.gather [spmem:s2], $0x40, s24, s29, $0xb8;
	[tilespmem:$0x1FC40] =	vst v63  }
0x16d: {  	_ =	swait.ge [sflag:s11], $0x2000  }
0x16e: {  	[sflag:s11] =	ssyncset.done $0x0  }
0x16f: {  	[sflag:s11] =	ssyncadd.s32 $0xFFFFE000  }
0x170: {  	[spmem:s3] =	stream.indirect.scatter.add.f32 [tilespmem:s0], [sflag:$0x7], $0x40, s26, s29, $0xb8;
	[tilespmem:$0x1FC40] =	vst v63  }
0x171: {  	_ =	swait.ge [sflag:s13], $0x2000  }
0x172: {  	[sflag:s13] =	ssyncset.done $0x0  }
0x173: {  	s6 =	simm.s32 $0x1200;
	[sflag:s13] =	ssyncadd.s32 $0xFFFFE000  }
0x174: {  	[tilespmem:s20], [sflag:$0x1] =	stream.indirect.gather [spmem:s2], $0x40, s6, s29, $0xb8;
	[tilespmem:$0x1FC40] =	vst v63  }
0x175: {  	_ =	swait.ge [sflag:s15], $0x2000  }
0x176: {  	[sflag:s15] =	ssyncset.done $0x0  }
0x177: {  	s6 =	simm.s32 $0x3180;
	[sflag:s15] =	ssyncadd.s32 $0xFFFFE000  }
0x178: {  	[spmem:s3] =	stream.indirect.scatter.add.f32 [tilespmem:s7], [sflag:$0x8], $0x40, s6, s29, $0xb8;
	[tilespmem:$0x1FC40] =	vst v63  }
0x179: {  	_ =	swait.ge [sflag:s23], $0x2000  }
0x17a: {  	[sflag:s23] =	ssyncset.done $0x0  }
0x17b: {  	s6 =	simm.s32 $0x1280;
	[sflag:s23] =	ssyncadd.s32 $0xFFFFE000  }
0x17c: {  	[tilespmem:s30], [sflag:$0x2] =	stream.indirect.gather [spmem:s2], $0x40, s6, s29, $0xb8;
	[tilespmem:$0x1FC40] =	vst v63  }
0x17d: {  	_ =	swait.ge [sflag:s17], $0x2000  }
0x17e: {  	[sflag:s17] =	ssyncset.done $0x0  }
0x17f: {  	s6 =	simm.s32 $0x3200;
	[sflag:s17] =	ssyncadd.s32 $0xFFFFE000  }
0x180: {  	[spmem:s3] =	stream.indirect.scatter.add.f32 [tilespmem:s20], [sflag:$0x5], $0x40, s6, s29, $0xb8;
	[tilespmem:$0x1FC40] =	vst v63  }
0x181: {  	_ =	swait.ge [sflag:s8], $0x2000  }
0x182: {  	[sflag:s8] =	ssyncset.done $0x0  }
0x183: {  	s6 =	simm.s32 $0x1300;
	[sflag:s8] =	ssyncadd.s32 $0xFFFFE000  }
0x184: {  	[tilespmem:s0], [sflag:$0x3] =	stream.indirect.gather [spmem:s2], $0x40, s6, s29, $0xb8;
	[tilespmem:$0x1FC40] =	vst v63  }
0x185: {  	_ =	swait.ge [sflag:s1], $0x2000  }
0x186: {  	[sflag:s1] =	ssyncset.done $0x0  }
0x187: {  	s6 =	simm.s32 $0x3280;
	[sflag:s1] =	ssyncadd.s32 $0xFFFFE000  }
0x188: {  	[spmem:s3] =	stream.indirect.scatter.add.f32 [tilespmem:s30], [sflag:$0x6], $0x40, s6, s29, $0xb8;
	[tilespmem:$0x1FC40] =	vst v63  }
0x189: {  	_ =	swait.ge [sflag:s18], $0x2000  }
0x18a: {  	[sflag:s18] =	ssyncset.done $0x0  }
0x18b: {  	s6 =	simm.s32 $0x1380;
	[sflag:s18] =	ssyncadd.s32 $0xFFFFE000  }
0x18c: {  	[tilespmem:s7], [sflag:$0x4] =	stream.indirect.gather [spmem:s2], $0x40, s6, s29, $0xb8;
	[tilespmem:$0x1FC40] =	vst v63  }
0x18d: {  	_ =	swait.ge [sflag:s11], $0x2000  }
0x18e: {  	[sflag:s11] =	ssyncset.done $0x0  }
0x18f: {  	s6 =	simm.s32 $0x3300;
	[sflag:s11] =	ssyncadd.s32 $0xFFFFE000  }
0x190: {  	[spmem:s3] =	stream.indirect.scatter.add.f32 [tilespmem:s0], [sflag:$0x7], $0x40, s6, s29, $0xb8;
	[tilespmem:$0x1FC40] =	vst v63  }
0x191: {  	_ =	swait.ge [sflag:s13], $0x2000  }
0x192: {  	[sflag:s13] =	ssyncset.done $0x0  }
0x193: {  	s6 =	simm.s32 $0x1400;
	[sflag:s13] =	ssyncadd.s32 $0xFFFFE000  }
0x194: {  	[tilespmem:s20], [sflag:$0x1] =	stream.indirect.gather [spmem:s2], $0x40, s6, s29, $0xb8;
	[tilespmem:$0x1FC40] =	vst v63  }
0x195: {  	_ =	swait.ge [sflag:s15], $0x2000  }
0x196: {  	[sflag:s15] =	ssyncset.done $0x0  }
0x197: {  	s6 =	simm.s32 $0x3380;
	[sflag:s15] =	ssyncadd.s32 $0xFFFFE000  }
0x198: {  	[spmem:s3] =	stream.indirect.scatter.add.f32 [tilespmem:s7], [sflag:$0x8], $0x40, s6, s29, $0xb8;
	[tilespmem:$0x1FC40] =	vst v63  }
0x199: {  	_ =	swait.ge [sflag:s23], $0x2000  }
0x19a: {  	[sflag:s23] =	ssyncset.done $0x0  }
0x19b: {  	s6 =	simm.s32 $0x1480;
	[sflag:s23] =	ssyncadd.s32 $0xFFFFE000  }
0x19c: {  	[tilespmem:s30], [sflag:$0x2] =	stream.indirect.gather [spmem:s2], $0x40, s6, s29, $0xb8;
	[tilespmem:$0x1FC40] =	vst v63  }
0x19d: {  	_ =	swait.ge [sflag:s17], $0x2000  }
0x19e: {  	[sflag:s17] =	ssyncset.done $0x0  }
0x19f: {  	s6 =	simm.s32 $0x3400;
	[sflag:s17] =	ssyncadd.s32 $0xFFFFE000  }
0x1a0: {  	[spmem:s3] =	stream.indirect.scatter.add.f32 [tilespmem:s20], [sflag:$0x5], $0x40, s6, s29, $0xb8;
	[tilespmem:$0x1FC40] =	vst v63  }
0x1a1: {  	_ =	swait.ge [sflag:s8], $0x2000  }
0x1a2: {  	[sflag:s8] =	ssyncset.done $0x0  }
0x1a3: {  	s6 =	simm.s32 $0x1500;
	[sflag:s8] =	ssyncadd.s32 $0xFFFFE000  }
0x1a4: {  	[tilespmem:s0], [sflag:$0x3] =	stream.indirect.gather [spmem:s2], $0x40, s6, s29, $0xb8;
	[tilespmem:$0x1FC40] =	vst v63  }
0x1a5: {  	_ =	swait.ge [sflag:s1], $0x2000  }
0x1a6: {  	[sflag:s1] =	ssyncset.done $0x0  }
0x1a7: {  	s6 =	simm.s32 $0x3480;
	[sflag:s1] =	ssyncadd.s32 $0xFFFFE000  }
0x1a8: {  	[spmem:s3] =	stream.indirect.scatter.add.f32 [tilespmem:s30], [sflag:$0x6], $0x40, s6, s29, $0xb8;
	[tilespmem:$0x1FC40] =	vst v63  }
0x1a9: {  	_ =	swait.ge [sflag:s18], $0x2000  }
0x1aa: {  	[sflag:s18] =	ssyncset.done $0x0  }
0x1ab: {  	s6 =	simm.s32 $0x1580;
	[sflag:s18] =	ssyncadd.s32 $0xFFFFE000  }
0x1ac: {  	[tilespmem:s7], [sflag:$0x4] =	stream.indirect.gather [spmem:s2], $0x40, s6, s29, $0xb8;
	[tilespmem:$0x1FC40] =	vst v63  }
0x1ad: {  	_ =	swait.ge [sflag:s11], $0x2000  }
0x1ae: {  	[sflag:s11] =	ssyncset.done $0x0  }
0x1af: {  	s6 =	simm.s32 $0x3500;
	[sflag:s11] =	ssyncadd.s32 $0xFFFFE000  }
0x1b0: {  	[spmem:s3] =	stream.indirect.scatter.add.f32 [tilespmem:s0], [sflag:$0x7], $0x40, s6, s29, $0xb8;
	[tilespmem:$0x1FC40] =	vst v63  }
0x1b1: {  	_ =	swait.ge [sflag:s13], $0x2000  }
0x1b2: {  	[sflag:s13] =	ssyncset.done $0x0  }
0x1b3: {  	s6 =	simm.s32 $0x1600;
	[sflag:s13] =	ssyncadd.s32 $0xFFFFE000  }
0x1b4: {  	[tilespmem:s20], [sflag:$0x1] =	stream.indirect.gather [spmem:s2], $0x40, s6, s29, $0xb8;
	[tilespmem:$0x1FC40] =	vst v63  }
0x1b5: {  	_ =	swait.ge [sflag:s15], $0x2000  }
0x1b6: {  	[sflag:s15] =	ssyncset.done $0x0  }
0x1b7: {  	s6 =	simm.s32 $0x3580;
	[sflag:s15] =	ssyncadd.s32 $0xFFFFE000  }
0x1b8: {  	[spmem:s3] =	stream.indirect.scatter.add.f32 [tilespmem:s7], [sflag:$0x8], $0x40, s6, s29, $0xb8;
	[tilespmem:$0x1FC40] =	vst v63  }
0x1b9: {  	_ =	swait.ge [sflag:s23], $0x2000  }
0x1ba: {  	[sflag:s23] =	ssyncset.done $0x0  }
0x1bb: {  	s6 =	simm.s32 $0x1680;
	[sflag:s23] =	ssyncadd.s32 $0xFFFFE000  }
0x1bc: {  	[tilespmem:s30], [sflag:$0x2] =	stream.indirect.gather [spmem:s2], $0x40, s6, s29, $0xb8;
	[tilespmem:$0x1FC40] =	vst v63  }
0x1bd: {  	_ =	swait.ge [sflag:s17], $0x2000  }
0x1be: {  	[sflag:s17] =	ssyncset.done $0x0  }
0x1bf: {  	s6 =	simm.s32 $0x3600;
	[sflag:s17] =	ssyncadd.s32 $0xFFFFE000  }
0x1c0: {  	[spmem:s3] =	stream.indirect.scatter.add.f32 [tilespmem:s20], [sflag:$0x5], $0x40, s6, s29, $0xb8;
	[tilespmem:$0x1FC40] =	vst v63  }
0x1c1: {  	_ =	swait.ge [sflag:s8], $0x2000  }
0x1c2: {  	[sflag:s8] =	ssyncset.done $0x0  }
0x1c3: {  	s6 =	simm.s32 $0x1700;
	[sflag:s8] =	ssyncadd.s32 $0xFFFFE000  }
0x1c4: {  	[tilespmem:s0], [sflag:$0x3] =	stream.indirect.gather [spmem:s2], $0x40, s6, s29, $0xb8;
	[tilespmem:$0x1FC40] =	vst v63  }
0x1c5: {  	_ =	swait.ge [sflag:s1], $0x2000  }
0x1c6: {  	[sflag:s1] =	ssyncset.done $0x0  }
0x1c7: {  	s6 =	simm.s32 $0x3680;
	[sflag:s1] =	ssyncadd.s32 $0xFFFFE000  }
0x1c8: {  	[spmem:s3] =	stream.indirect.scatter.add.f32 [tilespmem:s30], [sflag:$0x6], $0x40, s6, s29, $0xb8;
	[tilespmem:$0x1FC40] =	vst v63  }
0x1c9: {  	_ =	swait.ge [sflag:s18], $0x2000  }
0x1ca: {  	[sflag:s18] =	ssyncset.done $0x0  }
0x1cb: {  	s6 =	simm.s32 $0x1780;
	[sflag:s18] =	ssyncadd.s32 $0xFFFFE000  }
0x1cc: {  	[tilespmem:s7], [sflag:$0x4] =	stream.indirect.gather [spmem:s2], $0x40, s6, s29, $0xb8;
	[tilespmem:$0x1FC40] =	vst v63  }
0x1cd: {  	_ =	swait.ge [sflag:s11], $0x2000  }
0x1ce: {  	[sflag:s11] =	ssyncset.done $0x0  }
0x1cf: {  	s6 =	simm.s32 $0x3700;
	[sflag:s11] =	ssyncadd.s32 $0xFFFFE000  }
0x1d0: {  	[spmem:s3] =	stream.indirect.scatter.add.f32 [tilespmem:s0], [sflag:$0x7], $0x40, s6, s29, $0xb8;
	[tilespmem:$0x1FC40] =	vst v63  }
0x1d1: {  	_ =	swait.ge [sflag:s13], $0x2000  }
0x1d2: {  	[sflag:s13] =	ssyncset.done $0x0  }
0x1d3: {  	s6 =	simm.s32 $0x1800;
	[sflag:s13] =	ssyncadd.s32 $0xFFFFE000  }
0x1d4: {  	[tilespmem:s20], [sflag:$0x1] =	stream.indirect.gather [spmem:s2], $0x40, s6, s29, $0xb8;
	[tilespmem:$0x1FC40] =	vst v63  }
0x1d5: {  	_ =	swait.ge [sflag:s15], $0x2000  }
0x1d6: {  	[sflag:s15] =	ssyncset.done $0x0  }
0x1d7: {  	s6 =	simm.s32 $0x3780;
	[sflag:s15] =	ssyncadd.s32 $0xFFFFE000  }
0x1d8: {  	[spmem:s3] =	stream.indirect.scatter.add.f32 [tilespmem:s7], [sflag:$0x8], $0x40, s6, s29, $0xb8;
	[tilespmem:$0x1FC40] =	vst v63  }
0x1d9: {  	_ =	swait.ge [sflag:s23], $0x2000  }
0x1da: {  	[sflag:s23] =	ssyncset.done $0x0  }
0x1db: {  	s6 =	simm.s32 $0x1880;
	[sflag:s23] =	ssyncadd.s32 $0xFFFFE000  }
0x1dc: {  	[tilespmem:s30], [sflag:$0x2] =	stream.indirect.gather [spmem:s2], $0x40, s6, s29, $0xb8;
	[tilespmem:$0x1FC40] =	vst v63  }
0x1dd: {  	_ =	swait.ge [sflag:s17], $0x2000  }
0x1de: {  	[sflag:s17] =	ssyncset.done $0x0  }
0x1df: {  	s6 =	simm.s32 $0x3800;
	[sflag:s17] =	ssyncadd.s32 $0xFFFFE000  }
0x1e0: {  	[spmem:s3] =	stream.indirect.scatter.add.f32 [tilespmem:s20], [sflag:$0x5], $0x40, s6, s29, $0xb8;
	[tilespmem:$0x1FC40] =	vst v63  }
0x1e1: {  	_ =	swait.ge [sflag:s8], $0x2000  }
0x1e2: {  	[sflag:s8] =	ssyncset.done $0x0  }
0x1e3: {  	s6 =	simm.s32 $0x1900;
	[sflag:s8] =	ssyncadd.s32 $0xFFFFE000  }
0x1e4: {  	[tilespmem:s0], [sflag:$0x3] =	stream.indirect.gather [spmem:s2], $0x40, s6, s29, $0xb8;
	[tilespmem:$0x1FC40] =	vst v63  }
0x1e5: {  	_ =	swait.ge [sflag:s1], $0x2000  }
0x1e6: {  	[sflag:s1] =	ssyncset.done $0x0  }
0x1e7: {  	s6 =	simm.s32 $0x3880;
	[sflag:s1] =	ssyncadd.s32 $0xFFFFE000  }
0x1e8: {  	[spmem:s3] =	stream.indirect.scatter.add.f32 [tilespmem:s30], [sflag:$0x6], $0x40, s6, s29, $0xb8;
	[tilespmem:$0x1FC40] =	vst v63  }
0x1e9: {  	_ =	swait.ge [sflag:s18], $0x2000  }
0x1ea: {  	[sflag:s18] =	ssyncset.done $0x0  }
0x1eb: {  	s6 =	simm.s32 $0x1980;
	[sflag:s18] =	ssyncadd.s32 $0xFFFFE000  }
0x1ec: {  	[tilespmem:s7], [sflag:$0x4] =	stream.indirect.gather [spmem:s2], $0x40, s6, s29, $0xb8;
	[tilespmem:$0x1FC40] =	vst v63  }
0x1ed: {  	_ =	swait.ge [sflag:s11], $0x2000  }
0x1ee: {  	[sflag:s11] =	ssyncset.done $0x0  }
0x1ef: {  	s6 =	simm.s32 $0x3900;
	[sflag:s11] =	ssyncadd.s32 $0xFFFFE000  }
0x1f0: {  	[spmem:s3] =	stream.indirect.scatter.add.f32 [tilespmem:s0], [sflag:$0x7], $0x40, s6, s29, $0xb8;
	[tilespmem:$0x1FC40] =	vst v63  }
0x1f1: {  	_ =	swait.ge [sflag:s13], $0x2000  }
0x1f2: {  	[sflag:s13] =	ssyncset.done $0x0  }
0x1f3: {  	s6 =	simm.s32 $0x1A00;
	[sflag:s13] =	ssyncadd.s32 $0xFFFFE000  }
0x1f4: {  	[tilespmem:s20], [sflag:$0x1] =	stream.indirect.gather [spmem:s2], $0x40, s6, s29, $0xb8;
	[tilespmem:$0x1FC40] =	vst v63  }
0x1f5: {  	_ =	swait.ge [sflag:s15], $0x2000  }
0x1f6: {  	[sflag:s15] =	ssyncset.done $0x0  }
0x1f7: {  	s6 =	simm.s32 $0x3980;
	[sflag:s15] =	ssyncadd.s32 $0xFFFFE000  }
0x1f8: {  	[spmem:s3] =	stream.indirect.scatter.add.f32 [tilespmem:s7], [sflag:$0x8], $0x40, s6, s29, $0xb8;
	[tilespmem:$0x1FC40] =	vst v63  }
0x1f9: {  	_ =	swait.ge [sflag:s23], $0x2000  }
0x1fa: {  	[sflag:s23] =	ssyncset.done $0x0  }
0x1fb: {  	s6 =	simm.s32 $0x1A80;
	[sflag:s23] =	ssyncadd.s32 $0xFFFFE000  }
0x1fc: {  	[tilespmem:s30], [sflag:$0x2] =	stream.indirect.gather [spmem:s2], $0x40, s6, s29, $0xb8;
	[tilespmem:$0x1FC40] =	vst v63  }
0x1fd: {  	_ =	swait.ge [sflag:s17], $0x2000  }
0x1fe: {  	[sflag:s17] =	ssyncset.done $0x0  }
0x1ff: {  	s6 =	simm.s32 $0x3A00;
	[sflag:s17] =	ssyncadd.s32 $0xFFFFE000  }
0x200: {  	[spmem:s3] =	stream.indirect.scatter.add.f32 [tilespmem:s20], [sflag:$0x5], $0x40, s6, s29, $0xb8;
	[tilespmem:$0x1FC40] =	vst v63  }
0x201: {  	_ =	swait.ge [sflag:s8], $0x2000  }
0x202: {  	[sflag:s8] =	ssyncset.done $0x0  }
0x203: {  	s6 =	simm.s32 $0x1B00;
	[sflag:s8] =	ssyncadd.s32 $0xFFFFE000  }
0x204: {  	[tilespmem:s0], [sflag:$0x3] =	stream.indirect.gather [spmem:s2], $0x40, s6, s29, $0xb8;
	[tilespmem:$0x1FC40] =	vst v63  }
0x205: {  	_ =	swait.ge [sflag:s1], $0x2000  }
0x206: {  	[sflag:s1] =	ssyncset.done $0x0  }
0x207: {  	s6 =	simm.s32 $0x3A80;
	[sflag:s1] =	ssyncadd.s32 $0xFFFFE000  }
0x208: {  	[spmem:s3] =	stream.indirect.scatter.add.f32 [tilespmem:s30], [sflag:$0x6], $0x40, s6, s29, $0xb8;
	[tilespmem:$0x1FC40] =	vst v63  }
0x209: {  	_ =	swait.ge [sflag:s18], $0x2000  }
0x20a: {  	[sflag:s18] =	ssyncset.done $0x0  }
0x20b: {  	s6 =	simm.s32 $0x1B80;
	[sflag:s18] =	ssyncadd.s32 $0xFFFFE000  }
0x20c: {  	[tilespmem:s7], [sflag:$0x4] =	stream.indirect.gather [spmem:s2], $0x40, s6, s29, $0xb8;
	[tilespmem:$0x1FC40] =	vst v63  }
0x20d: {  	_ =	swait.ge [sflag:s11], $0x2000  }
0x20e: {  	[sflag:s11] =	ssyncset.done $0x0  }
0x20f: {  	s6 =	simm.s32 $0x3B00;
	[sflag:s11] =	ssyncadd.s32 $0xFFFFE000  }
0x210: {  	[spmem:s3] =	stream.indirect.scatter.add.f32 [tilespmem:s0], [sflag:$0x7], $0x40, s6, s29, $0xb8;
	[tilespmem:$0x1FC40] =	vst v63  }
0x211: {  	_ =	swait.ge [sflag:s13], $0x2000  }
0x212: {  	[sflag:s13] =	ssyncset.done $0x0  }
0x213: {  	s6 =	simm.s32 $0x1C00;
	[sflag:s13] =	ssyncadd.s32 $0xFFFFE000  }
0x214: {  	[tilespmem:s20], [sflag:$0x1] =	stream.indirect.gather [spmem:s2], $0x40, s6, s29, $0xb8;
	[tilespmem:$0x1FC40] =	vst v63  }
0x215: {  	_ =	swait.ge [sflag:s15], $0x2000  }
0x216: {  	[sflag:s15] =	ssyncset.done $0x0  }
0x217: {  	s6 =	simm.s32 $0x3B80;
	[sflag:s15] =	ssyncadd.s32 $0xFFFFE000  }
0x218: {  	[spmem:s3] =	stream.indirect.scatter.add.f32 [tilespmem:s7], [sflag:$0x8], $0x40, s6, s29, $0xb8;
	[tilespmem:$0x1FC40] =	vst v63  }
0x219: {  	_ =	swait.ge [sflag:s23], $0x2000  }
0x21a: {  	[sflag:s23] =	ssyncset.done $0x0  }
0x21b: {  	s6 =	simm.s32 $0x1C80;
	[sflag:s23] =	ssyncadd.s32 $0xFFFFE000  }
0x21c: {  	[tilespmem:s30], [sflag:$0x2] =	stream.indirect.gather [spmem:s2], $0x40, s6, s29, $0xb8;
	[tilespmem:$0x1FC40] =	vst v63  }
0x21d: {  	_ =	swait.ge [sflag:s17], $0x2000  }
0x21e: {  	[sflag:s17] =	ssyncset.done $0x0  }
0x21f: {  	s6 =	simm.s32 $0x3C00;
	[sflag:s17] =	ssyncadd.s32 $0xFFFFE000  }
0x220: {  	[spmem:s3] =	stream.indirect.scatter.add.f32 [tilespmem:s20], [sflag:$0x5], $0x40, s6, s29, $0xb8;
	[tilespmem:$0x1FC40] =	vst v63  }
0x221: {  	_ =	swait.ge [sflag:s8], $0x2000  }
0x222: {  	[sflag:s8] =	ssyncset.done $0x0  }
0x223: {  	s6 =	simm.s32 $0x1D00;
	[sflag:s8] =	ssyncadd.s32 $0xFFFFE000  }
0x224: {  	[tilespmem:s0], [sflag:$0x3] =	stream.indirect.gather [spmem:s2], $0x40, s6, s29, $0xb8;
	[tilespmem:$0x1FC40] =	vst v63  }
0x225: {  	_ =	swait.ge [sflag:s1], $0x2000  }
0x226: {  	[sflag:s1] =	ssyncset.done $0x0  }
0x227: {  	s6 =	simm.s32 $0x3C80;
	[sflag:s1] =	ssyncadd.s32 $0xFFFFE000  }
0x228: {  	[spmem:s3] =	stream.indirect.scatter.add.f32 [tilespmem:s30], [sflag:$0x6], $0x40, s6, s29, $0xb8;
	[tilespmem:$0x1FC40] =	vst v63  }
0x229: {  	_ =	swait.ge [sflag:s18], $0x2000  }
0x22a: {  	[sflag:s18] =	ssyncset.done $0x0  }
0x22b: {  	s6 =	simm.s32 $0x1D80;
	[sflag:s18] =	ssyncadd.s32 $0xFFFFE000  }
0x22c: {  	[tilespmem:s7], [sflag:$0x4] =	stream.indirect.gather [spmem:s2], $0x40, s6, s29, $0xb8;
	[tilespmem:$0x1FC40] =	vst v63  }
0x22d: {  	_ =	swait.ge [sflag:s11], $0x2000  }
0x22e: {  	[sflag:s11] =	ssyncset.done $0x0  }
0x22f: {  	s6 =	simm.s32 $0x3D00;
	[sflag:s11] =	ssyncadd.s32 $0xFFFFE000  }
0x230: {  	[spmem:s3] =	stream.indirect.scatter.add.f32 [tilespmem:s0], [sflag:$0x7], $0x40, s6, s29, $0xb8;
	[tilespmem:$0x1FC40] =	vst v63  }
0x231: {  	_ =	swait.ge [sflag:s13], $0x2000  }
0x232: {  	[sflag:s13] =	ssyncset.done $0x0  }
0x233: {  	s6 =	simm.s32 $0x1E00;
	[sflag:s13] =	ssyncadd.s32 $0xFFFFE000  }
0x234: {  	[tilespmem:s20], [sflag:$0x1] =	stream.indirect.gather [spmem:s2], $0x40, s6, s29, $0xb8;
	[tilespmem:$0x1FC40] =	vst v63  }
0x235: {  	_ =	swait.ge [sflag:s15], $0x2000  }
0x236: {  	[sflag:s15] =	ssyncset.done $0x0  }
0x237: {  	s6 =	simm.s32 $0x3D80;
	[sflag:s15] =	ssyncadd.s32 $0xFFFFE000  }
0x238: {  	[spmem:s3] =	stream.indirect.scatter.add.f32 [tilespmem:s7], [sflag:$0x8], $0x40, s6, s29, $0xb8;
	[tilespmem:$0x1FC40] =	vst v63  }
0x239: {  	_ =	swait.ge [sflag:s23], $0x2000  }
0x23a: {  	[sflag:s23] =	ssyncset.done $0x0  }
0x23b: {  	s6 =	simm.s32 $0x1E80;
	[sflag:s23] =	ssyncadd.s32 $0xFFFFE000  }
0x23c: {  	[tilespmem:s30], [sflag:$0x2] =	stream.indirect.gather [spmem:s2], $0x40, s6, s29, $0xb8;
	[tilespmem:$0x1FC40] =	vst v63  }
0x23d: {  	_ =	swait.ge [sflag:s17], $0x2000  }
0x23e: {  	[sflag:s17] =	ssyncset.done $0x0  }
0x23f: {  	s6 =	simm.s32 $0x3E00;
	[sflag:s17] =	ssyncadd.s32 $0xFFFFE000  }
0x240: {  	[spmem:s3] =	stream.indirect.scatter.add.f32 [tilespmem:s20], [sflag:$0x5], $0x40, s6, s29, $0xb8;
	[tilespmem:$0x1FC40] =	vst v63  }
0x241: {  	_ =	swait.ge [sflag:s8], $0x2000  }
0x242: {  	[sflag:s8] =	ssyncset.done $0x0  }
0x243: {  	s6 =	simm.s32 $0x1F00;
	[sflag:s8] =	ssyncadd.s32 $0xFFFFE000  }
0x244: {  	[tilespmem:s0], [sflag:$0x3] =	stream.indirect.gather [spmem:s2], $0x40, s6, s29, $0xb8;
	[tilespmem:$0x1FC40] =	vst v63  }
0x245: {  	_ =	swait.ge [sflag:s1], $0x2000  }
0x246: {  	[sflag:s1] =	ssyncset.done $0x0  }
0x247: {  	s6 =	simm.s32 $0x3E80;
	[sflag:s1] =	ssyncadd.s32 $0xFFFFE000  }
0x248: {  	[spmem:s3] =	stream.indirect.scatter.add.f32 [tilespmem:s30], [sflag:$0x6], $0x40, s6, s29, $0xb8;
	[tilespmem:$0x1FC40] =	vst v63  }
0x249: {  	_ =	swait.ge [sflag:s18], $0x2000  }
0x24a: {  	[sflag:s18] =	ssyncset.done $0x0  }
0x24b: {  	s6 =	simm.s32 $0x1F80;
	[sflag:s18] =	ssyncadd.s32 $0xFFFFE000  }
0x24c: {  	[tilespmem:s7], [sflag:$0x4] =	stream.indirect.gather [spmem:s2], $0x40, s6, s29, $0xb8;
	[tilespmem:$0x1FC40] =	vst v63  }
0x24d: {  	_ =	swait.ge [sflag:s11], $0x2000  }
0x24e: {  	[sflag:s11] =	ssyncset.done $0x0  }
0x24f: {  	s6 =	simm.s32 $0x3F00;
	[sflag:s11] =	ssyncadd.s32 $0xFFFFE000  }
0x250: {  	[spmem:s3] =	stream.indirect.scatter.add.f32 [tilespmem:s0], [sflag:$0x7], $0x40, s6, s29, $0xb8;
	[tilespmem:$0x1FC40] =	vst v63  }
0x251: {  	_ =	swait.ge [sflag:s13], $0x2000  }
0x252: {  	[sflag:s13] =	ssyncset.done $0x0  }
0x253: {  	[sflag:s13] =	ssyncadd.s32 $0xFFFFE000  }
0x254: {  	_ =	swait.ge [sflag:s15], $0x2000  }
0x255: {  	[sflag:s15] =	ssyncset.done $0x0  }
0x256: {  	s6 =	simm.s32 $0x3F80;
	[sflag:s15] =	ssyncadd.s32 $0xFFFFE000  }
0x257: {  	[spmem:s3] =	stream.indirect.scatter.add.f32 [tilespmem:s7], [sflag:$0x8], $0x40, s6, s29, $0xb8;
	[tilespmem:$0x1FC40] =	vst v63  }
0x258: {  	_ =	swait.ge [sflag:s23], $0x2000  }
0x259: {  	[sflag:s23] =	ssyncset.done $0x0  }
0x25a: {  	[sflag:s23] =	ssyncadd.s32 $0xFFFFE000  }
0x25b: {  	_ =	swait.ge [sflag:s8], $0x2000  }
0x25c: {  	[sflag:s8] =	ssyncset.done $0x0  }
0x25d: {  	[sflag:s8] =	ssyncadd.s32 $0xFFFFE000  }
0x25e: {  	_ =	swait.ge [sflag:s18], $0x2000  }
0x25f: {  	[sflag:s18] =	ssyncset.done $0x0  }
0x260: {  	[sflag:s18] =	ssyncadd.s32 $0xFFFFE000  }
0x261: {  	_ =	swait.ge [sflag:s22], $0x1000  }
0x262: {  	[sflag:s22] =	ssyncset.done $0x0  }
0x263: {  	[sflag:s22] =	ssyncadd.s32 $0xFFFFF000  }
0x264: {  	_ =	swait.ge [sflag:s22], $0x1000  }
0x265: {  	[sflag:s22] =	ssyncset.done $0x0  }
0x266: {  	s6 =	sadd.s32 $0x600, s9;
	[sflag:s22] =	ssyncadd.s32 $0xFFFFF000  }
0x267: {  	[tilespmem:s28], [sflag:$0xA] =	stream.linear.gather [hbm4b:s6+s4], $0x1000, $0x38;
	[tilespmem:$0x1FC40] =	vst v63  }
0x268: {  	s6 =	sadd.s32 $0x600, s10  }
0x269: {  	[tilespmem:s12], [sflag:$0xA] =	stream.linear.gather [hbm4b:s6+s4], $0x1000, $0x38;
	[tilespmem:$0x1FC40] =	vst v63  }
0x26a: {  	_ = 	snop  }
0x26b: {  	[tilespmem:s20], [sflag:$0x1] =	stream.indirect.gather [spmem:s2], $0x40, s4, s29, $0xb8;
	[tilespmem:$0x1FC40] =	vst v63  }
0x26c: {  	_ = 	snop  }
0x26d: {  	[tilespmem:s30], [sflag:$0x2] =	stream.indirect.gather [spmem:s2], $0x40, s29, s29, $0xb8;
	[tilespmem:$0x1FC40] =	vst v63  }
0x26e: {  	_ =	swait.ge [sflag:s17], $0x2000  }
0x26f: {  	[sflag:s17] =	ssyncset.done $0x0  }
0x270: {  	[sflag:s17] =	ssyncadd.s32 $0xFFFFE000  }
0x271: {  	[spmem:s3] =	stream.indirect.scatter.add.f32 [tilespmem:s20], [sflag:$0x5], $0x40, s5, s29, $0xb8;
	[tilespmem:$0x1FC40] =	vst v63  }
0x272: {  	s6 =	simm.s32 $0x100  }
0x273: {  	[tilespmem:s0], [sflag:$0x3] =	stream.indirect.gather [spmem:s2], $0x40, s6, s29, $0xb8;
	[tilespmem:$0x1FC40] =	vst v63  }
0x274: {  	_ =	swait.ge [sflag:s1], $0x2000  }
0x275: {  	[sflag:s1] =	ssyncset.done $0x0  }
0x276: {  	s6 =	simm.s32 $0x2080;
	[sflag:s1] =	ssyncadd.s32 $0xFFFFE000  }
0x277: {  	[spmem:s3] =	stream.indirect.scatter.add.f32 [tilespmem:s30], [sflag:$0x6], $0x40, s6, s29, $0xb8;
	[tilespmem:$0x1FC40] =	vst v63  }
0x278: {  	s6 =	simm.s32 $0x180  }
0x279: {  	[tilespmem:s7], [sflag:$0x4] =	stream.indirect.gather [spmem:s2], $0x40, s6, s29, $0xb8;
	[tilespmem:$0x1FC40] =	vst v63  }
0x27a: {  	_ =	swait.ge [sflag:s11], $0x2000  }
0x27b: {  	[sflag:s11] =	ssyncset.done $0x0  }
0x27c: {  	s6 =	simm.s32 $0x2100;
	[sflag:s11] =	ssyncadd.s32 $0xFFFFE000  }
0x27d: {  	[spmem:s3] =	stream.indirect.scatter.add.f32 [tilespmem:s0], [sflag:$0x7], $0x40, s6, s29, $0xb8;
	[tilespmem:$0x1FC40] =	vst v63  }
0x27e: {  	_ =	swait.ge [sflag:s13], $0x2000  }
0x27f: {  	[sflag:s13] =	ssyncset.done $0x0  }
0x280: {  	s6 =	simm.s32 $0x200;
	[sflag:s13] =	ssyncadd.s32 $0xFFFFE000  }
0x281: {  	[tilespmem:s20], [sflag:$0x1] =	stream.indirect.gather [spmem:s2], $0x40, s6, s29, $0xb8;
	[tilespmem:$0x1FC40] =	vst v63  }
0x282: {  	_ =	swait.ge [sflag:s15], $0x2000  }
0x283: {  	[sflag:s15] =	ssyncset.done $0x0  }
0x284: {  	s6 =	simm.s32 $0x2180;
	[sflag:s15] =	ssyncadd.s32 $0xFFFFE000  }
0x285: {  	[spmem:s3] =	stream.indirect.scatter.add.f32 [tilespmem:s7], [sflag:$0x8], $0x40, s6, s29, $0xb8;
	[tilespmem:$0x1FC40] =	vst v63  }
0x286: {  	_ =	swait.ge [sflag:s23], $0x2000  }
0x287: {  	[sflag:s23] =	ssyncset.done $0x0  }
0x288: {  	s6 =	simm.s32 $0x280;
	[sflag:s23] =	ssyncadd.s32 $0xFFFFE000  }
0x289: {  	[tilespmem:s30], [sflag:$0x2] =	stream.indirect.gather [spmem:s2], $0x40, s6, s29, $0xb8;
	[tilespmem:$0x1FC40] =	vst v63  }
0x28a: {  	_ =	swait.ge [sflag:s17], $0x2000  }
0x28b: {  	[sflag:s17] =	ssyncset.done $0x0  }
0x28c: {  	s6 =	simm.s32 $0x2200;
	[sflag:s17] =	ssyncadd.s32 $0xFFFFE000  }
0x28d: {  	[spmem:s3] =	stream.indirect.scatter.add.f32 [tilespmem:s20], [sflag:$0x5], $0x40, s6, s29, $0xb8;
	[tilespmem:$0x1FC40] =	vst v63  }
0x28e: {  	_ =	swait.ge [sflag:s8], $0x2000  }
0x28f: {  	[sflag:s8] =	ssyncset.done $0x0  }
0x290: {  	s6 =	simm.s32 $0x300;
	[sflag:s8] =	ssyncadd.s32 $0xFFFFE000  }
0x291: {  	[tilespmem:s0], [sflag:$0x3] =	stream.indirect.gather [spmem:s2], $0x40, s6, s29, $0xb8;
	[tilespmem:$0x1FC40] =	vst v63  }
0x292: {  	_ =	swait.ge [sflag:s1], $0x2000  }
0x293: {  	[sflag:s1] =	ssyncset.done $0x0  }
0x294: {  	s6 =	simm.s32 $0x2280;
	[sflag:s1] =	ssyncadd.s32 $0xFFFFE000  }
0x295: {  	[spmem:s3] =	stream.indirect.scatter.add.f32 [tilespmem:s30], [sflag:$0x6], $0x40, s6, s29, $0xb8;
	[tilespmem:$0x1FC40] =	vst v63  }
0x296: {  	_ =	swait.ge [sflag:s18], $0x2000  }
0x297: {  	[sflag:s18] =	ssyncset.done $0x0  }
0x298: {  	s6 =	simm.s32 $0x380;
	[sflag:s18] =	ssyncadd.s32 $0xFFFFE000  }
0x299: {  	[tilespmem:s7], [sflag:$0x4] =	stream.indirect.gather [spmem:s2], $0x40, s6, s29, $0xb8;
	[tilespmem:$0x1FC40] =	vst v63  }
0x29a: {  	_ =	swait.ge [sflag:s11], $0x2000  }
0x29b: {  	[sflag:s11] =	ssyncset.done $0x0  }
0x29c: {  	s6 =	simm.s32 $0x2300;
	[sflag:s11] =	ssyncadd.s32 $0xFFFFE000  }
0x29d: {  	[spmem:s3] =	stream.indirect.scatter.add.f32 [tilespmem:s0], [sflag:$0x7], $0x40, s6, s29, $0xb8;
	[tilespmem:$0x1FC40] =	vst v63  }
0x29e: {  	_ =	swait.ge [sflag:s13], $0x2000  }
0x29f: {  	[sflag:s13] =	ssyncset.done $0x0  }
0x2a0: {  	s6 =	simm.s32 $0x400;
	[sflag:s13] =	ssyncadd.s32 $0xFFFFE000  }
0x2a1: {  	[tilespmem:s20], [sflag:$0x1] =	stream.indirect.gather [spmem:s2], $0x40, s6, s29, $0xb8;
	[tilespmem:$0x1FC40] =	vst v63  }
0x2a2: {  	_ =	swait.ge [sflag:s15], $0x2000  }
0x2a3: {  	[sflag:s15] =	ssyncset.done $0x0  }
0x2a4: {  	s6 =	simm.s32 $0x2380;
	[sflag:s15] =	ssyncadd.s32 $0xFFFFE000  }
0x2a5: {  	[spmem:s3] =	stream.indirect.scatter.add.f32 [tilespmem:s7], [sflag:$0x8], $0x40, s6, s29, $0xb8;
	[tilespmem:$0x1FC40] =	vst v63  }
0x2a6: {  	_ =	swait.ge [sflag:s23], $0x2000  }
0x2a7: {  	[sflag:s23] =	ssyncset.done $0x0  }
0x2a8: {  	s6 =	simm.s32 $0x480;
	[sflag:s23] =	ssyncadd.s32 $0xFFFFE000  }
0x2a9: {  	[tilespmem:s30], [sflag:$0x2] =	stream.indirect.gather [spmem:s2], $0x40, s6, s29, $0xb8;
	[tilespmem:$0x1FC40] =	vst v63  }
0x2aa: {  	_ =	swait.ge [sflag:s17], $0x2000  }
0x2ab: {  	[sflag:s17] =	ssyncset.done $0x0  }
0x2ac: {  	s6 =	simm.s32 $0x2400;
	[sflag:s17] =	ssyncadd.s32 $0xFFFFE000  }
0x2ad: {  	[spmem:s3] =	stream.indirect.scatter.add.f32 [tilespmem:s20], [sflag:$0x5], $0x40, s6, s29, $0xb8;
	[tilespmem:$0x1FC40] =	vst v63  }
0x2ae: {  	_ =	swait.ge [sflag:s8], $0x2000  }
0x2af: {  	[sflag:s8] =	ssyncset.done $0x0  }
0x2b0: {  	s6 =	simm.s32 $0x500;
	[sflag:s8] =	ssyncadd.s32 $0xFFFFE000  }
0x2b1: {  	[tilespmem:s0], [sflag:$0x3] =	stream.indirect.gather [spmem:s2], $0x40, s6, s29, $0xb8;
	[tilespmem:$0x1FC40] =	vst v63  }
0x2b2: {  	_ =	swait.ge [sflag:s1], $0x2000  }
0x2b3: {  	[sflag:s1] =	ssyncset.done $0x0  }
0x2b4: {  	s6 =	simm.s32 $0x2480;
	[sflag:s1] =	ssyncadd.s32 $0xFFFFE000  }
0x2b5: {  	[spmem:s3] =	stream.indirect.scatter.add.f32 [tilespmem:s30], [sflag:$0x6], $0x40, s6, s29, $0xb8;
	[tilespmem:$0x1FC40] =	vst v63  }
0x2b6: {  	_ =	swait.ge [sflag:s18], $0x2000  }
0x2b7: {  	[sflag:s18] =	ssyncset.done $0x0  }
0x2b8: {  	s6 =	simm.s32 $0x580;
	[sflag:s18] =	ssyncadd.s32 $0xFFFFE000  }
0x2b9: {  	[tilespmem:s7], [sflag:$0x4] =	stream.indirect.gather [spmem:s2], $0x40, s6, s29, $0xb8;
	[tilespmem:$0x1FC40] =	vst v63  }
0x2ba: {  	_ =	swait.ge [sflag:s11], $0x2000  }
0x2bb: {  	[sflag:s11] =	ssyncset.done $0x0  }
0x2bc: {  	s6 =	simm.s32 $0x2500;
	[sflag:s11] =	ssyncadd.s32 $0xFFFFE000  }
0x2bd: {  	[spmem:s3] =	stream.indirect.scatter.add.f32 [tilespmem:s0], [sflag:$0x7], $0x40, s6, s29, $0xb8;
	[tilespmem:$0x1FC40] =	vst v63  }
0x2be: {  	_ =	swait.ge [sflag:s13], $0x2000  }
0x2bf: {  	[sflag:s13] =	ssyncset.done $0x0  }
0x2c0: {  	s6 =	simm.s32 $0x600;
	[sflag:s13] =	ssyncadd.s32 $0xFFFFE000  }
0x2c1: {  	[tilespmem:s20], [sflag:$0x1] =	stream.indirect.gather [spmem:s2], $0x40, s6, s29, $0xb8;
	[tilespmem:$0x1FC40] =	vst v63  }
0x2c2: {  	_ =	swait.ge [sflag:s15], $0x2000  }
0x2c3: {  	[sflag:s15] =	ssyncset.done $0x0  }
0x2c4: {  	s6 =	simm.s32 $0x2580;
	[sflag:s15] =	ssyncadd.s32 $0xFFFFE000  }
0x2c5: {  	[spmem:s3] =	stream.indirect.scatter.add.f32 [tilespmem:s7], [sflag:$0x8], $0x40, s6, s29, $0xb8;
	[tilespmem:$0x1FC40] =	vst v63  }
0x2c6: {  	_ =	swait.ge [sflag:s23], $0x2000  }
0x2c7: {  	[sflag:s23] =	ssyncset.done $0x0  }
0x2c8: {  	s6 =	simm.s32 $0x680;
	[sflag:s23] =	ssyncadd.s32 $0xFFFFE000  }
0x2c9: {  	[tilespmem:s30], [sflag:$0x2] =	stream.indirect.gather [spmem:s2], $0x40, s6, s29, $0xb8;
	[tilespmem:$0x1FC40] =	vst v63  }
0x2ca: {  	_ =	swait.ge [sflag:s17], $0x2000  }
0x2cb: {  	[sflag:s17] =	ssyncset.done $0x0  }
0x2cc: {  	s6 =	simm.s32 $0x2600;
	[sflag:s17] =	ssyncadd.s32 $0xFFFFE000  }
0x2cd: {  	[spmem:s3] =	stream.indirect.scatter.add.f32 [tilespmem:s20], [sflag:$0x5], $0x40, s6, s29, $0xb8;
	[tilespmem:$0x1FC40] =	vst v63  }
0x2ce: {  	_ =	swait.ge [sflag:s8], $0x2000  }
0x2cf: {  	[sflag:s8] =	ssyncset.done $0x0  }
0x2d0: {  	s6 =	simm.s32 $0x700;
	[sflag:s8] =	ssyncadd.s32 $0xFFFFE000  }
0x2d1: {  	[tilespmem:s0], [sflag:$0x3] =	stream.indirect.gather [spmem:s2], $0x40, s6, s29, $0xb8;
	[tilespmem:$0x1FC40] =	vst v63  }
0x2d2: {  	_ =	swait.ge [sflag:s1], $0x2000  }
0x2d3: {  	[sflag:s1] =	ssyncset.done $0x0  }
0x2d4: {  	s6 =	simm.s32 $0x2680;
	[sflag:s1] =	ssyncadd.s32 $0xFFFFE000  }
0x2d5: {  	[spmem:s3] =	stream.indirect.scatter.add.f32 [tilespmem:s30], [sflag:$0x6], $0x40, s6, s29, $0xb8;
	[tilespmem:$0x1FC40] =	vst v63  }
0x2d6: {  	_ =	swait.ge [sflag:s18], $0x2000  }
0x2d7: {  	[sflag:s18] =	ssyncset.done $0x0  }
0x2d8: {  	s6 =	simm.s32 $0x780;
	[sflag:s18] =	ssyncadd.s32 $0xFFFFE000  }
0x2d9: {  	[tilespmem:s7], [sflag:$0x4] =	stream.indirect.gather [spmem:s2], $0x40, s6, s29, $0xb8;
	[tilespmem:$0x1FC40] =	vst v63  }
0x2da: {  	_ =	swait.ge [sflag:s11], $0x2000  }
0x2db: {  	[sflag:s11] =	ssyncset.done $0x0  }
0x2dc: {  	s6 =	simm.s32 $0x2700;
	[sflag:s11] =	ssyncadd.s32 $0xFFFFE000  }
0x2dd: {  	[spmem:s3] =	stream.indirect.scatter.add.f32 [tilespmem:s0], [sflag:$0x7], $0x40, s6, s29, $0xb8;
	[tilespmem:$0x1FC40] =	vst v63  }
0x2de: {  	_ =	swait.ge [sflag:s13], $0x2000  }
0x2df: {  	[sflag:s13] =	ssyncset.done $0x0  }
0x2e0: {  	s6 =	simm.s32 $0x800;
	[sflag:s13] =	ssyncadd.s32 $0xFFFFE000  }
0x2e1: {  	[tilespmem:s20], [sflag:$0x1] =	stream.indirect.gather [spmem:s2], $0x40, s6, s29, $0xb8;
	[tilespmem:$0x1FC40] =	vst v63  }
0x2e2: {  	_ =	swait.ge [sflag:s15], $0x2000  }
0x2e3: {  	[sflag:s15] =	ssyncset.done $0x0  }
0x2e4: {  	s6 =	simm.s32 $0x2780;
	[sflag:s15] =	ssyncadd.s32 $0xFFFFE000  }
0x2e5: {  	[spmem:s3] =	stream.indirect.scatter.add.f32 [tilespmem:s7], [sflag:$0x8], $0x40, s6, s29, $0xb8;
	[tilespmem:$0x1FC40] =	vst v63  }
0x2e6: {  	_ =	swait.ge [sflag:s23], $0x2000  }
0x2e7: {  	[sflag:s23] =	ssyncset.done $0x0  }
0x2e8: {  	s6 =	simm.s32 $0x880;
	[sflag:s23] =	ssyncadd.s32 $0xFFFFE000  }
0x2e9: {  	[tilespmem:s30], [sflag:$0x2] =	stream.indirect.gather [spmem:s2], $0x40, s6, s29, $0xb8;
	[tilespmem:$0x1FC40] =	vst v63  }
0x2ea: {  	_ =	swait.ge [sflag:s17], $0x2000  }
0x2eb: {  	[sflag:s17] =	ssyncset.done $0x0  }
0x2ec: {  	s6 =	simm.s32 $0x2800;
	[sflag:s17] =	ssyncadd.s32 $0xFFFFE000  }
0x2ed: {  	[spmem:s3] =	stream.indirect.scatter.add.f32 [tilespmem:s20], [sflag:$0x5], $0x40, s6, s29, $0xb8;
	[tilespmem:$0x1FC40] =	vst v63  }
0x2ee: {  	_ =	swait.ge [sflag:s8], $0x2000  }
0x2ef: {  	[sflag:s8] =	ssyncset.done $0x0  }
0x2f0: {  	s6 =	simm.s32 $0x900;
	[sflag:s8] =	ssyncadd.s32 $0xFFFFE000  }
0x2f1: {  	[tilespmem:s0], [sflag:$0x3] =	stream.indirect.gather [spmem:s2], $0x40, s6, s29, $0xb8;
	[tilespmem:$0x1FC40] =	vst v63  }
0x2f2: {  	_ =	swait.ge [sflag:s1], $0x2000  }
0x2f3: {  	[sflag:s1] =	ssyncset.done $0x0  }
0x2f4: {  	s6 =	simm.s32 $0x2880;
	[sflag:s1] =	ssyncadd.s32 $0xFFFFE000  }
0x2f5: {  	[spmem:s3] =	stream.indirect.scatter.add.f32 [tilespmem:s30], [sflag:$0x6], $0x40, s6, s29, $0xb8;
	[tilespmem:$0x1FC40] =	vst v63  }
0x2f6: {  	_ =	swait.ge [sflag:s18], $0x2000  }
0x2f7: {  	[sflag:s18] =	ssyncset.done $0x0  }
0x2f8: {  	s6 =	simm.s32 $0x980;
	[sflag:s18] =	ssyncadd.s32 $0xFFFFE000  }
0x2f9: {  	[tilespmem:s7], [sflag:$0x4] =	stream.indirect.gather [spmem:s2], $0x40, s6, s29, $0xb8;
	[tilespmem:$0x1FC40] =	vst v63  }
0x2fa: {  	_ =	swait.ge [sflag:s11], $0x2000  }
0x2fb: {  	[sflag:s11] =	ssyncset.done $0x0  }
0x2fc: {  	s6 =	simm.s32 $0x2900;
	[sflag:s11] =	ssyncadd.s32 $0xFFFFE000  }
0x2fd: {  	[spmem:s3] =	stream.indirect.scatter.add.f32 [tilespmem:s0], [sflag:$0x7], $0x40, s6, s29, $0xb8;
	[tilespmem:$0x1FC40] =	vst v63  }
0x2fe: {  	_ =	swait.ge [sflag:s13], $0x2000  }
0x2ff: {  	[sflag:s13] =	ssyncset.done $0x0  }
0x300: {  	s6 =	simm.s32 $0xA00;
	[sflag:s13] =	ssyncadd.s32 $0xFFFFE000  }
0x301: {  	[tilespmem:s20], [sflag:$0x1] =	stream.indirect.gather [spmem:s2], $0x40, s6, s29, $0xb8;
	[tilespmem:$0x1FC40] =	vst v63  }
0x302: {  	_ =	swait.ge [sflag:s15], $0x2000  }
0x303: {  	[sflag:s15] =	ssyncset.done $0x0  }
0x304: {  	s6 =	simm.s32 $0x2980;
	[sflag:s15] =	ssyncadd.s32 $0xFFFFE000  }
0x305: {  	[spmem:s3] =	stream.indirect.scatter.add.f32 [tilespmem:s7], [sflag:$0x8], $0x40, s6, s29, $0xb8;
	[tilespmem:$0x1FC40] =	vst v63  }
0x306: {  	_ =	swait.ge [sflag:s23], $0x2000  }
0x307: {  	[sflag:s23] =	ssyncset.done $0x0  }
0x308: {  	s6 =	simm.s32 $0xA80;
	[sflag:s23] =	ssyncadd.s32 $0xFFFFE000  }
0x309: {  	[tilespmem:s30], [sflag:$0x2] =	stream.indirect.gather [spmem:s2], $0x40, s6, s29, $0xb8;
	[tilespmem:$0x1FC40] =	vst v63  }
0x30a: {  	_ =	swait.ge [sflag:s17], $0x2000  }
0x30b: {  	[sflag:s17] =	ssyncset.done $0x0  }
0x30c: {  	s6 =	simm.s32 $0x2A00;
	[sflag:s17] =	ssyncadd.s32 $0xFFFFE000  }
0x30d: {  	[spmem:s3] =	stream.indirect.scatter.add.f32 [tilespmem:s20], [sflag:$0x5], $0x40, s6, s29, $0xb8;
	[tilespmem:$0x1FC40] =	vst v63  }
0x30e: {  	_ =	swait.ge [sflag:s8], $0x2000  }
0x30f: {  	[sflag:s8] =	ssyncset.done $0x0  }
0x310: {  	s6 =	simm.s32 $0xB00;
	[sflag:s8] =	ssyncadd.s32 $0xFFFFE000  }
0x311: {  	[tilespmem:s0], [sflag:$0x3] =	stream.indirect.gather [spmem:s2], $0x40, s6, s29, $0xb8;
	[tilespmem:$0x1FC40] =	vst v63  }
0x312: {  	_ =	swait.ge [sflag:s1], $0x2000  }
0x313: {  	[sflag:s1] =	ssyncset.done $0x0  }
0x314: {  	s6 =	simm.s32 $0x2A80;
	[sflag:s1] =	ssyncadd.s32 $0xFFFFE000  }
0x315: {  	[spmem:s3] =	stream.indirect.scatter.add.f32 [tilespmem:s30], [sflag:$0x6], $0x40, s6, s29, $0xb8;
	[tilespmem:$0x1FC40] =	vst v63  }
0x316: {  	_ =	swait.ge [sflag:s18], $0x2000  }
0x317: {  	[sflag:s18] =	ssyncset.done $0x0  }
0x318: {  	s6 =	simm.s32 $0xB80;
	[sflag:s18] =	ssyncadd.s32 $0xFFFFE000  }
0x319: {  	[tilespmem:s7], [sflag:$0x4] =	stream.indirect.gather [spmem:s2], $0x40, s6, s29, $0xb8;
	[tilespmem:$0x1FC40] =	vst v63  }
0x31a: {  	_ =	swait.ge [sflag:s11], $0x2000  }
0x31b: {  	[sflag:s11] =	ssyncset.done $0x0  }
0x31c: {  	s6 =	simm.s32 $0x2B00;
	[sflag:s11] =	ssyncadd.s32 $0xFFFFE000  }
0x31d: {  	[spmem:s3] =	stream.indirect.scatter.add.f32 [tilespmem:s0], [sflag:$0x7], $0x40, s6, s29, $0xb8;
	[tilespmem:$0x1FC40] =	vst v63  }
0x31e: {  	_ =	swait.ge [sflag:s13], $0x2000  }
0x31f: {  	[sflag:s13] =	ssyncset.done $0x0  }
0x320: {  	s6 =	simm.s32 $0xC00;
	[sflag:s13] =	ssyncadd.s32 $0xFFFFE000  }
0x321: {  	[tilespmem:s20], [sflag:$0x1] =	stream.indirect.gather [spmem:s2], $0x40, s6, s29, $0xb8;
	[tilespmem:$0x1FC40] =	vst v63  }
0x322: {  	_ =	swait.ge [sflag:s15], $0x2000  }
0x323: {  	[sflag:s15] =	ssyncset.done $0x0  }
0x324: {  	s6 =	simm.s32 $0x2B80;
	[sflag:s15] =	ssyncadd.s32 $0xFFFFE000  }
0x325: {  	[spmem:s3] =	stream.indirect.scatter.add.f32 [tilespmem:s7], [sflag:$0x8], $0x40, s6, s29, $0xb8;
	[tilespmem:$0x1FC40] =	vst v63  }
0x326: {  	_ =	swait.ge [sflag:s23], $0x2000  }
0x327: {  	[sflag:s23] =	ssyncset.done $0x0  }
0x328: {  	s6 =	simm.s32 $0xC80;
	[sflag:s23] =	ssyncadd.s32 $0xFFFFE000  }
0x329: {  	[tilespmem:s30], [sflag:$0x2] =	stream.indirect.gather [spmem:s2], $0x40, s6, s29, $0xb8;
	[tilespmem:$0x1FC40] =	vst v63  }
0x32a: {  	_ =	swait.ge [sflag:s17], $0x2000  }
0x32b: {  	[sflag:s17] =	ssyncset.done $0x0  }
0x32c: {  	s6 =	simm.s32 $0x2C00;
	[sflag:s17] =	ssyncadd.s32 $0xFFFFE000  }
0x32d: {  	[spmem:s3] =	stream.indirect.scatter.add.f32 [tilespmem:s20], [sflag:$0x5], $0x40, s6, s29, $0xb8;
	[tilespmem:$0x1FC40] =	vst v63  }
0x32e: {  	_ =	swait.ge [sflag:s8], $0x2000  }
0x32f: {  	[sflag:s8] =	ssyncset.done $0x0  }
0x330: {  	s6 =	simm.s32 $0xD00;
	[sflag:s8] =	ssyncadd.s32 $0xFFFFE000  }
0x331: {  	[tilespmem:s0], [sflag:$0x3] =	stream.indirect.gather [spmem:s2], $0x40, s6, s29, $0xb8;
	[tilespmem:$0x1FC40] =	vst v63  }
0x332: {  	_ =	swait.ge [sflag:s1], $0x2000  }
0x333: {  	[sflag:s1] =	ssyncset.done $0x0  }
0x334: {  	s6 =	simm.s32 $0x2C80;
	[sflag:s1] =	ssyncadd.s32 $0xFFFFE000  }
0x335: {  	[spmem:s3] =	stream.indirect.scatter.add.f32 [tilespmem:s30], [sflag:$0x6], $0x40, s6, s29, $0xb8;
	[tilespmem:$0x1FC40] =	vst v63  }
0x336: {  	_ =	swait.ge [sflag:s18], $0x2000  }
0x337: {  	[sflag:s18] =	ssyncset.done $0x0  }
0x338: {  	s6 =	simm.s32 $0xD80;
	[sflag:s18] =	ssyncadd.s32 $0xFFFFE000  }
0x339: {  	[tilespmem:s7], [sflag:$0x4] =	stream.indirect.gather [spmem:s2], $0x40, s6, s29, $0xb8;
	[tilespmem:$0x1FC40] =	vst v63  }
0x33a: {  	_ =	swait.ge [sflag:s11], $0x2000  }
0x33b: {  	[sflag:s11] =	ssyncset.done $0x0  }
0x33c: {  	s6 =	simm.s32 $0x2D00;
	[sflag:s11] =	ssyncadd.s32 $0xFFFFE000  }
0x33d: {  	[spmem:s3] =	stream.indirect.scatter.add.f32 [tilespmem:s0], [sflag:$0x7], $0x40, s6, s29, $0xb8;
	[tilespmem:$0x1FC40] =	vst v63  }
0x33e: {  	_ =	swait.ge [sflag:s13], $0x2000  }
0x33f: {  	[sflag:s13] =	ssyncset.done $0x0  }
0x340: {  	s6 =	simm.s32 $0xE00;
	[sflag:s13] =	ssyncadd.s32 $0xFFFFE000  }
0x341: {  	[tilespmem:s20], [sflag:$0x1] =	stream.indirect.gather [spmem:s2], $0x40, s6, s29, $0xb8;
	[tilespmem:$0x1FC40] =	vst v63  }
0x342: {  	_ =	swait.ge [sflag:s15], $0x2000  }
0x343: {  	[sflag:s15] =	ssyncset.done $0x0  }
0x344: {  	s6 =	simm.s32 $0x2D80;
	[sflag:s15] =	ssyncadd.s32 $0xFFFFE000  }
0x345: {  	[spmem:s3] =	stream.indirect.scatter.add.f32 [tilespmem:s7], [sflag:$0x8], $0x40, s6, s29, $0xb8;
	[tilespmem:$0x1FC40] =	vst v63  }
0x346: {  	_ =	swait.ge [sflag:s23], $0x2000  }
0x347: {  	[sflag:s23] =	ssyncset.done $0x0  }
0x348: {  	s6 =	simm.s32 $0xE80;
	[sflag:s23] =	ssyncadd.s32 $0xFFFFE000  }
0x349: {  	[tilespmem:s30], [sflag:$0x2] =	stream.indirect.gather [spmem:s2], $0x40, s6, s29, $0xb8;
	[tilespmem:$0x1FC40] =	vst v63  }
0x34a: {  	_ =	swait.ge [sflag:s17], $0x2000  }
0x34b: {  	[sflag:s17] =	ssyncset.done $0x0  }
0x34c: {  	s6 =	simm.s32 $0x2E00;
	[sflag:s17] =	ssyncadd.s32 $0xFFFFE000  }
0x34d: {  	[spmem:s3] =	stream.indirect.scatter.add.f32 [tilespmem:s20], [sflag:$0x5], $0x40, s6, s29, $0xb8;
	[tilespmem:$0x1FC40] =	vst v63  }
0x34e: {  	_ =	swait.ge [sflag:s8], $0x2000  }
0x34f: {  	[sflag:s8] =	ssyncset.done $0x0  }
0x350: {  	s6 =	simm.s32 $0xF00;
	[sflag:s8] =	ssyncadd.s32 $0xFFFFE000  }
0x351: {  	[tilespmem:s0], [sflag:$0x3] =	stream.indirect.gather [spmem:s2], $0x40, s6, s29, $0xb8;
	[tilespmem:$0x1FC40] =	vst v63  }
0x352: {  	_ =	swait.ge [sflag:s1], $0x2000  }
0x353: {  	[sflag:s1] =	ssyncset.done $0x0  }
0x354: {  	s6 =	simm.s32 $0x2E80;
	[sflag:s1] =	ssyncadd.s32 $0xFFFFE000  }
0x355: {  	[spmem:s3] =	stream.indirect.scatter.add.f32 [tilespmem:s30], [sflag:$0x6], $0x40, s6, s29, $0xb8;
	[tilespmem:$0x1FC40] =	vst v63  }
0x356: {  	_ =	swait.ge [sflag:s18], $0x2000  }
0x357: {  	[sflag:s18] =	ssyncset.done $0x0  }
0x358: {  	s6 =	simm.s32 $0xF80;
	[sflag:s18] =	ssyncadd.s32 $0xFFFFE000  }
0x359: {  	[tilespmem:s7], [sflag:$0x4] =	stream.indirect.gather [spmem:s2], $0x40, s6, s29, $0xb8;
	[tilespmem:$0x1FC40] =	vst v63  }
0x35a: {  	_ =	swait.ge [sflag:s11], $0x2000  }
0x35b: {  	[sflag:s11] =	ssyncset.done $0x0  }
0x35c: {  	s6 =	simm.s32 $0x2F00;
	[sflag:s11] =	ssyncadd.s32 $0xFFFFE000  }
0x35d: {  	[spmem:s3] =	stream.indirect.scatter.add.f32 [tilespmem:s0], [sflag:$0x7], $0x40, s6, s29, $0xb8;
	[tilespmem:$0x1FC40] =	vst v63  }
0x35e: {  	_ =	swait.ge [sflag:s13], $0x2000  }
0x35f: {  	[sflag:s13] =	ssyncset.done $0x0  }
0x360: {  	[sflag:s13] =	ssyncadd.s32 $0xFFFFE000  }
0x361: {  	_ =	swait.ge [sflag:s15], $0x2000  }
0x362: {  	[sflag:s15] =	ssyncset.done $0x0  }
0x363: {  	s6 =	simm.s32 $0x2F80;
	[sflag:s15] =	ssyncadd.s32 $0xFFFFE000  }
0x364: {  	[spmem:s3] =	stream.indirect.scatter.add.f32 [tilespmem:s7], [sflag:$0x8], $0x40, s6, s29, $0xb8;
	[tilespmem:$0x1FC40] =	vst v63  }
0x365: {  	_ =	swait.ge [sflag:s23], $0x2000  }
0x366: {  	[sflag:s23] =	ssyncset.done $0x0  }
0x367: {  	[sflag:s23] =	ssyncadd.s32 $0xFFFFE000  }
0x368: {  	_ =	swait.ge [sflag:s8], $0x2000  }
0x369: {  	[sflag:s8] =	ssyncset.done $0x0  }
0x36a: {  	[sflag:s8] =	ssyncadd.s32 $0xFFFFE000  }
0x36b: {  	_ =	swait.ge [sflag:s18], $0x2000  }
0x36c: {  	[sflag:s18] =	ssyncset.done $0x0  }
0x36d: {  	[sflag:s18] =	ssyncadd.s32 $0xFFFFE000  }
0x36e: {  	_ =	swait.ge [sflag:s16], $0x1000  }
0x36f: {  	[sflag:s16] =	ssyncset.done $0x0  }
0x370: {  	[sflag:s16] =	ssyncadd.s32 $0xFFFFF000  }
0x371: {  	_ =	swait.ge [sflag:s16], $0x1000  }
0x372: {  	[sflag:s16] =	ssyncset.done $0x0  }
0x373: {  	s6 =	sadd.s32 $0x800, s9;
	[sflag:s16] =	ssyncadd.s32 $0xFFFFF000  }
0x374: {  	[tilespmem:s4], [sflag:$0x9] =	stream.linear.gather [hbm4b:s6+s4], $0x1000, $0x38;
	[tilespmem:$0x1FC40] =	vst v63  }
0x375: {  	s6 =	sadd.s32 $0x800, s10  }
0x376: {  	[tilespmem:s5], [sflag:$0x9] =	stream.linear.gather [hbm4b:s6+s4], $0x1000, $0x38;
	[tilespmem:$0x1FC40] =	vst v63  }
0x377: {  	_ = 	snop  }
0x378: {  	[tilespmem:s20], [sflag:$0x1] =	stream.indirect.gather [spmem:s2], $0x40, s28, s29, $0xb8;
	[tilespmem:$0x1FC40] =	vst v63  }
0x379: {  	_ = 	snop  }
0x37a: {  	[tilespmem:s30], [sflag:$0x2] =	stream.indirect.gather [spmem:s2], $0x40, s31, s29, $0xb8;
	[tilespmem:$0x1FC40] =	vst v63  }
0x37b: {  	_ =	swait.ge [sflag:s17], $0x2000  }
0x37c: {  	[sflag:s17] =	ssyncset.done $0x0  }
0x37d: {  	[sflag:s17] =	ssyncadd.s32 $0xFFFFE000  }
0x37e: {  	[spmem:s3] =	stream.indirect.scatter.add.f32 [tilespmem:s20], [sflag:$0x5], $0x40, s12, s29, $0xb8;
	[tilespmem:$0x1FC40] =	vst v63  }
0x37f: {  	_ = 	snop  }
0x380: {  	[tilespmem:s0], [sflag:$0x3] =	stream.indirect.gather [spmem:s2], $0x40, s14, s29, $0xb8;
	[tilespmem:$0x1FC40] =	vst v63  }
0x381: {  	_ =	swait.ge [sflag:s1], $0x2000  }
0x382: {  	[sflag:s1] =	ssyncset.done $0x0  }
0x383: {  	[sflag:s1] =	ssyncadd.s32 $0xFFFFE000  }
0x384: {  	[spmem:s3] =	stream.indirect.scatter.add.f32 [tilespmem:s30], [sflag:$0x6], $0x40, s19, s29, $0xb8;
	[tilespmem:$0x1FC40] =	vst v63  }
0x385: {  	_ = 	snop  }
0x386: {  	[tilespmem:s7], [sflag:$0x4] =	stream.indirect.gather [spmem:s2], $0x40, s24, s29, $0xb8;
	[tilespmem:$0x1FC40] =	vst v63  }
0x387: {  	_ =	swait.ge [sflag:s11], $0x2000  }
0x388: {  	[sflag:s11] =	ssyncset.done $0x0  }
0x389: {  	[sflag:s11] =	ssyncadd.s32 $0xFFFFE000  }
0x38a: {  	[spmem:s3] =	stream.indirect.scatter.add.f32 [tilespmem:s0], [sflag:$0x7], $0x40, s26, s29, $0xb8;
	[tilespmem:$0x1FC40] =	vst v63  }
0x38b: {  	_ =	swait.ge [sflag:s13], $0x2000  }
0x38c: {  	[sflag:s13] =	ssyncset.done $0x0  }
0x38d: {  	s19 =	simm.s32 $0x1200;
	[sflag:s13] =	ssyncadd.s32 $0xFFFFE000  }
0x38e: {  	[tilespmem:s20], [sflag:$0x1] =	stream.indirect.gather [spmem:s2], $0x40, s19, s29, $0xb8;
	[tilespmem:$0x1FC40] =	vst v63  }
0x38f: {  	_ =	swait.ge [sflag:s15], $0x2000  }
0x390: {  	[sflag:s15] =	ssyncset.done $0x0  }
0x391: {  	s31 =	simm.s32 $0x3180;
	[sflag:s15] =	ssyncadd.s32 $0xFFFFE000  }
0x392: {  	[spmem:s3] =	stream.indirect.scatter.add.f32 [tilespmem:s7], [sflag:$0x8], $0x40, s31, s29, $0xb8;
	[tilespmem:$0x1FC40] =	vst v63  }
0x393: {  	_ =	swait.ge [sflag:s23], $0x2000  }
0x394: {  	[sflag:s23] =	ssyncset.done $0x0  }
0x395: {  	s19 =	simm.s32 $0x1280;
	[sflag:s23] =	ssyncadd.s32 $0xFFFFE000  }
0x396: {  	[tilespmem:s30], [sflag:$0x2] =	stream.indirect.gather [spmem:s2], $0x40, s19, s29, $0xb8;
	[tilespmem:$0x1FC40] =	vst v63  }
0x397: {  	_ =	swait.ge [sflag:s17], $0x2000  }
0x398: {  	[sflag:s17] =	ssyncset.done $0x0  }
0x399: {  	s31 =	simm.s32 $0x3200;
	[sflag:s17] =	ssyncadd.s32 $0xFFFFE000  }
0x39a: {  	[spmem:s3] =	stream.indirect.scatter.add.f32 [tilespmem:s20], [sflag:$0x5], $0x40, s31, s29, $0xb8;
	[tilespmem:$0x1FC40] =	vst v63  }
0x39b: {  	_ =	swait.ge [sflag:s8], $0x2000  }
0x39c: {  	[sflag:s8] =	ssyncset.done $0x0  }
0x39d: {  	s19 =	simm.s32 $0x1300;
	[sflag:s8] =	ssyncadd.s32 $0xFFFFE000  }
0x39e: {  	[tilespmem:s0], [sflag:$0x3] =	stream.indirect.gather [spmem:s2], $0x40, s19, s29, $0xb8;
	[tilespmem:$0x1FC40] =	vst v63  }
0x39f: {  	_ =	swait.ge [sflag:s1], $0x2000  }
0x3a0: {  	[sflag:s1] =	ssyncset.done $0x0  }
0x3a1: {  	s31 =	simm.s32 $0x3280;
	[sflag:s1] =	ssyncadd.s32 $0xFFFFE000  }
0x3a2: {  	[spmem:s3] =	stream.indirect.scatter.add.f32 [tilespmem:s30], [sflag:$0x6], $0x40, s31, s29, $0xb8;
	[tilespmem:$0x1FC40] =	vst v63  }
0x3a3: {  	_ =	swait.ge [sflag:s18], $0x2000  }
0x3a4: {  	[sflag:s18] =	ssyncset.done $0x0  }
0x3a5: {  	s19 =	simm.s32 $0x1380;
	[sflag:s18] =	ssyncadd.s32 $0xFFFFE000  }
0x3a6: {  	[tilespmem:s7], [sflag:$0x4] =	stream.indirect.gather [spmem:s2], $0x40, s19, s29, $0xb8;
	[tilespmem:$0x1FC40] =	vst v63  }
0x3a7: {  	_ =	swait.ge [sflag:s11], $0x2000  }
0x3a8: {  	[sflag:s11] =	ssyncset.done $0x0  }
0x3a9: {  	s31 =	simm.s32 $0x3300;
	[sflag:s11] =	ssyncadd.s32 $0xFFFFE000  }
0x3aa: {  	[spmem:s3] =	stream.indirect.scatter.add.f32 [tilespmem:s0], [sflag:$0x7], $0x40, s31, s29, $0xb8;
	[tilespmem:$0x1FC40] =	vst v63  }
0x3ab: {  	_ =	swait.ge [sflag:s13], $0x2000  }
0x3ac: {  	[sflag:s13] =	ssyncset.done $0x0  }
0x3ad: {  	s19 =	simm.s32 $0x1400;
	[sflag:s13] =	ssyncadd.s32 $0xFFFFE000  }
0x3ae: {  	[tilespmem:s20], [sflag:$0x1] =	stream.indirect.gather [spmem:s2], $0x40, s19, s29, $0xb8;
	[tilespmem:$0x1FC40] =	vst v63  }
0x3af: {  	_ =	swait.ge [sflag:s15], $0x2000  }
0x3b0: {  	[sflag:s15] =	ssyncset.done $0x0  }
0x3b1: {  	s31 =	simm.s32 $0x3380;
	[sflag:s15] =	ssyncadd.s32 $0xFFFFE000  }
0x3b2: {  	[spmem:s3] =	stream.indirect.scatter.add.f32 [tilespmem:s7], [sflag:$0x8], $0x40, s31, s29, $0xb8;
	[tilespmem:$0x1FC40] =	vst v63  }
0x3b3: {  	_ =	swait.ge [sflag:s23], $0x2000  }
0x3b4: {  	[sflag:s23] =	ssyncset.done $0x0  }
0x3b5: {  	s19 =	simm.s32 $0x1480;
	[sflag:s23] =	ssyncadd.s32 $0xFFFFE000  }
0x3b6: {  	[tilespmem:s30], [sflag:$0x2] =	stream.indirect.gather [spmem:s2], $0x40, s19, s29, $0xb8;
	[tilespmem:$0x1FC40] =	vst v63  }
0x3b7: {  	_ =	swait.ge [sflag:s17], $0x2000  }
0x3b8: {  	[sflag:s17] =	ssyncset.done $0x0  }
0x3b9: {  	s31 =	simm.s32 $0x3400;
	[sflag:s17] =	ssyncadd.s32 $0xFFFFE000  }
0x3ba: {  	[spmem:s3] =	stream.indirect.scatter.add.f32 [tilespmem:s20], [sflag:$0x5], $0x40, s31, s29, $0xb8;
	[tilespmem:$0x1FC40] =	vst v63  }
0x3bb: {  	_ =	swait.ge [sflag:s8], $0x2000  }
0x3bc: {  	[sflag:s8] =	ssyncset.done $0x0  }
0x3bd: {  	s19 =	simm.s32 $0x1500;
	[sflag:s8] =	ssyncadd.s32 $0xFFFFE000  }
0x3be: {  	[tilespmem:s0], [sflag:$0x3] =	stream.indirect.gather [spmem:s2], $0x40, s19, s29, $0xb8;
	[tilespmem:$0x1FC40] =	vst v63  }
0x3bf: {  	_ =	swait.ge [sflag:s1], $0x2000  }
0x3c0: {  	[sflag:s1] =	ssyncset.done $0x0  }
0x3c1: {  	s31 =	simm.s32 $0x3480;
	[sflag:s1] =	ssyncadd.s32 $0xFFFFE000  }
0x3c2: {  	[spmem:s3] =	stream.indirect.scatter.add.f32 [tilespmem:s30], [sflag:$0x6], $0x40, s31, s29, $0xb8;
	[tilespmem:$0x1FC40] =	vst v63  }
0x3c3: {  	_ =	swait.ge [sflag:s18], $0x2000  }
0x3c4: {  	[sflag:s18] =	ssyncset.done $0x0  }
0x3c5: {  	s19 =	simm.s32 $0x1580;
	[sflag:s18] =	ssyncadd.s32 $0xFFFFE000  }
0x3c6: {  	[tilespmem:s7], [sflag:$0x4] =	stream.indirect.gather [spmem:s2], $0x40, s19, s29, $0xb8;
	[tilespmem:$0x1FC40] =	vst v63  }
0x3c7: {  	_ =	swait.ge [sflag:s11], $0x2000  }
0x3c8: {  	[sflag:s11] =	ssyncset.done $0x0  }
0x3c9: {  	s31 =	simm.s32 $0x3500;
	[sflag:s11] =	ssyncadd.s32 $0xFFFFE000  }
0x3ca: {  	[spmem:s3] =	stream.indirect.scatter.add.f32 [tilespmem:s0], [sflag:$0x7], $0x40, s31, s29, $0xb8;
	[tilespmem:$0x1FC40] =	vst v63  }
0x3cb: {  	_ =	swait.ge [sflag:s13], $0x2000  }
0x3cc: {  	[sflag:s13] =	ssyncset.done $0x0  }
0x3cd: {  	s19 =	simm.s32 $0x1600;
	[sflag:s13] =	ssyncadd.s32 $0xFFFFE000  }
0x3ce: {  	[tilespmem:s20], [sflag:$0x1] =	stream.indirect.gather [spmem:s2], $0x40, s19, s29, $0xb8;
	[tilespmem:$0x1FC40] =	vst v63  }
0x3cf: {  	_ =	swait.ge [sflag:s15], $0x2000  }
0x3d0: {  	[sflag:s15] =	ssyncset.done $0x0  }
0x3d1: {  	s31 =	simm.s32 $0x3580;
	[sflag:s15] =	ssyncadd.s32 $0xFFFFE000  }
0x3d2: {  	[spmem:s3] =	stream.indirect.scatter.add.f32 [tilespmem:s7], [sflag:$0x8], $0x40, s31, s29, $0xb8;
	[tilespmem:$0x1FC40] =	vst v63  }
0x3d3: {  	_ =	swait.ge [sflag:s23], $0x2000  }
0x3d4: {  	[sflag:s23] =	ssyncset.done $0x0  }
0x3d5: {  	s19 =	simm.s32 $0x1680;
	[sflag:s23] =	ssyncadd.s32 $0xFFFFE000  }
0x3d6: {  	[tilespmem:s30], [sflag:$0x2] =	stream.indirect.gather [spmem:s2], $0x40, s19, s29, $0xb8;
	[tilespmem:$0x1FC40] =	vst v63  }
0x3d7: {  	_ =	swait.ge [sflag:s17], $0x2000  }
0x3d8: {  	[sflag:s17] =	ssyncset.done $0x0  }
0x3d9: {  	s31 =	simm.s32 $0x3600;
	[sflag:s17] =	ssyncadd.s32 $0xFFFFE000  }
0x3da: {  	[spmem:s3] =	stream.indirect.scatter.add.f32 [tilespmem:s20], [sflag:$0x5], $0x40, s31, s29, $0xb8;
	[tilespmem:$0x1FC40] =	vst v63  }
0x3db: {  	_ =	swait.ge [sflag:s8], $0x2000  }
0x3dc: {  	[sflag:s8] =	ssyncset.done $0x0  }
0x3dd: {  	s19 =	simm.s32 $0x1700;
	[sflag:s8] =	ssyncadd.s32 $0xFFFFE000  }
0x3de: {  	[tilespmem:s0], [sflag:$0x3] =	stream.indirect.gather [spmem:s2], $0x40, s19, s29, $0xb8;
	[tilespmem:$0x1FC40] =	vst v63  }
0x3df: {  	_ =	swait.ge [sflag:s1], $0x2000  }
0x3e0: {  	[sflag:s1] =	ssyncset.done $0x0  }
0x3e1: {  	s31 =	simm.s32 $0x3680;
	[sflag:s1] =	ssyncadd.s32 $0xFFFFE000  }
0x3e2: {  	[spmem:s3] =	stream.indirect.scatter.add.f32 [tilespmem:s30], [sflag:$0x6], $0x40, s31, s29, $0xb8;
	[tilespmem:$0x1FC40] =	vst v63  }
0x3e3: {  	_ =	swait.ge [sflag:s18], $0x2000  }
0x3e4: {  	[sflag:s18] =	ssyncset.done $0x0  }
0x3e5: {  	s19 =	simm.s32 $0x1780;
	[sflag:s18] =	ssyncadd.s32 $0xFFFFE000  }
0x3e6: {  	[tilespmem:s7], [sflag:$0x4] =	stream.indirect.gather [spmem:s2], $0x40, s19, s29, $0xb8;
	[tilespmem:$0x1FC40] =	vst v63  }
0x3e7: {  	_ =	swait.ge [sflag:s11], $0x2000  }
0x3e8: {  	[sflag:s11] =	ssyncset.done $0x0  }
0x3e9: {  	s31 =	simm.s32 $0x3700;
	[sflag:s11] =	ssyncadd.s32 $0xFFFFE000  }
0x3ea: {  	[spmem:s3] =	stream.indirect.scatter.add.f32 [tilespmem:s0], [sflag:$0x7], $0x40, s31, s29, $0xb8;
	[tilespmem:$0x1FC40] =	vst v63  }
0x3eb: {  	_ =	swait.ge [sflag:s13], $0x2000  }
0x3ec: {  	[sflag:s13] =	ssyncset.done $0x0  }
0x3ed: {  	s19 =	simm.s32 $0x1800;
	[sflag:s13] =	ssyncadd.s32 $0xFFFFE000  }
0x3ee: {  	[tilespmem:s20], [sflag:$0x1] =	stream.indirect.gather [spmem:s2], $0x40, s19, s29, $0xb8;
	[tilespmem:$0x1FC40] =	vst v63  }
0x3ef: {  	_ =	swait.ge [sflag:s15], $0x2000  }
0x3f0: {  	[sflag:s15] =	ssyncset.done $0x0  }
0x3f1: {  	s31 =	simm.s32 $0x3780;
	[sflag:s15] =	ssyncadd.s32 $0xFFFFE000  }
0x3f2: {  	[spmem:s3] =	stream.indirect.scatter.add.f32 [tilespmem:s7], [sflag:$0x8], $0x40, s31, s29, $0xb8;
	[tilespmem:$0x1FC40] =	vst v63  }
0x3f3: {  	_ =	swait.ge [sflag:s23], $0x2000  }
0x3f4: {  	[sflag:s23] =	ssyncset.done $0x0  }
0x3f5: {  	s19 =	simm.s32 $0x1880;
	[sflag:s23] =	ssyncadd.s32 $0xFFFFE000  }
0x3f6: {  	[tilespmem:s30], [sflag:$0x2] =	stream.indirect.gather [spmem:s2], $0x40, s19, s29, $0xb8;
	[tilespmem:$0x1FC40] =	vst v63  }
0x3f7: {  	_ =	swait.ge [sflag:s17], $0x2000  }
0x3f8: {  	[sflag:s17] =	ssyncset.done $0x0  }
0x3f9: {  	s31 =	simm.s32 $0x3800;
	[sflag:s17] =	ssyncadd.s32 $0xFFFFE000  }
0x3fa: {  	[spmem:s3] =	stream.indirect.scatter.add.f32 [tilespmem:s20], [sflag:$0x5], $0x40, s31, s29, $0xb8;
	[tilespmem:$0x1FC40] =	vst v63  }
0x3fb: {  	_ =	swait.ge [sflag:s8], $0x2000  }
0x3fc: {  	[sflag:s8] =	ssyncset.done $0x0  }
0x3fd: {  	s19 =	simm.s32 $0x1900;
	[sflag:s8] =	ssyncadd.s32 $0xFFFFE000  }
0x3fe: {  	[tilespmem:s0], [sflag:$0x3] =	stream.indirect.gather [spmem:s2], $0x40, s19, s29, $0xb8;
	[tilespmem:$0x1FC40] =	vst v63  }
0x3ff: {  	_ =	swait.ge [sflag:s1], $0x2000  }
0x400: {  	[sflag:s1] =	ssyncset.done $0x0  }
0x401: {  	s31 =	simm.s32 $0x3880;
	[sflag:s1] =	ssyncadd.s32 $0xFFFFE000  }
0x402: {  	[spmem:s3] =	stream.indirect.scatter.add.f32 [tilespmem:s30], [sflag:$0x6], $0x40, s31, s29, $0xb8;
	[tilespmem:$0x1FC40] =	vst v63  }
0x403: {  	_ =	swait.ge [sflag:s18], $0x2000  }
0x404: {  	[sflag:s18] =	ssyncset.done $0x0  }
0x405: {  	s19 =	simm.s32 $0x1980;
	[sflag:s18] =	ssyncadd.s32 $0xFFFFE000  }
0x406: {  	[tilespmem:s7], [sflag:$0x4] =	stream.indirect.gather [spmem:s2], $0x40, s19, s29, $0xb8;
	[tilespmem:$0x1FC40] =	vst v63  }
0x407: {  	_ =	swait.ge [sflag:s11], $0x2000  }
0x408: {  	[sflag:s11] =	ssyncset.done $0x0  }
0x409: {  	s31 =	simm.s32 $0x3900;
	[sflag:s11] =	ssyncadd.s32 $0xFFFFE000  }
0x40a: {  	[spmem:s3] =	stream.indirect.scatter.add.f32 [tilespmem:s0], [sflag:$0x7], $0x40, s31, s29, $0xb8;
	[tilespmem:$0x1FC40] =	vst v63  }
0x40b: {  	_ =	swait.ge [sflag:s13], $0x2000  }
0x40c: {  	[sflag:s13] =	ssyncset.done $0x0  }
0x40d: {  	s19 =	simm.s32 $0x1A00;
	[sflag:s13] =	ssyncadd.s32 $0xFFFFE000  }
0x40e: {  	[tilespmem:s20], [sflag:$0x1] =	stream.indirect.gather [spmem:s2], $0x40, s19, s29, $0xb8;
	[tilespmem:$0x1FC40] =	vst v63  }
0x40f: {  	_ =	swait.ge [sflag:s15], $0x2000  }
0x410: {  	[sflag:s15] =	ssyncset.done $0x0  }
0x411: {  	s31 =	simm.s32 $0x3980;
	[sflag:s15] =	ssyncadd.s32 $0xFFFFE000  }
0x412: {  	[spmem:s3] =	stream.indirect.scatter.add.f32 [tilespmem:s7], [sflag:$0x8], $0x40, s31, s29, $0xb8;
	[tilespmem:$0x1FC40] =	vst v63  }
0x413: {  	_ =	swait.ge [sflag:s23], $0x2000  }
0x414: {  	[sflag:s23] =	ssyncset.done $0x0  }
0x415: {  	s19 =	simm.s32 $0x1A80;
	[sflag:s23] =	ssyncadd.s32 $0xFFFFE000  }
0x416: {  	[tilespmem:s30], [sflag:$0x2] =	stream.indirect.gather [spmem:s2], $0x40, s19, s29, $0xb8;
	[tilespmem:$0x1FC40] =	vst v63  }
0x417: {  	_ =	swait.ge [sflag:s17], $0x2000  }
0x418: {  	[sflag:s17] =	ssyncset.done $0x0  }
0x419: {  	s31 =	simm.s32 $0x3A00;
	[sflag:s17] =	ssyncadd.s32 $0xFFFFE000  }
0x41a: {  	[spmem:s3] =	stream.indirect.scatter.add.f32 [tilespmem:s20], [sflag:$0x5], $0x40, s31, s29, $0xb8;
	[tilespmem:$0x1FC40] =	vst v63  }
0x41b: {  	_ =	swait.ge [sflag:s8], $0x2000  }
0x41c: {  	[sflag:s8] =	ssyncset.done $0x0  }
0x41d: {  	s19 =	simm.s32 $0x1B00;
	[sflag:s8] =	ssyncadd.s32 $0xFFFFE000  }
0x41e: {  	[tilespmem:s0], [sflag:$0x3] =	stream.indirect.gather [spmem:s2], $0x40, s19, s29, $0xb8;
	[tilespmem:$0x1FC40] =	vst v63  }
0x41f: {  	_ =	swait.ge [sflag:s1], $0x2000  }
0x420: {  	[sflag:s1] =	ssyncset.done $0x0  }
0x421: {  	s31 =	simm.s32 $0x3A80;
	[sflag:s1] =	ssyncadd.s32 $0xFFFFE000  }
0x422: {  	[spmem:s3] =	stream.indirect.scatter.add.f32 [tilespmem:s30], [sflag:$0x6], $0x40, s31, s29, $0xb8;
	[tilespmem:$0x1FC40] =	vst v63  }
0x423: {  	_ =	swait.ge [sflag:s18], $0x2000  }
0x424: {  	[sflag:s18] =	ssyncset.done $0x0  }
0x425: {  	s19 =	simm.s32 $0x1B80;
	[sflag:s18] =	ssyncadd.s32 $0xFFFFE000  }
0x426: {  	[tilespmem:s7], [sflag:$0x4] =	stream.indirect.gather [spmem:s2], $0x40, s19, s29, $0xb8;
	[tilespmem:$0x1FC40] =	vst v63  }
0x427: {  	_ =	swait.ge [sflag:s11], $0x2000  }
0x428: {  	[sflag:s11] =	ssyncset.done $0x0  }
0x429: {  	s31 =	simm.s32 $0x3B00;
	[sflag:s11] =	ssyncadd.s32 $0xFFFFE000  }
0x42a: {  	[spmem:s3] =	stream.indirect.scatter.add.f32 [tilespmem:s0], [sflag:$0x7], $0x40, s31, s29, $0xb8;
	[tilespmem:$0x1FC40] =	vst v63  }
0x42b: {  	_ =	swait.ge [sflag:s13], $0x2000  }
0x42c: {  	[sflag:s13] =	ssyncset.done $0x0  }
0x42d: {  	s19 =	simm.s32 $0x1C00;
	[sflag:s13] =	ssyncadd.s32 $0xFFFFE000  }
0x42e: {  	[tilespmem:s20], [sflag:$0x1] =	stream.indirect.gather [spmem:s2], $0x40, s19, s29, $0xb8;
	[tilespmem:$0x1FC40] =	vst v63  }
0x42f: {  	_ =	swait.ge [sflag:s15], $0x2000  }
0x430: {  	[sflag:s15] =	ssyncset.done $0x0  }
0x431: {  	s31 =	simm.s32 $0x3B80;
	[sflag:s15] =	ssyncadd.s32 $0xFFFFE000  }
0x432: {  	[spmem:s3] =	stream.indirect.scatter.add.f32 [tilespmem:s7], [sflag:$0x8], $0x40, s31, s29, $0xb8;
	[tilespmem:$0x1FC40] =	vst v63  }
0x433: {  	_ =	swait.ge [sflag:s23], $0x2000  }
0x434: {  	[sflag:s23] =	ssyncset.done $0x0  }
0x435: {  	s19 =	simm.s32 $0x1C80;
	[sflag:s23] =	ssyncadd.s32 $0xFFFFE000  }
0x436: {  	[tilespmem:s30], [sflag:$0x2] =	stream.indirect.gather [spmem:s2], $0x40, s19, s29, $0xb8;
	[tilespmem:$0x1FC40] =	vst v63  }
0x437: {  	_ =	swait.ge [sflag:s17], $0x2000  }
0x438: {  	[sflag:s17] =	ssyncset.done $0x0  }
0x439: {  	s31 =	simm.s32 $0x3C00;
	[sflag:s17] =	ssyncadd.s32 $0xFFFFE000  }
0x43a: {  	[spmem:s3] =	stream.indirect.scatter.add.f32 [tilespmem:s20], [sflag:$0x5], $0x40, s31, s29, $0xb8;
	[tilespmem:$0x1FC40] =	vst v63  }
0x43b: {  	_ =	swait.ge [sflag:s8], $0x2000  }
0x43c: {  	[sflag:s8] =	ssyncset.done $0x0  }
0x43d: {  	s19 =	simm.s32 $0x1D00;
	[sflag:s8] =	ssyncadd.s32 $0xFFFFE000  }
0x43e: {  	[tilespmem:s0], [sflag:$0x3] =	stream.indirect.gather [spmem:s2], $0x40, s19, s29, $0xb8;
	[tilespmem:$0x1FC40] =	vst v63  }
0x43f: {  	_ =	swait.ge [sflag:s1], $0x2000  }
0x440: {  	[sflag:s1] =	ssyncset.done $0x0  }
0x441: {  	s31 =	simm.s32 $0x3C80;
	[sflag:s1] =	ssyncadd.s32 $0xFFFFE000  }
0x442: {  	[spmem:s3] =	stream.indirect.scatter.add.f32 [tilespmem:s30], [sflag:$0x6], $0x40, s31, s29, $0xb8;
	[tilespmem:$0x1FC40] =	vst v63  }
0x443: {  	_ =	swait.ge [sflag:s18], $0x2000  }
0x444: {  	[sflag:s18] =	ssyncset.done $0x0  }
0x445: {  	s19 =	simm.s32 $0x1D80;
	[sflag:s18] =	ssyncadd.s32 $0xFFFFE000  }
0x446: {  	[tilespmem:s7], [sflag:$0x4] =	stream.indirect.gather [spmem:s2], $0x40, s19, s29, $0xb8;
	[tilespmem:$0x1FC40] =	vst v63  }
0x447: {  	_ =	swait.ge [sflag:s11], $0x2000  }
0x448: {  	[sflag:s11] =	ssyncset.done $0x0  }
0x449: {  	s31 =	simm.s32 $0x3D00;
	[sflag:s11] =	ssyncadd.s32 $0xFFFFE000  }
0x44a: {  	[spmem:s3] =	stream.indirect.scatter.add.f32 [tilespmem:s0], [sflag:$0x7], $0x40, s31, s29, $0xb8;
	[tilespmem:$0x1FC40] =	vst v63  }
0x44b: {  	_ =	swait.ge [sflag:s13], $0x2000  }
0x44c: {  	[sflag:s13] =	ssyncset.done $0x0  }
0x44d: {  	s19 =	simm.s32 $0x1E00;
	[sflag:s13] =	ssyncadd.s32 $0xFFFFE000  }
0x44e: {  	[tilespmem:s20], [sflag:$0x1] =	stream.indirect.gather [spmem:s2], $0x40, s19, s29, $0xb8;
	[tilespmem:$0x1FC40] =	vst v63  }
0x44f: {  	_ =	swait.ge [sflag:s15], $0x2000  }
0x450: {  	[sflag:s15] =	ssyncset.done $0x0  }
0x451: {  	s31 =	simm.s32 $0x3D80;
	[sflag:s15] =	ssyncadd.s32 $0xFFFFE000  }
0x452: {  	[spmem:s3] =	stream.indirect.scatter.add.f32 [tilespmem:s7], [sflag:$0x8], $0x40, s31, s29, $0xb8;
	[tilespmem:$0x1FC40] =	vst v63  }
0x453: {  	_ =	swait.ge [sflag:s23], $0x2000  }
0x454: {  	[sflag:s23] =	ssyncset.done $0x0  }
0x455: {  	s19 =	simm.s32 $0x1E80;
	[sflag:s23] =	ssyncadd.s32 $0xFFFFE000  }
0x456: {  	[tilespmem:s30], [sflag:$0x2] =	stream.indirect.gather [spmem:s2], $0x40, s19, s29, $0xb8;
	[tilespmem:$0x1FC40] =	vst v63  }
0x457: {  	_ =	swait.ge [sflag:s17], $0x2000  }
0x458: {  	[sflag:s17] =	ssyncset.done $0x0  }
0x459: {  	s31 =	simm.s32 $0x3E00;
	[sflag:s17] =	ssyncadd.s32 $0xFFFFE000  }
0x45a: {  	[spmem:s3] =	stream.indirect.scatter.add.f32 [tilespmem:s20], [sflag:$0x5], $0x40, s31, s29, $0xb8;
	[tilespmem:$0x1FC40] =	vst v63  }
0x45b: {  	_ =	swait.ge [sflag:s8], $0x2000  }
0x45c: {  	[sflag:s8] =	ssyncset.done $0x0  }
0x45d: {  	s19 =	simm.s32 $0x1F00;
	[sflag:s8] =	ssyncadd.s32 $0xFFFFE000  }
0x45e: {  	[tilespmem:s0], [sflag:$0x3] =	stream.indirect.gather [spmem:s2], $0x40, s19, s29, $0xb8;
	[tilespmem:$0x1FC40] =	vst v63  }
0x45f: {  	_ =	swait.ge [sflag:s1], $0x2000  }
0x460: {  	[sflag:s1] =	ssyncset.done $0x0  }
0x461: {  	s31 =	simm.s32 $0x3E80;
	[sflag:s1] =	ssyncadd.s32 $0xFFFFE000  }
0x462: {  	[spmem:s3] =	stream.indirect.scatter.add.f32 [tilespmem:s30], [sflag:$0x6], $0x40, s31, s29, $0xb8;
	[tilespmem:$0x1FC40] =	vst v63  }
0x463: {  	_ =	swait.ge [sflag:s18], $0x2000  }
0x464: {  	[sflag:s18] =	ssyncset.done $0x0  }
0x465: {  	s19 =	simm.s32 $0x1F80;
	[sflag:s18] =	ssyncadd.s32 $0xFFFFE000  }
0x466: {  	[tilespmem:s7], [sflag:$0x4] =	stream.indirect.gather [spmem:s2], $0x40, s19, s29, $0xb8;
	[tilespmem:$0x1FC40] =	vst v63  }
0x467: {  	_ =	swait.ge [sflag:s11], $0x2000  }
0x468: {  	[sflag:s11] =	ssyncset.done $0x0  }
0x469: {  	s31 =	simm.s32 $0x3F00;
	[sflag:s11] =	ssyncadd.s32 $0xFFFFE000  }
0x46a: {  	[spmem:s3] =	stream.indirect.scatter.add.f32 [tilespmem:s0], [sflag:$0x7], $0x40, s31, s29, $0xb8;
	[tilespmem:$0x1FC40] =	vst v63  }
0x46b: {  	_ =	swait.ge [sflag:s13], $0x2000  }
0x46c: {  	[sflag:s13] =	ssyncset.done $0x0  }
0x46d: {  	[sflag:s13] =	ssyncadd.s32 $0xFFFFE000  }
0x46e: {  	_ =	swait.ge [sflag:s15], $0x2000  }
0x46f: {  	[sflag:s15] =	ssyncset.done $0x0  }
0x470: {  	s19 =	simm.s32 $0x3F80;
	[sflag:s15] =	ssyncadd.s32 $0xFFFFE000  }
0x471: {  	[spmem:s3] =	stream.indirect.scatter.add.f32 [tilespmem:s7], [sflag:$0x8], $0x40, s19, s29, $0xb8;
	[tilespmem:$0x1FC40] =	vst v63  }
0x472: {  	_ =	swait.ge [sflag:s23], $0x2000  }
0x473: {  	[sflag:s23] =	ssyncset.done $0x0  }
0x474: {  	[sflag:s23] =	ssyncadd.s32 $0xFFFFE000  }
0x475: {  	_ =	swait.ge [sflag:s8], $0x2000  }
0x476: {  	[sflag:s8] =	ssyncset.done $0x0  }
0x477: {  	[sflag:s8] =	ssyncadd.s32 $0xFFFFE000  }
0x478: {  	_ =	swait.ge [sflag:s18], $0x2000  }
0x479: {  	[sflag:s18] =	ssyncset.done $0x0  }
0x47a: {  	[sflag:s18] =	ssyncadd.s32 $0xFFFFE000  }
0x47b: {  	_ =	swait.ge [sflag:s22], $0x1000  }
0x47c: {  	[sflag:s22] =	ssyncset.done $0x0  }
0x47d: {  	[sflag:s22] =	ssyncadd.s32 $0xFFFFF000  }
0x47e: {  	_ =	swait.ge [sflag:s22], $0x1000  }
0x47f: {  	[sflag:s22] =	ssyncset.done $0x0  }
0x480: {  	[sflag:s22] =	ssyncadd.s32 $0xFFFFF000  }
0x481: {  	[tilespmem:s20], [sflag:$0x1] =	stream.indirect.gather [spmem:s2], $0x40, s4, s29, $0xb8;
	[tilespmem:$0x1FC40] =	vst v63  }
0x482: {  	_ = 	snop  }
0x483: {  	[tilespmem:s30], [sflag:$0x2] =	stream.indirect.gather [spmem:s2], $0x40, s29, s29, $0xb8;
	[tilespmem:$0x1FC40] =	vst v63  }
0x484: {  	_ =	swait.ge [sflag:s17], $0x2000  }
0x485: {  	[sflag:s17] =	ssyncset.done $0x0  }
0x486: {  	[sflag:s17] =	ssyncadd.s32 $0xFFFFE000  }
0x487: {  	[spmem:s3] =	stream.indirect.scatter.add.f32 [tilespmem:s20], [sflag:$0x5], $0x40, s5, s29, $0xb8;
	[tilespmem:$0x1FC40] =	vst v63  }
0x488: {  	s31 =	simm.s32 $0x100  }
0x489: {  	[tilespmem:s0], [sflag:$0x3] =	stream.indirect.gather [spmem:s2], $0x40, s31, s29, $0xb8;
	[tilespmem:$0x1FC40] =	vst v63  }
0x48a: {  	_ =	swait.ge [sflag:s1], $0x2000  }
0x48b: {  	[sflag:s1] =	ssyncset.done $0x0  }
0x48c: {  	s6 =	simm.s32 $0x2080;
	[sflag:s1] =	ssyncadd.s32 $0xFFFFE000  }
0x48d: {  	[spmem:s3] =	stream.indirect.scatter.add.f32 [tilespmem:s30], [sflag:$0x6], $0x40, s6, s29, $0xb8;
	[tilespmem:$0x1FC40] =	vst v63  }
0x48e: {  	s19 =	simm.s32 $0x180  }
0x48f: {  	[tilespmem:s7], [sflag:$0x4] =	stream.indirect.gather [spmem:s2], $0x40, s19, s29, $0xb8;
	[tilespmem:$0x1FC40] =	vst v63  }
0x490: {  	_ =	swait.ge [sflag:s11], $0x2000  }
0x491: {  	[sflag:s11] =	ssyncset.done $0x0  }
0x492: {  	s31 =	simm.s32 $0x2100;
	[sflag:s11] =	ssyncadd.s32 $0xFFFFE000  }
0x493: {  	[spmem:s3] =	stream.indirect.scatter.add.f32 [tilespmem:s0], [sflag:$0x7], $0x40, s31, s29, $0xb8;
	[tilespmem:$0x1FC40] =	vst v63  }
0x494: {  	_ =	swait.ge [sflag:s13], $0x2000  }
0x495: {  	[sflag:s13] =	ssyncset.done $0x0  }
0x496: {  	s6 =	simm.s32 $0x200;
	[sflag:s13] =	ssyncadd.s32 $0xFFFFE000  }
0x497: {  	[tilespmem:s20], [sflag:$0x1] =	stream.indirect.gather [spmem:s2], $0x40, s6, s29, $0xb8;
	[tilespmem:$0x1FC40] =	vst v63  }
0x498: {  	_ =	swait.ge [sflag:s15], $0x2000  }
0x499: {  	[sflag:s15] =	ssyncset.done $0x0  }
0x49a: {  	s19 =	simm.s32 $0x2180;
	[sflag:s15] =	ssyncadd.s32 $0xFFFFE000  }
0x49b: {  	[spmem:s3] =	stream.indirect.scatter.add.f32 [tilespmem:s7], [sflag:$0x8], $0x40, s19, s29, $0xb8;
	[tilespmem:$0x1FC40] =	vst v63  }
0x49c: {  	_ =	swait.ge [sflag:s23], $0x2000  }
0x49d: {  	[sflag:s23] =	ssyncset.done $0x0  }
0x49e: {  	s31 =	simm.s32 $0x280;
	[sflag:s23] =	ssyncadd.s32 $0xFFFFE000  }
0x49f: {  	[tilespmem:s30], [sflag:$0x2] =	stream.indirect.gather [spmem:s2], $0x40, s31, s29, $0xb8;
	[tilespmem:$0x1FC40] =	vst v63  }
0x4a0: {  	_ =	swait.ge [sflag:s17], $0x2000  }
0x4a1: {  	[sflag:s17] =	ssyncset.done $0x0  }
0x4a2: {  	s6 =	simm.s32 $0x2200;
	[sflag:s17] =	ssyncadd.s32 $0xFFFFE000  }
0x4a3: {  	[spmem:s3] =	stream.indirect.scatter.add.f32 [tilespmem:s20], [sflag:$0x5], $0x40, s6, s29, $0xb8;
	[tilespmem:$0x1FC40] =	vst v63  }
0x4a4: {  	_ =	swait.ge [sflag:s8], $0x2000  }
0x4a5: {  	[sflag:s8] =	ssyncset.done $0x0  }
0x4a6: {  	s19 =	simm.s32 $0x300;
	[sflag:s8] =	ssyncadd.s32 $0xFFFFE000  }
0x4a7: {  	[tilespmem:s0], [sflag:$0x3] =	stream.indirect.gather [spmem:s2], $0x40, s19, s29, $0xb8;
	[tilespmem:$0x1FC40] =	vst v63  }
0x4a8: {  	_ =	swait.ge [sflag:s1], $0x2000  }
0x4a9: {  	[sflag:s1] =	ssyncset.done $0x0  }
0x4aa: {  	s31 =	simm.s32 $0x2280;
	[sflag:s1] =	ssyncadd.s32 $0xFFFFE000  }
0x4ab: {  	[spmem:s3] =	stream.indirect.scatter.add.f32 [tilespmem:s30], [sflag:$0x6], $0x40, s31, s29, $0xb8;
	[tilespmem:$0x1FC40] =	vst v63  }
0x4ac: {  	_ =	swait.ge [sflag:s18], $0x2000  }
0x4ad: {  	[sflag:s18] =	ssyncset.done $0x0  }
0x4ae: {  	s6 =	simm.s32 $0x380;
	[sflag:s18] =	ssyncadd.s32 $0xFFFFE000  }
0x4af: {  	[tilespmem:s7], [sflag:$0x4] =	stream.indirect.gather [spmem:s2], $0x40, s6, s29, $0xb8;
	[tilespmem:$0x1FC40] =	vst v63  }
0x4b0: {  	_ =	swait.ge [sflag:s11], $0x2000  }
0x4b1: {  	[sflag:s11] =	ssyncset.done $0x0  }
0x4b2: {  	s19 =	simm.s32 $0x2300;
	[sflag:s11] =	ssyncadd.s32 $0xFFFFE000  }
0x4b3: {  	[spmem:s3] =	stream.indirect.scatter.add.f32 [tilespmem:s0], [sflag:$0x7], $0x40, s19, s29, $0xb8;
	[tilespmem:$0x1FC40] =	vst v63  }
0x4b4: {  	_ =	swait.ge [sflag:s13], $0x2000  }
0x4b5: {  	[sflag:s13] =	ssyncset.done $0x0  }
0x4b6: {  	s31 =	simm.s32 $0x400;
	[sflag:s13] =	ssyncadd.s32 $0xFFFFE000  }
0x4b7: {  	[tilespmem:s20], [sflag:$0x1] =	stream.indirect.gather [spmem:s2], $0x40, s31, s29, $0xb8;
	[tilespmem:$0x1FC40] =	vst v63  }
0x4b8: {  	_ =	swait.ge [sflag:s15], $0x2000  }
0x4b9: {  	[sflag:s15] =	ssyncset.done $0x0  }
0x4ba: {  	s6 =	simm.s32 $0x2380;
	[sflag:s15] =	ssyncadd.s32 $0xFFFFE000  }
0x4bb: {  	[spmem:s3] =	stream.indirect.scatter.add.f32 [tilespmem:s7], [sflag:$0x8], $0x40, s6, s29, $0xb8;
	[tilespmem:$0x1FC40] =	vst v63  }
0x4bc: {  	_ =	swait.ge [sflag:s23], $0x2000  }
0x4bd: {  	[sflag:s23] =	ssyncset.done $0x0  }
0x4be: {  	s19 =	simm.s32 $0x480;
	[sflag:s23] =	ssyncadd.s32 $0xFFFFE000  }
0x4bf: {  	[tilespmem:s30], [sflag:$0x2] =	stream.indirect.gather [spmem:s2], $0x40, s19, s29, $0xb8;
	[tilespmem:$0x1FC40] =	vst v63  }
0x4c0: {  	_ =	swait.ge [sflag:s17], $0x2000  }
0x4c1: {  	[sflag:s17] =	ssyncset.done $0x0  }
0x4c2: {  	s31 =	simm.s32 $0x2400;
	[sflag:s17] =	ssyncadd.s32 $0xFFFFE000  }
0x4c3: {  	[spmem:s3] =	stream.indirect.scatter.add.f32 [tilespmem:s20], [sflag:$0x5], $0x40, s31, s29, $0xb8;
	[tilespmem:$0x1FC40] =	vst v63  }
0x4c4: {  	_ =	swait.ge [sflag:s8], $0x2000  }
0x4c5: {  	[sflag:s8] =	ssyncset.done $0x0  }
0x4c6: {  	s6 =	simm.s32 $0x500;
	[sflag:s8] =	ssyncadd.s32 $0xFFFFE000  }
0x4c7: {  	[tilespmem:s0], [sflag:$0x3] =	stream.indirect.gather [spmem:s2], $0x40, s6, s29, $0xb8;
	[tilespmem:$0x1FC40] =	vst v63  }
0x4c8: {  	_ =	swait.ge [sflag:s1], $0x2000  }
0x4c9: {  	[sflag:s1] =	ssyncset.done $0x0  }
0x4ca: {  	s19 =	simm.s32 $0x2480;
	[sflag:s1] =	ssyncadd.s32 $0xFFFFE000  }
0x4cb: {  	[spmem:s3] =	stream.indirect.scatter.add.f32 [tilespmem:s30], [sflag:$0x6], $0x40, s19, s29, $0xb8;
	[tilespmem:$0x1FC40] =	vst v63  }
0x4cc: {  	_ =	swait.ge [sflag:s18], $0x2000  }
0x4cd: {  	[sflag:s18] =	ssyncset.done $0x0  }
0x4ce: {  	s31 =	simm.s32 $0x580;
	[sflag:s18] =	ssyncadd.s32 $0xFFFFE000  }
0x4cf: {  	[tilespmem:s7], [sflag:$0x4] =	stream.indirect.gather [spmem:s2], $0x40, s31, s29, $0xb8;
	[tilespmem:$0x1FC40] =	vst v63  }
0x4d0: {  	_ =	swait.ge [sflag:s11], $0x2000  }
0x4d1: {  	[sflag:s11] =	ssyncset.done $0x0  }
0x4d2: {  	s6 =	simm.s32 $0x2500;
	[sflag:s11] =	ssyncadd.s32 $0xFFFFE000  }
0x4d3: {  	[spmem:s3] =	stream.indirect.scatter.add.f32 [tilespmem:s0], [sflag:$0x7], $0x40, s6, s29, $0xb8;
	[tilespmem:$0x1FC40] =	vst v63  }
0x4d4: {  	_ =	swait.ge [sflag:s13], $0x2000  }
0x4d5: {  	[sflag:s13] =	ssyncset.done $0x0  }
0x4d6: {  	s19 =	simm.s32 $0x600;
	[sflag:s13] =	ssyncadd.s32 $0xFFFFE000  }
0x4d7: {  	[tilespmem:s20], [sflag:$0x1] =	stream.indirect.gather [spmem:s2], $0x40, s19, s29, $0xb8;
	[tilespmem:$0x1FC40] =	vst v63  }
0x4d8: {  	_ =	swait.ge [sflag:s15], $0x2000  }
0x4d9: {  	[sflag:s15] =	ssyncset.done $0x0  }
0x4da: {  	s31 =	simm.s32 $0x2580;
	[sflag:s15] =	ssyncadd.s32 $0xFFFFE000  }
0x4db: {  	[spmem:s3] =	stream.indirect.scatter.add.f32 [tilespmem:s7], [sflag:$0x8], $0x40, s31, s29, $0xb8;
	[tilespmem:$0x1FC40] =	vst v63  }
0x4dc: {  	_ =	swait.ge [sflag:s23], $0x2000  }
0x4dd: {  	[sflag:s23] =	ssyncset.done $0x0  }
0x4de: {  	s6 =	simm.s32 $0x680;
	[sflag:s23] =	ssyncadd.s32 $0xFFFFE000  }
0x4df: {  	[tilespmem:s30], [sflag:$0x2] =	stream.indirect.gather [spmem:s2], $0x40, s6, s29, $0xb8;
	[tilespmem:$0x1FC40] =	vst v63  }
0x4e0: {  	_ =	swait.ge [sflag:s17], $0x2000  }
0x4e1: {  	[sflag:s17] =	ssyncset.done $0x0  }
0x4e2: {  	s19 =	simm.s32 $0x2600;
	[sflag:s17] =	ssyncadd.s32 $0xFFFFE000  }
0x4e3: {  	[spmem:s3] =	stream.indirect.scatter.add.f32 [tilespmem:s20], [sflag:$0x5], $0x40, s19, s29, $0xb8;
	[tilespmem:$0x1FC40] =	vst v63  }
0x4e4: {  	_ =	swait.ge [sflag:s8], $0x2000  }
0x4e5: {  	[sflag:s8] =	ssyncset.done $0x0  }
0x4e6: {  	s31 =	simm.s32 $0x700;
	[sflag:s8] =	ssyncadd.s32 $0xFFFFE000  }
0x4e7: {  	[tilespmem:s0], [sflag:$0x3] =	stream.indirect.gather [spmem:s2], $0x40, s31, s29, $0xb8;
	[tilespmem:$0x1FC40] =	vst v63  }
0x4e8: {  	_ =	swait.ge [sflag:s1], $0x2000  }
0x4e9: {  	[sflag:s1] =	ssyncset.done $0x0  }
0x4ea: {  	s6 =	simm.s32 $0x2680;
	[sflag:s1] =	ssyncadd.s32 $0xFFFFE000  }
0x4eb: {  	[spmem:s3] =	stream.indirect.scatter.add.f32 [tilespmem:s30], [sflag:$0x6], $0x40, s6, s29, $0xb8;
	[tilespmem:$0x1FC40] =	vst v63  }
0x4ec: {  	_ =	swait.ge [sflag:s18], $0x2000  }
0x4ed: {  	[sflag:s18] =	ssyncset.done $0x0  }
0x4ee: {  	s19 =	simm.s32 $0x780;
	[sflag:s18] =	ssyncadd.s32 $0xFFFFE000  }
0x4ef: {  	[tilespmem:s7], [sflag:$0x4] =	stream.indirect.gather [spmem:s2], $0x40, s19, s29, $0xb8;
	[tilespmem:$0x1FC40] =	vst v63  }
0x4f0: {  	_ =	swait.ge [sflag:s11], $0x2000  }
0x4f1: {  	[sflag:s11] =	ssyncset.done $0x0  }
0x4f2: {  	s31 =	simm.s32 $0x2700;
	[sflag:s11] =	ssyncadd.s32 $0xFFFFE000  }
0x4f3: {  	[spmem:s3] =	stream.indirect.scatter.add.f32 [tilespmem:s0], [sflag:$0x7], $0x40, s31, s29, $0xb8;
	[tilespmem:$0x1FC40] =	vst v63  }
0x4f4: {  	_ =	swait.ge [sflag:s13], $0x2000  }
0x4f5: {  	[sflag:s13] =	ssyncset.done $0x0  }
0x4f6: {  	s6 =	simm.s32 $0x800;
	[sflag:s13] =	ssyncadd.s32 $0xFFFFE000  }
0x4f7: {  	[tilespmem:s20], [sflag:$0x1] =	stream.indirect.gather [spmem:s2], $0x40, s6, s29, $0xb8;
	[tilespmem:$0x1FC40] =	vst v63  }
0x4f8: {  	_ =	swait.ge [sflag:s15], $0x2000  }
0x4f9: {  	[sflag:s15] =	ssyncset.done $0x0  }
0x4fa: {  	s19 =	simm.s32 $0x2780;
	[sflag:s15] =	ssyncadd.s32 $0xFFFFE000  }
0x4fb: {  	[spmem:s3] =	stream.indirect.scatter.add.f32 [tilespmem:s7], [sflag:$0x8], $0x40, s19, s29, $0xb8;
	[tilespmem:$0x1FC40] =	vst v63  }
0x4fc: {  	_ =	swait.ge [sflag:s23], $0x2000  }
0x4fd: {  	[sflag:s23] =	ssyncset.done $0x0  }
0x4fe: {  	s31 =	simm.s32 $0x880;
	[sflag:s23] =	ssyncadd.s32 $0xFFFFE000  }
0x4ff: {  	[tilespmem:s30], [sflag:$0x2] =	stream.indirect.gather [spmem:s2], $0x40, s31, s29, $0xb8;
	[tilespmem:$0x1FC40] =	vst v63  }
0x500: {  	_ =	swait.ge [sflag:s17], $0x2000  }
0x501: {  	[sflag:s17] =	ssyncset.done $0x0  }
0x502: {  	s6 =	simm.s32 $0x2800;
	[sflag:s17] =	ssyncadd.s32 $0xFFFFE000  }
0x503: {  	[spmem:s3] =	stream.indirect.scatter.add.f32 [tilespmem:s20], [sflag:$0x5], $0x40, s6, s29, $0xb8;
	[tilespmem:$0x1FC40] =	vst v63  }
0x504: {  	_ =	swait.ge [sflag:s8], $0x2000  }
0x505: {  	[sflag:s8] =	ssyncset.done $0x0  }
0x506: {  	s19 =	simm.s32 $0x900;
	[sflag:s8] =	ssyncadd.s32 $0xFFFFE000  }
0x507: {  	[tilespmem:s0], [sflag:$0x3] =	stream.indirect.gather [spmem:s2], $0x40, s19, s29, $0xb8;
	[tilespmem:$0x1FC40] =	vst v63  }
0x508: {  	_ =	swait.ge [sflag:s1], $0x2000  }
0x509: {  	[sflag:s1] =	ssyncset.done $0x0  }
0x50a: {  	s31 =	simm.s32 $0x2880;
	[sflag:s1] =	ssyncadd.s32 $0xFFFFE000  }
0x50b: {  	[spmem:s3] =	stream.indirect.scatter.add.f32 [tilespmem:s30], [sflag:$0x6], $0x40, s31, s29, $0xb8;
	[tilespmem:$0x1FC40] =	vst v63  }
0x50c: {  	_ =	swait.ge [sflag:s18], $0x2000  }
0x50d: {  	[sflag:s18] =	ssyncset.done $0x0  }
0x50e: {  	s6 =	simm.s32 $0x980;
	[sflag:s18] =	ssyncadd.s32 $0xFFFFE000  }
0x50f: {  	[tilespmem:s7], [sflag:$0x4] =	stream.indirect.gather [spmem:s2], $0x40, s6, s29, $0xb8;
	[tilespmem:$0x1FC40] =	vst v63  }
0x510: {  	_ =	swait.ge [sflag:s11], $0x2000  }
0x511: {  	[sflag:s11] =	ssyncset.done $0x0  }
0x512: {  	s19 =	simm.s32 $0x2900;
	[sflag:s11] =	ssyncadd.s32 $0xFFFFE000  }
0x513: {  	[spmem:s3] =	stream.indirect.scatter.add.f32 [tilespmem:s0], [sflag:$0x7], $0x40, s19, s29, $0xb8;
	[tilespmem:$0x1FC40] =	vst v63  }
0x514: {  	_ =	swait.ge [sflag:s13], $0x2000  }
0x515: {  	[sflag:s13] =	ssyncset.done $0x0  }
0x516: {  	s31 =	simm.s32 $0xA00;
	[sflag:s13] =	ssyncadd.s32 $0xFFFFE000  }
0x517: {  	[tilespmem:s20], [sflag:$0x1] =	stream.indirect.gather [spmem:s2], $0x40, s31, s29, $0xb8;
	[tilespmem:$0x1FC40] =	vst v63  }
0x518: {  	_ =	swait.ge [sflag:s15], $0x2000  }
0x519: {  	[sflag:s15] =	ssyncset.done $0x0  }
0x51a: {  	s6 =	simm.s32 $0x2980;
	[sflag:s15] =	ssyncadd.s32 $0xFFFFE000  }
0x51b: {  	[spmem:s3] =	stream.indirect.scatter.add.f32 [tilespmem:s7], [sflag:$0x8], $0x40, s6, s29, $0xb8;
	[tilespmem:$0x1FC40] =	vst v63  }
0x51c: {  	_ =	swait.ge [sflag:s23], $0x2000  }
0x51d: {  	[sflag:s23] =	ssyncset.done $0x0  }
0x51e: {  	s19 =	simm.s32 $0xA80;
	[sflag:s23] =	ssyncadd.s32 $0xFFFFE000  }
0x51f: {  	[tilespmem:s30], [sflag:$0x2] =	stream.indirect.gather [spmem:s2], $0x40, s19, s29, $0xb8;
	[tilespmem:$0x1FC40] =	vst v63  }
0x520: {  	_ =	swait.ge [sflag:s17], $0x2000  }
0x521: {  	[sflag:s17] =	ssyncset.done $0x0  }
0x522: {  	s31 =	simm.s32 $0x2A00;
	[sflag:s17] =	ssyncadd.s32 $0xFFFFE000  }
0x523: {  	[spmem:s3] =	stream.indirect.scatter.add.f32 [tilespmem:s20], [sflag:$0x5], $0x40, s31, s29, $0xb8;
	[tilespmem:$0x1FC40] =	vst v63  }
0x524: {  	_ =	swait.ge [sflag:s8], $0x2000  }
0x525: {  	[sflag:s8] =	ssyncset.done $0x0  }
0x526: {  	s6 =	simm.s32 $0xB00;
	[sflag:s8] =	ssyncadd.s32 $0xFFFFE000  }
0x527: {  	[tilespmem:s0], [sflag:$0x3] =	stream.indirect.gather [spmem:s2], $0x40, s6, s29, $0xb8;
	[tilespmem:$0x1FC40] =	vst v63  }
0x528: {  	_ =	swait.ge [sflag:s1], $0x2000  }
0x529: {  	[sflag:s1] =	ssyncset.done $0x0  }
0x52a: {  	s19 =	simm.s32 $0x2A80;
	[sflag:s1] =	ssyncadd.s32 $0xFFFFE000  }
0x52b: {  	[spmem:s3] =	stream.indirect.scatter.add.f32 [tilespmem:s30], [sflag:$0x6], $0x40, s19, s29, $0xb8;
	[tilespmem:$0x1FC40] =	vst v63  }
0x52c: {  	_ =	swait.ge [sflag:s18], $0x2000  }
0x52d: {  	[sflag:s18] =	ssyncset.done $0x0  }
0x52e: {  	s31 =	simm.s32 $0xB80;
	[sflag:s18] =	ssyncadd.s32 $0xFFFFE000  }
0x52f: {  	[tilespmem:s7], [sflag:$0x4] =	stream.indirect.gather [spmem:s2], $0x40, s31, s29, $0xb8;
	[tilespmem:$0x1FC40] =	vst v63  }
0x530: {  	_ =	swait.ge [sflag:s11], $0x2000  }
0x531: {  	[sflag:s11] =	ssyncset.done $0x0  }
0x532: {  	s6 =	simm.s32 $0x2B00;
	[sflag:s11] =	ssyncadd.s32 $0xFFFFE000  }
0x533: {  	[spmem:s3] =	stream.indirect.scatter.add.f32 [tilespmem:s0], [sflag:$0x7], $0x40, s6, s29, $0xb8;
	[tilespmem:$0x1FC40] =	vst v63  }
0x534: {  	_ =	swait.ge [sflag:s13], $0x2000  }
0x535: {  	[sflag:s13] =	ssyncset.done $0x0  }
0x536: {  	s19 =	simm.s32 $0xC00;
	[sflag:s13] =	ssyncadd.s32 $0xFFFFE000  }
0x537: {  	[tilespmem:s20], [sflag:$0x1] =	stream.indirect.gather [spmem:s2], $0x40, s19, s29, $0xb8;
	[tilespmem:$0x1FC40] =	vst v63  }
0x538: {  	_ =	swait.ge [sflag:s15], $0x2000  }
0x539: {  	[sflag:s15] =	ssyncset.done $0x0  }
0x53a: {  	s31 =	simm.s32 $0x2B80;
	[sflag:s15] =	ssyncadd.s32 $0xFFFFE000  }
0x53b: {  	[spmem:s3] =	stream.indirect.scatter.add.f32 [tilespmem:s7], [sflag:$0x8], $0x40, s31, s29, $0xb8;
	[tilespmem:$0x1FC40] =	vst v63  }
0x53c: {  	_ =	swait.ge [sflag:s23], $0x2000  }
0x53d: {  	[sflag:s23] =	ssyncset.done $0x0  }
0x53e: {  	s6 =	simm.s32 $0xC80;
	[sflag:s23] =	ssyncadd.s32 $0xFFFFE000  }
0x53f: {  	[tilespmem:s30], [sflag:$0x2] =	stream.indirect.gather [spmem:s2], $0x40, s6, s29, $0xb8;
	[tilespmem:$0x1FC40] =	vst v63  }
0x540: {  	_ =	swait.ge [sflag:s17], $0x2000  }
0x541: {  	[sflag:s17] =	ssyncset.done $0x0  }
0x542: {  	s19 =	simm.s32 $0x2C00;
	[sflag:s17] =	ssyncadd.s32 $0xFFFFE000  }
0x543: {  	[spmem:s3] =	stream.indirect.scatter.add.f32 [tilespmem:s20], [sflag:$0x5], $0x40, s19, s29, $0xb8;
	[tilespmem:$0x1FC40] =	vst v63  }
0x544: {  	_ =	swait.ge [sflag:s8], $0x2000  }
0x545: {  	[sflag:s8] =	ssyncset.done $0x0  }
0x546: {  	s31 =	simm.s32 $0xD00;
	[sflag:s8] =	ssyncadd.s32 $0xFFFFE000  }
0x547: {  	[tilespmem:s0], [sflag:$0x3] =	stream.indirect.gather [spmem:s2], $0x40, s31, s29, $0xb8;
	[tilespmem:$0x1FC40] =	vst v63  }
0x548: {  	_ =	swait.ge [sflag:s1], $0x2000  }
0x549: {  	[sflag:s1] =	ssyncset.done $0x0  }
0x54a: {  	s6 =	simm.s32 $0x2C80;
	[sflag:s1] =	ssyncadd.s32 $0xFFFFE000  }
0x54b: {  	[spmem:s3] =	stream.indirect.scatter.add.f32 [tilespmem:s30], [sflag:$0x6], $0x40, s6, s29, $0xb8;
	[tilespmem:$0x1FC40] =	vst v63  }
0x54c: {  	_ =	swait.ge [sflag:s18], $0x2000  }
0x54d: {  	[sflag:s18] =	ssyncset.done $0x0  }
0x54e: {  	s19 =	simm.s32 $0xD80;
	[sflag:s18] =	ssyncadd.s32 $0xFFFFE000  }
0x54f: {  	[tilespmem:s7], [sflag:$0x4] =	stream.indirect.gather [spmem:s2], $0x40, s19, s29, $0xb8;
	[tilespmem:$0x1FC40] =	vst v63  }
0x550: {  	_ =	swait.ge [sflag:s11], $0x2000  }
0x551: {  	[sflag:s11] =	ssyncset.done $0x0  }
0x552: {  	s31 =	simm.s32 $0x2D00;
	[sflag:s11] =	ssyncadd.s32 $0xFFFFE000  }
0x553: {  	[spmem:s3] =	stream.indirect.scatter.add.f32 [tilespmem:s0], [sflag:$0x7], $0x40, s31, s29, $0xb8;
	[tilespmem:$0x1FC40] =	vst v63  }
0x554: {  	_ =	swait.ge [sflag:s13], $0x2000  }
0x555: {  	[sflag:s13] =	ssyncset.done $0x0  }
0x556: {  	s6 =	simm.s32 $0xE00;
	[sflag:s13] =	ssyncadd.s32 $0xFFFFE000  }
0x557: {  	[tilespmem:s20], [sflag:$0x1] =	stream.indirect.gather [spmem:s2], $0x40, s6, s29, $0xb8;
	[tilespmem:$0x1FC40] =	vst v63  }
0x558: {  	_ =	swait.ge [sflag:s15], $0x2000  }
0x559: {  	[sflag:s15] =	ssyncset.done $0x0  }
0x55a: {  	s19 =	simm.s32 $0x2D80;
	[sflag:s15] =	ssyncadd.s32 $0xFFFFE000  }
0x55b: {  	[spmem:s3] =	stream.indirect.scatter.add.f32 [tilespmem:s7], [sflag:$0x8], $0x40, s19, s29, $0xb8;
	[tilespmem:$0x1FC40] =	vst v63  }
0x55c: {  	_ =	swait.ge [sflag:s23], $0x2000  }
0x55d: {  	[sflag:s23] =	ssyncset.done $0x0  }
0x55e: {  	s31 =	simm.s32 $0xE80;
	[sflag:s23] =	ssyncadd.s32 $0xFFFFE000  }
0x55f: {  	[tilespmem:s30], [sflag:$0x2] =	stream.indirect.gather [spmem:s2], $0x40, s31, s29, $0xb8;
	[tilespmem:$0x1FC40] =	vst v63  }
0x560: {  	_ =	swait.ge [sflag:s17], $0x2000  }
0x561: {  	[sflag:s17] =	ssyncset.done $0x0  }
0x562: {  	s6 =	simm.s32 $0x2E00;
	[sflag:s17] =	ssyncadd.s32 $0xFFFFE000  }
0x563: {  	[spmem:s3] =	stream.indirect.scatter.add.f32 [tilespmem:s20], [sflag:$0x5], $0x40, s6, s29, $0xb8;
	[tilespmem:$0x1FC40] =	vst v63  }
0x564: {  	_ =	swait.ge [sflag:s8], $0x2000  }
0x565: {  	[sflag:s8] =	ssyncset.done $0x0  }
0x566: {  	s19 =	simm.s32 $0xF00;
	[sflag:s8] =	ssyncadd.s32 $0xFFFFE000  }
0x567: {  	[tilespmem:s0], [sflag:$0x3] =	stream.indirect.gather [spmem:s2], $0x40, s19, s29, $0xb8;
	[tilespmem:$0x1FC40] =	vst v63  }
0x568: {  	_ =	swait.ge [sflag:s1], $0x2000  }
0x569: {  	[sflag:s1] =	ssyncset.done $0x0  }
0x56a: {  	s31 =	simm.s32 $0x2E80;
	[sflag:s1] =	ssyncadd.s32 $0xFFFFE000  }
0x56b: {  	[spmem:s3] =	stream.indirect.scatter.add.f32 [tilespmem:s30], [sflag:$0x6], $0x40, s31, s29, $0xb8;
	[tilespmem:$0x1FC40] =	vst v63  }
0x56c: {  	_ =	swait.ge [sflag:s18], $0x2000  }
0x56d: {  	[sflag:s18] =	ssyncset.done $0x0  }
0x56e: {  	s6 =	simm.s32 $0xF80;
	[sflag:s18] =	ssyncadd.s32 $0xFFFFE000  }
0x56f: {  	[tilespmem:s7], [sflag:$0x4] =	stream.indirect.gather [spmem:s2], $0x40, s6, s29, $0xb8;
	[tilespmem:$0x1FC40] =	vst v63  }
0x570: {  	_ =	swait.ge [sflag:s11], $0x2000  }
0x571: {  	[sflag:s11] =	ssyncset.done $0x0  }
0x572: {  	s19 =	simm.s32 $0x2F00;
	[sflag:s11] =	ssyncadd.s32 $0xFFFFE000  }
0x573: {  	[spmem:s3] =	stream.indirect.scatter.add.f32 [tilespmem:s0], [sflag:$0x7], $0x40, s19, s29, $0xb8;
	[tilespmem:$0x1FC40] =	vst v63  }
0x574: {  	_ =	swait.ge [sflag:s13], $0x2000  }
0x575: {  	[sflag:s13] =	ssyncset.done $0x0  }
0x576: {  	[sflag:s13] =	ssyncadd.s32 $0xFFFFE000  }
0x577: {  	_ =	swait.ge [sflag:s15], $0x2000  }
0x578: {  	[sflag:s15] =	ssyncset.done $0x0  }
0x579: {  	s31 =	simm.s32 $0x2F80;
	[sflag:s15] =	ssyncadd.s32 $0xFFFFE000  }
0x57a: {  	[spmem:s3] =	stream.indirect.scatter.add.f32 [tilespmem:s7], [sflag:$0x8], $0x40, s31, s29, $0xb8;
	[tilespmem:$0x1FC40] =	vst v63  }
0x57b: {  	_ =	swait.ge [sflag:s23], $0x2000  }
0x57c: {  	[sflag:s23] =	ssyncset.done $0x0  }
0x57d: {  	[sflag:s23] =	ssyncadd.s32 $0xFFFFE000  }
0x57e: {  	_ =	swait.ge [sflag:s8], $0x2000  }
0x57f: {  	[sflag:s8] =	ssyncset.done $0x0  }
0x580: {  	[sflag:s8] =	ssyncadd.s32 $0xFFFFE000  }
0x581: {  	_ =	swait.ge [sflag:s18], $0x2000  }
0x582: {  	[sflag:s18] =	ssyncset.done $0x0  }
0x583: {  	[sflag:s18] =	ssyncadd.s32 $0xFFFFE000  }
0x584: {  	[bflag:$0x0] =	sbarrier.arrive $0xFFFF  }
0x585: {  	s5 =	rddreg [dreg:$0x7]  }
0x586: {  	s19 =	rddreg [dreg:$0x10]  }
0x587: {  	s31 =	rddreg [dreg:$0x11];
	s6 =	sor.u32 $0x1C0B, s5  }
0x588: {  	[hbm:s19], [sflag:s6] =	dma.local [spmem:s31], $0x1400  }
0x589: {  	_ =	swait.ge [sflag:s21], $0x1400  }
0x58a: {  	s25 =	sadd.s32 $0x1, s25;
	s31 =	rddreg [dreg:$0xa]  }
0x58b: {  	p0 =	seq.s32 s25, s31  }
.Ltmp1:
0x58c: {  	_ = 	snop;
	(pc) =	sbr.rel @!p0 .LBB2_1-.Ltmp1, $3  }
0x58d: {  	_ =	sdelay $0x1  }
0x58e: {  	[sflag:s21] =	ssyncset.done $0x0  }
0x58f: {  	[sflag:s21] =	ssyncadd.s32 $0xFFFFEC00  }
0x590: {  	_ =	sfence.sel $0x180000  }
0x591: {  	[bflag:$0x0] =	sbarrier.arrive $0xFFFF  }
0x592: {  	_ =	strace $0x90000047  }
0x593: {  	s0 =	stileid.u32;
	[bflag:$0x2] =	sbarrier.arrive $0xFFFF  }
0x594: {  	p0 =	sne.s32 s0, $0x0;
	s0 =	rddreg [dreg:$0x5]  }
0x595: {  	s0 =	sadd.s32 @!p0 $0x100000, s0  }
0x596: {  	[sflag:s0] =	ssyncadd.tile.s32 @!p0 $0x1;
	_ =	shalt  }
.Lfunc_end2:
_tile_overlayer_lowered:
.L_overlay_start_2:
0x597: {  	(tag) =	ssettag $0x2  }
0x598: {  	s0 =	rddreg [dreg:$0x0];
	s2 =	stileid.u32  }
0x599: {  	s1 =	rddreg [dreg:$0x1];
	p0 =	sne.s32 s2, $0x0  }
0x59a: {  	s3 =	rddreg [dreg:$0x2];
	[bflag:$0x3] =	sbarrier.arrive $0xFFFF;
	s2 =	simm.s32 @!p0 $0x1C0B  }
0x59b: {  	[timem:s3], [sflag:s2] =	dma.local @!p0 [hbm:s0], s1  }
0x59c: {  	s0 =	simm.s32 @!p0 $0xB  }
0x59d: {  	_ =	swait.ge @!p0 [sflag:s0], s1  }
0x59e: {  	s1 =	ssub.s32 @!p0 $0x0, s1;
	[sflag:s0] =	ssyncset.done @!p0 $0x0  }
0x59f: {  	[sflag:s0] =	ssyncadd.s32 @!p0 s1  }
0x5a0: {  	[bflag:$0x3] =	sbarrier.arrive $0xFFFF  }
0x5a1: {  	_ =	shalt  }

</sc_bundles>
